<compile_context>
chip_gen: v7x
topology: tpu7x:2x2x1
jax: 0.10.2.dev20260603
libtpu: 0.0.44.dev20260713+nightly
codegen_flags: <defaults>
</compile_context>

<pallas_src>
import jax
import jax.numpy as jnp
from jax import lax
from jax.experimental import pallas as pl
from jax.experimental.pallas import tpu as pltpu
from jax.experimental.pallas import tpu_sc as plsc

_N = 10000
_NP = 10240
_D = 128
_H = 128
_C = 8
_E = 320000
_NC = 2
_NS = 16
_NW = _NC * _NS
_CH = 128
_T = 80
_EP = _NW * _T * _CH
_RPT = _NP // _NS
_BLK = 1024
_GRID = _NP // _BLK

_IW = 64
_NR = _EP // _IW
_RPW = _NR // _NW
_NSL = 4
_QR = _RPW // _NSL
_NBUF = 4


def _mesh():
    return plsc.VectorSubcoreMesh(
        core_axis_name="c", subcore_axis_name="s",
        num_cores=_NC, num_subcores=_NS)


def _deg_body(dst_hbm, deg_out, dst_sl, buf, deg_acc):
    c = lax.axis_index("c")
    s = lax.axis_index("s")
    w = c * _NS + s

    def fillz(i, carry):
        for k in range(_H // 16):
            buf[i, pl.ds(k * 16, 16)] = jnp.zeros((16,), jnp.float32)
        return carry
    lax.fori_loop(0, _CH, fillz, 0)
    for k in range(_RPT // _CH):
        pltpu.sync_copy(buf.at[pl.ds(0, _CH)],
                        deg_acc.at[pl.ds(s * _RPT + k * _CH, _CH)])

    def fillo(i, carry):
        for k in range(_H // 16):
            buf[i, pl.ds(k * 16, 16)] = jnp.ones((16,), jnp.float32)
        return carry
    lax.fori_loop(0, _IW, fillo, 0)
    plsc.subcore_barrier()

    pltpu.sync_copy(dst_hbm.at[pl.ds(w * _RPW, _RPW)], dst_sl)

    def chunk(j, carry):
        pltpu.sync_copy(buf.at[pl.ds(0, _IW)], deg_acc.at[dst_sl.at[j]],
                        add=True)
        return carry
    lax.fori_loop(0, _RPW, chunk, 0)
    plsc.subcore_barrier()

    pltpu.sync_copy(deg_acc.at[pl.ds(s * _RPT, _RPT)],
                    deg_out.at[c, pl.ds(s * _RPT, _RPT)])


_deg_kernel = pl.kernel(
    _deg_body,
    out_type=jax.ShapeDtypeStruct((_NC, _NP, _H), jnp.float32),
    mesh=_mesh(),
    scratch_types=[
        pltpu.VMEM((_RPW, _IW), jnp.int32),
        pltpu.VMEM((_CH, _H), jnp.float32),
        pltpu.VMEM_SHARED((_NP, _H), jnp.float32),
    ],
)


def _msg_body(xs_hbm, src_hbm, dst_hbm, out_hbm,
              src_sl, dst_sl, bufs, acc, *sems):
    c = lax.axis_index("c")
    s = lax.axis_index("s")
    w = c * _NS + s

    def fill(i, carry):
        for k in range(_D // 16):
            bufs[i, pl.ds(k * 16, 16)] = jnp.zeros((16,), jnp.float32)
        return carry
    lax.fori_loop(0, _NBUF * _IW, fill, 0)

    for k in range(_RPT // _CH):
        pltpu.sync_copy(bufs.at[pl.ds(0, _CH)],
                        acc.at[pl.ds(s * _RPT + k * _CH, _CH)])
    plsc.subcore_barrier()

    for h in range(_NSL):
        pltpu.sync_copy(src_hbm.at[pl.ds(w * _RPW + h * _QR, _QR)], src_sl)
        pltpu.sync_copy(dst_hbm.at[pl.ds(w * _RPW + h * _QR, _QR)], dst_sl)
        for b in range(_NBUF):
            pltpu.async_copy(xs_hbm.at[src_sl.at[b]],
                             bufs.at[pl.ds(b * _IW, _IW)], sems[b])

        def body(kk, carry):
            j0 = _NBUF * kk
            for b in range(_NBUF):
                j = j0 + b
                bref = bufs.at[pl.ds(b * _IW, _IW)]
                pltpu.make_async_copy(xs_hbm.at[src_sl.at[j]], bref,
                                      sems[b]).wait()
                pltpu.sync_copy(bref, acc.at[dst_sl.at[j]], add=True)

                @pl.when(kk < _QR // _NBUF - 1)
                def _():
                    pltpu.async_copy(xs_hbm.at[src_sl.at[j + _NBUF]], bref,
                                     sems[b])
            return carry
        lax.fori_loop(0, _QR // _NBUF, body, 0)
    plsc.subcore_barrier()

    pltpu.sync_copy(acc.at[pl.ds(s * _RPT, _RPT)],
                    out_hbm.at[c, pl.ds(s * _RPT, _RPT)])


_msg_kernel = pl.kernel(
    _msg_body,
    out_type=jax.ShapeDtypeStruct((_NC, _NP, _H), jnp.float32),
    mesh=_mesh(),
    scratch_types=[
        pltpu.VMEM((_QR, _IW), jnp.int32),
        pltpu.VMEM((_QR, _IW), jnp.int32),
        pltpu.VMEM((_NBUF * _IW, _D), jnp.float32),
        pltpu.VMEM_SHARED((_NP, _H), jnp.float32),
    ] + [pltpu.SemaphoreType.DMA] * _NBUF,
)


def _tcA0_body(x_ref, w_ref, xw_ref):
    xw_ref[...] = jnp.dot(x_ref[...], w_ref[...],
                          preferred_element_type=jnp.float32)


def _tcA_body(xw_ref, da_ref, db_ref, xs_ref, dv_ref):
    deg = da_ref[:, 0:1] + db_ref[:, 0:1] + 1.0
    dinv = lax.rsqrt(jnp.maximum(deg, 1e-12))
    xs_ref[...] = xw_ref[...] * dinv
    dv_ref[...] = jnp.broadcast_to(dinv, (_BLK, _H))


def _ln_relu(agg, g_ref, be_ref):
    mu = jnp.mean(agg, axis=-1, keepdims=True)
    var = jnp.mean((agg - mu) ** 2, axis=-1, keepdims=True)
    ln = (agg - mu) * lax.rsqrt(var + 1e-5) * g_ref[...] + be_ref[...]
    return jnp.maximum(ln, 0.0)


def _tcB_body(pa_ref, pb_ref, xs_ref, dv_ref, b_ref, g_ref, be_ref, w2_ref,
              out_ref):
    agg = dv_ref[...] * (pa_ref[...] + pb_ref[...] + xs_ref[...]) + b_ref[...]
    h = _ln_relu(agg, g_ref, be_ref)
    xw = jnp.dot(h, w2_ref[...], preferred_element_type=jnp.float32)
    out_ref[...] = xw * dv_ref[:, 0:1]


def _tcC_body(pa_ref, pb_ref, xs_ref, dv_ref, b_ref, g_ref, be_ref,
              wh1_ref, bh1_ref, wh2_ref, bh2_ref, out_ref):
    agg = dv_ref[...] * (pa_ref[...] + pb_ref[...] + xs_ref[...]) + b_ref[...]
    h = _ln_relu(agg, g_ref, be_ref)
    h = jnp.maximum(
        jnp.dot(h, wh1_ref[...], preferred_element_type=jnp.float32)
        + bh1_ref[...], 0.0)
    out_ref[...] = (jnp.dot(h, wh2_ref[...], preferred_element_type=jnp.float32)
                    + bh2_ref[...])


def _row_spec():
    return pl.BlockSpec((_BLK, _H), lambda i: (i, 0))


def _full_spec(r, c):
    return pl.BlockSpec((r, c), lambda i: (0, 0))


_tcA0 = pl.pallas_call(
    _tcA0_body,
    grid=(_GRID,),
    in_specs=[_row_spec(), _full_spec(_D, _H)],
    out_specs=_row_spec(),
    out_shape=jax.ShapeDtypeStruct((_NP, _H), jnp.float32),
)

_tcA = pl.pallas_call(
    _tcA_body,
    grid=(_GRID,),
    in_specs=[_row_spec(), _row_spec(), _row_spec()],
    out_specs=[_row_spec(), _row_spec()],
    out_shape=[jax.ShapeDtypeStruct((_NP, _H), jnp.float32),
               jax.ShapeDtypeStruct((_NP, _H), jnp.float32)],
)

_tcB = pl.pallas_call(
    _tcB_body,
    grid=(_GRID,),
    in_specs=[_row_spec(), _row_spec(), _row_spec(), _row_spec(),
              _full_spec(1, _H), _full_spec(1, _H), _full_spec(1, _H),
              _full_spec(_H, _H)],
    out_specs=_row_spec(),
    out_shape=jax.ShapeDtypeStruct((_NP, _H), jnp.float32),
)

_tcC = pl.pallas_call(
    _tcC_body,
    grid=(_GRID,),
    in_specs=[_row_spec(), _row_spec(), _row_spec(), _row_spec(),
              _full_spec(1, _H), _full_spec(1, _H), _full_spec(1, _H),
              _full_spec(_H, _H), _full_spec(1, _H), _full_spec(_H, _H),
              _full_spec(1, _H)],
    out_specs=_row_spec(),
    out_shape=jax.ShapeDtypeStruct((_NP, _H), jnp.float32),
)


def kernel(x, edge_index, W1, b1, g1, be1, W2, b2, g2, be2, Wh1, bh1, Wh2, bh2):
    f32 = jnp.float32
    x_pad = jnp.pad(x.astype(f32), ((0, _NP - _N), (0, 0)))
    pad = jnp.full((_EP - _E,), _N, jnp.int32)
    src = jnp.concatenate([edge_index[0].astype(jnp.int32), pad]
                          ).reshape(_NR, _IW)
    dst = jnp.concatenate([edge_index[1].astype(jnp.int32), pad]
                          ).reshape(_NR, _IW)

    xw1 = _tcA0(x_pad, W1)
    deg2 = _deg_kernel(dst)
    xs1, dinvb = _tcA(xw1, deg2[0], deg2[1])

    p1 = _msg_kernel(xs1, src, dst)
    xs2 = _tcB(p1[0], p1[1], xs1, dinvb,
               b1.reshape(1, -1), g1.reshape(1, -1), be1.reshape(1, -1), W2)

    p2 = _msg_kernel(xs2, src, dst)
    wh2p = jnp.pad(Wh2, ((0, 0), (0, _H - _C)))
    bh2p = jnp.pad(bh2, (0, _H - _C)).reshape(1, -1)
    outp = _tcC(p2[0], p2[1], xs2, dinvb,
                b2.reshape(1, -1), g2.reshape(1, -1), be2.reshape(1, -1),
                Wh1, bh1.reshape(1, -1), wh2p, bh2p)
    return outp[:_N, :_C]

# --- scband reference (transcript-rebuilt; emitter-appended) ---
"""Pipeline reference for scband-gcnbias-node-classifier-26731876451146 (READ-ONLY COPY).

The authoritative reference and input builder live on the scoring server;
editing this copy changes nothing except your own understanding.
"""

import jax, jax.numpy as jnp
import numpy as np

N = 10000
E = 320000
D = 128
H = 128
C = 8


def setup_inputs(seed: int = 0) -> dict:
    key = jax.random.key(seed)
    ks = jax.random.split(key, 16)
    x = jax.random.normal(ks[0], (N, D), dtype=jnp.float32)
    edge_index = jax.random.randint(ks[1], (2, E), 0, N)
    s1 = 1.0 / np.sqrt(D)
    s2 = 1.0 / np.sqrt(H)
    W1 = jax.random.normal(ks[2], (D, H), dtype=jnp.float32) * s1
    b1 = jnp.zeros((H,), dtype=jnp.float32)
    g1 = jnp.ones((H,), dtype=jnp.float32)
    be1 = jnp.zeros((H,), dtype=jnp.float32)
    W2 = jax.random.normal(ks[3], (H, H), dtype=jnp.float32) * s2
    b2 = jnp.zeros((H,), dtype=jnp.float32)
    g2 = jnp.ones((H,), dtype=jnp.float32)
    be2 = jnp.zeros((H,), dtype=jnp.float32)
    Wh1 = jax.random.normal(ks[4], (H, H), dtype=jnp.float32) * s2
    bh1 = jnp.zeros((H,), dtype=jnp.float32)
    Wh2 = jax.random.normal(ks[5], (H, C), dtype=jnp.float32) * s2
    bh2 = jnp.zeros((C,), dtype=jnp.float32)
    return {"x": x, "edge_index": edge_index, "W1": W1, "b1": b1, "g1": g1, "be1": be1,
            "W2": W2, "b2": b2, "g2": g2, "be2": be2, "Wh1": Wh1, "bh1": bh1, "Wh2": Wh2, "bh2": bh2}


def _gcn_conv(x, edge_index, W, b):
    # PyG GCNConv: x' = D^-1/2 (A + I) D^-1/2 (x W) + b
    n = x.shape[0]
    loop = jnp.arange(n, dtype=edge_index.dtype)
    src = jnp.concatenate([edge_index[0], loop])
    dst = jnp.concatenate([edge_index[1], loop])
    deg = jnp.zeros((n,), x.dtype).at[dst].add(jnp.ones_like(src, dtype=x.dtype))
    dinv = jax.lax.rsqrt(jnp.maximum(deg, 1e-12))
    norm = dinv[src] * dinv[dst]
    xw = x @ W
    msg = jnp.take(xw, src, axis=0) * norm[:, None]
    out = jnp.zeros((n, W.shape[1]), x.dtype).at[dst].add(msg)
    return out + b


def _layernorm(h, g, be):
    mu = jnp.mean(h, axis=-1, keepdims=True)
    var = jnp.mean((h - mu) ** 2, axis=-1, keepdims=True)
    return (h - mu) / jnp.sqrt(var + 1e-5) * g + be


def reference(x, edge_index, W1, b1, g1, be1, W2, b2, g2, be2, Wh1, bh1, Wh2, bh2):
    h = _gcn_conv(x, edge_index, W1, b1)
    h = jax.nn.relu(_layernorm(h, g1, be1))
    h = _gcn_conv(h, edge_index, W2, b2)
    h = jax.nn.relu(_layernorm(h, g2, be2))
    # base head (eval mode: dropout inactive)
    h = jax.nn.relu(h @ Wh1 + bh1)
    logits = h @ Wh2 + bh2
    return logits

if __name__ == "__main__":
    import jax
    _d = setup_inputs()
    print(jax.jit(kernel)(*tuple(_d.values())))

</pallas_src>

<mosaic_0001>
#map = affine_map<(d0, d1) -> (0, 0)>
#map1 = affine_map<(d0, d1) -> (0, 0, 0)>
module attributes {stable_mosaic.version = 14 : i64} {
  func.func @_msg_body(%arg0: i32, %arg1: i32, %arg2: memref<10240x128xf32, #tpu.memory_space<hbm>>, %arg3: memref<5120x64xi32, #tpu.memory_space<hbm>>, %arg4: memref<5120x64xi32, #tpu.memory_space<hbm>>, %arg5: memref<2x10240x128xf32, #tpu.memory_space<hbm>>, %arg6: memref<40x64xi32, #tpu.memory_space<vmem>>, %arg7: memref<40x64xi32, #tpu.memory_space<vmem>>, %arg8: memref<256x128xf32, #tpu.memory_space<vmem>>, %arg9: memref<10240x128xf32, #tpu.memory_space<vmem_shared>>, %arg10: memref<!tpu.dma_semaphore, #tpu.memory_space<semaphore_mem>>, %arg11: memref<!tpu.dma_semaphore, #tpu.memory_space<semaphore_mem>>, %arg12: memref<!tpu.dma_semaphore, #tpu.memory_space<semaphore_mem>>, %arg13: memref<!tpu.dma_semaphore, #tpu.memory_space<semaphore_mem>>) attributes {dimension_semantics = [#tpu.dimension_semantics<core_parallel>, #tpu.dimension_semantics<subcore_parallel>], iteration_bounds = array<i64: 2, 16>, scalar_prefetch = 0 : i64, scratch_operands = 8 : i64, tpu.core_type = #tpu.core_type<sc_vector_subcore>, window_params = [{transform_indices = #map}, {transform_indices = #map}, {transform_indices = #map}, {transform_indices = #map1}]} {
    %mul3A = arith.constant 16 : i32
    %mul3A_0 = arith.muli %arg0, %mul3A : i32
    %add3A = arith.addi %mul3A_0, %arg1 : i32
    %scan3A = arith.constant 0 : i32
    %scan3A_1 = arith.constant 0 : i32
    %scan3A_2 = arith.constant 256 : i32
    %scan3A_3 = arith.addi %scan3A_1, %scan3A_2 : i32
    %scan3A_4 = arith.constant 1 : i32
    scf.for %scan3A_246 = %scan3A_1 to %scan3A_3 step %scan3A_4  : i32 {
      %broadcast_in_dim3A = arith.constant 0.000000e+00 : f32
      %broadcast_in_dim3A_247 = vector.broadcast %broadcast_in_dim3A : f32 to vector<16xf32>
      %swap3A = arith.index_cast %scan3A_246 : i32 to index
      %swap3A_248 = arith.constant 0 : index
      %swap3A_249 = tpu.vector_load %arg8[%swap3A, %swap3A_248] {strides = array<i32>} : memref<256x128xf32, #tpu.memory_space<vmem>>, vector<1x16xf32>,
      %swap3A_250 = vector.shape_cast %swap3A_249 : vector<1x16xf32> to vector<16xf32>
      %swap3A_251 = vector.shape_cast %broadcast_in_dim3A_247 : vector<16xf32> to vector<1x16xf32>
      tpu.vector_store %arg8[%swap3A, %swap3A_248], %swap3A_251 {strides = array<i32>} : memref<256x128xf32, #tpu.memory_space<vmem>>, vector<1x16xf32>,
      %broadcast_in_dim3A_252 = arith.constant 0.000000e+00 : f32
      %broadcast_in_dim3A_253 = vector.broadcast %broadcast_in_dim3A_252 : f32 to vector<16xf32>
      %swap3A_254 = arith.index_cast %scan3A_246 : i32 to index
      %swap3A_255 = arith.constant 16 : index
      %swap3A_256 = tpu.vector_load %arg8[%swap3A_254, %swap3A_255] {strides = array<i32>} : memref<256x128xf32, #tpu.memory_space<vmem>>, vector<1x16xf32>,
      %swap3A_257 = vector.shape_cast %swap3A_256 : vector<1x16xf32> to vector<16xf32>
      %swap3A_258 = vector.shape_cast %broadcast_in_dim3A_253 : vector<16xf32> to vector<1x16xf32>
      tpu.vector_store %arg8[%swap3A_254, %swap3A_255], %swap3A_258 {strides = array<i32>} : memref<256x128xf32, #tpu.memory_space<vmem>>, vector<1x16xf32>,
      %broadcast_in_dim3A_259 = arith.constant 0.000000e+00 : f32
      %broadcast_in_dim3A_260 = vector.broadcast %broadcast_in_dim3A_259 : f32 to vector<16xf32>
      %swap3A_261 = arith.index_cast %scan3A_246 : i32 to index
      %swap3A_262 = arith.constant 32 : index
      %swap3A_263 = tpu.vector_load %arg8[%swap3A_261, %swap3A_262] {strides = array<i32>} : memref<256x128xf32, #tpu.memory_space<vmem>>, vector<1x16xf32>,
      %swap3A_264 = vector.shape_cast %swap3A_263 : vector<1x16xf32> to vector<16xf32>
      %swap3A_265 = vector.shape_cast %broadcast_in_dim3A_260 : vector<16xf32> to vector<1x16xf32>
      tpu.vector_store %arg8[%swap3A_261, %swap3A_262], %swap3A_265 {strides = array<i32>} : memref<256x128xf32, #tpu.memory_space<vmem>>, vector<1x16xf32>,
      %broadcast_in_dim3A_266 = arith.constant 0.000000e+00 : f32
      %broadcast_in_dim3A_267 = vector.broadcast %broadcast_in_dim3A_266 : f32 to vector<16xf32>
      %swap3A_268 = arith.index_cast %scan3A_246 : i32 to index
      %swap3A_269 = arith.constant 48 : index
      %swap3A_270 = tpu.vector_load %arg8[%swap3A_268, %swap3A_269] {strides = array<i32>} : memref<256x128xf32, #tpu.memory_space<vmem>>, vector<1x16xf32>,
      %swap3A_271 = vector.shape_cast %swap3A_270 : vector<1x16xf32> to vector<16xf32>
      %swap3A_272 = vector.shape_cast %broadcast_in_dim3A_267 : vector<16xf32> to vector<1x16xf32>
      tpu.vector_store %arg8[%swap3A_268, %swap3A_269], %swap3A_272 {strides = array<i32>} : memref<256x128xf32, #tpu.memory_space<vmem>>, vector<1x16xf32>,
      %broadcast_in_dim3A_273 = arith.constant 0.000000e+00 : f32
      %broadcast_in_dim3A_274 = vector.broadcast %broadcast_in_dim3A_273 : f32 to vector<16xf32>
      %swap3A_275 = arith.index_cast %scan3A_246 : i32 to index
      %swap3A_276 = arith.constant 64 : index
      %swap3A_277 = tpu.vector_load %arg8[%swap3A_275, %swap3A_276] {strides = array<i32>} : memref<256x128xf32, #tpu.memory_space<vmem>>, vector<1x16xf32>,
      %swap3A_278 = vector.shape_cast %swap3A_277 : vector<1x16xf32> to vector<16xf32>
      %swap3A_279 = vector.shape_cast %broadcast_in_dim3A_274 : vector<16xf32> to vector<1x16xf32>
      tpu.vector_store %arg8[%swap3A_275, %swap3A_276], %swap3A_279 {strides = array<i32>} : memref<256x128xf32, #tpu.memory_space<vmem>>, vector<1x16xf32>,
      %broadcast_in_dim3A_280 = arith.constant 0.000000e+00 : f32
      %broadcast_in_dim3A_281 = vector.broadcast %broadcast_in_dim3A_280 : f32 to vector<16xf32>
      %swap3A_282 = arith.index_cast %scan3A_246 : i32 to index
      %swap3A_283 = arith.constant 80 : index
      %swap3A_284 = tpu.vector_load %arg8[%swap3A_282, %swap3A_283] {strides = array<i32>} : memref<256x128xf32, #tpu.memory_space<vmem>>, vector<1x16xf32>,
      %swap3A_285 = vector.shape_cast %swap3A_284 : vector<1x16xf32> to vector<16xf32>
      %swap3A_286 = vector.shape_cast %broadcast_in_dim3A_281 : vector<16xf32> to vector<1x16xf32>
      tpu.vector_store %arg8[%swap3A_282, %swap3A_283], %swap3A_286 {strides = array<i32>} : memref<256x128xf32, #tpu.memory_space<vmem>>, vector<1x16xf32>,
      %broadcast_in_dim3A_287 = arith.constant 0.000000e+00 : f32
      %broadcast_in_dim3A_288 = vector.broadcast %broadcast_in_dim3A_287 : f32 to vector<16xf32>
      %swap3A_289 = arith.index_cast %scan3A_246 : i32 to index
      %swap3A_290 = arith.constant 96 : index
      %swap3A_291 = tpu.vector_load %arg8[%swap3A_289, %swap3A_290] {strides = array<i32>} : memref<256x128xf32, #tpu.memory_space<vmem>>, vector<1x16xf32>,
      %swap3A_292 = vector.shape_cast %swap3A_291 : vector<1x16xf32> to vector<16xf32>
      %swap3A_293 = vector.shape_cast %broadcast_in_dim3A_288 : vector<16xf32> to vector<1x16xf32>
      tpu.vector_store %arg8[%swap3A_289, %swap3A_290], %swap3A_293 {strides = array<i32>} : memref<256x128xf32, #tpu.memory_space<vmem>>, vector<1x16xf32>,
      %broadcast_in_dim3A_294 = arith.constant 0.000000e+00 : f32
      %broadcast_in_dim3A_295 = vector.broadcast %broadcast_in_dim3A_294 : f32 to vector<16xf32>
      %swap3A_296 = arith.index_cast %scan3A_246 : i32 to index
      %swap3A_297 = arith.constant 112 : index
      %swap3A_298 = tpu.vector_load %arg8[%swap3A_296, %swap3A_297] {strides = array<i32>} : memref<256x128xf32, #tpu.memory_space<vmem>>, vector<1x16xf32>,
      %swap3A_299 = vector.shape_cast %swap3A_298 : vector<1x16xf32> to vector<16xf32>
      %swap3A_300 = vector.shape_cast %broadcast_in_dim3A_295 : vector<16xf32> to vector<1x16xf32>
      tpu.vector_store %arg8[%swap3A_296, %swap3A_297], %swap3A_300 {strides = array<i32>} : memref<256x128xf32, #tpu.memory_space<vmem>>, vector<1x16xf32>,
    }
    %scan3A_5 = arith.constant 256 : i32
    %mul3A_6 = arith.constant 640 : i32
    %mul3A_7 = arith.muli %arg1, %mul3A_6 : i32
    %add3A_8 = arith.constant 0 : i32
    %add3A_9 = arith.addi %mul3A_7, %add3A_8 : i32
    "tpu.region"() ({
      %run_scoped3A = tpu.sem_alloc : memref<!tpu.dma_semaphore, #tpu.memory_space<semaphore_mem>>
      %dma_start3A_246 = arith.constant 0 : i32
      %dma_start3A_247 = arith.constant 0 : i32
      %dma_start3A_248 = tpu.memref_slice %arg8[%dma_start3A_246, %dma_start3A_247] : memref<256x128xf32, #tpu.memory_space<vmem>> -> memref<128x128xf32, #tpu.memory_space<vmem>>
      %dma_start3A_249 = arith.constant 0 : i32
      %dma_start3A_250 = tpu.memref_slice %arg9[%add3A_9, %dma_start3A_249] : memref<10240x128xf32, #tpu.memory_space<vmem_shared>> -> memref<128x128xf32, #tpu.memory_space<vmem_shared>>
      %dma_start3A_251 = arith.constant 0 : i32
      %dma_start3A_252 = tpu.memref_slice %arg9[%add3A_9, %dma_start3A_251] : memref<10240x128xf32, #tpu.memory_space<vmem_shared>> -> memref<128x128xf32, #tpu.memory_space<vmem_shared>>
      %dma_start3A_253 = arith.constant 0 : i32
      %dma_start3A_254 = arith.constant 0 : i32
      %dma_start3A_255 = tpu.memref_slice %arg8[%dma_start3A_253, %dma_start3A_254] : memref<256x128xf32, #tpu.memory_space<vmem>> -> memref<128x128xf32, #tpu.memory_space<vmem>>
      tpu.enqueue_dma source(%dma_start3A_255 : memref<128x128xf32, #tpu.memory_space<vmem>>) target(%dma_start3A_252 : memref<128x128xf32, #tpu.memory_space<vmem_shared>>) target_semaphore(%run_scoped3A : memref<!tpu.dma_semaphore, #tpu.memory_space<semaphore_mem>>)
      %dma_wait3A = arith.constant 0 : i32
      %dma_wait3A_256 = arith.constant 0 : i32
      %dma_wait3A_257 = tpu.memref_slice %arg8[%dma_wait3A, %dma_wait3A_256] : memref<256x128xf32, #tpu.memory_space<vmem>> -> memref<128x128xf32, #tpu.memory_space<vmem>>
      %dma_wait3A_258 = arith.constant 0 : i32
      %dma_wait3A_259 = tpu.memref_slice %arg9[%add3A_9, %dma_wait3A_258] : memref<10240x128xf32, #tpu.memory_space<vmem_shared>> -> memref<128x128xf32, #tpu.memory_space<vmem_shared>>
      %dma_wait3A_260 = arith.constant 0 : i32
      %dma_wait3A_261 = tpu.memref_slice %arg9[%add3A_9, %dma_wait3A_260] : memref<10240x128xf32, #tpu.memory_space<vmem_shared>> -> memref<128x128xf32, #tpu.memory_space<vmem_shared>>
      %dma_wait3A_262 = arith.constant 0 : i32
      %dma_wait3A_263 = arith.constant 0 : i32
      %dma_wait3A_264 = tpu.memref_slice %arg8[%dma_wait3A_262, %dma_wait3A_263] : memref<256x128xf32, #tpu.memory_space<vmem>> -> memref<128x128xf32, #tpu.memory_space<vmem>>
      tpu.wait_dma2 semaphore(%run_scoped3A : memref<!tpu.dma_semaphore, #tpu.memory_space<semaphore_mem>>) src(%dma_wait3A_264 : memref<128x128xf32, #tpu.memory_space<vmem>>) dst(%dma_wait3A_261 : memref<128x128xf32, #tpu.memory_space<vmem_shared>>)
      tpu.yield
    }) : () -> ()
    %mul3A_10 = arith.constant 640 : i32
    %mul3A_11 = arith.muli %arg1, %mul3A_10 : i32
    %add3A_12 = arith.constant 128 : i32
    %add3A_13 = arith.addi %mul3A_11, %add3A_12 : i32
    "tpu.region"() ({
      %run_scoped3A = tpu.sem_alloc : memref<!tpu.dma_semaphore, #tpu.memory_space<semaphore_mem>>
      %dma_start3A_246 = arith.constant 0 : i32
      %dma_start3A_247 = arith.constant 0 : i32
      %dma_start3A_248 = tpu.memref_slice %arg8[%dma_start3A_246, %dma_start3A_247] : memref<256x128xf32, #tpu.memory_space<vmem>> -> memref<128x128xf32, #tpu.memory_space<vmem>>
      %dma_start3A_249 = arith.constant 0 : i32
      %dma_start3A_250 = tpu.memref_slice %arg9[%add3A_13, %dma_start3A_249] : memref<10240x128xf32, #tpu.memory_space<vmem_shared>> -> memref<128x128xf32, #tpu.memory_space<vmem_shared>>
      %dma_start3A_251 = arith.constant 0 : i32
      %dma_start3A_252 = tpu.memref_slice %arg9[%add3A_13, %dma_start3A_251] : memref<10240x128xf32, #tpu.memory_space<vmem_shared>> -> memref<128x128xf32, #tpu.memory_space<vmem_shared>>
      %dma_start3A_253 = arith.constant 0 : i32
      %dma_start3A_254 = arith.constant 0 : i32
      %dma_start3A_255 = tpu.memref_slice %arg8[%dma_start3A_253, %dma_start3A_254] : memref<256x128xf32, #tpu.memory_space<vmem>> -> memref<128x128xf32, #tpu.memory_space<vmem>>
      tpu.enqueue_dma source(%dma_start3A_255 : memref<128x128xf32, #tpu.memory_space<vmem>>) target(%dma_start3A_252 : memref<128x128xf32, #tpu.memory_space<vmem_shared>>) target_semaphore(%run_scoped3A : memref<!tpu.dma_semaphore, #tpu.memory_space<semaphore_mem>>)
      %dma_wait3A = arith.constant 0 : i32
      %dma_wait3A_256 = arith.constant 0 : i32
      %dma_wait3A_257 = tpu.memref_slice %arg8[%dma_wait3A, %dma_wait3A_256] : memref<256x128xf32, #tpu.memory_space<vmem>> -> memref<128x128xf32, #tpu.memory_space<vmem>>
      %dma_wait3A_258 = arith.constant 0 : i32
      %dma_wait3A_259 = tpu.memref_slice %arg9[%add3A_13, %dma_wait3A_258] : memref<10240x128xf32, #tpu.memory_space<vmem_shared>> -> memref<128x128xf32, #tpu.memory_space<vmem_shared>>
      %dma_wait3A_260 = arith.constant 0 : i32
      %dma_wait3A_261 = tpu.memref_slice %arg9[%add3A_13, %dma_wait3A_260] : memref<10240x128xf32, #tpu.memory_space<vmem_shared>> -> memref<128x128xf32, #tpu.memory_space<vmem_shared>>
      %dma_wait3A_262 = arith.constant 0 : i32
      %dma_wait3A_263 = arith.constant 0 : i32
      %dma_wait3A_264 = tpu.memref_slice %arg8[%dma_wait3A_262, %dma_wait3A_263] : memref<256x128xf32, #tpu.memory_space<vmem>> -> memref<128x128xf32, #tpu.memory_space<vmem>>
      tpu.wait_dma2 semaphore(%run_scoped3A : memref<!tpu.dma_semaphore, #tpu.memory_space<semaphore_mem>>) src(%dma_wait3A_264 : memref<128x128xf32, #tpu.memory_space<vmem>>) dst(%dma_wait3A_261 : memref<128x128xf32, #tpu.memory_space<vmem_shared>>)
      tpu.yield
    }) : () -> ()
    %mul3A_14 = arith.constant 640 : i32
    %mul3A_15 = arith.muli %arg1, %mul3A_14 : i32
    %add3A_16 = arith.constant 256 : i32
    %add3A_17 = arith.addi %mul3A_15, %add3A_16 : i32
    "tpu.region"() ({
      %run_scoped3A = tpu.sem_alloc : memref<!tpu.dma_semaphore, #tpu.memory_space<semaphore_mem>>
      %dma_start3A_246 = arith.constant 0 : i32
      %dma_start3A_247 = arith.constant 0 : i32
      %dma_start3A_248 = tpu.memref_slice %arg8[%dma_start3A_246, %dma_start3A_247] : memref<256x128xf32, #tpu.memory_space<vmem>> -> memref<128x128xf32, #tpu.memory_space<vmem>>
      %dma_start3A_249 = arith.constant 0 : i32
      %dma_start3A_250 = tpu.memref_slice %arg9[%add3A_17, %dma_start3A_249] : memref<10240x128xf32, #tpu.memory_space<vmem_shared>> -> memref<128x128xf32, #tpu.memory_space<vmem_shared>>
      %dma_start3A_251 = arith.constant 0 : i32
      %dma_start3A_252 = tpu.memref_slice %arg9[%add3A_17, %dma_start3A_251] : memref<10240x128xf32, #tpu.memory_space<vmem_shared>> -> memref<128x128xf32, #tpu.memory_space<vmem_shared>>
      %dma_start3A_253 = arith.constant 0 : i32
      %dma_start3A_254 = arith.constant 0 : i32
      %dma_start3A_255 = tpu.memref_slice %arg8[%dma_start3A_253, %dma_start3A_254] : memref<256x128xf32, #tpu.memory_space<vmem>> -> memref<128x128xf32, #tpu.memory_space<vmem>>
      tpu.enqueue_dma source(%dma_start3A_255 : memref<128x128xf32, #tpu.memory_space<vmem>>) target(%dma_start3A_252 : memref<128x128xf32, #tpu.memory_space<vmem_shared>>) target_semaphore(%run_scoped3A : memref<!tpu.dma_semaphore, #tpu.memory_space<semaphore_mem>>)
      %dma_wait3A = arith.constant 0 : i32
      %dma_wait3A_256 = arith.constant 0 : i32
      %dma_wait3A_257 = tpu.memref_slice %arg8[%dma_wait3A, %dma_wait3A_256] : memref<256x128xf32, #tpu.memory_space<vmem>> -> memref<128x128xf32, #tpu.memory_space<vmem>>
      %dma_wait3A_258 = arith.constant 0 : i32
      %dma_wait3A_259 = tpu.memref_slice %arg9[%add3A_17, %dma_wait3A_258] : memref<10240x128xf32, #tpu.memory_space<vmem_shared>> -> memref<128x128xf32, #tpu.memory_space<vmem_shared>>
      %dma_wait3A_260 = arith.constant 0 : i32
      %dma_wait3A_261 = tpu.memref_slice %arg9[%add3A_17, %dma_wait3A_260] : memref<10240x128xf32, #tpu.memory_space<vmem_shared>> -> memref<128x128xf32, #tpu.memory_space<vmem_shared>>
      %dma_wait3A_262 = arith.constant 0 : i32
      %dma_wait3A_263 = arith.constant 0 : i32
      %dma_wait3A_264 = tpu.memref_slice %arg8[%dma_wait3A_262, %dma_wait3A_263] : memref<256x128xf32, #tpu.memory_space<vmem>> -> memref<128x128xf32, #tpu.memory_space<vmem>>
      tpu.wait_dma2 semaphore(%run_scoped3A : memref<!tpu.dma_semaphore, #tpu.memory_space<semaphore_mem>>) src(%dma_wait3A_264 : memref<128x128xf32, #tpu.memory_space<vmem>>) dst(%dma_wait3A_261 : memref<128x128xf32, #tpu.memory_space<vmem_shared>>)
      tpu.yield
    }) : () -> ()
    %mul3A_18 = arith.constant 640 : i32
    %mul3A_19 = arith.muli %arg1, %mul3A_18 : i32
    %add3A_20 = arith.constant 384 : i32
    %add3A_21 = arith.addi %mul3A_19, %add3A_20 : i32
    "tpu.region"() ({
      %run_scoped3A = tpu.sem_alloc : memref<!tpu.dma_semaphore, #tpu.memory_space<semaphore_mem>>
      %dma_start3A_246 = arith.constant 0 : i32
      %dma_start3A_247 = arith.constant 0 : i32
      %dma_start3A_248 = tpu.memref_slice %arg8[%dma_start3A_246, %dma_start3A_247] : memref<256x128xf32, #tpu.memory_space<vmem>> -> memref<128x128xf32, #tpu.memory_space<vmem>>
      %dma_start3A_249 = arith.constant 0 : i32
      %dma_start3A_250 = tpu.memref_slice %arg9[%add3A_21, %dma_start3A_249] : memref<10240x128xf32, #tpu.memory_space<vmem_shared>> -> memref<128x128xf32, #tpu.memory_space<vmem_shared>>
      %dma_start3A_251 = arith.constant 0 : i32
      %dma_start3A_252 = tpu.memref_slice %arg9[%add3A_21, %dma_start3A_251] : memref<10240x128xf32, #tpu.memory_space<vmem_shared>> -> memref<128x128xf32, #tpu.memory_space<vmem_shared>>
      %dma_start3A_253 = arith.constant 0 : i32
      %dma_start3A_254 = arith.constant 0 : i32
      %dma_start3A_255 = tpu.memref_slice %arg8[%dma_start3A_253, %dma_start3A_254] : memref<256x128xf32, #tpu.memory_space<vmem>> -> memref<128x128xf32, #tpu.memory_space<vmem>>
      tpu.enqueue_dma source(%dma_start3A_255 : memref<128x128xf32, #tpu.memory_space<vmem>>) target(%dma_start3A_252 : memref<128x128xf32, #tpu.memory_space<vmem_shared>>) target_semaphore(%run_scoped3A : memref<!tpu.dma_semaphore, #tpu.memory_space<semaphore_mem>>)
      %dma_wait3A = arith.constant 0 : i32
      %dma_wait3A_256 = arith.constant 0 : i32
      %dma_wait3A_257 = tpu.memref_slice %arg8[%dma_wait3A, %dma_wait3A_256] : memref<256x128xf32, #tpu.memory_space<vmem>> -> memref<128x128xf32, #tpu.memory_space<vmem>>
      %dma_wait3A_258 = arith.constant 0 : i32
      %dma_wait3A_259 = tpu.memref_slice %arg9[%add3A_21, %dma_wait3A_258] : memref<10240x128xf32, #tpu.memory_space<vmem_shared>> -> memref<128x128xf32, #tpu.memory_space<vmem_shared>>
      %dma_wait3A_260 = arith.constant 0 : i32
      %dma_wait3A_261 = tpu.memref_slice %arg9[%add3A_21, %dma_wait3A_260] : memref<10240x128xf32, #tpu.memory_space<vmem_shared>> -> memref<128x128xf32, #tpu.memory_space<vmem_shared>>
      %dma_wait3A_262 = arith.constant 0 : i32
      %dma_wait3A_263 = arith.constant 0 : i32
      %dma_wait3A_264 = tpu.memref_slice %arg8[%dma_wait3A_262, %dma_wait3A_263] : memref<256x128xf32, #tpu.memory_space<vmem>> -> memref<128x128xf32, #tpu.memory_space<vmem>>
      tpu.wait_dma2 semaphore(%run_scoped3A : memref<!tpu.dma_semaphore, #tpu.memory_space<semaphore_mem>>) src(%dma_wait3A_264 : memref<128x128xf32, #tpu.memory_space<vmem>>) dst(%dma_wait3A_261 : memref<128x128xf32, #tpu.memory_space<vmem_shared>>)
      tpu.yield
    }) : () -> ()
    %mul3A_22 = arith.constant 640 : i32
    %mul3A_23 = arith.muli %arg1, %mul3A_22 : i32
    %add3A_24 = arith.constant 512 : i32
    %add3A_25 = arith.addi %mul3A_23, %add3A_24 : i32
    "tpu.region"() ({
      %run_scoped3A = tpu.sem_alloc : memref<!tpu.dma_semaphore, #tpu.memory_space<semaphore_mem>>
      %dma_start3A_246 = arith.constant 0 : i32
      %dma_start3A_247 = arith.constant 0 : i32
      %dma_start3A_248 = tpu.memref_slice %arg8[%dma_start3A_246, %dma_start3A_247] : memref<256x128xf32, #tpu.memory_space<vmem>> -> memref<128x128xf32, #tpu.memory_space<vmem>>
      %dma_start3A_249 = arith.constant 0 : i32
      %dma_start3A_250 = tpu.memref_slice %arg9[%add3A_25, %dma_start3A_249] : memref<10240x128xf32, #tpu.memory_space<vmem_shared>> -> memref<128x128xf32, #tpu.memory_space<vmem_shared>>
      %dma_start3A_251 = arith.constant 0 : i32
      %dma_start3A_252 = tpu.memref_slice %arg9[%add3A_25, %dma_start3A_251] : memref<10240x128xf32, #tpu.memory_space<vmem_shared>> -> memref<128x128xf32, #tpu.memory_space<vmem_shared>>
      %dma_start3A_253 = arith.constant 0 : i32
      %dma_start3A_254 = arith.constant 0 : i32
      %dma_start3A_255 = tpu.memref_slice %arg8[%dma_start3A_253, %dma_start3A_254] : memref<256x128xf32, #tpu.memory_space<vmem>> -> memref<128x128xf32, #tpu.memory_space<vmem>>
      tpu.enqueue_dma source(%dma_start3A_255 : memref<128x128xf32, #tpu.memory_space<vmem>>) target(%dma_start3A_252 : memref<128x128xf32, #tpu.memory_space<vmem_shared>>) target_semaphore(%run_scoped3A : memref<!tpu.dma_semaphore, #tpu.memory_space<semaphore_mem>>)
      %dma_wait3A = arith.constant 0 : i32
      %dma_wait3A_256 = arith.constant 0 : i32
      %dma_wait3A_257 = tpu.memref_slice %arg8[%dma_wait3A, %dma_wait3A_256] : memref<256x128xf32, #tpu.memory_space<vmem>> -> memref<128x128xf32, #tpu.memory_space<vmem>>
      %dma_wait3A_258 = arith.constant 0 : i32
      %dma_wait3A_259 = tpu.memref_slice %arg9[%add3A_25, %dma_wait3A_258] : memref<10240x128xf32, #tpu.memory_space<vmem_shared>> -> memref<128x128xf32, #tpu.memory_space<vmem_shared>>
      %dma_wait3A_260 = arith.constant 0 : i32
      %dma_wait3A_261 = tpu.memref_slice %arg9[%add3A_25, %dma_wait3A_260] : memref<10240x128xf32, #tpu.memory_space<vmem_shared>> -> memref<128x128xf32, #tpu.memory_space<vmem_shared>>
      %dma_wait3A_262 = arith.constant 0 : i32
      %dma_wait3A_263 = arith.constant 0 : i32
      %dma_wait3A_264 = tpu.memref_slice %arg8[%dma_wait3A_262, %dma_wait3A_263] : memref<256x128xf32, #tpu.memory_space<vmem>> -> memref<128x128xf32, #tpu.memory_space<vmem>>
      tpu.wait_dma2 semaphore(%run_scoped3A : memref<!tpu.dma_semaphore, #tpu.memory_space<semaphore_mem>>) src(%dma_wait3A_264 : memref<128x128xf32, #tpu.memory_space<vmem>>) dst(%dma_wait3A_261 : memref<128x128xf32, #tpu.memory_space<vmem_shared>>)
      tpu.yield
    }) : () -> ()
    %barrier3A = arith.constant 0 : index
    tpu.barrier barrier_id(%barrier3A)
    %mul3A_26 = arith.constant 160 : i32
    %mul3A_27 = arith.muli %add3A, %mul3A_26 : i32
    %add3A_28 = arith.constant 0 : i32
    %add3A_29 = arith.addi %mul3A_27, %add3A_28 : i32
    "tpu.region"() ({
      %run_scoped3A = tpu.sem_alloc : memref<!tpu.dma_semaphore, #tpu.memory_space<semaphore_mem>>
      %dma_start3A_246 = arith.constant 0 : i32
      %dma_start3A_247 = tpu.memref_slice %arg3[%add3A_29, %dma_start3A_246] : memref<5120x64xi32, #tpu.memory_space<hbm>> -> memref<40x64xi32, #tpu.memory_space<hbm>>
      %dma_start3A_248 = arith.constant 0 : i32
      %dma_start3A_249 = tpu.memref_slice %arg3[%add3A_29, %dma_start3A_248] : memref<5120x64xi32, #tpu.memory_space<hbm>> -> memref<40x64xi32, #tpu.memory_space<hbm>>
      tpu.enqueue_dma source(%dma_start3A_249 : memref<40x64xi32, #tpu.memory_space<hbm>>) target(%arg6 : memref<40x64xi32, #tpu.memory_space<vmem>>) target_semaphore(%run_scoped3A : memref<!tpu.dma_semaphore, #tpu.memory_space<semaphore_mem>>)
      %dma_wait3A = arith.constant 0 : i32
      %dma_wait3A_250 = tpu.memref_slice %arg3[%add3A_29, %dma_wait3A] : memref<5120x64xi32, #tpu.memory_space<hbm>> -> memref<40x64xi32, #tpu.memory_space<hbm>>
      %dma_wait3A_251 = arith.constant 0 : i32
      %dma_wait3A_252 = tpu.memref_slice %arg3[%add3A_29, %dma_wait3A_251] : memref<5120x64xi32, #tpu.memory_space<hbm>> -> memref<40x64xi32, #tpu.memory_space<hbm>>
      tpu.wait_dma2 semaphore(%run_scoped3A : memref<!tpu.dma_semaphore, #tpu.memory_space<semaphore_mem>>) src(%dma_wait3A_252 : memref<40x64xi32, #tpu.memory_space<hbm>>) dst(%arg6 : memref<40x64xi32, #tpu.memory_space<vmem>>)
      tpu.yield
    }) : () -> ()
    %mul3A_30 = arith.constant 160 : i32
    %mul3A_31 = arith.muli %add3A, %mul3A_30 : i32
    %add3A_32 = arith.constant 0 : i32
    %add3A_33 = arith.addi %mul3A_31, %add3A_32 : i32
    "tpu.region"() ({
      %run_scoped3A = tpu.sem_alloc : memref<!tpu.dma_semaphore, #tpu.memory_space<semaphore_mem>>
      %dma_start3A_246 = arith.constant 0 : i32
      %dma_start3A_247 = tpu.memref_slice %arg4[%add3A_33, %dma_start3A_246] : memref<5120x64xi32, #tpu.memory_space<hbm>> -> memref<40x64xi32, #tpu.memory_space<hbm>>
      %dma_start3A_248 = arith.constant 0 : i32
      %dma_start3A_249 = tpu.memref_slice %arg4[%add3A_33, %dma_start3A_248] : memref<5120x64xi32, #tpu.memory_space<hbm>> -> memref<40x64xi32, #tpu.memory_space<hbm>>
      tpu.enqueue_dma source(%dma_start3A_249 : memref<40x64xi32, #tpu.memory_space<hbm>>) target(%arg7 : memref<40x64xi32, #tpu.memory_space<vmem>>) target_semaphore(%run_scoped3A : memref<!tpu.dma_semaphore, #tpu.memory_space<semaphore_mem>>)
      %dma_wait3A = arith.constant 0 : i32
      %dma_wait3A_250 = tpu.memref_slice %arg4[%add3A_33, %dma_wait3A] : memref<5120x64xi32, #tpu.memory_space<hbm>> -> memref<40x64xi32, #tpu.memory_space<hbm>>
      %dma_wait3A_251 = arith.constant 0 : i32
      %dma_wait3A_252 = tpu.memref_slice %arg4[%add3A_33, %dma_wait3A_251] : memref<5120x64xi32, #tpu.memory_space<hbm>> -> memref<40x64xi32, #tpu.memory_space<hbm>>
      tpu.wait_dma2 semaphore(%run_scoped3A : memref<!tpu.dma_semaphore, #tpu.memory_space<semaphore_mem>>) src(%dma_wait3A_252 : memref<40x64xi32, #tpu.memory_space<hbm>>) dst(%arg7 : memref<40x64xi32, #tpu.memory_space<vmem>>)
      tpu.yield
    }) : () -> ()
    %dma_start3A = arith.constant 0 : i32
    %dma_start3A_34 = arith.constant 0 : i32
    %dma_start3A_35 = arith.constant 0 : i32
    %dma_start3A_36 = tpu.memref_slice %arg8[%dma_start3A_34, %dma_start3A_35] : memref<256x128xf32, #tpu.memory_space<vmem>> -> memref<64x128xf32, #tpu.memory_space<vmem>>
    %dma_start3A_37 = arith.constant 0 : i32
    %dma_start3A_38 = tpu.memref_slice %arg6[%dma_start3A, %dma_start3A_37] : memref<40x64xi32, #tpu.memory_space<vmem>> -> memref<1x64xi32, #tpu.memory_space<vmem>>
    %dma_start3A_39 = tpu.memref_squeeze %dma_start3A_38 : memref<1x64xi32, #tpu.memory_space<vmem>> -> memref<64xi32, #tpu.memory_space<vmem>>
    %dma_start3A_40 = arith.constant 0 : i32
    %dma_start3A_41 = arith.constant 0 : i32
    %dma_start3A_42 = tpu.memref_slice %arg2[%dma_start3A_40, %dma_start3A_41] : memref<10240x128xf32, #tpu.memory_space<hbm>> -> memref<10240x128xf32, #tpu.memory_space<hbm>>
    tpu.enqueue_indirect_dma source(%dma_start3A_42 : memref<10240x128xf32, #tpu.memory_space<hbm>>) target(%dma_start3A_36 : memref<64x128xf32, #tpu.memory_space<vmem>>) offsets(%dma_start3A_39 : memref<64xi32, #tpu.memory_space<vmem>>) semaphore(%arg10 : memref<!tpu.dma_semaphore, #tpu.memory_space<semaphore_mem>>)
    %dma_start3A_43 = arith.constant 1 : i32
    %dma_start3A_44 = arith.constant 64 : i32
    %dma_start3A_45 = arith.constant 0 : i32
    %dma_start3A_46 = tpu.memref_slice %arg8[%dma_start3A_44, %dma_start3A_45] : memref<256x128xf32, #tpu.memory_space<vmem>> -> memref<64x128xf32, #tpu.memory_space<vmem>>
    %dma_start3A_47 = arith.constant 0 : i32
    %dma_start3A_48 = tpu.memref_slice %arg6[%dma_start3A_43, %dma_start3A_47] : memref<40x64xi32, #tpu.memory_space<vmem>> -> memref<1x64xi32, #tpu.memory_space<vmem>>
    %dma_start3A_49 = tpu.memref_squeeze %dma_start3A_48 : memref<1x64xi32, #tpu.memory_space<vmem>> -> memref<64xi32, #tpu.memory_space<vmem>>
    %dma_start3A_50 = arith.constant 0 : i32
    %dma_start3A_51 = arith.constant 0 : i32
    %dma_start3A_52 = tpu.memref_slice %arg2[%dma_start3A_50, %dma_start3A_51] : memref<10240x128xf32, #tpu.memory_space<hbm>> -> memref<10240x128xf32, #tpu.memory_space<hbm>>
    tpu.enqueue_indirect_dma source(%dma_start3A_52 : memref<10240x128xf32, #tpu.memory_space<hbm>>) target(%dma_start3A_46 : memref<64x128xf32, #tpu.memory_space<vmem>>) offsets(%dma_start3A_49 : memref<64xi32, #tpu.memory_space<vmem>>) semaphore(%arg11 : memref<!tpu.dma_semaphore, #tpu.memory_space<semaphore_mem>>)
    %dma_start3A_53 = arith.constant 2 : i32
    %dma_start3A_54 = arith.constant 128 : i32
    %dma_start3A_55 = arith.constant 0 : i32
    %dma_start3A_56 = tpu.memref_slice %arg8[%dma_start3A_54, %dma_start3A_55] : memref<256x128xf32, #tpu.memory_space<vmem>> -> memref<64x128xf32, #tpu.memory_space<vmem>>
    %dma_start3A_57 = arith.constant 0 : i32
    %dma_start3A_58 = tpu.memref_slice %arg6[%dma_start3A_53, %dma_start3A_57] : memref<40x64xi32, #tpu.memory_space<vmem>> -> memref<1x64xi32, #tpu.memory_space<vmem>>
    %dma_start3A_59 = tpu.memref_squeeze %dma_start3A_58 : memref<1x64xi32, #tpu.memory_space<vmem>> -> memref<64xi32, #tpu.memory_space<vmem>>
    %dma_start3A_60 = arith.constant 0 : i32
    %dma_start3A_61 = arith.constant 0 : i32
    %dma_start3A_62 = tpu.memref_slice %arg2[%dma_start3A_60, %dma_start3A_61] : memref<10240x128xf32, #tpu.memory_space<hbm>> -> memref<10240x128xf32, #tpu.memory_space<hbm>>
    tpu.enqueue_indirect_dma source(%dma_start3A_62 : memref<10240x128xf32, #tpu.memory_space<hbm>>) target(%dma_start3A_56 : memref<64x128xf32, #tpu.memory_space<vmem>>) offsets(%dma_start3A_59 : memref<64xi32, #tpu.memory_space<vmem>>) semaphore(%arg12 : memref<!tpu.dma_semaphore, #tpu.memory_space<semaphore_mem>>)
    %dma_start3A_63 = arith.constant 3 : i32
    %dma_start3A_64 = arith.constant 192 : i32
    %dma_start3A_65 = arith.constant 0 : i32
    %dma_start3A_66 = tpu.memref_slice %arg8[%dma_start3A_64, %dma_start3A_65] : memref<256x128xf32, #tpu.memory_space<vmem>> -> memref<64x128xf32, #tpu.memory_space<vmem>>
    %dma_start3A_67 = arith.constant 0 : i32
    %dma_start3A_68 = tpu.memref_slice %arg6[%dma_start3A_63, %dma_start3A_67] : memref<40x64xi32, #tpu.memory_space<vmem>> -> memref<1x64xi32, #tpu.memory_space<vmem>>
    %dma_start3A_69 = tpu.memref_squeeze %dma_start3A_68 : memref<1x64xi32, #tpu.memory_space<vmem>> -> memref<64xi32, #tpu.memory_space<vmem>>
    %dma_start3A_70 = arith.constant 0 : i32
    %dma_start3A_71 = arith.constant 0 : i32
    %dma_start3A_72 = tpu.memref_slice %arg2[%dma_start3A_70, %dma_start3A_71] : memref<10240x128xf32, #tpu.memory_space<hbm>> -> memref<10240x128xf32, #tpu.memory_space<hbm>>
    tpu.enqueue_indirect_dma source(%dma_start3A_72 : memref<10240x128xf32, #tpu.memory_space<hbm>>) target(%dma_start3A_66 : memref<64x128xf32, #tpu.memory_space<vmem>>) offsets(%dma_start3A_69 : memref<64xi32, #tpu.memory_space<vmem>>) semaphore(%arg13 : memref<!tpu.dma_semaphore, #tpu.memory_space<semaphore_mem>>)
    %scan3A_73 = arith.constant 0 : i32
    %scan3A_74 = arith.constant 0 : i32
    %scan3A_75 = arith.constant 10 : i32
    %scan3A_76 = arith.addi %scan3A_74, %scan3A_75 : i32
    %scan3A_77 = arith.constant 1 : i32
    scf.for %scan3A_246 = %scan3A_74 to %scan3A_76 step %scan3A_77  : i32 {
      %mul3A_247 = arith.constant 4 : i32
      %mul3A_248 = arith.muli %mul3A_247, %scan3A_246 : i32
      %add3A_249 = arith.constant 0 : i32
      %add3A_250 = arith.addi %mul3A_248, %add3A_249 : i32
      %dma_wait3A = arith.constant 0 : i32
      %dma_wait3A_251 = arith.constant 0 : i32
      %dma_wait3A_252 = tpu.memref_slice %arg8[%dma_wait3A, %dma_wait3A_251] : memref<256x128xf32, #tpu.memory_space<vmem>> -> memref<64x128xf32, #tpu.memory_space<vmem>>
      %dma_wait3A_253 = arith.constant 0 : i32
      %dma_wait3A_254 = tpu.memref_slice %arg6[%add3A_250, %dma_wait3A_253] : memref<40x64xi32, #tpu.memory_space<vmem>> -> memref<1x64xi32, #tpu.memory_space<vmem>>
      %dma_wait3A_255 = tpu.memref_squeeze %dma_wait3A_254 : memref<1x64xi32, #tpu.memory_space<vmem>> -> memref<64xi32, #tpu.memory_space<vmem>>
      %dma_wait3A_256 = arith.constant 0 : i32
      %dma_wait3A_257 = arith.constant 0 : i32
      %dma_wait3A_258 = tpu.memref_slice %arg2[%dma_wait3A_256, %dma_wait3A_257] : memref<10240x128xf32, #tpu.memory_space<hbm>> -> memref<10240x128xf32, #tpu.memory_space<hbm>>
      tpu.wait_indirect_dma semaphore(%arg10 : memref<!tpu.dma_semaphore, #tpu.memory_space<semaphore_mem>>) src(%dma_wait3A_258 : memref<10240x128xf32, #tpu.memory_space<hbm>>) dst(%dma_wait3A_252 : memref<64x128xf32, #tpu.memory_space<vmem>>)
      "tpu.region"() ({
        %run_scoped3A = tpu.sem_alloc : memref<!tpu.dma_semaphore, #tpu.memory_space<semaphore_mem>>
        %dma_start3A_309 = arith.constant 0 : i32
        %dma_start3A_310 = arith.constant 0 : i32
        %dma_start3A_311 = tpu.memref_slice %arg8[%dma_start3A_309, %dma_start3A_310] : memref<256x128xf32, #tpu.memory_space<vmem>> -> memref<64x128xf32, #tpu.memory_space<vmem>>
        %dma_start3A_312 = arith.constant 0 : i32
        %dma_start3A_313 = tpu.memref_slice %arg7[%add3A_250, %dma_start3A_312] : memref<40x64xi32, #tpu.memory_space<vmem>> -> memref<1x64xi32, #tpu.memory_space<vmem>>
        %dma_start3A_314 = tpu.memref_squeeze %dma_start3A_313 : memref<1x64xi32, #tpu.memory_space<vmem>> -> memref<64xi32, #tpu.memory_space<vmem>>
        %dma_start3A_315 = arith.constant 0 : i32
        %dma_start3A_316 = arith.constant 0 : i32
        %dma_start3A_317 = tpu.memref_slice %arg9[%dma_start3A_315, %dma_start3A_316] : memref<10240x128xf32, #tpu.memory_space<vmem_shared>> -> memref<10240x128xf32, #tpu.memory_space<vmem_shared>>
        tpu.enqueue_indirect_dma source(%dma_start3A_311 : memref<64x128xf32, #tpu.memory_space<vmem>>) target(%dma_start3A_317 : memref<10240x128xf32, #tpu.memory_space<vmem_shared>>) offsets(%dma_start3A_314 : memref<64xi32, #tpu.memory_space<vmem>>) semaphore(%run_scoped3A : memref<!tpu.dma_semaphore, #tpu.memory_space<semaphore_mem>>) {add = true}
        %dma_wait3A_318 = arith.constant 0 : i32
        %dma_wait3A_319 = arith.constant 0 : i32
        %dma_wait3A_320 = tpu.memref_slice %arg8[%dma_wait3A_318, %dma_wait3A_319] : memref<256x128xf32, #tpu.memory_space<vmem>> -> memref<64x128xf32, #tpu.memory_space<vmem>>
        %dma_wait3A_321 = arith.constant 0 : i32
        %dma_wait3A_322 = tpu.memref_slice %arg7[%add3A_250, %dma_wait3A_321] : memref<40x64xi32, #tpu.memory_space<vmem>> -> memref<1x64xi32, #tpu.memory_space<vmem>>
        %dma_wait3A_323 = tpu.memref_squeeze %dma_wait3A_322 : memref<1x64xi32, #tpu.memory_space<vmem>> -> memref<64xi32, #tpu.memory_space<vmem>>
        %dma_wait3A_324 = arith.constant 0 : i32
        %dma_wait3A_325 = arith.constant 0 : i32
        %dma_wait3A_326 = tpu.memref_slice %arg9[%dma_wait3A_324, %dma_wait3A_325] : memref<10240x128xf32, #tpu.memory_space<vmem_shared>> -> memref<10240x128xf32, #tpu.memory_space<vmem_shared>>
        tpu.wait_indirect_dma semaphore(%run_scoped3A : memref<!tpu.dma_semaphore, #tpu.memory_space<semaphore_mem>>) src(%dma_wait3A_320 : memref<64x128xf32, #tpu.memory_space<vmem>>) dst(%dma_wait3A_326 : memref<10240x128xf32, #tpu.memory_space<vmem_shared>>)
        tpu.yield
      }) : () -> ()
      %lt3A = arith.constant 9 : i32
      %lt3A_259 = arith.cmpi slt, %scan3A_246, %lt3A : i32
      %convert_element_type3A = arith.extui %lt3A_259 : i1 to i32
      %cond3A = arith.constant 0 : i32
      %cond3A_260 = arith.cmpi ne, %convert_element_type3A, %cond3A : i32
      scf.if %cond3A_260 {
        %add3A_309 = arith.constant 4 : i32
        %add3A_310 = arith.addi %add3A_250, %add3A_309 : i32
        %dma_start3A_311 = arith.constant 0 : i32
        %dma_start3A_312 = arith.constant 0 : i32
        %dma_start3A_313 = tpu.memref_slice %arg8[%dma_start3A_311, %dma_start3A_312] : memref<256x128xf32, #tpu.memory_space<vmem>> -> memref<64x128xf32, #tpu.memory_space<vmem>>
        %dma_start3A_314 = arith.constant 0 : i32
        %dma_start3A_315 = tpu.memref_slice %arg6[%add3A_310, %dma_start3A_314] : memref<40x64xi32, #tpu.memory_space<vmem>> -> memref<1x64xi32, #tpu.memory_space<vmem>>
        %dma_start3A_316 = tpu.memref_squeeze %dma_start3A_315 : memref<1x64xi32, #tpu.memory_space<vmem>> -> memref<64xi32, #tpu.memory_space<vmem>>
        %dma_start3A_317 = arith.constant 0 : i32
        %dma_start3A_318 = arith.constant 0 : i32
        %dma_start3A_319 = tpu.memref_slice %arg2[%dma_start3A_317, %dma_start3A_318] : memref<10240x128xf32, #tpu.memory_space<hbm>> -> memref<10240x128xf32, #tpu.memory_space<hbm>>
        tpu.enqueue_indirect_dma source(%dma_start3A_319 : memref<10240x128xf32, #tpu.memory_space<hbm>>) target(%dma_start3A_313 : memref<64x128xf32, #tpu.memory_space<vmem>>) offsets(%dma_start3A_316 : memref<64xi32, #tpu.memory_space<vmem>>) semaphore(%arg10 : memref<!tpu.dma_semaphore, #tpu.memory_space<semaphore_mem>>)
      } else {
      }
      %add3A_261 = arith.constant 1 : i32
      %add3A_262 = arith.addi %mul3A_248, %add3A_261 : i32
      %dma_wait3A_263 = arith.constant 64 : i32
      %dma_wait3A_264 = arith.constant 0 : i32
      %dma_wait3A_265 = tpu.memref_slice %arg8[%dma_wait3A_263, %dma_wait3A_264] : memref<256x128xf32, #tpu.memory_space<vmem>> -> memref<64x128xf32, #tpu.memory_space<vmem>>
      %dma_wait3A_266 = arith.constant 0 : i32
      %dma_wait3A_267 = tpu.memref_slice %arg6[%add3A_262, %dma_wait3A_266] : memref<40x64xi32, #tpu.memory_space<vmem>> -> memref<1x64xi32, #tpu.memory_space<vmem>>
      %dma_wait3A_268 = tpu.memref_squeeze %dma_wait3A_267 : memref<1x64xi32, #tpu.memory_space<vmem>> -> memref<64xi32, #tpu.memory_space<vmem>>
      %dma_wait3A_269 = arith.constant 0 : i32
      %dma_wait3A_270 = arith.constant 0 : i32
      %dma_wait3A_271 = tpu.memref_slice %arg2[%dma_wait3A_269, %dma_wait3A_270] : memref<10240x128xf32, #tpu.memory_space<hbm>> -> memref<10240x128xf32, #tpu.memory_space<hbm>>
      tpu.wait_indirect_dma semaphore(%arg11 : memref<!tpu.dma_semaphore, #tpu.memory_space<semaphore_mem>>) src(%dma_wait3A_271 : memref<10240x128xf32, #tpu.memory_space<hbm>>) dst(%dma_wait3A_265 : memref<64x128xf32, #tpu.memory_space<vmem>>)
      "tpu.region"() ({
        %run_scoped3A = tpu.sem_alloc : memref<!tpu.dma_semaphore, #tpu.memory_space<semaphore_mem>>
        %dma_start3A_309 = arith.constant 64 : i32
        %dma_start3A_310 = arith.constant 0 : i32
        %dma_start3A_311 = tpu.memref_slice %arg8[%dma_start3A_309, %dma_start3A_310] : memref<256x128xf32, #tpu.memory_space<vmem>> -> memref<64x128xf32, #tpu.memory_space<vmem>>
        %dma_start3A_312 = arith.constant 0 : i32
        %dma_start3A_313 = tpu.memref_slice %arg7[%add3A_262, %dma_start3A_312] : memref<40x64xi32, #tpu.memory_space<vmem>> -> memref<1x64xi32, #tpu.memory_space<vmem>>
        %dma_start3A_314 = tpu.memref_squeeze %dma_start3A_313 : memref<1x64xi32, #tpu.memory_space<vmem>> -> memref<64xi32, #tpu.memory_space<vmem>>
        %dma_start3A_315 = arith.constant 0 : i32
        %dma_start3A_316 = arith.constant 0 : i32
        %dma_start3A_317 = tpu.memref_slice %arg9[%dma_start3A_315, %dma_start3A_316] : memref<10240x128xf32, #tpu.memory_space<vmem_shared>> -> memref<10240x128xf32, #tpu.memory_space<vmem_shared>>
        tpu.enqueue_indirect_dma source(%dma_start3A_311 : memref<64x128xf32, #tpu.memory_space<vmem>>) target(%dma_start3A_317 : memref<10240x128xf32, #tpu.memory_space<vmem_shared>>) offsets(%dma_start3A_314 : memref<64xi32, #tpu.memory_space<vmem>>) semaphore(%run_scoped3A : memref<!tpu.dma_semaphore, #tpu.memory_space<semaphore_mem>>) {add = true}
        %dma_wait3A_318 = arith.constant 64 : i32
        %dma_wait3A_319 = arith.constant 0 : i32
        %dma_wait3A_320 = tpu.memref_slice %arg8[%dma_wait3A_318, %dma_wait3A_319] : memref<256x128xf32, #tpu.memory_space<vmem>> -> memref<64x128xf32, #tpu.memory_space<vmem>>
        %dma_wait3A_321 = arith.constant 0 : i32
        %dma_wait3A_322 = tpu.memref_slice %arg7[%add3A_262, %dma_wait3A_321] : memref<40x64xi32, #tpu.memory_space<vmem>> -> memref<1x64xi32, #tpu.memory_space<vmem>>
        %dma_wait3A_323 = tpu.memref_squeeze %dma_wait3A_322 : memref<1x64xi32, #tpu.memory_space<vmem>> -> memref<64xi32, #tpu.memory_space<vmem>>
        %dma_wait3A_324 = arith.constant 0 : i32
        %dma_wait3A_325 = arith.constant 0 : i32
        %dma_wait3A_326 = tpu.memref_slice %arg9[%dma_wait3A_324, %dma_wait3A_325] : memref<10240x128xf32, #tpu.memory_space<vmem_shared>> -> memref<10240x128xf32, #tpu.memory_space<vmem_shared>>
        tpu.wait_indirect_dma semaphore(%run_scoped3A : memref<!tpu.dma_semaphore, #tpu.memory_space<semaphore_mem>>) src(%dma_wait3A_320 : memref<64x128xf32, #tpu.memory_space<vmem>>) dst(%dma_wait3A_326 : memref<10240x128xf32, #tpu.memory_space<vmem_shared>>)
        tpu.yield
      }) : () -> ()
      %lt3A_272 = arith.constant 9 : i32
      %lt3A_273 = arith.cmpi slt, %scan3A_246, %lt3A_272 : i32
      %convert_element_type3A_274 = arith.extui %lt3A_273 : i1 to i32
      %cond3A_275 = arith.constant 0 : i32
      %cond3A_276 = arith.cmpi ne, %convert_element_type3A_274, %cond3A_275 : i32
      scf.if %cond3A_276 {
        %add3A_309 = arith.constant 4 : i32
        %add3A_310 = arith.addi %add3A_262, %add3A_309 : i32
        %dma_start3A_311 = arith.constant 64 : i32
        %dma_start3A_312 = arith.constant 0 : i32
        %dma_start3A_313 = tpu.memref_slice %arg8[%dma_start3A_311, %dma_start3A_312] : memref<256x128xf32, #tpu.memory_space<vmem>> -> memref<64x128xf32, #tpu.memory_space<vmem>>
        %dma_start3A_314 = arith.constant 0 : i32
        %dma_start3A_315 = tpu.memref_slice %arg6[%add3A_310, %dma_start3A_314] : memref<40x64xi32, #tpu.memory_space<vmem>> -> memref<1x64xi32, #tpu.memory_space<vmem>>
        %dma_start3A_316 = tpu.memref_squeeze %dma_start3A_315 : memref<1x64xi32, #tpu.memory_space<vmem>> -> memref<64xi32, #tpu.memory_space<vmem>>
        %dma_start3A_317 = arith.constant 0 : i32
        %dma_start3A_318 = arith.constant 0 : i32
        %dma_start3A_319 = tpu.memref_slice %arg2[%dma_start3A_317, %dma_start3A_318] : memref<10240x128xf32, #tpu.memory_space<hbm>> -> memref<10240x128xf32, #tpu.memory_space<hbm>>
        tpu.enqueue_indirect_dma source(%dma_start3A_319 : memref<10240x128xf32, #tpu.memory_space<hbm>>) target(%dma_start3A_313 : memref<64x128xf32, #tpu.memory_space<vmem>>) offsets(%dma_start3A_316 : memref<64xi32, #tpu.memory_space<vmem>>) semaphore(%arg11 : memref<!tpu.dma_semaphore, #tpu.memory_space<semaphore_mem>>)
      } else {
      }
      %add3A_277 = arith.constant 2 : i32
      %add3A_278 = arith.addi %mul3A_248, %add3A_277 : i32
      %dma_wait3A_279 = arith.constant 128 : i32
      %dma_wait3A_280 = arith.constant 0 : i32
      %dma_wait3A_281 = tpu.memref_slice %arg8[%dma_wait3A_279, %dma_wait3A_280] : memref<256x128xf32, #tpu.memory_space<vmem>> -> memref<64x128xf32, #tpu.memory_space<vmem>>
      %dma_wait3A_282 = arith.constant 0 : i32
      %dma_wait3A_283 = tpu.memref_slice %arg6[%add3A_278, %dma_wait3A_282] : memref<40x64xi32, #tpu.memory_space<vmem>> -> memref<1x64xi32, #tpu.memory_space<vmem>>
      %dma_wait3A_284 = tpu.memref_squeeze %dma_wait3A_283 : memref<1x64xi32, #tpu.memory_space<vmem>> -> memref<64xi32, #tpu.memory_space<vmem>>
      %dma_wait3A_285 = arith.constant 0 : i32
      %dma_wait3A_286 = arith.constant 0 : i32
      %dma_wait3A_287 = tpu.memref_slice %arg2[%dma_wait3A_285, %dma_wait3A_286] : memref<10240x128xf32, #tpu.memory_space<hbm>> -> memref<10240x128xf32, #tpu.memory_space<hbm>>
      tpu.wait_indirect_dma semaphore(%arg12 : memref<!tpu.dma_semaphore, #tpu.memory_space<semaphore_mem>>) src(%dma_wait3A_287 : memref<10240x128xf32, #tpu.memory_space<hbm>>) dst(%dma_wait3A_281 : memref<64x128xf32, #tpu.memory_space<vmem>>)
      "tpu.region"() ({
        %run_scoped3A = tpu.sem_alloc : memref<!tpu.dma_semaphore, #tpu.memory_space<semaphore_mem>>
        %dma_start3A_309 = arith.constant 128 : i32
        %dma_start3A_310 = arith.constant 0 : i32
        %dma_start3A_311 = tpu.memref_slice %arg8[%dma_start3A_309, %dma_start3A_310] : memref<256x128xf32, #tpu.memory_space<vmem>> -> memref<64x128xf32, #tpu.memory_space<vmem>>
        %dma_start3A_312 = arith.constant 0 : i32
        %dma_start3A_313 = tpu.memref_slice %arg7[%add3A_278, %dma_start3A_312] : memref<40x64xi32, #tpu.memory_space<vmem>> -> memref<1x64xi32, #tpu.memory_space<vmem>>
        %dma_start3A_314 = tpu.memref_squeeze %dma_start3A_313 : memref<1x64xi32, #tpu.memory_space<vmem>> -> memref<64xi32, #tpu.memory_space<vmem>>
        %dma_start3A_315 = arith.constant 0 : i32
        %dma_start3A_316 = arith.constant 0 : i32
        %dma_start3A_317 = tpu.memref_slice %arg9[%dma_start3A_315, %dma_start3A_316] : memref<10240x128xf32, #tpu.memory_space<vmem_shared>> -> memref<10240x128xf32, #tpu.memory_space<vmem_shared>>
        tpu.enqueue_indirect_dma source(%dma_start3A_311 : memref<64x128xf32, #tpu.memory_space<vmem>>) target(%dma_start3A_317 : memref<10240x128xf32, #tpu.memory_space<vmem_shared>>) offsets(%dma_start3A_314 : memref<64xi32, #tpu.memory_space<vmem>>) semaphore(%run_scoped3A : memref<!tpu.dma_semaphore, #tpu.memory_space<semaphore_mem>>) {add = true}
        %dma_wait3A_318 = arith.constant 128 : i32
        %dma_wait3A_319 = arith.constant 0 : i32
        %dma_wait3A_320 = tpu.memref_slice %arg8[%dma_wait3A_318, %dma_wait3A_319] : memref<256x128xf32, #tpu.memory_space<vmem>> -> memref<64x128xf32, #tpu.memory_space<vmem>>
        %dma_wait3A_321 = arith.constant 0 : i32
        %dma_wait3A_322 = tpu.memref_slice %arg7[%add3A_278, %dma_wait3A_321] : memref<40x64xi32, #tpu.memory_space<vmem>> -> memref<1x64xi32, #tpu.memory_space<vmem>>
        %dma_wait3A_323 = tpu.memref_squeeze %dma_wait3A_322 : memref<1x64xi32, #tpu.memory_space<vmem>> -> memref<64xi32, #tpu.memory_space<vmem>>
        %dma_wait3A_324 = arith.constant 0 : i32
        %dma_wait3A_325 = arith.constant 0 : i32
        %dma_wait3A_326 = tpu.memref_slice %arg9[%dma_wait3A_324, %dma_wait3A_325] : memref<10240x128xf32, #tpu.memory_space<vmem_shared>> -> memref<10240x128xf32, #tpu.memory_space<vmem_shared>>
        tpu.wait_indirect_dma semaphore(%run_scoped3A : memref<!tpu.dma_semaphore, #tpu.memory_space<semaphore_mem>>) src(%dma_wait3A_320 : memref<64x128xf32, #tpu.memory_space<vmem>>) dst(%dma_wait3A_326 : memref<10240x128xf32, #tpu.memory_space<vmem_shared>>)
        tpu.yield
      }) : () -> ()
      %lt3A_288 = arith.constant 9 : i32
      %lt3A_289 = arith.cmpi slt, %scan3A_246, %lt3A_288 : i32
      %convert_element_type3A_290 = arith.extui %lt3A_289 : i1 to i32
      %cond3A_291 = arith.constant 0 : i32
      %cond3A_292 = arith.cmpi ne, %convert_element_type3A_290, %cond3A_291 : i32
      scf.if %cond3A_292 {
        %add3A_309 = arith.constant 4 : i32
        %add3A_310 = arith.addi %add3A_278, %add3A_309 : i32
        %dma_start3A_311 = arith.constant 128 : i32
        %dma_start3A_312 = arith.constant 0 : i32
        %dma_start3A_313 = tpu.memref_slice %arg8[%dma_start3A_311, %dma_start3A_312] : memref<256x128xf32, #tpu.memory_space<vmem>> -> memref<64x128xf32, #tpu.memory_space<vmem>>
        %dma_start3A_314 = arith.constant 0 : i32
        %dma_start3A_315 = tpu.memref_slice %arg6[%add3A_310, %dma_start3A_314] : memref<40x64xi32, #tpu.memory_space<vmem>> -> memref<1x64xi32, #tpu.memory_space<vmem>>
        %dma_start3A_316 = tpu.memref_squeeze %dma_start3A_315 : memref<1x64xi32, #tpu.memory_space<vmem>> -> memref<64xi32, #tpu.memory_space<vmem>>
        %dma_start3A_317 = arith.constant 0 : i32
        %dma_start3A_318 = arith.constant 0 : i32
        %dma_start3A_319 = tpu.memref_slice %arg2[%dma_start3A_317, %dma_start3A_318] : memref<10240x128xf32, #tpu.memory_space<hbm>> -> memref<10240x128xf32, #tpu.memory_space<hbm>>
        tpu.enqueue_indirect_dma source(%dma_start3A_319 : memref<10240x128xf32, #tpu.memory_space<hbm>>) target(%dma_start3A_313 : memref<64x128xf32, #tpu.memory_space<vmem>>) offsets(%dma_start3A_316 : memref<64xi32, #tpu.memory_space<vmem>>) semaphore(%arg12 : memref<!tpu.dma_semaphore, #tpu.memory_space<semaphore_mem>>)
      } else {
      }
      %add3A_293 = arith.constant 3 : i32
      %add3A_294 = arith.addi %mul3A_248, %add3A_293 : i32
      %dma_wait3A_295 = arith.constant 192 : i32
      %dma_wait3A_296 = arith.constant 0 : i32
      %dma_wait3A_297 = tpu.memref_slice %arg8[%dma_wait3A_295, %dma_wait3A_296] : memref<256x128xf32, #tpu.memory_space<vmem>> -> memref<64x128xf32, #tpu.memory_space<vmem>>
      %dma_wait3A_298 = arith.constant 0 : i32
      %dma_wait3A_299 = tpu.memref_slice %arg6[%add3A_294, %dma_wait3A_298] : memref<40x64xi32, #tpu.memory_space<vmem>> -> memref<1x64xi32, #tpu.memory_space<vmem>>
      %dma_wait3A_300 = tpu.memref_squeeze %dma_wait3A_299 : memref<1x64xi32, #tpu.memory_space<vmem>> -> memref<64xi32, #tpu.memory_space<vmem>>
      %dma_wait3A_301 = arith.constant 0 : i32
      %dma_wait3A_302 = arith.constant 0 : i32
      %dma_wait3A_303 = tpu.memref_slice %arg2[%dma_wait3A_301, %dma_wait3A_302] : memref<10240x128xf32, #tpu.memory_space<hbm>> -> memref<10240x128xf32, #tpu.memory_space<hbm>>
      tpu.wait_indirect_dma semaphore(%arg13 : memref<!tpu.dma_semaphore, #tpu.memory_space<semaphore_mem>>) src(%dma_wait3A_303 : memref<10240x128xf32, #tpu.memory_space<hbm>>) dst(%dma_wait3A_297 : memref<64x128xf32, #tpu.memory_space<vmem>>)
      "tpu.region"() ({
        %run_scoped3A = tpu.sem_alloc : memref<!tpu.dma_semaphore, #tpu.memory_space<semaphore_mem>>
        %dma_start3A_309 = arith.constant 192 : i32
        %dma_start3A_310 = arith.constant 0 : i32
        %dma_start3A_311 = tpu.memref_slice %arg8[%dma_start3A_309, %dma_start3A_310] : memref<256x128xf32, #tpu.memory_space<vmem>> -> memref<64x128xf32, #tpu.memory_space<vmem>>
        %dma_start3A_312 = arith.constant 0 : i32
        %dma_start3A_313 = tpu.memref_slice %arg7[%add3A_294, %dma_start3A_312] : memref<40x64xi32, #tpu.memory_space<vmem>> -> memref<1x64xi32, #tpu.memory_space<vmem>>
        %dma_start3A_314 = tpu.memref_squeeze %dma_start3A_313 : memref<1x64xi32, #tpu.memory_space<vmem>> -> memref<64xi32, #tpu.memory_space<vmem>>
        %dma_start3A_315 = arith.constant 0 : i32
        %dma_start3A_316 = arith.constant 0 : i32
        %dma_start3A_317 = tpu.memref_slice %arg9[%dma_start3A_315, %dma_start3A_316] : memref<10240x128xf32, #tpu.memory_space<vmem_shared>> -> memref<10240x128xf32, #tpu.memory_space<vmem_shared>>
        tpu.enqueue_indirect_dma source(%dma_start3A_311 : memref<64x128xf32, #tpu.memory_space<vmem>>) target(%dma_start3A_317 : memref<10240x128xf32, #tpu.memory_space<vmem_shared>>) offsets(%dma_start3A_314 : memref<64xi32, #tpu.memory_space<vmem>>) semaphore(%run_scoped3A : memref<!tpu.dma_semaphore, #tpu.memory_space<semaphore_mem>>) {add = true}
        %dma_wait3A_318 = arith.constant 192 : i32
        %dma_wait3A_319 = arith.constant 0 : i32
        %dma_wait3A_320 = tpu.memref_slice %arg8[%dma_wait3A_318, %dma_wait3A_319] : memref<256x128xf32, #tpu.memory_space<vmem>> -> memref<64x128xf32, #tpu.memory_space<vmem>>
        %dma_wait3A_321 = arith.constant 0 : i32
        %dma_wait3A_322 = tpu.memref_slice %arg7[%add3A_294, %dma_wait3A_321] : memref<40x64xi32, #tpu.memory_space<vmem>> -> memref<1x64xi32, #tpu.memory_space<vmem>>
        %dma_wait3A_323 = tpu.memref_squeeze %dma_wait3A_322 : memref<1x64xi32, #tpu.memory_space<vmem>> -> memref<64xi32, #tpu.memory_space<vmem>>
        %dma_wait3A_324 = arith.constant 0 : i32
        %dma_wait3A_325 = arith.constant 0 : i32
        %dma_wait3A_326 = tpu.memref_slice %arg9[%dma_wait3A_324, %dma_wait3A_325] : memref<10240x128xf32, #tpu.memory_space<vmem_shared>> -> memref<10240x128xf32, #tpu.memory_space<vmem_shared>>
        tpu.wait_indirect_dma semaphore(%run_scoped3A : memref<!tpu.dma_semaphore, #tpu.memory_space<semaphore_mem>>) src(%dma_wait3A_320 : memref<64x128xf32, #tpu.memory_space<vmem>>) dst(%dma_wait3A_326 : memref<10240x128xf32, #tpu.memory_space<vmem_shared>>)
        tpu.yield
      }) : () -> ()
      %lt3A_304 = arith.constant 9 : i32
      %lt3A_305 = arith.cmpi slt, %scan3A_246, %lt3A_304 : i32
      %convert_element_type3A_306 = arith.extui %lt3A_305 : i1 to i32
      %cond3A_307 = arith.constant 0 : i32
      %cond3A_308 = arith.cmpi ne, %convert_element_type3A_306, %cond3A_307 : i32
      scf.if %cond3A_308 {
        %add3A_309 = arith.constant 4 : i32
        %add3A_310 = arith.addi %add3A_294, %add3A_309 : i32
        %dma_start3A_311 = arith.constant 192 : i32
        %dma_start3A_312 = arith.constant 0 : i32
        %dma_start3A_313 = tpu.memref_slice %arg8[%dma_start3A_311, %dma_start3A_312] : memref<256x128xf32, #tpu.memory_space<vmem>> -> memref<64x128xf32, #tpu.memory_space<vmem>>
        %dma_start3A_314 = arith.constant 0 : i32
        %dma_start3A_315 = tpu.memref_slice %arg6[%add3A_310, %dma_start3A_314] : memref<40x64xi32, #tpu.memory_space<vmem>> -> memref<1x64xi32, #tpu.memory_space<vmem>>
        %dma_start3A_316 = tpu.memref_squeeze %dma_start3A_315 : memref<1x64xi32, #tpu.memory_space<vmem>> -> memref<64xi32, #tpu.memory_space<vmem>>
        %dma_start3A_317 = arith.constant 0 : i32
        %dma_start3A_318 = arith.constant 0 : i32
        %dma_start3A_319 = tpu.memref_slice %arg2[%dma_start3A_317, %dma_start3A_318] : memref<10240x128xf32, #tpu.memory_space<hbm>> -> memref<10240x128xf32, #tpu.memory_space<hbm>>
        tpu.enqueue_indirect_dma source(%dma_start3A_319 : memref<10240x128xf32, #tpu.memory_space<hbm>>) target(%dma_start3A_313 : memref<64x128xf32, #tpu.memory_space<vmem>>) offsets(%dma_start3A_316 : memref<64xi32, #tpu.memory_space<vmem>>) semaphore(%arg13 : memref<!tpu.dma_semaphore, #tpu.memory_space<semaphore_mem>>)
      } else {
      }
    }
    %scan3A_78 = arith.constant 10 : i32
    %mul3A_79 = arith.constant 160 : i32
    %mul3A_80 = arith.muli %add3A, %mul3A_79 : i32
    %add3A_81 = arith.constant 40 : i32
    %add3A_82 = arith.addi %mul3A_80, %add3A_81 : i32
    "tpu.region"() ({
      %run_scoped3A = tpu.sem_alloc : memref<!tpu.dma_semaphore, #tpu.memory_space<semaphore_mem>>
      %dma_start3A_246 = arith.constant 0 : i32
      %dma_start3A_247 = tpu.memref_slice %arg3[%add3A_82, %dma_start3A_246] : memref<5120x64xi32, #tpu.memory_space<hbm>> -> memref<40x64xi32, #tpu.memory_space<hbm>>
      %dma_start3A_248 = arith.constant 0 : i32
      %dma_start3A_249 = tpu.memref_slice %arg3[%add3A_82, %dma_start3A_248] : memref<5120x64xi32, #tpu.memory_space<hbm>> -> memref<40x64xi32, #tpu.memory_space<hbm>>
      tpu.enqueue_dma source(%dma_start3A_249 : memref<40x64xi32, #tpu.memory_space<hbm>>) target(%arg6 : memref<40x64xi32, #tpu.memory_space<vmem>>) target_semaphore(%run_scoped3A : memref<!tpu.dma_semaphore, #tpu.memory_space<semaphore_mem>>)
      %dma_wait3A = arith.constant 0 : i32
      %dma_wait3A_250 = tpu.memref_slice %arg3[%add3A_82, %dma_wait3A] : memref<5120x64xi32, #tpu.memory_space<hbm>> -> memref<40x64xi32, #tpu.memory_space<hbm>>
      %dma_wait3A_251 = arith.constant 0 : i32
      %dma_wait3A_252 = tpu.memref_slice %arg3[%add3A_82, %dma_wait3A_251] : memref<5120x64xi32, #tpu.memory_space<hbm>> -> memref<40x64xi32, #tpu.memory_space<hbm>>
      tpu.wait_dma2 semaphore(%run_scoped3A : memref<!tpu.dma_semaphore, #tpu.memory_space<semaphore_mem>>) src(%dma_wait3A_252 : memref<40x64xi32, #tpu.memory_space<hbm>>) dst(%arg6 : memref<40x64xi32, #tpu.memory_space<vmem>>)
      tpu.yield
    }) : () -> ()
    %mul3A_83 = arith.constant 160 : i32
    %mul3A_84 = arith.muli %add3A, %mul3A_83 : i32
    %add3A_85 = arith.constant 40 : i32
    %add3A_86 = arith.addi %mul3A_84, %add3A_85 : i32
    "tpu.region"() ({
      %run_scoped3A = tpu.sem_alloc : memref<!tpu.dma_semaphore, #tpu.memory_space<semaphore_mem>>
      %dma_start3A_246 = arith.constant 0 : i32
      %dma_start3A_247 = tpu.memref_slice %arg4[%add3A_86, %dma_start3A_246] : memref<5120x64xi32, #tpu.memory_space<hbm>> -> memref<40x64xi32, #tpu.memory_space<hbm>>
      %dma_start3A_248 = arith.constant 0 : i32
      %dma_start3A_249 = tpu.memref_slice %arg4[%add3A_86, %dma_start3A_248] : memref<5120x64xi32, #tpu.memory_space<hbm>> -> memref<40x64xi32, #tpu.memory_space<hbm>>
      tpu.enqueue_dma source(%dma_start3A_249 : memref<40x64xi32, #tpu.memory_space<hbm>>) target(%arg7 : memref<40x64xi32, #tpu.memory_space<vmem>>) target_semaphore(%run_scoped3A : memref<!tpu.dma_semaphore, #tpu.memory_space<semaphore_mem>>)
      %dma_wait3A = arith.constant 0 : i32
      %dma_wait3A_250 = tpu.memref_slice %arg4[%add3A_86, %dma_wait3A] : memref<5120x64xi32, #tpu.memory_space<hbm>> -> memref<40x64xi32, #tpu.memory_space<hbm>>
      %dma_wait3A_251 = arith.constant 0 : i32
      %dma_wait3A_252 = tpu.memref_slice %arg4[%add3A_86, %dma_wait3A_251] : memref<5120x64xi32, #tpu.memory_space<hbm>> -> memref<40x64xi32, #tpu.memory_space<hbm>>
      tpu.wait_dma2 semaphore(%run_scoped3A : memref<!tpu.dma_semaphore, #tpu.memory_space<semaphore_mem>>) src(%dma_wait3A_252 : memref<40x64xi32, #tpu.memory_space<hbm>>) dst(%arg7 : memref<40x64xi32, #tpu.memory_space<vmem>>)
      tpu.yield
    }) : () -> ()
    %dma_start3A_87 = arith.constant 0 : i32
    %dma_start3A_88 = arith.constant 0 : i32
    %dma_start3A_89 = arith.constant 0 : i32
    %dma_start3A_90 = tpu.memref_slice %arg8[%dma_start3A_88, %dma_start3A_89] : memref<256x128xf32, #tpu.memory_space<vmem>> -> memref<64x128xf32, #tpu.memory_space<vmem>>
    %dma_start3A_91 = arith.constant 0 : i32
    %dma_start3A_92 = tpu.memref_slice %arg6[%dma_start3A_87, %dma_start3A_91] : memref<40x64xi32, #tpu.memory_space<vmem>> -> memref<1x64xi32, #tpu.memory_space<vmem>>
    %dma_start3A_93 = tpu.memref_squeeze %dma_start3A_92 : memref<1x64xi32, #tpu.memory_space<vmem>> -> memref<64xi32, #tpu.memory_space<vmem>>
    %dma_start3A_94 = arith.constant 0 : i32
    %dma_start3A_95 = arith.constant 0 : i32
    %dma_start3A_96 = tpu.memref_slice %arg2[%dma_start3A_94, %dma_start3A_95] : memref<10240x128xf32, #tpu.memory_space<hbm>> -> memref<10240x128xf32, #tpu.memory_space<hbm>>
    tpu.enqueue_indirect_dma source(%dma_start3A_96 : memref<10240x128xf32, #tpu.memory_space<hbm>>) target(%dma_start3A_90 : memref<64x128xf32, #tpu.memory_space<vmem>>) offsets(%dma_start3A_93 : memref<64xi32, #tpu.memory_space<vmem>>) semaphore(%arg10 : memref<!tpu.dma_semaphore, #tpu.memory_space<semaphore_mem>>)
    %dma_start3A_97 = arith.constant 1 : i32
    %dma_start3A_98 = arith.constant 64 : i32
    %dma_start3A_99 = arith.constant 0 : i32
    %dma_start3A_100 = tpu.memref_slice %arg8[%dma_start3A_98, %dma_start3A_99] : memref<256x128xf32, #tpu.memory_space<vmem>> -> memref<64x128xf32, #tpu.memory_space<vmem>>
    %dma_start3A_101 = arith.constant 0 : i32
    %dma_start3A_102 = tpu.memref_slice %arg6[%dma_start3A_97, %dma_start3A_101] : memref<40x64xi32, #tpu.memory_space<vmem>> -> memref<1x64xi32, #tpu.memory_space<vmem>>
    %dma_start3A_103 = tpu.memref_squeeze %dma_start3A_102 : memref<1x64xi32, #tpu.memory_space<vmem>> -> memref<64xi32, #tpu.memory_space<vmem>>
    %dma_start3A_104 = arith.constant 0 : i32
    %dma_start3A_105 = arith.constant 0 : i32
    %dma_start3A_106 = tpu.memref_slice %arg2[%dma_start3A_104, %dma_start3A_105] : memref<10240x128xf32, #tpu.memory_space<hbm>> -> memref<10240x128xf32, #tpu.memory_space<hbm>>
    tpu.enqueue_indirect_dma source(%dma_start3A_106 : memref<10240x128xf32, #tpu.memory_space<hbm>>) target(%dma_start3A_100 : memref<64x128xf32, #tpu.memory_space<vmem>>) offsets(%dma_start3A_103 : memref<64xi32, #tpu.memory_space<vmem>>) semaphore(%arg11 : memref<!tpu.dma_semaphore, #tpu.memory_space<semaphore_mem>>)
    %dma_start3A_107 = arith.constant 2 : i32
    %dma_start3A_108 = arith.constant 128 : i32
    %dma_start3A_109 = arith.constant 0 : i32
    %dma_start3A_110 = tpu.memref_slice %arg8[%dma_start3A_108, %dma_start3A_109] : memref<256x128xf32, #tpu.memory_space<vmem>> -> memref<64x128xf32, #tpu.memory_space<vmem>>
    %dma_start3A_111 = arith.constant 0 : i32
    %dma_start3A_112 = tpu.memref_slice %arg6[%dma_start3A_107, %dma_start3A_111] : memref<40x64xi32, #tpu.memory_space<vmem>> -> memref<1x64xi32, #tpu.memory_space<vmem>>
    %dma_start3A_113 = tpu.memref_squeeze %dma_start3A_112 : memref<1x64xi32, #tpu.memory_space<vmem>> -> memref<64xi32, #tpu.memory_space<vmem>>
    %dma_start3A_114 = arith.constant 0 : i32
    %dma_start3A_115 = arith.constant 0 : i32
    %dma_start3A_116 = tpu.memref_slice %arg2[%dma_start3A_114, %dma_start3A_115] : memref<10240x128xf32, #tpu.memory_space<hbm>> -> memref<10240x128xf32, #tpu.memory_space<hbm>>
    tpu.enqueue_indirect_dma source(%dma_start3A_116 : memref<10240x128xf32, #tpu.memory_space<hbm>>) target(%dma_start3A_110 : memref<64x128xf32, #tpu.memory_space<vmem>>) offsets(%dma_start3A_113 : memref<64xi32, #tpu.memory_space<vmem>>) semaphore(%arg12 : memref<!tpu.dma_semaphore, #tpu.memory_space<semaphore_mem>>)
    %dma_start3A_117 = arith.constant 3 : i32
    %dma_start3A_118 = arith.constant 192 : i32
    %dma_start3A_119 = arith.constant 0 : i32
    %dma_start3A_120 = tpu.memref_slice %arg8[%dma_start3A_118, %dma_start3A_119] : memref<256x128xf32, #tpu.memory_space<vmem>> -> memref<64x128xf32, #tpu.memory_space<vmem>>
    %dma_start3A_121 = arith.constant 0 : i32
    %dma_start3A_122 = tpu.memref_slice %arg6[%dma_start3A_117, %dma_start3A_121] : memref<40x64xi32, #tpu.memory_space<vmem>> -> memref<1x64xi32, #tpu.memory_space<vmem>>
    %dma_start3A_123 = tpu.memref_squeeze %dma_start3A_122 : memref<1x64xi32, #tpu.memory_space<vmem>> -> memref<64xi32, #tpu.memory_space<vmem>>
    %dma_start3A_124 = arith.constant 0 : i32
    %dma_start3A_125 = arith.constant 0 : i32
    %dma_start3A_126 = tpu.memref_slice %arg2[%dma_start3A_124, %dma_start3A_125] : memref<10240x128xf32, #tpu.memory_space<hbm>> -> memref<10240x128xf32, #tpu.memory_space<hbm>>
    tpu.enqueue_indirect_dma source(%dma_start3A_126 : memref<10240x128xf32, #tpu.memory_space<hbm>>) target(%dma_start3A_120 : memref<64x128xf32, #tpu.memory_space<vmem>>) offsets(%dma_start3A_123 : memref<64xi32, #tpu.memory_space<vmem>>) semaphore(%arg13 : memref<!tpu.dma_semaphore, #tpu.memory_space<semaphore_mem>>)
    %scan3A_127 = arith.constant 0 : i32
    %scan3A_128 = arith.constant 0 : i32
    %scan3A_129 = arith.constant 10 : i32
    %scan3A_130 = arith.addi %scan3A_128, %scan3A_129 : i32
    %scan3A_131 = arith.constant 1 : i32
    scf.for %scan3A_246 = %scan3A_128 to %scan3A_130 step %scan3A_131  : i32 {
      %mul3A_247 = arith.constant 4 : i32
      %mul3A_248 = arith.muli %mul3A_247, %scan3A_246 : i32
      %add3A_249 = arith.constant 0 : i32
      %add3A_250 = arith.addi %mul3A_248, %add3A_249 : i32
      %dma_wait3A = arith.constant 0 : i32
      %dma_wait3A_251 = arith.constant 0 : i32
      %dma_wait3A_252 = tpu.memref_slice %arg8[%dma_wait3A, %dma_wait3A_251] : memref<256x128xf32, #tpu.memory_space<vmem>> -> memref<64x128xf32, #tpu.memory_space<vmem>>
      %dma_wait3A_253 = arith.constant 0 : i32
      %dma_wait3A_254 = tpu.memref_slice %arg6[%add3A_250, %dma_wait3A_253] : memref<40x64xi32, #tpu.memory_space<vmem>> -> memref<1x64xi32, #tpu.memory_space<vmem>>
      %dma_wait3A_255 = tpu.memref_squeeze %dma_wait3A_254 : memref<1x64xi32, #tpu.memory_space<vmem>> -> memref<64xi32, #tpu.memory_space<vmem>>
      %dma_wait3A_256 = arith.constant 0 : i32
      %dma_wait3A_257 = arith.constant 0 : i32
      %dma_wait3A_258 = tpu.memref_slice %arg2[%dma_wait3A_256, %dma_wait3A_257] : memref<10240x128xf32, #tpu.memory_space<hbm>> -> memref<10240x128xf32, #tpu.memory_space<hbm>>
      tpu.wait_indirect_dma semaphore(%arg10 : memref<!tpu.dma_semaphore, #tpu.memory_space<semaphore_mem>>) src(%dma_wait3A_258 : memref<10240x128xf32, #tpu.memory_space<hbm>>) dst(%dma_wait3A_252 : memref<64x128xf32, #tpu.memory_space<vmem>>)
      "tpu.region"() ({
        %run_scoped3A = tpu.sem_alloc : memref<!tpu.dma_semaphore, #tpu.memory_space<semaphore_mem>>
        %dma_start3A_309 = arith.constant 0 : i32
        %dma_start3A_310 = arith.constant 0 : i32
        %dma_start3A_311 = tpu.memref_slice %arg8[%dma_start3A_309, %dma_start3A_310] : memref<256x128xf32, #tpu.memory_space<vmem>> -> memref<64x128xf32, #tpu.memory_space<vmem>>
        %dma_start3A_312 = arith.constant 0 : i32
        %dma_start3A_313 = tpu.memref_slice %arg7[%add3A_250, %dma_start3A_312] : memref<40x64xi32, #tpu.memory_space<vmem>> -> memref<1x64xi32, #tpu.memory_space<vmem>>
        %dma_start3A_314 = tpu.memref_squeeze %dma_start3A_313 : memref<1x64xi32, #tpu.memory_space<vmem>> -> memref<64xi32, #tpu.memory_space<vmem>>
        %dma_start3A_315 = arith.constant 0 : i32
        %dma_start3A_316 = arith.constant 0 : i32
        %dma_start3A_317 = tpu.memref_slice %arg9[%dma_start3A_315, %dma_start3A_316] : memref<10240x128xf32, #tpu.memory_space<vmem_shared>> -> memref<10240x128xf32, #tpu.memory_space<vmem_shared>>
        tpu.enqueue_indirect_dma source(%dma_start3A_311 : memref<64x128xf32, #tpu.memory_space<vmem>>) target(%dma_start3A_317 : memref<10240x128xf32, #tpu.memory_space<vmem_shared>>) offsets(%dma_start3A_314 : memref<64xi32, #tpu.memory_space<vmem>>) semaphore(%run_scoped3A : memref<!tpu.dma_semaphore, #tpu.memory_space<semaphore_mem>>) {add = true}
        %dma_wait3A_318 = arith.constant 0 : i32
        %dma_wait3A_319 = arith.constant 0 : i32
        %dma_wait3A_320 = tpu.memref_slice %arg8[%dma_wait3A_318, %dma_wait3A_319] : memref<256x128xf32, #tpu.memory_space<vmem>> -> memref<64x128xf32, #tpu.memory_space<vmem>>
        %dma_wait3A_321 = arith.constant 0 : i32
        %dma_wait3A_322 = tpu.memref_slice %arg7[%add3A_250, %dma_wait3A_321] : memref<40x64xi32, #tpu.memory_space<vmem>> -> memref<1x64xi32, #tpu.memory_space<vmem>>
        %dma_wait3A_323 = tpu.memref_squeeze %dma_wait3A_322 : memref<1x64xi32, #tpu.memory_space<vmem>> -> memref<64xi32, #tpu.memory_space<vmem>>
        %dma_wait3A_324 = arith.constant 0 : i32
        %dma_wait3A_325 = arith.constant 0 : i32
        %dma_wait3A_326 = tpu.memref_slice %arg9[%dma_wait3A_324, %dma_wait3A_325] : memref<10240x128xf32, #tpu.memory_space<vmem_shared>> -> memref<10240x128xf32, #tpu.memory_space<vmem_shared>>
        tpu.wait_indirect_dma semaphore(%run_scoped3A : memref<!tpu.dma_semaphore, #tpu.memory_space<semaphore_mem>>) src(%dma_wait3A_320 : memref<64x128xf32, #tpu.memory_space<vmem>>) dst(%dma_wait3A_326 : memref<10240x128xf32, #tpu.memory_space<vmem_shared>>)
        tpu.yield
      }) : () -> ()
      %lt3A = arith.constant 9 : i32
      %lt3A_259 = arith.cmpi slt, %scan3A_246, %lt3A : i32
      %convert_element_type3A = arith.extui %lt3A_259 : i1 to i32
      %cond3A = arith.constant 0 : i32
      %cond3A_260 = arith.cmpi ne, %convert_element_type3A, %cond3A : i32
      scf.if %cond3A_260 {
        %add3A_309 = arith.constant 4 : i32
        %add3A_310 = arith.addi %add3A_250, %add3A_309 : i32
        %dma_start3A_311 = arith.constant 0 : i32
        %dma_start3A_312 = arith.constant 0 : i32
        %dma_start3A_313 = tpu.memref_slice %arg8[%dma_start3A_311, %dma_start3A_312] : memref<256x128xf32, #tpu.memory_space<vmem>> -> memref<64x128xf32, #tpu.memory_space<vmem>>
        %dma_start3A_314 = arith.constant 0 : i32
        %dma_start3A_315 = tpu.memref_slice %arg6[%add3A_310, %dma_start3A_314] : memref<40x64xi32, #tpu.memory_space<vmem>> -> memref<1x64xi32, #tpu.memory_space<vmem>>
        %dma_start3A_316 = tpu.memref_squeeze %dma_start3A_315 : memref<1x64xi32, #tpu.memory_space<vmem>> -> memref<64xi32, #tpu.memory_space<vmem>>
        %dma_start3A_317 = arith.constant 0 : i32
        %dma_start3A_318 = arith.constant 0 : i32
        %dma_start3A_319 = tpu.memref_slice %arg2[%dma_start3A_317, %dma_start3A_318] : memref<10240x128xf32, #tpu.memory_space<hbm>> -> memref<10240x128xf32, #tpu.memory_space<hbm>>
        tpu.enqueue_indirect_dma source(%dma_start3A_319 : memref<10240x128xf32, #tpu.memory_space<hbm>>) target(%dma_start3A_313 : memref<64x128xf32, #tpu.memory_space<vmem>>) offsets(%dma_start3A_316 : memref<64xi32, #tpu.memory_space<vmem>>) semaphore(%arg10 : memref<!tpu.dma_semaphore, #tpu.memory_space<semaphore_mem>>)
      } else {
      }
      %add3A_261 = arith.constant 1 : i32
      %add3A_262 = arith.addi %mul3A_248, %add3A_261 : i32
      %dma_wait3A_263 = arith.constant 64 : i32
      %dma_wait3A_264 = arith.constant 0 : i32
      %dma_wait3A_265 = tpu.memref_slice %arg8[%dma_wait3A_263, %dma_wait3A_264] : memref<256x128xf32, #tpu.memory_space<vmem>> -> memref<64x128xf32, #tpu.memory_space<vmem>>
      %dma_wait3A_266 = arith.constant 0 : i32
      %dma_wait3A_267 = tpu.memref_slice %arg6[%add3A_262, %dma_wait3A_266] : memref<40x64xi32, #tpu.memory_space<vmem>> -> memref<1x64xi32, #tpu.memory_space<vmem>>
      %dma_wait3A_268 = tpu.memref_squeeze %dma_wait3A_267 : memref<1x64xi32, #tpu.memory_space<vmem>> -> memref<64xi32, #tpu.memory_space<vmem>>
      %dma_wait3A_269 = arith.constant 0 : i32
      %dma_wait3A_270 = arith.constant 0 : i32
      %dma_wait3A_271 = tpu.memref_slice %arg2[%dma_wait3A_269, %dma_wait3A_270] : memref<10240x128xf32, #tpu.memory_space<hbm>> -> memref<10240x128xf32, #tpu.memory_space<hbm>>
      tpu.wait_indirect_dma semaphore(%arg11 : memref<!tpu.dma_semaphore, #tpu.memory_space<semaphore_mem>>) src(%dma_wait3A_271 : memref<10240x128xf32, #tpu.memory_space<hbm>>) dst(%dma_wait3A_265 : memref<64x128xf32, #tpu.memory_space<vmem>>)
      "tpu.region"() ({
        %run_scoped3A = tpu.sem_alloc : memref<!tpu.dma_semaphore, #tpu.memory_space<semaphore_mem>>
        %dma_start3A_309 = arith.constant 64 : i32
        %dma_start3A_310 = arith.constant 0 : i32
        %dma_start3A_311 = tpu.memref_slice %arg8[%dma_start3A_309, %dma_start3A_310] : memref<256x128xf32, #tpu.memory_space<vmem>> -> memref<64x128xf32, #tpu.memory_space<vmem>>
        %dma_start3A_312 = arith.constant 0 : i32
        %dma_start3A_313 = tpu.memref_slice %arg7[%add3A_262, %dma_start3A_312] : memref<40x64xi32, #tpu.memory_space<vmem>> -> memref<1x64xi32, #tpu.memory_space<vmem>>
        %dma_start3A_314 = tpu.memref_squeeze %dma_start3A_313 : memref<1x64xi32, #tpu.memory_space<vmem>> -> memref<64xi32, #tpu.memory_space<vmem>>
        %dma_start3A_315 = arith.constant 0 : i32
        %dma_start3A_316 = arith.constant 0 : i32
        %dma_start3A_317 = tpu.memref_slice %arg9[%dma_start3A_315, %dma_start3A_316] : memref<10240x128xf32, #tpu.memory_space<vmem_shared>> -> memref<10240x128xf32, #tpu.memory_space<vmem_shared>>
        tpu.enqueue_indirect_dma source(%dma_start3A_311 : memref<64x128xf32, #tpu.memory_space<vmem>>) target(%dma_start3A_317 : memref<10240x128xf32, #tpu.memory_space<vmem_shared>>) offsets(%dma_start3A_314 : memref<64xi32, #tpu.memory_space<vmem>>) semaphore(%run_scoped3A : memref<!tpu.dma_semaphore, #tpu.memory_space<semaphore_mem>>) {add = true}
        %dma_wait3A_318 = arith.constant 64 : i32
        %dma_wait3A_319 = arith.constant 0 : i32
        %dma_wait3A_320 = tpu.memref_slice %arg8[%dma_wait3A_318, %dma_wait3A_319] : memref<256x128xf32, #tpu.memory_space<vmem>> -> memref<64x128xf32, #tpu.memory_space<vmem>>
        %dma_wait3A_321 = arith.constant 0 : i32
        %dma_wait3A_322 = tpu.memref_slice %arg7[%add3A_262, %dma_wait3A_321] : memref<40x64xi32, #tpu.memory_space<vmem>> -> memref<1x64xi32, #tpu.memory_space<vmem>>
        %dma_wait3A_323 = tpu.memref_squeeze %dma_wait3A_322 : memref<1x64xi32, #tpu.memory_space<vmem>> -> memref<64xi32, #tpu.memory_space<vmem>>
        %dma_wait3A_324 = arith.constant 0 : i32
        %dma_wait3A_325 = arith.constant 0 : i32
        %dma_wait3A_326 = tpu.memref_slice %arg9[%dma_wait3A_324, %dma_wait3A_325] : memref<10240x128xf32, #tpu.memory_space<vmem_shared>> -> memref<10240x128xf32, #tpu.memory_space<vmem_shared>>
        tpu.wait_indirect_dma semaphore(%run_scoped3A : memref<!tpu.dma_semaphore, #tpu.memory_space<semaphore_mem>>) src(%dma_wait3A_320 : memref<64x128xf32, #tpu.memory_space<vmem>>) dst(%dma_wait3A_326 : memref<10240x128xf32, #tpu.memory_space<vmem_shared>>)
        tpu.yield
      }) : () -> ()
      %lt3A_272 = arith.constant 9 : i32
      %lt3A_273 = arith.cmpi slt, %scan3A_246, %lt3A_272 : i32
      %convert_element_type3A_274 = arith.extui %lt3A_273 : i1 to i32
      %cond3A_275 = arith.constant 0 : i32
      %cond3A_276 = arith.cmpi ne, %convert_element_type3A_274, %cond3A_275 : i32
      scf.if %cond3A_276 {
        %add3A_309 = arith.constant 4 : i32
        %add3A_310 = arith.addi %add3A_262, %add3A_309 : i32
        %dma_start3A_311 = arith.constant 64 : i32
        %dma_start3A_312 = arith.constant 0 : i32
        %dma_start3A_313 = tpu.memref_slice %arg8[%dma_start3A_311, %dma_start3A_312] : memref<256x128xf32, #tpu.memory_space<vmem>> -> memref<64x128xf32, #tpu.memory_space<vmem>>
        %dma_start3A_314 = arith.constant 0 : i32
        %dma_start3A_315 = tpu.memref_slice %arg6[%add3A_310, %dma_start3A_314] : memref<40x64xi32, #tpu.memory_space<vmem>> -> memref<1x64xi32, #tpu.memory_space<vmem>>
        %dma_start3A_316 = tpu.memref_squeeze %dma_start3A_315 : memref<1x64xi32, #tpu.memory_space<vmem>> -> memref<64xi32, #tpu.memory_space<vmem>>
        %dma_start3A_317 = arith.constant 0 : i32
        %dma_start3A_318 = arith.constant 0 : i32
        %dma_start3A_319 = tpu.memref_slice %arg2[%dma_start3A_317, %dma_start3A_318] : memref<10240x128xf32, #tpu.memory_space<hbm>> -> memref<10240x128xf32, #tpu.memory_space<hbm>>
        tpu.enqueue_indirect_dma source(%dma_start3A_319 : memref<10240x128xf32, #tpu.memory_space<hbm>>) target(%dma_start3A_313 : memref<64x128xf32, #tpu.memory_space<vmem>>) offsets(%dma_start3A_316 : memref<64xi32, #tpu.memory_space<vmem>>) semaphore(%arg11 : memref<!tpu.dma_semaphore, #tpu.memory_space<semaphore_mem>>)
      } else {
      }
      %add3A_277 = arith.constant 2 : i32
      %add3A_278 = arith.addi %mul3A_248, %add3A_277 : i32
      %dma_wait3A_279 = arith.constant 128 : i32
      %dma_wait3A_280 = arith.constant 0 : i32
      %dma_wait3A_281 = tpu.memref_slice %arg8[%dma_wait3A_279, %dma_wait3A_280] : memref<256x128xf32, #tpu.memory_space<vmem>> -> memref<64x128xf32, #tpu.memory_space<vmem>>
      %dma_wait3A_282 = arith.constant 0 : i32
      %dma_wait3A_283 = tpu.memref_slice %arg6[%add3A_278, %dma_wait3A_282] : memref<40x64xi32, #tpu.memory_space<vmem>> -> memref<1x64xi32, #tpu.memory_space<vmem>>
      %dma_wait3A_284 = tpu.memref_squeeze %dma_wait3A_283 : memref<1x64xi32, #tpu.memory_space<vmem>> -> memref<64xi32, #tpu.memory_space<vmem>>
      %dma_wait3A_285 = arith.constant 0 : i32
      %dma_wait3A_286 = arith.constant 0 : i32
      %dma_wait3A_287 = tpu.memref_slice %arg2[%dma_wait3A_285, %dma_wait3A_286] : memref<10240x128xf32, #tpu.memory_space<hbm>> -> memref<10240x128xf32, #tpu.memory_space<hbm>>
      tpu.wait_indirect_dma semaphore(%arg12 : memref<!tpu.dma_semaphore, #tpu.memory_space<semaphore_mem>>) src(%dma_wait3A_287 : memref<10240x128xf32, #tpu.memory_space<hbm>>) dst(%dma_wait3A_281 : memref<64x128xf32, #tpu.memory_space<vmem>>)
      "tpu.region"() ({
        %run_scoped3A = tpu.sem_alloc : memref<!tpu.dma_semaphore, #tpu.memory_space<semaphore_mem>>
        %dma_start3A_309 = arith.constant 128 : i32
        %dma_start3A_310 = arith.constant 0 : i32
        %dma_start3A_311 = tpu.memref_slice %arg8[%dma_start3A_309, %dma_start3A_310] : memref<256x128xf32, #tpu.memory_space<vmem>> -> memref<64x128xf32, #tpu.memory_space<vmem>>
        %dma_start3A_312 = arith.constant 0 : i32
        %dma_start3A_313 = tpu.memref_slice %arg7[%add3A_278, %dma_start3A_312] : memref<40x64xi32, #tpu.memory_space<vmem>> -> memref<1x64xi32, #tpu.memory_space<vmem>>
        %dma_start3A_314 = tpu.memref_squeeze %dma_start3A_313 : memref<1x64xi32, #tpu.memory_space<vmem>> -> memref<64xi32, #tpu.memory_space<vmem>>
        %dma_start3A_315 = arith.constant 0 : i32
        %dma_start3A_316 = arith.constant 0 : i32
        %dma_start3A_317 = tpu.memref_slice %arg9[%dma_start3A_315, %dma_start3A_316] : memref<10240x128xf32, #tpu.memory_space<vmem_shared>> -> memref<10240x128xf32, #tpu.memory_space<vmem_shared>>
        tpu.enqueue_indirect_dma source(%dma_start3A_311 : memref<64x128xf32, #tpu.memory_space<vmem>>) target(%dma_start3A_317 : memref<10240x128xf32, #tpu.memory_space<vmem_shared>>) offsets(%dma_start3A_314 : memref<64xi32, #tpu.memory_space<vmem>>) semaphore(%run_scoped3A : memref<!tpu.dma_semaphore, #tpu.memory_space<semaphore_mem>>) {add = true}
        %dma_wait3A_318 = arith.constant 128 : i32
        %dma_wait3A_319 = arith.constant 0 : i32
        %dma_wait3A_320 = tpu.memref_slice %arg8[%dma_wait3A_318, %dma_wait3A_319] : memref<256x128xf32, #tpu.memory_space<vmem>> -> memref<64x128xf32, #tpu.memory_space<vmem>>
        %dma_wait3A_321 = arith.constant 0 : i32
        %dma_wait3A_322 = tpu.memref_slice %arg7[%add3A_278, %dma_wait3A_321] : memref<40x64xi32, #tpu.memory_space<vmem>> -> memref<1x64xi32, #tpu.memory_space<vmem>>
        %dma_wait3A_323 = tpu.memref_squeeze %dma_wait3A_322 : memref<1x64xi32, #tpu.memory_space<vmem>> -> memref<64xi32, #tpu.memory_space<vmem>>
        %dma_wait3A_324 = arith.constant 0 : i32
        %dma_wait3A_325 = arith.constant 0 : i32
        %dma_wait3A_326 = tpu.memref_slice %arg9[%dma_wait3A_324, %dma_wait3A_325] : memref<10240x128xf32, #tpu.memory_space<vmem_shared>> -> memref<10240x128xf32, #tpu.memory_space<vmem_shared>>
        tpu.wait_indirect_dma semaphore(%run_scoped3A : memref<!tpu.dma_semaphore, #tpu.memory_space<semaphore_mem>>) src(%dma_wait3A_320 : memref<64x128xf32, #tpu.memory_space<vmem>>) dst(%dma_wait3A_326 : memref<10240x128xf32, #tpu.memory_space<vmem_shared>>)
        tpu.yield
      }) : () -> ()
      %lt3A_288 = arith.constant 9 : i32
      %lt3A_289 = arith.cmpi slt, %scan3A_246, %lt3A_288 : i32
      %convert_element_type3A_290 = arith.extui %lt3A_289 : i1 to i32
      %cond3A_291 = arith.constant 0 : i32
      %cond3A_292 = arith.cmpi ne, %convert_element_type3A_290, %cond3A_291 : i32
      scf.if %cond3A_292 {
        %add3A_309 = arith.constant 4 : i32
        %add3A_310 = arith.addi %add3A_278, %add3A_309 : i32
        %dma_start3A_311 = arith.constant 128 : i32
        %dma_start3A_312 = arith.constant 0 : i32
        %dma_start3A_313 = tpu.memref_slice %arg8[%dma_start3A_311, %dma_start3A_312] : memref<256x128xf32, #tpu.memory_space<vmem>> -> memref<64x128xf32, #tpu.memory_space<vmem>>
        %dma_start3A_314 = arith.constant 0 : i32
        %dma_start3A_315 = tpu.memref_slice %arg6[%add3A_310, %dma_start3A_314] : memref<40x64xi32, #tpu.memory_space<vmem>> -> memref<1x64xi32, #tpu.memory_space<vmem>>
        %dma_start3A_316 = tpu.memref_squeeze %dma_start3A_315 : memref<1x64xi32, #tpu.memory_space<vmem>> -> memref<64xi32, #tpu.memory_space<vmem>>
        %dma_start3A_317 = arith.constant 0 : i32
        %dma_start3A_318 = arith.constant 0 : i32
        %dma_start3A_319 = tpu.memref_slice %arg2[%dma_start3A_317, %dma_start3A_318] : memref<10240x128xf32, #tpu.memory_space<hbm>> -> memref<10240x128xf32, #tpu.memory_space<hbm>>
        tpu.enqueue_indirect_dma source(%dma_start3A_319 : memref<10240x128xf32, #tpu.memory_space<hbm>>) target(%dma_start3A_313 : memref<64x128xf32, #tpu.memory_space<vmem>>) offsets(%dma_start3A_316 : memref<64xi32, #tpu.memory_space<vmem>>) semaphore(%arg12 : memref<!tpu.dma_semaphore, #tpu.memory_space<semaphore_mem>>)
      } else {
      }
      %add3A_293 = arith.constant 3 : i32
      %add3A_294 = arith.addi %mul3A_248, %add3A_293 : i32
      %dma_wait3A_295 = arith.constant 192 : i32
      %dma_wait3A_296 = arith.constant 0 : i32
      %dma_wait3A_297 = tpu.memref_slice %arg8[%dma_wait3A_295, %dma_wait3A_296] : memref<256x128xf32, #tpu.memory_space<vmem>> -> memref<64x128xf32, #tpu.memory_space<vmem>>
      %dma_wait3A_298 = arith.constant 0 : i32
      %dma_wait3A_299 = tpu.memref_slice %arg6[%add3A_294, %dma_wait3A_298] : memref<40x64xi32, #tpu.memory_space<vmem>> -> memref<1x64xi32, #tpu.memory_space<vmem>>
      %dma_wait3A_300 = tpu.memref_squeeze %dma_wait3A_299 : memref<1x64xi32, #tpu.memory_space<vmem>> -> memref<64xi32, #tpu.memory_space<vmem>>
      %dma_wait3A_301 = arith.constant 0 : i32
      %dma_wait3A_302 = arith.constant 0 : i32
      %dma_wait3A_303 = tpu.memref_slice %arg2[%dma_wait3A_301, %dma_wait3A_302] : memref<10240x128xf32, #tpu.memory_space<hbm>> -> memref<10240x128xf32, #tpu.memory_space<hbm>>
      tpu.wait_indirect_dma semaphore(%arg13 : memref<!tpu.dma_semaphore, #tpu.memory_space<semaphore_mem>>) src(%dma_wait3A_303 : memref<10240x128xf32, #tpu.memory_space<hbm>>) dst(%dma_wait3A_297 : memref<64x128xf32, #tpu.memory_space<vmem>>)
      "tpu.region"() ({
        %run_scoped3A = tpu.sem_alloc : memref<!tpu.dma_semaphore, #tpu.memory_space<semaphore_mem>>
        %dma_start3A_309 = arith.constant 192 : i32
        %dma_start3A_310 = arith.constant 0 : i32
        %dma_start3A_311 = tpu.memref_slice %arg8[%dma_start3A_309, %dma_start3A_310] : memref<256x128xf32, #tpu.memory_space<vmem>> -> memref<64x128xf32, #tpu.memory_space<vmem>>
        %dma_start3A_312 = arith.constant 0 : i32
        %dma_start3A_313 = tpu.memref_slice %arg7[%add3A_294, %dma_start3A_312] : memref<40x64xi32, #tpu.memory_space<vmem>> -> memref<1x64xi32, #tpu.memory_space<vmem>>
        %dma_start3A_314 = tpu.memref_squeeze %dma_start3A_313 : memref<1x64xi32, #tpu.memory_space<vmem>> -> memref<64xi32, #tpu.memory_space<vmem>>
        %dma_start3A_315 = arith.constant 0 : i32
        %dma_start3A_316 = arith.constant 0 : i32
        %dma_start3A_317 = tpu.memref_slice %arg9[%dma_start3A_315, %dma_start3A_316] : memref<10240x128xf32, #tpu.memory_space<vmem_shared>> -> memref<10240x128xf32, #tpu.memory_space<vmem_shared>>
        tpu.enqueue_indirect_dma source(%dma_start3A_311 : memref<64x128xf32, #tpu.memory_space<vmem>>) target(%dma_start3A_317 : memref<10240x128xf32, #tpu.memory_space<vmem_shared>>) offsets(%dma_start3A_314 : memref<64xi32, #tpu.memory_space<vmem>>) semaphore(%run_scoped3A : memref<!tpu.dma_semaphore, #tpu.memory_space<semaphore_mem>>) {add = true}
        %dma_wait3A_318 = arith.constant 192 : i32
        %dma_wait3A_319 = arith.constant 0 : i32
        %dma_wait3A_320 = tpu.memref_slice %arg8[%dma_wait3A_318, %dma_wait3A_319] : memref<256x128xf32, #tpu.memory_space<vmem>> -> memref<64x128xf32, #tpu.memory_space<vmem>>
        %dma_wait3A_321 = arith.constant 0 : i32
        %dma_wait3A_322 = tpu.memref_slice %arg7[%add3A_294, %dma_wait3A_321] : memref<40x64xi32, #tpu.memory_space<vmem>> -> memref<1x64xi32, #tpu.memory_space<vmem>>
        %dma_wait3A_323 = tpu.memref_squeeze %dma_wait3A_322 : memref<1x64xi32, #tpu.memory_space<vmem>> -> memref<64xi32, #tpu.memory_space<vmem>>
        %dma_wait3A_324 = arith.constant 0 : i32
        %dma_wait3A_325 = arith.constant 0 : i32
        %dma_wait3A_326 = tpu.memref_slice %arg9[%dma_wait3A_324, %dma_wait3A_325] : memref<10240x128xf32, #tpu.memory_space<vmem_shared>> -> memref<10240x128xf32, #tpu.memory_space<vmem_shared>>
        tpu.wait_indirect_dma semaphore(%run_scoped3A : memref<!tpu.dma_semaphore, #tpu.memory_space<semaphore_mem>>) src(%dma_wait3A_320 : memref<64x128xf32, #tpu.memory_space<vmem>>) dst(%dma_wait3A_326 : memref<10240x128xf32, #tpu.memory_space<vmem_shared>>)
        tpu.yield
      }) : () -> ()
      %lt3A_304 = arith.constant 9 : i32
      %lt3A_305 = arith.cmpi slt, %scan3A_246, %lt3A_304 : i32
      %convert_element_type3A_306 = arith.extui %lt3A_305 : i1 to i32
      %cond3A_307 = arith.constant 0 : i32
      %cond3A_308 = arith.cmpi ne, %convert_element_type3A_306, %cond3A_307 : i32
      scf.if %cond3A_308 {
        %add3A_309 = arith.constant 4 : i32
        %add3A_310 = arith.addi %add3A_294, %add3A_309 : i32
        %dma_start3A_311 = arith.constant 192 : i32
        %dma_start3A_312 = arith.constant 0 : i32
        %dma_start3A_313 = tpu.memref_slice %arg8[%dma_start3A_311, %dma_start3A_312] : memref<256x128xf32, #tpu.memory_space<vmem>> -> memref<64x128xf32, #tpu.memory_space<vmem>>
        %dma_start3A_314 = arith.constant 0 : i32
        %dma_start3A_315 = tpu.memref_slice %arg6[%add3A_310, %dma_start3A_314] : memref<40x64xi32, #tpu.memory_space<vmem>> -> memref<1x64xi32, #tpu.memory_space<vmem>>
        %dma_start3A_316 = tpu.memref_squeeze %dma_start3A_315 : memref<1x64xi32, #tpu.memory_space<vmem>> -> memref<64xi32, #tpu.memory_space<vmem>>
        %dma_start3A_317 = arith.constant 0 : i32
        %dma_start3A_318 = arith.constant 0 : i32
        %dma_start3A_319 = tpu.memref_slice %arg2[%dma_start3A_317, %dma_start3A_318] : memref<10240x128xf32, #tpu.memory_space<hbm>> -> memref<10240x128xf32, #tpu.memory_space<hbm>>
        tpu.enqueue_indirect_dma source(%dma_start3A_319 : memref<10240x128xf32, #tpu.memory_space<hbm>>) target(%dma_start3A_313 : memref<64x128xf32, #tpu.memory_space<vmem>>) offsets(%dma_start3A_316 : memref<64xi32, #tpu.memory_space<vmem>>) semaphore(%arg13 : memref<!tpu.dma_semaphore, #tpu.memory_space<semaphore_mem>>)
      } else {
      }
    }
    %scan3A_132 = arith.constant 10 : i32
    %mul3A_133 = arith.constant 160 : i32
    %mul3A_134 = arith.muli %add3A, %mul3A_133 : i32
    %add3A_135 = arith.constant 80 : i32
    %add3A_136 = arith.addi %mul3A_134, %add3A_135 : i32
    "tpu.region"() ({
      %run_scoped3A = tpu.sem_alloc : memref<!tpu.dma_semaphore, #tpu.memory_space<semaphore_mem>>
      %dma_start3A_246 = arith.constant 0 : i32
      %dma_start3A_247 = tpu.memref_slice %arg3[%add3A_136, %dma_start3A_246] : memref<5120x64xi32, #tpu.memory_space<hbm>> -> memref<40x64xi32, #tpu.memory_space<hbm>>
      %dma_start3A_248 = arith.constant 0 : i32
      %dma_start3A_249 = tpu.memref_slice %arg3[%add3A_136, %dma_start3A_248] : memref<5120x64xi32, #tpu.memory_space<hbm>> -> memref<40x64xi32, #tpu.memory_space<hbm>>
      tpu.enqueue_dma source(%dma_start3A_249 : memref<40x64xi32, #tpu.memory_space<hbm>>) target(%arg6 : memref<40x64xi32, #tpu.memory_space<vmem>>) target_semaphore(%run_scoped3A : memref<!tpu.dma_semaphore, #tpu.memory_space<semaphore_mem>>)
      %dma_wait3A = arith.constant 0 : i32
      %dma_wait3A_250 = tpu.memref_slice %arg3[%add3A_136, %dma_wait3A] : memref<5120x64xi32, #tpu.memory_space<hbm>> -> memref<40x64xi32, #tpu.memory_space<hbm>>
      %dma_wait3A_251 = arith.constant 0 : i32
      %dma_wait3A_252 = tpu.memref_slice %arg3[%add3A_136, %dma_wait3A_251] : memref<5120x64xi32, #tpu.memory_space<hbm>> -> memref<40x64xi32, #tpu.memory_space<hbm>>
      tpu.wait_dma2 semaphore(%run_scoped3A : memref<!tpu.dma_semaphore, #tpu.memory_space<semaphore_mem>>) src(%dma_wait3A_252 : memref<40x64xi32, #tpu.memory_space<hbm>>) dst(%arg6 : memref<40x64xi32, #tpu.memory_space<vmem>>)
      tpu.yield
    }) : () -> ()
    %mul3A_137 = arith.constant 160 : i32
    %mul3A_138 = arith.muli %add3A, %mul3A_137 : i32
    %add3A_139 = arith.constant 80 : i32
    %add3A_140 = arith.addi %mul3A_138, %add3A_139 : i32
    "tpu.region"() ({
      %run_scoped3A = tpu.sem_alloc : memref<!tpu.dma_semaphore, #tpu.memory_space<semaphore_mem>>
      %dma_start3A_246 = arith.constant 0 : i32
      %dma_start3A_247 = tpu.memref_slice %arg4[%add3A_140, %dma_start3A_246] : memref<5120x64xi32, #tpu.memory_space<hbm>> -> memref<40x64xi32, #tpu.memory_space<hbm>>
      %dma_start3A_248 = arith.constant 0 : i32
      %dma_start3A_249 = tpu.memref_slice %arg4[%add3A_140, %dma_start3A_248] : memref<5120x64xi32, #tpu.memory_space<hbm>> -> memref<40x64xi32, #tpu.memory_space<hbm>>
      tpu.enqueue_dma source(%dma_start3A_249 : memref<40x64xi32, #tpu.memory_space<hbm>>) target(%arg7 : memref<40x64xi32, #tpu.memory_space<vmem>>) target_semaphore(%run_scoped3A : memref<!tpu.dma_semaphore, #tpu.memory_space<semaphore_mem>>)
      %dma_wait3A = arith.constant 0 : i32
      %dma_wait3A_250 = tpu.memref_slice %arg4[%add3A_140, %dma_wait3A] : memref<5120x64xi32, #tpu.memory_space<hbm>> -> memref<40x64xi32, #tpu.memory_space<hbm>>
      %dma_wait3A_251 = arith.constant 0 : i32
      %dma_wait3A_252 = tpu.memref_slice %arg4[%add3A_140, %dma_wait3A_251] : memref<5120x64xi32, #tpu.memory_space<hbm>> -> memref<40x64xi32, #tpu.memory_space<hbm>>
      tpu.wait_dma2 semaphore(%run_scoped3A : memref<!tpu.dma_semaphore, #tpu.memory_space<semaphore_mem>>) src(%dma_wait3A_252 : memref<40x64xi32, #tpu.memory_space<hbm>>) dst(%arg7 : memref<40x64xi32, #tpu.memory_space<vmem>>)
      tpu.yield
    }) : () -> ()
    %dma_start3A_141 = arith.constant 0 : i32
    %dma_start3A_142 = arith.constant 0 : i32
    %dma_start3A_143 = arith.constant 0 : i32
    %dma_start3A_144 = tpu.memref_slice %arg8[%dma_start3A_142, %dma_start3A_143] : memref<256x128xf32, #tpu.memory_space<vmem>> -> memref<64x128xf32, #tpu.memory_space<vmem>>
    %dma_start3A_145 = arith.constant 0 : i32
    %dma_start3A_146 = tpu.memref_slice %arg6[%dma_start3A_141, %dma_start3A_145] : memref<40x64xi32, #tpu.memory_space<vmem>> -> memref<1x64xi32, #tpu.memory_space<vmem>>
    %dma_start3A_147 = tpu.memref_squeeze %dma_start3A_146 : memref<1x64xi32, #tpu.memory_space<vmem>> -> memref<64xi32, #tpu.memory_space<vmem>>
    %dma_start3A_148 = arith.constant 0 : i32
    %dma_start3A_149 = arith.constant 0 : i32
    %dma_start3A_150 = tpu.memref_slice %arg2[%dma_start3A_148, %dma_start3A_149] : memref<10240x128xf32, #tpu.memory_space<hbm>> -> memref<10240x128xf32, #tpu.memory_space<hbm>>
    tpu.enqueue_indirect_dma source(%dma_start3A_150 : memref<10240x128xf32, #tpu.memory_space<hbm>>) target(%dma_start3A_144 : memref<64x128xf32, #tpu.memory_space<vmem>>) offsets(%dma_start3A_147 : memref<64xi32, #tpu.memory_space<vmem>>) semaphore(%arg10 : memref<!tpu.dma_semaphore, #tpu.memory_space<semaphore_mem>>)
    %dma_start3A_151 = arith.constant 1 : i32
    %dma_start3A_152 = arith.constant 64 : i32
    %dma_start3A_153 = arith.constant 0 : i32
    %dma_start3A_154 = tpu.memref_slice %arg8[%dma_start3A_152, %dma_start3A_153] : memref<256x128xf32, #tpu.memory_space<vmem>> -> memref<64x128xf32, #tpu.memory_space<vmem>>
    %dma_start3A_155 = arith.constant 0 : i32
    %dma_start3A_156 = tpu.memref_slice %arg6[%dma_start3A_151, %dma_start3A_155] : memref<40x64xi32, #tpu.memory_space<vmem>> -> memref<1x64xi32, #tpu.memory_space<vmem>>
    %dma_start3A_157 = tpu.memref_squeeze %dma_start3A_156 : memref<1x64xi32, #tpu.memory_space<vmem>> -> memref<64xi32, #tpu.memory_space<vmem>>
    %dma_start3A_158 = arith.constant 0 : i32
    %dma_start3A_159 = arith.constant 0 : i32
    %dma_start3A_160 = tpu.memref_slice %arg2[%dma_start3A_158, %dma_start3A_159] : memref<10240x128xf32, #tpu.memory_space<hbm>> -> memref<10240x128xf32, #tpu.memory_space<hbm>>
    tpu.enqueue_indirect_dma source(%dma_start3A_160 : memref<10240x128xf32, #tpu.memory_space<hbm>>) target(%dma_start3A_154 : memref<64x128xf32, #tpu.memory_space<vmem>>) offsets(%dma_start3A_157 : memref<64xi32, #tpu.memory_space<vmem>>) semaphore(%arg11 : memref<!tpu.dma_semaphore, #tpu.memory_space<semaphore_mem>>)
    %dma_start3A_161 = arith.constant 2 : i32
    %dma_start3A_162 = arith.constant 128 : i32
    %dma_start3A_163 = arith.constant 0 : i32
    %dma_start3A_164 = tpu.memref_slice %arg8[%dma_start3A_162, %dma_start3A_163] : memref<256x128xf32, #tpu.memory_space<vmem>> -> memref<64x128xf32, #tpu.memory_space<vmem>>
    %dma_start3A_165 = arith.constant 0 : i32
    %dma_start3A_166 = tpu.memref_slice %arg6[%dma_start3A_161, %dma_start3A_165] : memref<40x64xi32, #tpu.memory_space<vmem>> -> memref<1x64xi32, #tpu.memory_space<vmem>>
    %dma_start3A_167 = tpu.memref_squeeze %dma_start3A_166 : memref<1x64xi32, #tpu.memory_space<vmem>> -> memref<64xi32, #tpu.memory_space<vmem>>
    %dma_start3A_168 = arith.constant 0 : i32
    %dma_start3A_169 = arith.constant 0 : i32
    %dma_start3A_170 = tpu.memref_slice %arg2[%dma_start3A_168, %dma_start3A_169] : memref<10240x128xf32, #tpu.memory_space<hbm>> -> memref<10240x128xf32, #tpu.memory_space<hbm>>
    tpu.enqueue_indirect_dma source(%dma_start3A_170 : memref<10240x128xf32, #tpu.memory_space<hbm>>) target(%dma_start3A_164 : memref<64x128xf32, #tpu.memory_space<vmem>>) offsets(%dma_start3A_167 : memref<64xi32, #tpu.memory_space<vmem>>) semaphore(%arg12 : memref<!tpu.dma_semaphore, #tpu.memory_space<semaphore_mem>>)
    %dma_start3A_171 = arith.constant 3 : i32
    %dma_start3A_172 = arith.constant 192 : i32
    %dma_start3A_173 = arith.constant 0 : i32
    %dma_start3A_174 = tpu.memref_slice %arg8[%dma_start3A_172, %dma_start3A_173] : memref<256x128xf32, #tpu.memory_space<vmem>> -> memref<64x128xf32, #tpu.memory_space<vmem>>
    %dma_start3A_175 = arith.constant 0 : i32
    %dma_start3A_176 = tpu.memref_slice %arg6[%dma_start3A_171, %dma_start3A_175] : memref<40x64xi32, #tpu.memory_space<vmem>> -> memref<1x64xi32, #tpu.memory_space<vmem>>
    %dma_start3A_177 = tpu.memref_squeeze %dma_start3A_176 : memref<1x64xi32, #tpu.memory_space<vmem>> -> memref<64xi32, #tpu.memory_space<vmem>>
    %dma_start3A_178 = arith.constant 0 : i32
    %dma_start3A_179 = arith.constant 0 : i32
    %dma_start3A_180 = tpu.memref_slice %arg2[%dma_start3A_178, %dma_start3A_179] : memref<10240x128xf32, #tpu.memory_space<hbm>> -> memref<10240x128xf32, #tpu.memory_space<hbm>>
    tpu.enqueue_indirect_dma source(%dma_start3A_180 : memref<10240x128xf32, #tpu.memory_space<hbm>>) target(%dma_start3A_174 : memref<64x128xf32, #tpu.memory_space<vmem>>) offsets(%dma_start3A_177 : memref<64xi32, #tpu.memory_space<vmem>>) semaphore(%arg13 : memref<!tpu.dma_semaphore, #tpu.memory_space<semaphore_mem>>)
    %scan3A_181 = arith.constant 0 : i32
    %scan3A_182 = arith.constant 0 : i32
    %scan3A_183 = arith.constant 10 : i32
    %scan3A_184 = arith.addi %scan3A_182, %scan3A_183 : i32
    %scan3A_185 = arith.constant 1 : i32
    scf.for %scan3A_246 = %scan3A_182 to %scan3A_184 step %scan3A_185  : i32 {
      %mul3A_247 = arith.constant 4 : i32
      %mul3A_248 = arith.muli %mul3A_247, %scan3A_246 : i32
      %add3A_249 = arith.constant 0 : i32
      %add3A_250 = arith.addi %mul3A_248, %add3A_249 : i32
      %dma_wait3A = arith.constant 0 : i32
      %dma_wait3A_251 = arith.constant 0 : i32
      %dma_wait3A_252 = tpu.memref_slice %arg8[%dma_wait3A, %dma_wait3A_251] : memref<256x128xf32, #tpu.memory_space<vmem>> -> memref<64x128xf32, #tpu.memory_space<vmem>>
      %dma_wait3A_253 = arith.constant 0 : i32
      %dma_wait3A_254 = tpu.memref_slice %arg6[%add3A_250, %dma_wait3A_253] : memref<40x64xi32, #tpu.memory_space<vmem>> -> memref<1x64xi32, #tpu.memory_space<vmem>>
      %dma_wait3A_255 = tpu.memref_squeeze %dma_wait3A_254 : memref<1x64xi32, #tpu.memory_space<vmem>> -> memref<64xi32, #tpu.memory_space<vmem>>
      %dma_wait3A_256 = arith.constant 0 : i32
      %dma_wait3A_257 = arith.constant 0 : i32
      %dma_wait3A_258 = tpu.memref_slice %arg2[%dma_wait3A_256, %dma_wait3A_257] : memref<10240x128xf32, #tpu.memory_space<hbm>> -> memref<10240x128xf32, #tpu.memory_space<hbm>>
      tpu.wait_indirect_dma semaphore(%arg10 : memref<!tpu.dma_semaphore, #tpu.memory_space<semaphore_mem>>) src(%dma_wait3A_258 : memref<10240x128xf32, #tpu.memory_space<hbm>>) dst(%dma_wait3A_252 : memref<64x128xf32, #tpu.memory_space<vmem>>)
      "tpu.region"() ({
        %run_scoped3A = tpu.sem_alloc : memref<!tpu.dma_semaphore, #tpu.memory_space<semaphore_mem>>
        %dma_start3A_309 = arith.constant 0 : i32
        %dma_start3A_310 = arith.constant 0 : i32
        %dma_start3A_311 = tpu.memref_slice %arg8[%dma_start3A_309, %dma_start3A_310] : memref<256x128xf32, #tpu.memory_space<vmem>> -> memref<64x128xf32, #tpu.memory_space<vmem>>
        %dma_start3A_312 = arith.constant 0 : i32
        %dma_start3A_313 = tpu.memref_slice %arg7[%add3A_250, %dma_start3A_312] : memref<40x64xi32, #tpu.memory_space<vmem>> -> memref<1x64xi32, #tpu.memory_space<vmem>>
        %dma_start3A_314 = tpu.memref_squeeze %dma_start3A_313 : memref<1x64xi32, #tpu.memory_space<vmem>> -> memref<64xi32, #tpu.memory_space<vmem>>
        %dma_start3A_315 = arith.constant 0 : i32
        %dma_start3A_316 = arith.constant 0 : i32
        %dma_start3A_317 = tpu.memref_slice %arg9[%dma_start3A_315, %dma_start3A_316] : memref<10240x128xf32, #tpu.memory_space<vmem_shared>> -> memref<10240x128xf32, #tpu.memory_space<vmem_shared>>
        tpu.enqueue_indirect_dma source(%dma_start3A_311 : memref<64x128xf32, #tpu.memory_space<vmem>>) target(%dma_start3A_317 : memref<10240x128xf32, #tpu.memory_space<vmem_shared>>) offsets(%dma_start3A_314 : memref<64xi32, #tpu.memory_space<vmem>>) semaphore(%run_scoped3A : memref<!tpu.dma_semaphore, #tpu.memory_space<semaphore_mem>>) {add = true}
        %dma_wait3A_318 = arith.constant 0 : i32
        %dma_wait3A_319 = arith.constant 0 : i32
        %dma_wait3A_320 = tpu.memref_slice %arg8[%dma_wait3A_318, %dma_wait3A_319] : memref<256x128xf32, #tpu.memory_space<vmem>> -> memref<64x128xf32, #tpu.memory_space<vmem>>
        %dma_wait3A_321 = arith.constant 0 : i32
        %dma_wait3A_322 = tpu.memref_slice %arg7[%add3A_250, %dma_wait3A_321] : memref<40x64xi32, #tpu.memory_space<vmem>> -> memref<1x64xi32, #tpu.memory_space<vmem>>
        %dma_wait3A_323 = tpu.memref_squeeze %dma_wait3A_322 : memref<1x64xi32, #tpu.memory_space<vmem>> -> memref<64xi32, #tpu.memory_space<vmem>>
        %dma_wait3A_324 = arith.constant 0 : i32
        %dma_wait3A_325 = arith.constant 0 : i32
        %dma_wait3A_326 = tpu.memref_slice %arg9[%dma_wait3A_324, %dma_wait3A_325] : memref<10240x128xf32, #tpu.memory_space<vmem_shared>> -> memref<10240x128xf32, #tpu.memory_space<vmem_shared>>
        tpu.wait_indirect_dma semaphore(%run_scoped3A : memref<!tpu.dma_semaphore, #tpu.memory_space<semaphore_mem>>) src(%dma_wait3A_320 : memref<64x128xf32, #tpu.memory_space<vmem>>) dst(%dma_wait3A_326 : memref<10240x128xf32, #tpu.memory_space<vmem_shared>>)
        tpu.yield
      }) : () -> ()
      %lt3A = arith.constant 9 : i32
      %lt3A_259 = arith.cmpi slt, %scan3A_246, %lt3A : i32
      %convert_element_type3A = arith.extui %lt3A_259 : i1 to i32
      %cond3A = arith.constant 0 : i32
      %cond3A_260 = arith.cmpi ne, %convert_element_type3A, %cond3A : i32
      scf.if %cond3A_260 {
        %add3A_309 = arith.constant 4 : i32
        %add3A_310 = arith.addi %add3A_250, %add3A_309 : i32
        %dma_start3A_311 = arith.constant 0 : i32
        %dma_start3A_312 = arith.constant 0 : i32
        %dma_start3A_313 = tpu.memref_slice %arg8[%dma_start3A_311, %dma_start3A_312] : memref<256x128xf32, #tpu.memory_space<vmem>> -> memref<64x128xf32, #tpu.memory_space<vmem>>
        %dma_start3A_314 = arith.constant 0 : i32
        %dma_start3A_315 = tpu.memref_slice %arg6[%add3A_310, %dma_start3A_314] : memref<40x64xi32, #tpu.memory_space<vmem>> -> memref<1x64xi32, #tpu.memory_space<vmem>>
        %dma_start3A_316 = tpu.memref_squeeze %dma_start3A_315 : memref<1x64xi32, #tpu.memory_space<vmem>> -> memref<64xi32, #tpu.memory_space<vmem>>
        %dma_start3A_317 = arith.constant 0 : i32
        %dma_start3A_318 = arith.constant 0 : i32
        %dma_start3A_319 = tpu.memref_slice %arg2[%dma_start3A_317, %dma_start3A_318] : memref<10240x128xf32, #tpu.memory_space<hbm>> -> memref<10240x128xf32, #tpu.memory_space<hbm>>
        tpu.enqueue_indirect_dma source(%dma_start3A_319 : memref<10240x128xf32, #tpu.memory_space<hbm>>) target(%dma_start3A_313 : memref<64x128xf32, #tpu.memory_space<vmem>>) offsets(%dma_start3A_316 : memref<64xi32, #tpu.memory_space<vmem>>) semaphore(%arg10 : memref<!tpu.dma_semaphore, #tpu.memory_space<semaphore_mem>>)
      } else {
      }
      %add3A_261 = arith.constant 1 : i32
      %add3A_262 = arith.addi %mul3A_248, %add3A_261 : i32
      %dma_wait3A_263 = arith.constant 64 : i32
      %dma_wait3A_264 = arith.constant 0 : i32
      %dma_wait3A_265 = tpu.memref_slice %arg8[%dma_wait3A_263, %dma_wait3A_264] : memref<256x128xf32, #tpu.memory_space<vmem>> -> memref<64x128xf32, #tpu.memory_space<vmem>>
      %dma_wait3A_266 = arith.constant 0 : i32
      %dma_wait3A_267 = tpu.memref_slice %arg6[%add3A_262, %dma_wait3A_266] : memref<40x64xi32, #tpu.memory_space<vmem>> -> memref<1x64xi32, #tpu.memory_space<vmem>>
      %dma_wait3A_268 = tpu.memref_squeeze %dma_wait3A_267 : memref<1x64xi32, #tpu.memory_space<vmem>> -> memref<64xi32, #tpu.memory_space<vmem>>
      %dma_wait3A_269 = arith.constant 0 : i32
      %dma_wait3A_270 = arith.constant 0 : i32
      %dma_wait3A_271 = tpu.memref_slice %arg2[%dma_wait3A_269, %dma_wait3A_270] : memref<10240x128xf32, #tpu.memory_space<hbm>> -> memref<10240x128xf32, #tpu.memory_space<hbm>>
      tpu.wait_indirect_dma semaphore(%arg11 : memref<!tpu.dma_semaphore, #tpu.memory_space<semaphore_mem>>) src(%dma_wait3A_271 : memref<10240x128xf32, #tpu.memory_space<hbm>>) dst(%dma_wait3A_265 : memref<64x128xf32, #tpu.memory_space<vmem>>)
      "tpu.region"() ({
        %run_scoped3A = tpu.sem_alloc : memref<!tpu.dma_semaphore, #tpu.memory_space<semaphore_mem>>
        %dma_start3A_309 = arith.constant 64 : i32
        %dma_start3A_310 = arith.constant 0 : i32
        %dma_start3A_311 = tpu.memref_slice %arg8[%dma_start3A_309, %dma_start3A_310] : memref<256x128xf32, #tpu.memory_space<vmem>> -> memref<64x128xf32, #tpu.memory_space<vmem>>
        %dma_start3A_312 = arith.constant 0 : i32
        %dma_start3A_313 = tpu.memref_slice %arg7[%add3A_262, %dma_start3A_312] : memref<40x64xi32, #tpu.memory_space<vmem>> -> memref<1x64xi32, #tpu.memory_space<vmem>>
        %dma_start3A_314 = tpu.memref_squeeze %dma_start3A_313 : memref<1x64xi32, #tpu.memory_space<vmem>> -> memref<64xi32, #tpu.memory_space<vmem>>
        %dma_start3A_315 = arith.constant 0 : i32
        %dma_start3A_316 = arith.constant 0 : i32
        %dma_start3A_317 = tpu.memref_slice %arg9[%dma_start3A_315, %dma_start3A_316] : memref<10240x128xf32, #tpu.memory_space<vmem_shared>> -> memref<10240x128xf32, #tpu.memory_space<vmem_shared>>
        tpu.enqueue_indirect_dma source(%dma_start3A_311 : memref<64x128xf32, #tpu.memory_space<vmem>>) target(%dma_start3A_317 : memref<10240x128xf32, #tpu.memory_space<vmem_shared>>) offsets(%dma_start3A_314 : memref<64xi32, #tpu.memory_space<vmem>>) semaphore(%run_scoped3A : memref<!tpu.dma_semaphore, #tpu.memory_space<semaphore_mem>>) {add = true}
        %dma_wait3A_318 = arith.constant 64 : i32
        %dma_wait3A_319 = arith.constant 0 : i32
        %dma_wait3A_320 = tpu.memref_slice %arg8[%dma_wait3A_318, %dma_wait3A_319] : memref<256x128xf32, #tpu.memory_space<vmem>> -> memref<64x128xf32, #tpu.memory_space<vmem>>
        %dma_wait3A_321 = arith.constant 0 : i32
        %dma_wait3A_322 = tpu.memref_slice %arg7[%add3A_262, %dma_wait3A_321] : memref<40x64xi32, #tpu.memory_space<vmem>> -> memref<1x64xi32, #tpu.memory_space<vmem>>
        %dma_wait3A_323 = tpu.memref_squeeze %dma_wait3A_322 : memref<1x64xi32, #tpu.memory_space<vmem>> -> memref<64xi32, #tpu.memory_space<vmem>>
        %dma_wait3A_324 = arith.constant 0 : i32
        %dma_wait3A_325 = arith.constant 0 : i32
        %dma_wait3A_326 = tpu.memref_slice %arg9[%dma_wait3A_324, %dma_wait3A_325] : memref<10240x128xf32, #tpu.memory_space<vmem_shared>> -> memref<10240x128xf32, #tpu.memory_space<vmem_shared>>
        tpu.wait_indirect_dma semaphore(%run_scoped3A : memref<!tpu.dma_semaphore, #tpu.memory_space<semaphore_mem>>) src(%dma_wait3A_320 : memref<64x128xf32, #tpu.memory_space<vmem>>) dst(%dma_wait3A_326 : memref<10240x128xf32, #tpu.memory_space<vmem_shared>>)
        tpu.yield
      }) : () -> ()
      %lt3A_272 = arith.constant 9 : i32
      %lt3A_273 = arith.cmpi slt, %scan3A_246, %lt3A_272 : i32
      %convert_element_type3A_274 = arith.extui %lt3A_273 : i1 to i32
      %cond3A_275 = arith.constant 0 : i32
      %cond3A_276 = arith.cmpi ne, %convert_element_type3A_274, %cond3A_275 : i32
      scf.if %cond3A_276 {
        %add3A_309 = arith.constant 4 : i32
        %add3A_310 = arith.addi %add3A_262, %add3A_309 : i32
        %dma_start3A_311 = arith.constant 64 : i32
        %dma_start3A_312 = arith.constant 0 : i32
        %dma_start3A_313 = tpu.memref_slice %arg8[%dma_start3A_311, %dma_start3A_312] : memref<256x128xf32, #tpu.memory_space<vmem>> -> memref<64x128xf32, #tpu.memory_space<vmem>>
        %dma_start3A_314 = arith.constant 0 : i32
        %dma_start3A_315 = tpu.memref_slice %arg6[%add3A_310, %dma_start3A_314] : memref<40x64xi32, #tpu.memory_space<vmem>> -> memref<1x64xi32, #tpu.memory_space<vmem>>
        %dma_start3A_316 = tpu.memref_squeeze %dma_start3A_315 : memref<1x64xi32, #tpu.memory_space<vmem>> -> memref<64xi32, #tpu.memory_space<vmem>>
        %dma_start3A_317 = arith.constant 0 : i32
        %dma_start3A_318 = arith.constant 0 : i32
        %dma_start3A_319 = tpu.memref_slice %arg2[%dma_start3A_317, %dma_start3A_318] : memref<10240x128xf32, #tpu.memory_space<hbm>> -> memref<10240x128xf32, #tpu.memory_space<hbm>>
        tpu.enqueue_indirect_dma source(%dma_start3A_319 : memref<10240x128xf32, #tpu.memory_space<hbm>>) target(%dma_start3A_313 : memref<64x128xf32, #tpu.memory_space<vmem>>) offsets(%dma_start3A_316 : memref<64xi32, #tpu.memory_space<vmem>>) semaphore(%arg11 : memref<!tpu.dma_semaphore, #tpu.memory_space<semaphore_mem>>)
      } else {
      }
      %add3A_277 = arith.constant 2 : i32
      %add3A_278 = arith.addi %mul3A_248, %add3A_277 : i32
      %dma_wait3A_279 = arith.constant 128 : i32
      %dma_wait3A_280 = arith.constant 0 : i32
      %dma_wait3A_281 = tpu.memref_slice %arg8[%dma_wait3A_279, %dma_wait3A_280] : memref<256x128xf32, #tpu.memory_space<vmem>> -> memref<64x128xf32, #tpu.memory_space<vmem>>
      %dma_wait3A_282 = arith.constant 0 : i32
      %dma_wait3A_283 = tpu.memref_slice %arg6[%add3A_278, %dma_wait3A_282] : memref<40x64xi32, #tpu.memory_space<vmem>> -> memref<1x64xi32, #tpu.memory_space<vmem>>
      %dma_wait3A_284 = tpu.memref_squeeze %dma_wait3A_283 : memref<1x64xi32, #tpu.memory_space<vmem>> -> memref<64xi32, #tpu.memory_space<vmem>>
      %dma_wait3A_285 = arith.constant 0 : i32
      %dma_wait3A_286 = arith.constant 0 : i32
      %dma_wait3A_287 = tpu.memref_slice %arg2[%dma_wait3A_285, %dma_wait3A_286] : memref<10240x128xf32, #tpu.memory_space<hbm>> -> memref<10240x128xf32, #tpu.memory_space<hbm>>
      tpu.wait_indirect_dma semaphore(%arg12 : memref<!tpu.dma_semaphore, #tpu.memory_space<semaphore_mem>>) src(%dma_wait3A_287 : memref<10240x128xf32, #tpu.memory_space<hbm>>) dst(%dma_wait3A_281 : memref<64x128xf32, #tpu.memory_space<vmem>>)
      "tpu.region"() ({
        %run_scoped3A = tpu.sem_alloc : memref<!tpu.dma_semaphore, #tpu.memory_space<semaphore_mem>>
        %dma_start3A_309 = arith.constant 128 : i32
        %dma_start3A_310 = arith.constant 0 : i32
        %dma_start3A_311 = tpu.memref_slice %arg8[%dma_start3A_309, %dma_start3A_310] : memref<256x128xf32, #tpu.memory_space<vmem>> -> memref<64x128xf32, #tpu.memory_space<vmem>>
        %dma_start3A_312 = arith.constant 0 : i32
        %dma_start3A_313 = tpu.memref_slice %arg7[%add3A_278, %dma_start3A_312] : memref<40x64xi32, #tpu.memory_space<vmem>> -> memref<1x64xi32, #tpu.memory_space<vmem>>
        %dma_start3A_314 = tpu.memref_squeeze %dma_start3A_313 : memref<1x64xi32, #tpu.memory_space<vmem>> -> memref<64xi32, #tpu.memory_space<vmem>>
        %dma_start3A_315 = arith.constant 0 : i32
        %dma_start3A_316 = arith.constant 0 : i32
        %dma_start3A_317 = tpu.memref_slice %arg9[%dma_start3A_315, %dma_start3A_316] : memref<10240x128xf32, #tpu.memory_space<vmem_shared>> -> memref<10240x128xf32, #tpu.memory_space<vmem_shared>>
        tpu.enqueue_indirect_dma source(%dma_start3A_311 : memref<64x128xf32, #tpu.memory_space<vmem>>) target(%dma_start3A_317 : memref<10240x128xf32, #tpu.memory_space<vmem_shared>>) offsets(%dma_start3A_314 : memref<64xi32, #tpu.memory_space<vmem>>) semaphore(%run_scoped3A : memref<!tpu.dma_semaphore, #tpu.memory_space<semaphore_mem>>) {add = true}
        %dma_wait3A_318 = arith.constant 128 : i32
        %dma_wait3A_319 = arith.constant 0 : i32
        %dma_wait3A_320 = tpu.memref_slice %arg8[%dma_wait3A_318, %dma_wait3A_319] : memref<256x128xf32, #tpu.memory_space<vmem>> -> memref<64x128xf32, #tpu.memory_space<vmem>>
        %dma_wait3A_321 = arith.constant 0 : i32
        %dma_wait3A_322 = tpu.memref_slice %arg7[%add3A_278, %dma_wait3A_321] : memref<40x64xi32, #tpu.memory_space<vmem>> -> memref<1x64xi32, #tpu.memory_space<vmem>>
        %dma_wait3A_323 = tpu.memref_squeeze %dma_wait3A_322 : memref<1x64xi32, #tpu.memory_space<vmem>> -> memref<64xi32, #tpu.memory_space<vmem>>
        %dma_wait3A_324 = arith.constant 0 : i32
        %dma_wait3A_325 = arith.constant 0 : i32
        %dma_wait3A_326 = tpu.memref_slice %arg9[%dma_wait3A_324, %dma_wait3A_325] : memref<10240x128xf32, #tpu.memory_space<vmem_shared>> -> memref<10240x128xf32, #tpu.memory_space<vmem_shared>>
        tpu.wait_indirect_dma semaphore(%run_scoped3A : memref<!tpu.dma_semaphore, #tpu.memory_space<semaphore_mem>>) src(%dma_wait3A_320 : memref<64x128xf32, #tpu.memory_space<vmem>>) dst(%dma_wait3A_326 : memref<10240x128xf32, #tpu.memory_space<vmem_shared>>)
        tpu.yield
      }) : () -> ()
      %lt3A_288 = arith.constant 9 : i32
      %lt3A_289 = arith.cmpi slt, %scan3A_246, %lt3A_288 : i32
      %convert_element_type3A_290 = arith.extui %lt3A_289 : i1 to i32
      %cond3A_291 = arith.constant 0 : i32
      %cond3A_292 = arith.cmpi ne, %convert_element_type3A_290, %cond3A_291 : i32
      scf.if %cond3A_292 {
        %add3A_309 = arith.constant 4 : i32
        %add3A_310 = arith.addi %add3A_278, %add3A_309 : i32
        %dma_start3A_311 = arith.constant 128 : i32
        %dma_start3A_312 = arith.constant 0 : i32
        %dma_start3A_313 = tpu.memref_slice %arg8[%dma_start3A_311, %dma_start3A_312] : memref<256x128xf32, #tpu.memory_space<vmem>> -> memref<64x128xf32, #tpu.memory_space<vmem>>
        %dma_start3A_314 = arith.constant 0 : i32
        %dma_start3A_315 = tpu.memref_slice %arg6[%add3A_310, %dma_start3A_314] : memref<40x64xi32, #tpu.memory_space<vmem>> -> memref<1x64xi32, #tpu.memory_space<vmem>>
        %dma_start3A_316 = tpu.memref_squeeze %dma_start3A_315 : memref<1x64xi32, #tpu.memory_space<vmem>> -> memref<64xi32, #tpu.memory_space<vmem>>
        %dma_start3A_317 = arith.constant 0 : i32
        %dma_start3A_318 = arith.constant 0 : i32
        %dma_start3A_319 = tpu.memref_slice %arg2[%dma_start3A_317, %dma_start3A_318] : memref<10240x128xf32, #tpu.memory_space<hbm>> -> memref<10240x128xf32, #tpu.memory_space<hbm>>
        tpu.enqueue_indirect_dma source(%dma_start3A_319 : memref<10240x128xf32, #tpu.memory_space<hbm>>) target(%dma_start3A_313 : memref<64x128xf32, #tpu.memory_space<vmem>>) offsets(%dma_start3A_316 : memref<64xi32, #tpu.memory_space<vmem>>) semaphore(%arg12 : memref<!tpu.dma_semaphore, #tpu.memory_space<semaphore_mem>>)
      } else {
      }
      %add3A_293 = arith.constant 3 : i32
      %add3A_294 = arith.addi %mul3A_248, %add3A_293 : i32
      %dma_wait3A_295 = arith.constant 192 : i32
      %dma_wait3A_296 = arith.constant 0 : i32
      %dma_wait3A_297 = tpu.memref_slice %arg8[%dma_wait3A_295, %dma_wait3A_296] : memref<256x128xf32, #tpu.memory_space<vmem>> -> memref<64x128xf32, #tpu.memory_space<vmem>>
      %dma_wait3A_298 = arith.constant 0 : i32
      %dma_wait3A_299 = tpu.memref_slice %arg6[%add3A_294, %dma_wait3A_298] : memref<40x64xi32, #tpu.memory_space<vmem>> -> memref<1x64xi32, #tpu.memory_space<vmem>>
      %dma_wait3A_300 = tpu.memref_squeeze %dma_wait3A_299 : memref<1x64xi32, #tpu.memory_space<vmem>> -> memref<64xi32, #tpu.memory_space<vmem>>
      %dma_wait3A_301 = arith.constant 0 : i32
      %dma_wait3A_302 = arith.constant 0 : i32
      %dma_wait3A_303 = tpu.memref_slice %arg2[%dma_wait3A_301, %dma_wait3A_302] : memref<10240x128xf32, #tpu.memory_space<hbm>> -> memref<10240x128xf32, #tpu.memory_space<hbm>>
      tpu.wait_indirect_dma semaphore(%arg13 : memref<!tpu.dma_semaphore, #tpu.memory_space<semaphore_mem>>) src(%dma_wait3A_303 : memref<10240x128xf32, #tpu.memory_space<hbm>>) dst(%dma_wait3A_297 : memref<64x128xf32, #tpu.memory_space<vmem>>)
      "tpu.region"() ({
        %run_scoped3A = tpu.sem_alloc : memref<!tpu.dma_semaphore, #tpu.memory_space<semaphore_mem>>
        %dma_start3A_309 = arith.constant 192 : i32
        %dma_start3A_310 = arith.constant 0 : i32
        %dma_start3A_311 = tpu.memref_slice %arg8[%dma_start3A_309, %dma_start3A_310] : memref<256x128xf32, #tpu.memory_space<vmem>> -> memref<64x128xf32, #tpu.memory_space<vmem>>
        %dma_start3A_312 = arith.constant 0 : i32
        %dma_start3A_313 = tpu.memref_slice %arg7[%add3A_294, %dma_start3A_312] : memref<40x64xi32, #tpu.memory_space<vmem>> -> memref<1x64xi32, #tpu.memory_space<vmem>>
        %dma_start3A_314 = tpu.memref_squeeze %dma_start3A_313 : memref<1x64xi32, #tpu.memory_space<vmem>> -> memref<64xi32, #tpu.memory_space<vmem>>
        %dma_start3A_315 = arith.constant 0 : i32
        %dma_start3A_316 = arith.constant 0 : i32
        %dma_start3A_317 = tpu.memref_slice %arg9[%dma_start3A_315, %dma_start3A_316] : memref<10240x128xf32, #tpu.memory_space<vmem_shared>> -> memref<10240x128xf32, #tpu.memory_space<vmem_shared>>
        tpu.enqueue_indirect_dma source(%dma_start3A_311 : memref<64x128xf32, #tpu.memory_space<vmem>>) target(%dma_start3A_317 : memref<10240x128xf32, #tpu.memory_space<vmem_shared>>) offsets(%dma_start3A_314 : memref<64xi32, #tpu.memory_space<vmem>>) semaphore(%run_scoped3A : memref<!tpu.dma_semaphore, #tpu.memory_space<semaphore_mem>>) {add = true}
        %dma_wait3A_318 = arith.constant 192 : i32
        %dma_wait3A_319 = arith.constant 0 : i32
        %dma_wait3A_320 = tpu.memref_slice %arg8[%dma_wait3A_318, %dma_wait3A_319] : memref<256x128xf32, #tpu.memory_space<vmem>> -> memref<64x128xf32, #tpu.memory_space<vmem>>
        %dma_wait3A_321 = arith.constant 0 : i32
        %dma_wait3A_322 = tpu.memref_slice %arg7[%add3A_294, %dma_wait3A_321] : memref<40x64xi32, #tpu.memory_space<vmem>> -> memref<1x64xi32, #tpu.memory_space<vmem>>
        %dma_wait3A_323 = tpu.memref_squeeze %dma_wait3A_322 : memref<1x64xi32, #tpu.memory_space<vmem>> -> memref<64xi32, #tpu.memory_space<vmem>>
        %dma_wait3A_324 = arith.constant 0 : i32
        %dma_wait3A_325 = arith.constant 0 : i32
        %dma_wait3A_326 = tpu.memref_slice %arg9[%dma_wait3A_324, %dma_wait3A_325] : memref<10240x128xf32, #tpu.memory_space<vmem_shared>> -> memref<10240x128xf32, #tpu.memory_space<vmem_shared>>
        tpu.wait_indirect_dma semaphore(%run_scoped3A : memref<!tpu.dma_semaphore, #tpu.memory_space<semaphore_mem>>) src(%dma_wait3A_320 : memref<64x128xf32, #tpu.memory_space<vmem>>) dst(%dma_wait3A_326 : memref<10240x128xf32, #tpu.memory_space<vmem_shared>>)
        tpu.yield
      }) : () -> ()
      %lt3A_304 = arith.constant 9 : i32
      %lt3A_305 = arith.cmpi slt, %scan3A_246, %lt3A_304 : i32
      %convert_element_type3A_306 = arith.extui %lt3A_305 : i1 to i32
      %cond3A_307 = arith.constant 0 : i32
      %cond3A_308 = arith.cmpi ne, %convert_element_type3A_306, %cond3A_307 : i32
      scf.if %cond3A_308 {
        %add3A_309 = arith.constant 4 : i32
        %add3A_310 = arith.addi %add3A_294, %add3A_309 : i32
        %dma_start3A_311 = arith.constant 192 : i32
        %dma_start3A_312 = arith.constant 0 : i32
        %dma_start3A_313 = tpu.memref_slice %arg8[%dma_start3A_311, %dma_start3A_312] : memref<256x128xf32, #tpu.memory_space<vmem>> -> memref<64x128xf32, #tpu.memory_space<vmem>>
        %dma_start3A_314 = arith.constant 0 : i32
        %dma_start3A_315 = tpu.memref_slice %arg6[%add3A_310, %dma_start3A_314] : memref<40x64xi32, #tpu.memory_space<vmem>> -> memref<1x64xi32, #tpu.memory_space<vmem>>
        %dma_start3A_316 = tpu.memref_squeeze %dma_start3A_315 : memref<1x64xi32, #tpu.memory_space<vmem>> -> memref<64xi32, #tpu.memory_space<vmem>>
        %dma_start3A_317 = arith.constant 0 : i32
        %dma_start3A_318 = arith.constant 0 : i32
        %dma_start3A_319 = tpu.memref_slice %arg2[%dma_start3A_317, %dma_start3A_318] : memref<10240x128xf32, #tpu.memory_space<hbm>> -> memref<10240x128xf32, #tpu.memory_space<hbm>>
        tpu.enqueue_indirect_dma source(%dma_start3A_319 : memref<10240x128xf32, #tpu.memory_space<hbm>>) target(%dma_start3A_313 : memref<64x128xf32, #tpu.memory_space<vmem>>) offsets(%dma_start3A_316 : memref<64xi32, #tpu.memory_space<vmem>>) semaphore(%arg13 : memref<!tpu.dma_semaphore, #tpu.memory_space<semaphore_mem>>)
      } else {
      }
    }
    %scan3A_186 = arith.constant 10 : i32
    %mul3A_187 = arith.constant 160 : i32
    %mul3A_188 = arith.muli %add3A, %mul3A_187 : i32
    %add3A_189 = arith.constant 120 : i32
    %add3A_190 = arith.addi %mul3A_188, %add3A_189 : i32
    "tpu.region"() ({
      %run_scoped3A = tpu.sem_alloc : memref<!tpu.dma_semaphore, #tpu.memory_space<semaphore_mem>>
      %dma_start3A_246 = arith.constant 0 : i32
      %dma_start3A_247 = tpu.memref_slice %arg3[%add3A_190, %dma_start3A_246] : memref<5120x64xi32, #tpu.memory_space<hbm>> -> memref<40x64xi32, #tpu.memory_space<hbm>>
      %dma_start3A_248 = arith.constant 0 : i32
      %dma_start3A_249 = tpu.memref_slice %arg3[%add3A_190, %dma_start3A_248] : memref<5120x64xi32, #tpu.memory_space<hbm>> -> memref<40x64xi32, #tpu.memory_space<hbm>>
      tpu.enqueue_dma source(%dma_start3A_249 : memref<40x64xi32, #tpu.memory_space<hbm>>) target(%arg6 : memref<40x64xi32, #tpu.memory_space<vmem>>) target_semaphore(%run_scoped3A : memref<!tpu.dma_semaphore, #tpu.memory_space<semaphore_mem>>)
      %dma_wait3A = arith.constant 0 : i32
      %dma_wait3A_250 = tpu.memref_slice %arg3[%add3A_190, %dma_wait3A] : memref<5120x64xi32, #tpu.memory_space<hbm>> -> memref<40x64xi32, #tpu.memory_space<hbm>>
      %dma_wait3A_251 = arith.constant 0 : i32
      %dma_wait3A_252 = tpu.memref_slice %arg3[%add3A_190, %dma_wait3A_251] : memref<5120x64xi32, #tpu.memory_space<hbm>> -> memref<40x64xi32, #tpu.memory_space<hbm>>
      tpu.wait_dma2 semaphore(%run_scoped3A : memref<!tpu.dma_semaphore, #tpu.memory_space<semaphore_mem>>) src(%dma_wait3A_252 : memref<40x64xi32, #tpu.memory_space<hbm>>) dst(%arg6 : memref<40x64xi32, #tpu.memory_space<vmem>>)
      tpu.yield
    }) : () -> ()
    %mul3A_191 = arith.constant 160 : i32
    %mul3A_192 = arith.muli %add3A, %mul3A_191 : i32
    %add3A_193 = arith.constant 120 : i32
    %add3A_194 = arith.addi %mul3A_192, %add3A_193 : i32
    "tpu.region"() ({
      %run_scoped3A = tpu.sem_alloc : memref<!tpu.dma_semaphore, #tpu.memory_space<semaphore_mem>>
      %dma_start3A_246 = arith.constant 0 : i32
      %dma_start3A_247 = tpu.memref_slice %arg4[%add3A_194, %dma_start3A_246] : memref<5120x64xi32, #tpu.memory_space<hbm>> -> memref<40x64xi32, #tpu.memory_space<hbm>>
      %dma_start3A_248 = arith.constant 0 : i32
      %dma_start3A_249 = tpu.memref_slice %arg4[%add3A_194, %dma_start3A_248] : memref<5120x64xi32, #tpu.memory_space<hbm>> -> memref<40x64xi32, #tpu.memory_space<hbm>>
      tpu.enqueue_dma source(%dma_start3A_249 : memref<40x64xi32, #tpu.memory_space<hbm>>) target(%arg7 : memref<40x64xi32, #tpu.memory_space<vmem>>) target_semaphore(%run_scoped3A : memref<!tpu.dma_semaphore, #tpu.memory_space<semaphore_mem>>)
      %dma_wait3A = arith.constant 0 : i32
      %dma_wait3A_250 = tpu.memref_slice %arg4[%add3A_194, %dma_wait3A] : memref<5120x64xi32, #tpu.memory_space<hbm>> -> memref<40x64xi32, #tpu.memory_space<hbm>>
      %dma_wait3A_251 = arith.constant 0 : i32
      %dma_wait3A_252 = tpu.memref_slice %arg4[%add3A_194, %dma_wait3A_251] : memref<5120x64xi32, #tpu.memory_space<hbm>> -> memref<40x64xi32, #tpu.memory_space<hbm>>
      tpu.wait_dma2 semaphore(%run_scoped3A : memref<!tpu.dma_semaphore, #tpu.memory_space<semaphore_mem>>) src(%dma_wait3A_252 : memref<40x64xi32, #tpu.memory_space<hbm>>) dst(%arg7 : memref<40x64xi32, #tpu.memory_space<vmem>>)
      tpu.yield
    }) : () -> ()
    %dma_start3A_195 = arith.constant 0 : i32
    %dma_start3A_196 = arith.constant 0 : i32
    %dma_start3A_197 = arith.constant 0 : i32
    %dma_start3A_198 = tpu.memref_slice %arg8[%dma_start3A_196, %dma_start3A_197] : memref<256x128xf32, #tpu.memory_space<vmem>> -> memref<64x128xf32, #tpu.memory_space<vmem>>
    %dma_start3A_199 = arith.constant 0 : i32
    %dma_start3A_200 = tpu.memref_slice %arg6[%dma_start3A_195, %dma_start3A_199] : memref<40x64xi32, #tpu.memory_space<vmem>> -> memref<1x64xi32, #tpu.memory_space<vmem>>
    %dma_start3A_201 = tpu.memref_squeeze %dma_start3A_200 : memref<1x64xi32, #tpu.memory_space<vmem>> -> memref<64xi32, #tpu.memory_space<vmem>>
    %dma_start3A_202 = arith.constant 0 : i32
    %dma_start3A_203 = arith.constant 0 : i32
    %dma_start3A_204 = tpu.memref_slice %arg2[%dma_start3A_202, %dma_start3A_203] : memref<10240x128xf32, #tpu.memory_space<hbm>> -> memref<10240x128xf32, #tpu.memory_space<hbm>>
    tpu.enqueue_indirect_dma source(%dma_start3A_204 : memref<10240x128xf32, #tpu.memory_space<hbm>>) target(%dma_start3A_198 : memref<64x128xf32, #tpu.memory_space<vmem>>) offsets(%dma_start3A_201 : memref<64xi32, #tpu.memory_space<vmem>>) semaphore(%arg10 : memref<!tpu.dma_semaphore, #tpu.memory_space<semaphore_mem>>)
    %dma_start3A_205 = arith.constant 1 : i32
    %dma_start3A_206 = arith.constant 64 : i32
    %dma_start3A_207 = arith.constant 0 : i32
    %dma_start3A_208 = tpu.memref_slice %arg8[%dma_start3A_206, %dma_start3A_207] : memref<256x128xf32, #tpu.memory_space<vmem>> -> memref<64x128xf32, #tpu.memory_space<vmem>>
    %dma_start3A_209 = arith.constant 0 : i32
    %dma_start3A_210 = tpu.memref_slice %arg6[%dma_start3A_205, %dma_start3A_209] : memref<40x64xi32, #tpu.memory_space<vmem>> -> memref<1x64xi32, #tpu.memory_space<vmem>>
    %dma_start3A_211 = tpu.memref_squeeze %dma_start3A_210 : memref<1x64xi32, #tpu.memory_space<vmem>> -> memref<64xi32, #tpu.memory_space<vmem>>
    %dma_start3A_212 = arith.constant 0 : i32
    %dma_start3A_213 = arith.constant 0 : i32
    %dma_start3A_214 = tpu.memref_slice %arg2[%dma_start3A_212, %dma_start3A_213] : memref<10240x128xf32, #tpu.memory_space<hbm>> -> memref<10240x128xf32, #tpu.memory_space<hbm>>
    tpu.enqueue_indirect_dma source(%dma_start3A_214 : memref<10240x128xf32, #tpu.memory_space<hbm>>) target(%dma_start3A_208 : memref<64x128xf32, #tpu.memory_space<vmem>>) offsets(%dma_start3A_211 : memref<64xi32, #tpu.memory_space<vmem>>) semaphore(%arg11 : memref<!tpu.dma_semaphore, #tpu.memory_space<semaphore_mem>>)
    %dma_start3A_215 = arith.constant 2 : i32
    %dma_start3A_216 = arith.constant 128 : i32
    %dma_start3A_217 = arith.constant 0 : i32
    %dma_start3A_218 = tpu.memref_slice %arg8[%dma_start3A_216, %dma_start3A_217] : memref<256x128xf32, #tpu.memory_space<vmem>> -> memref<64x128xf32, #tpu.memory_space<vmem>>
    %dma_start3A_219 = arith.constant 0 : i32
    %dma_start3A_220 = tpu.memref_slice %arg6[%dma_start3A_215, %dma_start3A_219] : memref<40x64xi32, #tpu.memory_space<vmem>> -> memref<1x64xi32, #tpu.memory_space<vmem>>
    %dma_start3A_221 = tpu.memref_squeeze %dma_start3A_220 : memref<1x64xi32, #tpu.memory_space<vmem>> -> memref<64xi32, #tpu.memory_space<vmem>>
    %dma_start3A_222 = arith.constant 0 : i32
    %dma_start3A_223 = arith.constant 0 : i32
    %dma_start3A_224 = tpu.memref_slice %arg2[%dma_start3A_222, %dma_start3A_223] : memref<10240x128xf32, #tpu.memory_space<hbm>> -> memref<10240x128xf32, #tpu.memory_space<hbm>>
    tpu.enqueue_indirect_dma source(%dma_start3A_224 : memref<10240x128xf32, #tpu.memory_space<hbm>>) target(%dma_start3A_218 : memref<64x128xf32, #tpu.memory_space<vmem>>) offsets(%dma_start3A_221 : memref<64xi32, #tpu.memory_space<vmem>>) semaphore(%arg12 : memref<!tpu.dma_semaphore, #tpu.memory_space<semaphore_mem>>)
    %dma_start3A_225 = arith.constant 3 : i32
    %dma_start3A_226 = arith.constant 192 : i32
    %dma_start3A_227 = arith.constant 0 : i32
    %dma_start3A_228 = tpu.memref_slice %arg8[%dma_start3A_226, %dma_start3A_227] : memref<256x128xf32, #tpu.memory_space<vmem>> -> memref<64x128xf32, #tpu.memory_space<vmem>>
    %dma_start3A_229 = arith.constant 0 : i32
    %dma_start3A_230 = tpu.memref_slice %arg6[%dma_start3A_225, %dma_start3A_229] : memref<40x64xi32, #tpu.memory_space<vmem>> -> memref<1x64xi32, #tpu.memory_space<vmem>>
    %dma_start3A_231 = tpu.memref_squeeze %dma_start3A_230 : memref<1x64xi32, #tpu.memory_space<vmem>> -> memref<64xi32, #tpu.memory_space<vmem>>
    %dma_start3A_232 = arith.constant 0 : i32
    %dma_start3A_233 = arith.constant 0 : i32
    %dma_start3A_234 = tpu.memref_slice %arg2[%dma_start3A_232, %dma_start3A_233] : memref<10240x128xf32, #tpu.memory_space<hbm>> -> memref<10240x128xf32, #tpu.memory_space<hbm>>
    tpu.enqueue_indirect_dma source(%dma_start3A_234 : memref<10240x128xf32, #tpu.memory_space<hbm>>) target(%dma_start3A_228 : memref<64x128xf32, #tpu.memory_space<vmem>>) offsets(%dma_start3A_231 : memref<64xi32, #tpu.memory_space<vmem>>) semaphore(%arg13 : memref<!tpu.dma_semaphore, #tpu.memory_space<semaphore_mem>>)
    %scan3A_235 = arith.constant 0 : i32
    %scan3A_236 = arith.constant 0 : i32
    %scan3A_237 = arith.constant 10 : i32
    %scan3A_238 = arith.addi %scan3A_236, %scan3A_237 : i32
    %scan3A_239 = arith.constant 1 : i32
    scf.for %scan3A_246 = %scan3A_236 to %scan3A_238 step %scan3A_239  : i32 {
      %mul3A_247 = arith.constant 4 : i32
      %mul3A_248 = arith.muli %mul3A_247, %scan3A_246 : i32
      %add3A_249 = arith.constant 0 : i32
      %add3A_250 = arith.addi %mul3A_248, %add3A_249 : i32
      %dma_wait3A = arith.constant 0 : i32
      %dma_wait3A_251 = arith.constant 0 : i32
      %dma_wait3A_252 = tpu.memref_slice %arg8[%dma_wait3A, %dma_wait3A_251] : memref<256x128xf32, #tpu.memory_space<vmem>> -> memref<64x128xf32, #tpu.memory_space<vmem>>
      %dma_wait3A_253 = arith.constant 0 : i32
      %dma_wait3A_254 = tpu.memref_slice %arg6[%add3A_250, %dma_wait3A_253] : memref<40x64xi32, #tpu.memory_space<vmem>> -> memref<1x64xi32, #tpu.memory_space<vmem>>
      %dma_wait3A_255 = tpu.memref_squeeze %dma_wait3A_254 : memref<1x64xi32, #tpu.memory_space<vmem>> -> memref<64xi32, #tpu.memory_space<vmem>>
      %dma_wait3A_256 = arith.constant 0 : i32
      %dma_wait3A_257 = arith.constant 0 : i32
      %dma_wait3A_258 = tpu.memref_slice %arg2[%dma_wait3A_256, %dma_wait3A_257] : memref<10240x128xf32, #tpu.memory_space<hbm>> -> memref<10240x128xf32, #tpu.memory_space<hbm>>
      tpu.wait_indirect_dma semaphore(%arg10 : memref<!tpu.dma_semaphore, #tpu.memory_space<semaphore_mem>>) src(%dma_wait3A_258 : memref<10240x128xf32, #tpu.memory_space<hbm>>) dst(%dma_wait3A_252 : memref<64x128xf32, #tpu.memory_space<vmem>>)
      "tpu.region"() ({
        %run_scoped3A = tpu.sem_alloc : memref<!tpu.dma_semaphore, #tpu.memory_space<semaphore_mem>>
        %dma_start3A_309 = arith.constant 0 : i32
        %dma_start3A_310 = arith.constant 0 : i32
        %dma_start3A_311 = tpu.memref_slice %arg8[%dma_start3A_309, %dma_start3A_310] : memref<256x128xf32, #tpu.memory_space<vmem>> -> memref<64x128xf32, #tpu.memory_space<vmem>>
        %dma_start3A_312 = arith.constant 0 : i32
        %dma_start3A_313 = tpu.memref_slice %arg7[%add3A_250, %dma_start3A_312] : memref<40x64xi32, #tpu.memory_space<vmem>> -> memref<1x64xi32, #tpu.memory_space<vmem>>
        %dma_start3A_314 = tpu.memref_squeeze %dma_start3A_313 : memref<1x64xi32, #tpu.memory_space<vmem>> -> memref<64xi32, #tpu.memory_space<vmem>>
        %dma_start3A_315 = arith.constant 0 : i32
        %dma_start3A_316 = arith.constant 0 : i32
        %dma_start3A_317 = tpu.memref_slice %arg9[%dma_start3A_315, %dma_start3A_316] : memref<10240x128xf32, #tpu.memory_space<vmem_shared>> -> memref<10240x128xf32, #tpu.memory_space<vmem_shared>>
        tpu.enqueue_indirect_dma source(%dma_start3A_311 : memref<64x128xf32, #tpu.memory_space<vmem>>) target(%dma_start3A_317 : memref<10240x128xf32, #tpu.memory_space<vmem_shared>>) offsets(%dma_start3A_314 : memref<64xi32, #tpu.memory_space<vmem>>) semaphore(%run_scoped3A : memref<!tpu.dma_semaphore, #tpu.memory_space<semaphore_mem>>) {add = true}
        %dma_wait3A_318 = arith.constant 0 : i32
        %dma_wait3A_319 = arith.constant 0 : i32
        %dma_wait3A_320 = tpu.memref_slice %arg8[%dma_wait3A_318, %dma_wait3A_319] : memref<256x128xf32, #tpu.memory_space<vmem>> -> memref<64x128xf32, #tpu.memory_space<vmem>>
        %dma_wait3A_321 = arith.constant 0 : i32
        %dma_wait3A_322 = tpu.memref_slice %arg7[%add3A_250, %dma_wait3A_321] : memref<40x64xi32, #tpu.memory_space<vmem>> -> memref<1x64xi32, #tpu.memory_space<vmem>>
        %dma_wait3A_323 = tpu.memref_squeeze %dma_wait3A_322 : memref<1x64xi32, #tpu.memory_space<vmem>> -> memref<64xi32, #tpu.memory_space<vmem>>
        %dma_wait3A_324 = arith.constant 0 : i32
        %dma_wait3A_325 = arith.constant 0 : i32
        %dma_wait3A_326 = tpu.memref_slice %arg9[%dma_wait3A_324, %dma_wait3A_325] : memref<10240x128xf32, #tpu.memory_space<vmem_shared>> -> memref<10240x128xf32, #tpu.memory_space<vmem_shared>>
        tpu.wait_indirect_dma semaphore(%run_scoped3A : memref<!tpu.dma_semaphore, #tpu.memory_space<semaphore_mem>>) src(%dma_wait3A_320 : memref<64x128xf32, #tpu.memory_space<vmem>>) dst(%dma_wait3A_326 : memref<10240x128xf32, #tpu.memory_space<vmem_shared>>)
        tpu.yield
      }) : () -> ()
      %lt3A = arith.constant 9 : i32
      %lt3A_259 = arith.cmpi slt, %scan3A_246, %lt3A : i32
      %convert_element_type3A = arith.extui %lt3A_259 : i1 to i32
      %cond3A = arith.constant 0 : i32
      %cond3A_260 = arith.cmpi ne, %convert_element_type3A, %cond3A : i32
      scf.if %cond3A_260 {
        %add3A_309 = arith.constant 4 : i32
        %add3A_310 = arith.addi %add3A_250, %add3A_309 : i32
        %dma_start3A_311 = arith.constant 0 : i32
        %dma_start3A_312 = arith.constant 0 : i32
        %dma_start3A_313 = tpu.memref_slice %arg8[%dma_start3A_311, %dma_start3A_312] : memref<256x128xf32, #tpu.memory_space<vmem>> -> memref<64x128xf32, #tpu.memory_space<vmem>>
        %dma_start3A_314 = arith.constant 0 : i32
        %dma_start3A_315 = tpu.memref_slice %arg6[%add3A_310, %dma_start3A_314] : memref<40x64xi32, #tpu.memory_space<vmem>> -> memref<1x64xi32, #tpu.memory_space<vmem>>
        %dma_start3A_316 = tpu.memref_squeeze %dma_start3A_315 : memref<1x64xi32, #tpu.memory_space<vmem>> -> memref<64xi32, #tpu.memory_space<vmem>>
        %dma_start3A_317 = arith.constant 0 : i32
        %dma_start3A_318 = arith.constant 0 : i32
        %dma_start3A_319 = tpu.memref_slice %arg2[%dma_start3A_317, %dma_start3A_318] : memref<10240x128xf32, #tpu.memory_space<hbm>> -> memref<10240x128xf32, #tpu.memory_space<hbm>>
        tpu.enqueue_indirect_dma source(%dma_start3A_319 : memref<10240x128xf32, #tpu.memory_space<hbm>>) target(%dma_start3A_313 : memref<64x128xf32, #tpu.memory_space<vmem>>) offsets(%dma_start3A_316 : memref<64xi32, #tpu.memory_space<vmem>>) semaphore(%arg10 : memref<!tpu.dma_semaphore, #tpu.memory_space<semaphore_mem>>)
      } else {
      }
      %add3A_261 = arith.constant 1 : i32
      %add3A_262 = arith.addi %mul3A_248, %add3A_261 : i32
      %dma_wait3A_263 = arith.constant 64 : i32
      %dma_wait3A_264 = arith.constant 0 : i32
      %dma_wait3A_265 = tpu.memref_slice %arg8[%dma_wait3A_263, %dma_wait3A_264] : memref<256x128xf32, #tpu.memory_space<vmem>> -> memref<64x128xf32, #tpu.memory_space<vmem>>
      %dma_wait3A_266 = arith.constant 0 : i32
      %dma_wait3A_267 = tpu.memref_slice %arg6[%add3A_262, %dma_wait3A_266] : memref<40x64xi32, #tpu.memory_space<vmem>> -> memref<1x64xi32, #tpu.memory_space<vmem>>
      %dma_wait3A_268 = tpu.memref_squeeze %dma_wait3A_267 : memref<1x64xi32, #tpu.memory_space<vmem>> -> memref<64xi32, #tpu.memory_space<vmem>>
      %dma_wait3A_269 = arith.constant 0 : i32
      %dma_wait3A_270 = arith.constant 0 : i32
      %dma_wait3A_271 = tpu.memref_slice %arg2[%dma_wait3A_269, %dma_wait3A_270] : memref<10240x128xf32, #tpu.memory_space<hbm>> -> memref<10240x128xf32, #tpu.memory_space<hbm>>
      tpu.wait_indirect_dma semaphore(%arg11 : memref<!tpu.dma_semaphore, #tpu.memory_space<semaphore_mem>>) src(%dma_wait3A_271 : memref<10240x128xf32, #tpu.memory_space<hbm>>) dst(%dma_wait3A_265 : memref<64x128xf32, #tpu.memory_space<vmem>>)
      "tpu.region"() ({
        %run_scoped3A = tpu.sem_alloc : memref<!tpu.dma_semaphore, #tpu.memory_space<semaphore_mem>>
        %dma_start3A_309 = arith.constant 64 : i32
        %dma_start3A_310 = arith.constant 0 : i32
        %dma_start3A_311 = tpu.memref_slice %arg8[%dma_start3A_309, %dma_start3A_310] : memref<256x128xf32, #tpu.memory_space<vmem>> -> memref<64x128xf32, #tpu.memory_space<vmem>>
        %dma_start3A_312 = arith.constant 0 : i32
        %dma_start3A_313 = tpu.memref_slice %arg7[%add3A_262, %dma_start3A_312] : memref<40x64xi32, #tpu.memory_space<vmem>> -> memref<1x64xi32, #tpu.memory_space<vmem>>
        %dma_start3A_314 = tpu.memref_squeeze %dma_start3A_313 : memref<1x64xi32, #tpu.memory_space<vmem>> -> memref<64xi32, #tpu.memory_space<vmem>>
        %dma_start3A_315 = arith.constant 0 : i32
        %dma_start3A_316 = arith.constant 0 : i32
        %dma_start3A_317 = tpu.memref_slice %arg9[%dma_start3A_315, %dma_start3A_316] : memref<10240x128xf32, #tpu.memory_space<vmem_shared>> -> memref<10240x128xf32, #tpu.memory_space<vmem_shared>>
        tpu.enqueue_indirect_dma source(%dma_start3A_311 : memref<64x128xf32, #tpu.memory_space<vmem>>) target(%dma_start3A_317 : memref<10240x128xf32, #tpu.memory_space<vmem_shared>>) offsets(%dma_start3A_314 : memref<64xi32, #tpu.memory_space<vmem>>) semaphore(%run_scoped3A : memref<!tpu.dma_semaphore, #tpu.memory_space<semaphore_mem>>) {add = true}
        %dma_wait3A_318 = arith.constant 64 : i32
        %dma_wait3A_319 = arith.constant 0 : i32
        %dma_wait3A_320 = tpu.memref_slice %arg8[%dma_wait3A_318, %dma_wait3A_319] : memref<256x128xf32, #tpu.memory_space<vmem>> -> memref<64x128xf32, #tpu.memory_space<vmem>>
        %dma_wait3A_321 = arith.constant 0 : i32
        %dma_wait3A_322 = tpu.memref_slice %arg7[%add3A_262, %dma_wait3A_321] : memref<40x64xi32, #tpu.memory_space<vmem>> -> memref<1x64xi32, #tpu.memory_space<vmem>>
        %dma_wait3A_323 = tpu.memref_squeeze %dma_wait3A_322 : memref<1x64xi32, #tpu.memory_space<vmem>> -> memref<64xi32, #tpu.memory_space<vmem>>
        %dma_wait3A_324 = arith.constant 0 : i32
        %dma_wait3A_325 = arith.constant 0 : i32
        %dma_wait3A_326 = tpu.memref_slice %arg9[%dma_wait3A_324, %dma_wait3A_325] : memref<10240x128xf32, #tpu.memory_space<vmem_shared>> -> memref<10240x128xf32, #tpu.memory_space<vmem_shared>>
        tpu.wait_indirect_dma semaphore(%run_scoped3A : memref<!tpu.dma_semaphore, #tpu.memory_space<semaphore_mem>>) src(%dma_wait3A_320 : memref<64x128xf32, #tpu.memory_space<vmem>>) dst(%dma_wait3A_326 : memref<10240x128xf32, #tpu.memory_space<vmem_shared>>)
        tpu.yield
      }) : () -> ()
      %lt3A_272 = arith.constant 9 : i32
      %lt3A_273 = arith.cmpi slt, %scan3A_246, %lt3A_272 : i32
      %convert_element_type3A_274 = arith.extui %lt3A_273 : i1 to i32
      %cond3A_275 = arith.constant 0 : i32
      %cond3A_276 = arith.cmpi ne, %convert_element_type3A_274, %cond3A_275 : i32
      scf.if %cond3A_276 {
        %add3A_309 = arith.constant 4 : i32
        %add3A_310 = arith.addi %add3A_262, %add3A_309 : i32
        %dma_start3A_311 = arith.constant 64 : i32
        %dma_start3A_312 = arith.constant 0 : i32
        %dma_start3A_313 = tpu.memref_slice %arg8[%dma_start3A_311, %dma_start3A_312] : memref<256x128xf32, #tpu.memory_space<vmem>> -> memref<64x128xf32, #tpu.memory_space<vmem>>
        %dma_start3A_314 = arith.constant 0 : i32
        %dma_start3A_315 = tpu.memref_slice %arg6[%add3A_310, %dma_start3A_314] : memref<40x64xi32, #tpu.memory_space<vmem>> -> memref<1x64xi32, #tpu.memory_space<vmem>>
        %dma_start3A_316 = tpu.memref_squeeze %dma_start3A_315 : memref<1x64xi32, #tpu.memory_space<vmem>> -> memref<64xi32, #tpu.memory_space<vmem>>
        %dma_start3A_317 = arith.constant 0 : i32
        %dma_start3A_318 = arith.constant 0 : i32
        %dma_start3A_319 = tpu.memref_slice %arg2[%dma_start3A_317, %dma_start3A_318] : memref<10240x128xf32, #tpu.memory_space<hbm>> -> memref<10240x128xf32, #tpu.memory_space<hbm>>
        tpu.enqueue_indirect_dma source(%dma_start3A_319 : memref<10240x128xf32, #tpu.memory_space<hbm>>) target(%dma_start3A_313 : memref<64x128xf32, #tpu.memory_space<vmem>>) offsets(%dma_start3A_316 : memref<64xi32, #tpu.memory_space<vmem>>) semaphore(%arg11 : memref<!tpu.dma_semaphore, #tpu.memory_space<semaphore_mem>>)
      } else {
      }
      %add3A_277 = arith.constant 2 : i32
      %add3A_278 = arith.addi %mul3A_248, %add3A_277 : i32
      %dma_wait3A_279 = arith.constant 128 : i32
      %dma_wait3A_280 = arith.constant 0 : i32
      %dma_wait3A_281 = tpu.memref_slice %arg8[%dma_wait3A_279, %dma_wait3A_280] : memref<256x128xf32, #tpu.memory_space<vmem>> -> memref<64x128xf32, #tpu.memory_space<vmem>>
      %dma_wait3A_282 = arith.constant 0 : i32
      %dma_wait3A_283 = tpu.memref_slice %arg6[%add3A_278, %dma_wait3A_282] : memref<40x64xi32, #tpu.memory_space<vmem>> -> memref<1x64xi32, #tpu.memory_space<vmem>>
      %dma_wait3A_284 = tpu.memref_squeeze %dma_wait3A_283 : memref<1x64xi32, #tpu.memory_space<vmem>> -> memref<64xi32, #tpu.memory_space<vmem>>
      %dma_wait3A_285 = arith.constant 0 : i32
      %dma_wait3A_286 = arith.constant 0 : i32
      %dma_wait3A_287 = tpu.memref_slice %arg2[%dma_wait3A_285, %dma_wait3A_286] : memref<10240x128xf32, #tpu.memory_space<hbm>> -> memref<10240x128xf32, #tpu.memory_space<hbm>>
      tpu.wait_indirect_dma semaphore(%arg12 : memref<!tpu.dma_semaphore, #tpu.memory_space<semaphore_mem>>) src(%dma_wait3A_287 : memref<10240x128xf32, #tpu.memory_space<hbm>>) dst(%dma_wait3A_281 : memref<64x128xf32, #tpu.memory_space<vmem>>)
      "tpu.region"() ({
        %run_scoped3A = tpu.sem_alloc : memref<!tpu.dma_semaphore, #tpu.memory_space<semaphore_mem>>
        %dma_start3A_309 = arith.constant 128 : i32
        %dma_start3A_310 = arith.constant 0 : i32
        %dma_start3A_311 = tpu.memref_slice %arg8[%dma_start3A_309, %dma_start3A_310] : memref<256x128xf32, #tpu.memory_space<vmem>> -> memref<64x128xf32, #tpu.memory_space<vmem>>
        %dma_start3A_312 = arith.constant 0 : i32
        %dma_start3A_313 = tpu.memref_slice %arg7[%add3A_278, %dma_start3A_312] : memref<40x64xi32, #tpu.memory_space<vmem>> -> memref<1x64xi32, #tpu.memory_space<vmem>>
        %dma_start3A_314 = tpu.memref_squeeze %dma_start3A_313 : memref<1x64xi32, #tpu.memory_space<vmem>> -> memref<64xi32, #tpu.memory_space<vmem>>
        %dma_start3A_315 = arith.constant 0 : i32
        %dma_start3A_316 = arith.constant 0 : i32
        %dma_start3A_317 = tpu.memref_slice %arg9[%dma_start3A_315, %dma_start3A_316] : memref<10240x128xf32, #tpu.memory_space<vmem_shared>> -> memref<10240x128xf32, #tpu.memory_space<vmem_shared>>
        tpu.enqueue_indirect_dma source(%dma_start3A_311 : memref<64x128xf32, #tpu.memory_space<vmem>>) target(%dma_start3A_317 : memref<10240x128xf32, #tpu.memory_space<vmem_shared>>) offsets(%dma_start3A_314 : memref<64xi32, #tpu.memory_space<vmem>>) semaphore(%run_scoped3A : memref<!tpu.dma_semaphore, #tpu.memory_space<semaphore_mem>>) {add = true}
        %dma_wait3A_318 = arith.constant 128 : i32
        %dma_wait3A_319 = arith.constant 0 : i32
        %dma_wait3A_320 = tpu.memref_slice %arg8[%dma_wait3A_318, %dma_wait3A_319] : memref<256x128xf32, #tpu.memory_space<vmem>> -> memref<64x128xf32, #tpu.memory_space<vmem>>
        %dma_wait3A_321 = arith.constant 0 : i32
        %dma_wait3A_322 = tpu.memref_slice %arg7[%add3A_278, %dma_wait3A_321] : memref<40x64xi32, #tpu.memory_space<vmem>> -> memref<1x64xi32, #tpu.memory_space<vmem>>
        %dma_wait3A_323 = tpu.memref_squeeze %dma_wait3A_322 : memref<1x64xi32, #tpu.memory_space<vmem>> -> memref<64xi32, #tpu.memory_space<vmem>>
        %dma_wait3A_324 = arith.constant 0 : i32
        %dma_wait3A_325 = arith.constant 0 : i32
        %dma_wait3A_326 = tpu.memref_slice %arg9[%dma_wait3A_324, %dma_wait3A_325] : memref<10240x128xf32, #tpu.memory_space<vmem_shared>> -> memref<10240x128xf32, #tpu.memory_space<vmem_shared>>
        tpu.wait_indirect_dma semaphore(%run_scoped3A : memref<!tpu.dma_semaphore, #tpu.memory_space<semaphore_mem>>) src(%dma_wait3A_320 : memref<64x128xf32, #tpu.memory_space<vmem>>) dst(%dma_wait3A_326 : memref<10240x128xf32, #tpu.memory_space<vmem_shared>>)
        tpu.yield
      }) : () -> ()
      %lt3A_288 = arith.constant 9 : i32
      %lt3A_289 = arith.cmpi slt, %scan3A_246, %lt3A_288 : i32
      %convert_element_type3A_290 = arith.extui %lt3A_289 : i1 to i32
      %cond3A_291 = arith.constant 0 : i32
      %cond3A_292 = arith.cmpi ne, %convert_element_type3A_290, %cond3A_291 : i32
      scf.if %cond3A_292 {
        %add3A_309 = arith.constant 4 : i32
        %add3A_310 = arith.addi %add3A_278, %add3A_309 : i32
        %dma_start3A_311 = arith.constant 128 : i32
        %dma_start3A_312 = arith.constant 0 : i32
        %dma_start3A_313 = tpu.memref_slice %arg8[%dma_start3A_311, %dma_start3A_312] : memref<256x128xf32, #tpu.memory_space<vmem>> -> memref<64x128xf32, #tpu.memory_space<vmem>>
        %dma_start3A_314 = arith.constant 0 : i32
        %dma_start3A_315 = tpu.memref_slice %arg6[%add3A_310, %dma_start3A_314] : memref<40x64xi32, #tpu.memory_space<vmem>> -> memref<1x64xi32, #tpu.memory_space<vmem>>
        %dma_start3A_316 = tpu.memref_squeeze %dma_start3A_315 : memref<1x64xi32, #tpu.memory_space<vmem>> -> memref<64xi32, #tpu.memory_space<vmem>>
        %dma_start3A_317 = arith.constant 0 : i32
        %dma_start3A_318 = arith.constant 0 : i32
        %dma_start3A_319 = tpu.memref_slice %arg2[%dma_start3A_317, %dma_start3A_318] : memref<10240x128xf32, #tpu.memory_space<hbm>> -> memref<10240x128xf32, #tpu.memory_space<hbm>>
        tpu.enqueue_indirect_dma source(%dma_start3A_319 : memref<10240x128xf32, #tpu.memory_space<hbm>>) target(%dma_start3A_313 : memref<64x128xf32, #tpu.memory_space<vmem>>) offsets(%dma_start3A_316 : memref<64xi32, #tpu.memory_space<vmem>>) semaphore(%arg12 : memref<!tpu.dma_semaphore, #tpu.memory_space<semaphore_mem>>)
      } else {
      }
      %add3A_293 = arith.constant 3 : i32
      %add3A_294 = arith.addi %mul3A_248, %add3A_293 : i32
      %dma_wait3A_295 = arith.constant 192 : i32
      %dma_wait3A_296 = arith.constant 0 : i32
      %dma_wait3A_297 = tpu.memref_slice %arg8[%dma_wait3A_295, %dma_wait3A_296] : memref<256x128xf32, #tpu.memory_space<vmem>> -> memref<64x128xf32, #tpu.memory_space<vmem>>
      %dma_wait3A_298 = arith.constant 0 : i32
      %dma_wait3A_299 = tpu.memref_slice %arg6[%add3A_294, %dma_wait3A_298] : memref<40x64xi32, #tpu.memory_space<vmem>> -> memref<1x64xi32, #tpu.memory_space<vmem>>
      %dma_wait3A_300 = tpu.memref_squeeze %dma_wait3A_299 : memref<1x64xi32, #tpu.memory_space<vmem>> -> memref<64xi32, #tpu.memory_space<vmem>>
      %dma_wait3A_301 = arith.constant 0 : i32
      %dma_wait3A_302 = arith.constant 0 : i32
      %dma_wait3A_303 = tpu.memref_slice %arg2[%dma_wait3A_301, %dma_wait3A_302] : memref<10240x128xf32, #tpu.memory_space<hbm>> -> memref<10240x128xf32, #tpu.memory_space<hbm>>
      tpu.wait_indirect_dma semaphore(%arg13 : memref<!tpu.dma_semaphore, #tpu.memory_space<semaphore_mem>>) src(%dma_wait3A_303 : memref<10240x128xf32, #tpu.memory_space<hbm>>) dst(%dma_wait3A_297 : memref<64x128xf32, #tpu.memory_space<vmem>>)
      "tpu.region"() ({
        %run_scoped3A = tpu.sem_alloc : memref<!tpu.dma_semaphore, #tpu.memory_space<semaphore_mem>>
        %dma_start3A_309 = arith.constant 192 : i32
        %dma_start3A_310 = arith.constant 0 : i32
        %dma_start3A_311 = tpu.memref_slice %arg8[%dma_start3A_309, %dma_start3A_310] : memref<256x128xf32, #tpu.memory_space<vmem>> -> memref<64x128xf32, #tpu.memory_space<vmem>>
        %dma_start3A_312 = arith.constant 0 : i32
        %dma_start3A_313 = tpu.memref_slice %arg7[%add3A_294, %dma_start3A_312] : memref<40x64xi32, #tpu.memory_space<vmem>> -> memref<1x64xi32, #tpu.memory_space<vmem>>
        %dma_start3A_314 = tpu.memref_squeeze %dma_start3A_313 : memref<1x64xi32, #tpu.memory_space<vmem>> -> memref<64xi32, #tpu.memory_space<vmem>>
        %dma_start3A_315 = arith.constant 0 : i32
        %dma_start3A_316 = arith.constant 0 : i32
        %dma_start3A_317 = tpu.memref_slice %arg9[%dma_start3A_315, %dma_start3A_316] : memref<10240x128xf32, #tpu.memory_space<vmem_shared>> -> memref<10240x128xf32, #tpu.memory_space<vmem_shared>>
        tpu.enqueue_indirect_dma source(%dma_start3A_311 : memref<64x128xf32, #tpu.memory_space<vmem>>) target(%dma_start3A_317 : memref<10240x128xf32, #tpu.memory_space<vmem_shared>>) offsets(%dma_start3A_314 : memref<64xi32, #tpu.memory_space<vmem>>) semaphore(%run_scoped3A : memref<!tpu.dma_semaphore, #tpu.memory_space<semaphore_mem>>) {add = true}
        %dma_wait3A_318 = arith.constant 192 : i32
        %dma_wait3A_319 = arith.constant 0 : i32
        %dma_wait3A_320 = tpu.memref_slice %arg8[%dma_wait3A_318, %dma_wait3A_319] : memref<256x128xf32, #tpu.memory_space<vmem>> -> memref<64x128xf32, #tpu.memory_space<vmem>>
        %dma_wait3A_321 = arith.constant 0 : i32
        %dma_wait3A_322 = tpu.memref_slice %arg7[%add3A_294, %dma_wait3A_321] : memref<40x64xi32, #tpu.memory_space<vmem>> -> memref<1x64xi32, #tpu.memory_space<vmem>>
        %dma_wait3A_323 = tpu.memref_squeeze %dma_wait3A_322 : memref<1x64xi32, #tpu.memory_space<vmem>> -> memref<64xi32, #tpu.memory_space<vmem>>
        %dma_wait3A_324 = arith.constant 0 : i32
        %dma_wait3A_325 = arith.constant 0 : i32
        %dma_wait3A_326 = tpu.memref_slice %arg9[%dma_wait3A_324, %dma_wait3A_325] : memref<10240x128xf32, #tpu.memory_space<vmem_shared>> -> memref<10240x128xf32, #tpu.memory_space<vmem_shared>>
        tpu.wait_indirect_dma semaphore(%run_scoped3A : memref<!tpu.dma_semaphore, #tpu.memory_space<semaphore_mem>>) src(%dma_wait3A_320 : memref<64x128xf32, #tpu.memory_space<vmem>>) dst(%dma_wait3A_326 : memref<10240x128xf32, #tpu.memory_space<vmem_shared>>)
        tpu.yield
      }) : () -> ()
      %lt3A_304 = arith.constant 9 : i32
      %lt3A_305 = arith.cmpi slt, %scan3A_246, %lt3A_304 : i32
      %convert_element_type3A_306 = arith.extui %lt3A_305 : i1 to i32
      %cond3A_307 = arith.constant 0 : i32
      %cond3A_308 = arith.cmpi ne, %convert_element_type3A_306, %cond3A_307 : i32
      scf.if %cond3A_308 {
        %add3A_309 = arith.constant 4 : i32
        %add3A_310 = arith.addi %add3A_294, %add3A_309 : i32
        %dma_start3A_311 = arith.constant 192 : i32
        %dma_start3A_312 = arith.constant 0 : i32
        %dma_start3A_313 = tpu.memref_slice %arg8[%dma_start3A_311, %dma_start3A_312] : memref<256x128xf32, #tpu.memory_space<vmem>> -> memref<64x128xf32, #tpu.memory_space<vmem>>
        %dma_start3A_314 = arith.constant 0 : i32
        %dma_start3A_315 = tpu.memref_slice %arg6[%add3A_310, %dma_start3A_314] : memref<40x64xi32, #tpu.memory_space<vmem>> -> memref<1x64xi32, #tpu.memory_space<vmem>>
        %dma_start3A_316 = tpu.memref_squeeze %dma_start3A_315 : memref<1x64xi32, #tpu.memory_space<vmem>> -> memref<64xi32, #tpu.memory_space<vmem>>
        %dma_start3A_317 = arith.constant 0 : i32
        %dma_start3A_318 = arith.constant 0 : i32
        %dma_start3A_319 = tpu.memref_slice %arg2[%dma_start3A_317, %dma_start3A_318] : memref<10240x128xf32, #tpu.memory_space<hbm>> -> memref<10240x128xf32, #tpu.memory_space<hbm>>
        tpu.enqueue_indirect_dma source(%dma_start3A_319 : memref<10240x128xf32, #tpu.memory_space<hbm>>) target(%dma_start3A_313 : memref<64x128xf32, #tpu.memory_space<vmem>>) offsets(%dma_start3A_316 : memref<64xi32, #tpu.memory_space<vmem>>) semaphore(%arg13 : memref<!tpu.dma_semaphore, #tpu.memory_space<semaphore_mem>>)
      } else {
      }
    }
    %scan3A_240 = arith.constant 10 : i32
    %barrier3A_241 = arith.constant 0 : index
    tpu.barrier barrier_id(%barrier3A_241)
    %mul3A_242 = arith.constant 640 : i32
    %mul3A_243 = arith.muli %arg1, %mul3A_242 : i32
    %mul3A_244 = arith.constant 640 : i32
    %mul3A_245 = arith.muli %arg1, %mul3A_244 : i32
    "tpu.region"() ({
      %run_scoped3A = tpu.sem_alloc : memref<!tpu.dma_semaphore, #tpu.memory_space<semaphore_mem>>
      %dma_start3A_246 = arith.constant 0 : i32
      %dma_start3A_247 = tpu.memref_slice %arg5[%arg0, %mul3A_245, %dma_start3A_246] : memref<2x10240x128xf32, #tpu.memory_space<hbm>> -> memref<1x640x128xf32, #tpu.memory_space<hbm>>
      %dma_start3A_248 = tpu.memref_squeeze %dma_start3A_247 : memref<1x640x128xf32, #tpu.memory_space<hbm>> -> memref<640x128xf32, #tpu.memory_space<hbm>>
      %dma_start3A_249 = arith.constant 0 : i32
      %dma_start3A_250 = tpu.memref_slice %arg9[%mul3A_243, %dma_start3A_249] : memref<10240x128xf32, #tpu.memory_space<vmem_shared>> -> memref<640x128xf32, #tpu.memory_space<vmem_shared>>
      tpu.enqueue_dma source(%dma_start3A_250 : memref<640x128xf32, #tpu.memory_space<vmem_shared>>) target(%dma_start3A_248 : memref<640x128xf32, #tpu.memory_space<hbm>>) target_semaphore(%run_scoped3A : memref<!tpu.dma_semaphore, #tpu.memory_space<semaphore_mem>>)
      %dma_wait3A = arith.constant 0 : i32
      %dma_wait3A_251 = tpu.memref_slice %arg5[%arg0, %mul3A_245, %dma_wait3A] : memref<2x10240x128xf32, #tpu.memory_space<hbm>> -> memref<1x640x128xf32, #tpu.memory_space<hbm>>
      %dma_wait3A_252 = tpu.memref_squeeze %dma_wait3A_251 : memref<1x640x128xf32, #tpu.memory_space<hbm>> -> memref<640x128xf32, #tpu.memory_space<hbm>>
      %dma_wait3A_253 = arith.constant 0 : i32
      %dma_wait3A_254 = tpu.memref_slice %arg9[%mul3A_243, %dma_wait3A_253] : memref<10240x128xf32, #tpu.memory_space<vmem_shared>> -> memref<640x128xf32, #tpu.memory_space<vmem_shared>>
      tpu.wait_dma2 semaphore(%run_scoped3A : memref<!tpu.dma_semaphore, #tpu.memory_space<semaphore_mem>>) src(%dma_wait3A_254 : memref<640x128xf32, #tpu.memory_space<vmem_shared>>) dst(%dma_wait3A_252 : memref<640x128xf32, #tpu.memory_space<hbm>>)
      tpu.yield
    }) : () -> ()
    return
  }
}

#map = affine_map<(d0, d1) -> (0, 0)>
#map1 = affine_map<(d0, d1) -> (0, 0, 0)>
module attributes {stable_mosaic.version = 14 : i64} {
  func.func @_msg_body(%arg0: i32, %arg1: i32, %arg2: memref<10240x128xf32, #tpu.memory_space<hbm>>, %arg3: memref<5120x64xi32, #tpu.memory_space<hbm>>, %arg4: memref<5120x64xi32, #tpu.memory_space<hbm>>, %arg5: memref<2x10240x128xf32, #tpu.memory_space<hbm>>, %arg6: memref<40x64xi32, #tpu.memory_space<vmem>>, %arg7: memref<40x64xi32, #tpu.memory_space<vmem>>, %arg8: memref<256x128xf32, #tpu.memory_space<vmem>>, %arg9: memref<10240x128xf32, #tpu.memory_space<vmem_shared>>, %arg10: memref<!tpu.dma_semaphore, #tpu.memory_space<semaphore_mem>>, %arg11: memref<!tpu.dma_semaphore, #tpu.memory_space<semaphore_mem>>, %arg12: memref<!tpu.dma_semaphore, #tpu.memory_space<semaphore_mem>>, %arg13: memref<!tpu.dma_semaphore, #tpu.memory_space<semaphore_mem>>) attributes {dimension_semantics = [#tpu.dimension_semantics<core_parallel>, #tpu.dimension_semantics<subcore_parallel>], iteration_bounds = array<i64: 2, 16>, scalar_prefetch = 0 : i64, scratch_operands = 8 : i64, tpu.core_type = #tpu.core_type<sc_vector_subcore>, window_params = [{transform_indices = #map}, {transform_indices = #map}, {transform_indices = #map}, {transform_indices = #map1}]} {
    %mul3A = arith.constant 16 : i32
    %mul3A_0 = arith.muli %arg0, %mul3A : i32
    %add3A = arith.addi %mul3A_0, %arg1 : i32
    %scan3A = arith.constant 0 : i32
    %scan3A_1 = arith.constant 0 : i32
    %scan3A_2 = arith.constant 256 : i32
    %scan3A_3 = arith.addi %scan3A_1, %scan3A_2 : i32
    %scan3A_4 = arith.constant 1 : i32
    scf.for %scan3A_246 = %scan3A_1 to %scan3A_3 step %scan3A_4  : i32 {
      %broadcast_in_dim3A = arith.constant 0.000000e+00 : f32
      %broadcast_in_dim3A_247 = vector.broadcast %broadcast_in_dim3A : f32 to vector<16xf32>
      %swap3A = arith.index_cast %scan3A_246 : i32 to index
      %swap3A_248 = arith.constant 0 : index
      %swap3A_249 = tpu.vector_load %arg8[%swap3A, %swap3A_248] {strides = array<i32>} : memref<256x128xf32, #tpu.memory_space<vmem>>, vector<1x16xf32>,
      %swap3A_250 = vector.shape_cast %swap3A_249 : vector<1x16xf32> to vector<16xf32>
      %swap3A_251 = vector.shape_cast %broadcast_in_dim3A_247 : vector<16xf32> to vector<1x16xf32>
      tpu.vector_store %arg8[%swap3A, %swap3A_248], %swap3A_251 {strides = array<i32>} : memref<256x128xf32, #tpu.memory_space<vmem>>, vector<1x16xf32>,
      %broadcast_in_dim3A_252 = arith.constant 0.000000e+00 : f32
      %broadcast_in_dim3A_253 = vector.broadcast %broadcast_in_dim3A_252 : f32 to vector<16xf32>
      %swap3A_254 = arith.index_cast %scan3A_246 : i32 to index
      %swap3A_255 = arith.constant 16 : index
      %swap3A_256 = tpu.vector_load %arg8[%swap3A_254, %swap3A_255] {strides = array<i32>} : memref<256x128xf32, #tpu.memory_space<vmem>>, vector<1x16xf32>,
      %swap3A_257 = vector.shape_cast %swap3A_256 : vector<1x16xf32> to vector<16xf32>
      %swap3A_258 = vector.shape_cast %broadcast_in_dim3A_253 : vector<16xf32> to vector<1x16xf32>
      tpu.vector_store %arg8[%swap3A_254, %swap3A_255], %swap3A_258 {strides = array<i32>} : memref<256x128xf32, #tpu.memory_space<vmem>>, vector<1x16xf32>,
      %broadcast_in_dim3A_259 = arith.constant 0.000000e+00 : f32
      %broadcast_in_dim3A_260 = vector.broadcast %broadcast_in_dim3A_259 : f32 to vector<16xf32>
      %swap3A_261 = arith.index_cast %scan3A_246 : i32 to index
      %swap3A_262 = arith.constant 32 : index
      %swap3A_263 = tpu.vector_load %arg8[%swap3A_261, %swap3A_262] {strides = array<i32>} : memref<256x128xf32, #tpu.memory_space<vmem>>, vector<1x16xf32>,
      %swap3A_264 = vector.shape_cast %swap3A_263 : vector<1x16xf32> to vector<16xf32>
      %swap3A_265 = vector.shape_cast %broadcast_in_dim3A_260 : vector<16xf32> to vector<1x16xf32>
      tpu.vector_store %arg8[%swap3A_261, %swap3A_262], %swap3A_265 {strides = array<i32>} : memref<256x128xf32, #tpu.memory_space<vmem>>, vector<1x16xf32>,
      %broadcast_in_dim3A_266 = arith.constant 0.000000e+00 : f32
      %broadcast_in_dim3A_267 = vector.broadcast %broadcast_in_dim3A_266 : f32 to vector<16xf32>
      %swap3A_268 = arith.index_cast %scan3A_246 : i32 to index
      %swap3A_269 = arith.constant 48 : index
      %swap3A_270 = tpu.vector_load %arg8[%swap3A_268, %swap3A_269] {strides = array<i32>} : memref<256x128xf32, #tpu.memory_space<vmem>>, vector<1x16xf32>,
      %swap3A_271 = vector.shape_cast %swap3A_270 : vector<1x16xf32> to vector<16xf32>
      %swap3A_272 = vector.shape_cast %broadcast_in_dim3A_267 : vector<16xf32> to vector<1x16xf32>
      tpu.vector_store %arg8[%swap3A_268, %swap3A_269], %swap3A_272 {strides = array<i32>} : memref<256x128xf32, #tpu.memory_space<vmem>>, vector<1x16xf32>,
      %broadcast_in_dim3A_273 = arith.constant 0.000000e+00 : f32
      %broadcast_in_dim3A_274 = vector.broadcast %broadcast_in_dim3A_273 : f32 to vector<16xf32>
      %swap3A_275 = arith.index_cast %scan3A_246 : i32 to index
      %swap3A_276 = arith.constant 64 : index
      %swap3A_277 = tpu.vector_load %arg8[%swap3A_275, %swap3A_276] {strides = array<i32>} : memref<256x128xf32, #tpu.memory_space<vmem>>, vector<1x16xf32>,
      %swap3A_278 = vector.shape_cast %swap3A_277 : vector<1x16xf32> to vector<16xf32>
      %swap3A_279 = vector.shape_cast %broadcast_in_dim3A_274 : vector<16xf32> to vector<1x16xf32>
      tpu.vector_store %arg8[%swap3A_275, %swap3A_276], %swap3A_279 {strides = array<i32>} : memref<256x128xf32, #tpu.memory_space<vmem>>, vector<1x16xf32>,
      %broadcast_in_dim3A_280 = arith.constant 0.000000e+00 : f32
      %broadcast_in_dim3A_281 = vector.broadcast %broadcast_in_dim3A_280 : f32 to vector<16xf32>
      %swap3A_282 = arith.index_cast %scan3A_246 : i32 to index
      %swap3A_283 = arith.constant 80 : index
      %swap3A_284 = tpu.vector_load %arg8[%swap3A_282, %swap3A_283] {strides = array<i32>} : memref<256x128xf32, #tpu.memory_space<vmem>>, vector<1x16xf32>,
      %swap3A_285 = vector.shape_cast %swap3A_284 : vector<1x16xf32> to vector<16xf32>
      %swap3A_286 = vector.shape_cast %broadcast_in_dim3A_281 : vector<16xf32> to vector<1x16xf32>
      tpu.vector_store %arg8[%swap3A_282, %swap3A_283], %swap3A_286 {strides = array<i32>} : memref<256x128xf32, #tpu.memory_space<vmem>>, vector<1x16xf32>,
      %broadcast_in_dim3A_287 = arith.constant 0.000000e+00 : f32
      %broadcast_in_dim3A_288 = vector.broadcast %broadcast_in_dim3A_287 : f32 to vector<16xf32>
      %swap3A_289 = arith.index_cast %scan3A_246 : i32 to index
      %swap3A_290 = arith.constant 96 : index
      %swap3A_291 = tpu.vector_load %arg8[%swap3A_289, %swap3A_290] {strides = array<i32>} : memref<256x128xf32, #tpu.memory_space<vmem>>, vector<1x16xf32>,
      %swap3A_292 = vector.shape_cast %swap3A_291 : vector<1x16xf32> to vector<16xf32>
      %swap3A_293 = vector.shape_cast %broadcast_in_dim3A_288 : vector<16xf32> to vector<1x16xf32>
      tpu.vector_store %arg8[%swap3A_289, %swap3A_290], %swap3A_293 {strides = array<i32>} : memref<256x128xf32, #tpu.memory_space<vmem>>, vector<1x16xf32>,
      %broadcast_in_dim3A_294 = arith.constant 0.000000e+00 : f32
      %broadcast_in_dim3A_295 = vector.broadcast %broadcast_in_dim3A_294 : f32 to vector<16xf32>
      %swap3A_296 = arith.index_cast %scan3A_246 : i32 to index
      %swap3A_297 = arith.constant 112 : index
      %swap3A_298 = tpu.vector_load %arg8[%swap3A_296, %swap3A_297] {strides = array<i32>} : memref<256x128xf32, #tpu.memory_space<vmem>>, vector<1x16xf32>,
      %swap3A_299 = vector.shape_cast %swap3A_298 : vector<1x16xf32> to vector<16xf32>
      %swap3A_300 = vector.shape_cast %broadcast_in_dim3A_295 : vector<16xf32> to vector<1x16xf32>
      tpu.vector_store %arg8[%swap3A_296, %swap3A_297], %swap3A_300 {strides = array<i32>} : memref<256x128xf32, #tpu.memory_space<vmem>>, vector<1x16xf32>,
    }
    %scan3A_5 = arith.constant 256 : i32
    %mul3A_6 = arith.constant 640 : i32
    %mul3A_7 = arith.muli %arg1, %mul3A_6 : i32
    %add3A_8 = arith.constant 0 : i32
    %add3A_9 = arith.addi %mul3A_7, %add3A_8 : i32
    "tpu.region"() ({
      %run_scoped3A = tpu.sem_alloc : memref<!tpu.dma_semaphore, #tpu.memory_space<semaphore_mem>>
      %dma_start3A_246 = arith.constant 0 : i32
      %dma_start3A_247 = arith.constant 0 : i32
      %dma_start3A_248 = tpu.memref_slice %arg8[%dma_start3A_246, %dma_start3A_247] : memref<256x128xf32, #tpu.memory_space<vmem>> -> memref<128x128xf32, #tpu.memory_space<vmem>>
      %dma_start3A_249 = arith.constant 0 : i32
      %dma_start3A_250 = tpu.memref_slice %arg9[%add3A_9, %dma_start3A_249] : memref<10240x128xf32, #tpu.memory_space<vmem_shared>> -> memref<128x128xf32, #tpu.memory_space<vmem_shared>>
      %dma_start3A_251 = arith.constant 0 : i32
      %dma_start3A_252 = tpu.memref_slice %arg9[%add3A_9, %dma_start3A_251] : memref<10240x128xf32, #tpu.memory_space<vmem_shared>> -> memref<128x128xf32, #tpu.memory_space<vmem_shared>>
      %dma_start3A_253 = arith.constant 0 : i32
      %dma_start3A_254 = arith.constant 0 : i32
      %dma_start3A_255 = tpu.memref_slice %arg8[%dma_start3A_253, %dma_start3A_254] : memref<256x128xf32, #tpu.memory_space<vmem>> -> memref<128x128xf32, #tpu.memory_space<vmem>>
      tpu.enqueue_dma source(%dma_start3A_255 : memref<128x128xf32, #tpu.memory_space<vmem>>) target(%dma_start3A_252 : memref<128x128xf32, #tpu.memory_space<vmem_shared>>) target_semaphore(%run_scoped3A : memref<!tpu.dma_semaphore, #tpu.memory_space<semaphore_mem>>)
      %dma_wait3A = arith.constant 0 : i32
      %dma_wait3A_256 = arith.constant 0 : i32
      %dma_wait3A_257 = tpu.memref_slice %arg8[%dma_wait3A, %dma_wait3A_256] : memref<256x128xf32, #tpu.memory_space<vmem>> -> memref<128x128xf32, #tpu.memory_space<vmem>>
      %dma_wait3A_258 = arith.constant 0 : i32
      %dma_wait3A_259 = tpu.memref_slice %arg9[%add3A_9, %dma_wait3A_258] : memref<10240x128xf32, #tpu.memory_space<vmem_shared>> -> memref<128x128xf32, #tpu.memory_space<vmem_shared>>
      %dma_wait3A_260 = arith.constant 0 : i32
      %dma_wait3A_261 = tpu.memref_slice %arg9[%add3A_9, %dma_wait3A_260] : memref<10240x128xf32, #tpu.memory_space<vmem_shared>> -> memref<128x128xf32, #tpu.memory_space<vmem_shared>>
      %dma_wait3A_262 = arith.constant 0 : i32
      %dma_wait3A_263 = arith.constant 0 : i32
      %dma_wait3A_264 = tpu.memref_slice %arg8[%dma_wait3A_262, %dma_wait3A_263] : memref<256x128xf32, #tpu.memory_space<vmem>> -> memref<128x128xf32, #tpu.memory_space<vmem>>
      tpu.wait_dma2 semaphore(%run_scoped3A : memref<!tpu.dma_semaphore, #tpu.memory_space<semaphore_mem>>) src(%dma_wait3A_264 : memref<128x128xf32, #tpu.memory_space<vmem>>) dst(%dma_wait3A_261 : memref<128x128xf32, #tpu.memory_space<vmem_shared>>)
      tpu.yield
    }) : () -> ()
    %mul3A_10 = arith.constant 640 : i32
    %mul3A_11 = arith.muli %arg1, %mul3A_10 : i32
    %add3A_12 = arith.constant 128 : i32
    %add3A_13 = arith.addi %mul3A_11, %add3A_12 : i32
    "tpu.region"() ({
      %run_scoped3A = tpu.sem_alloc : memref<!tpu.dma_semaphore, #tpu.memory_space<semaphore_mem>>
      %dma_start3A_246 = arith.constant 0 : i32
      %dma_start3A_247 = arith.constant 0 : i32
      %dma_start3A_248 = tpu.memref_slice %arg8[%dma_start3A_246, %dma_start3A_247] : memref<256x128xf32, #tpu.memory_space<vmem>> -> memref<128x128xf32, #tpu.memory_space<vmem>>
      %dma_start3A_249 = arith.constant 0 : i32
      %dma_start3A_250 = tpu.memref_slice %arg9[%add3A_13, %dma_start3A_249] : memref<10240x128xf32, #tpu.memory_space<vmem_shared>> -> memref<128x128xf32, #tpu.memory_space<vmem_shared>>
      %dma_start3A_251 = arith.constant 0 : i32
      %dma_start3A_252 = tpu.memref_slice %arg9[%add3A_13, %dma_start3A_251] : memref<10240x128xf32, #tpu.memory_space<vmem_shared>> -> memref<128x128xf32, #tpu.memory_space<vmem_shared>>
      %dma_start3A_253 = arith.constant 0 : i32
      %dma_start3A_254 = arith.constant 0 : i32
      %dma_start3A_255 = tpu.memref_slice %arg8[%dma_start3A_253, %dma_start3A_254] : memref<256x128xf32, #tpu.memory_space<vmem>> -> memref<128x128xf32, #tpu.memory_space<vmem>>
      tpu.enqueue_dma source(%dma_start3A_255 : memref<128x128xf32, #tpu.memory_space<vmem>>) target(%dma_start3A_252 : memref<128x128xf32, #tpu.memory_space<vmem_shared>>) target_semaphore(%run_scoped3A : memref<!tpu.dma_semaphore, #tpu.memory_space<semaphore_mem>>)
      %dma_wait3A = arith.constant 0 : i32
      %dma_wait3A_256 = arith.constant 0 : i32
      %dma_wait3A_257 = tpu.memref_slice %arg8[%dma_wait3A, %dma_wait3A_256] : memref<256x128xf32, #tpu.memory_space<vmem>> -> memref<128x128xf32, #tpu.memory_space<vmem>>
      %dma_wait3A_258 = arith.constant 0 : i32
      %dma_wait3A_259 = tpu.memref_slice %arg9[%add3A_13, %dma_wait3A_258] : memref<10240x128xf32, #tpu.memory_space<vmem_shared>> -> memref<128x128xf32, #tpu.memory_space<vmem_shared>>
      %dma_wait3A_260 = arith.constant 0 : i32
      %dma_wait3A_261 = tpu.memref_slice %arg9[%add3A_13, %dma_wait3A_260] : memref<10240x128xf32, #tpu.memory_space<vmem_shared>> -> memref<128x128xf32, #tpu.memory_space<vmem_shared>>
      %dma_wait3A_262 = arith.constant 0 : i32
      %dma_wait3A_263 = arith.constant 0 : i32
      %dma_wait3A_264 = tpu.memref_slice %arg8[%dma_wait3A_262, %dma_wait3A_263] : memref<256x128xf32, #tpu.memory_space<vmem>> -> memref<128x128xf32, #tpu.memory_space<vmem>>
      tpu.wait_dma2 semaphore(%run_scoped3A : memref<!tpu.dma_semaphore, #tpu.memory_space<semaphore_mem>>) src(%dma_wait3A_264 : memref<128x128xf32, #tpu.memory_space<vmem>>) dst(%dma_wait3A_261 : memref<128x128xf32, #tpu.memory_space<vmem_shared>>)
      tpu.yield
    }) : () -> ()
    %mul3A_14 = arith.constant 640 : i32
    %mul3A_15 = arith.muli %arg1, %mul3A_14 : i32
    %add3A_16 = arith.constant 256 : i32
    %add3A_17 = arith.addi %mul3A_15, %add3A_16 : i32
    "tpu.region"() ({
      %run_scoped3A = tpu.sem_alloc : memref<!tpu.dma_semaphore, #tpu.memory_space<semaphore_mem>>
      %dma_start3A_246 = arith.constant 0 : i32
      %dma_start3A_247 = arith.constant 0 : i32
      %dma_start3A_248 = tpu.memref_slice %arg8[%dma_start3A_246, %dma_start3A_247] : memref<256x128xf32, #tpu.memory_space<vmem>> -> memref<128x128xf32, #tpu.memory_space<vmem>>
      %dma_start3A_249 = arith.constant 0 : i32
      %dma_start3A_250 = tpu.memref_slice %arg9[%add3A_17, %dma_start3A_249] : memref<10240x128xf32, #tpu.memory_space<vmem_shared>> -> memref<128x128xf32, #tpu.memory_space<vmem_shared>>
      %dma_start3A_251 = arith.constant 0 : i32
      %dma_start3A_252 = tpu.memref_slice %arg9[%add3A_17, %dma_start3A_251] : memref<10240x128xf32, #tpu.memory_space<vmem_shared>> -> memref<128x128xf32, #tpu.memory_space<vmem_shared>>
      %dma_start3A_253 = arith.constant 0 : i32
      %dma_start3A_254 = arith.constant 0 : i32
      %dma_start3A_255 = tpu.memref_slice %arg8[%dma_start3A_253, %dma_start3A_254] : memref<256x128xf32, #tpu.memory_space<vmem>> -> memref<128x128xf32, #tpu.memory_space<vmem>>
      tpu.enqueue_dma source(%dma_start3A_255 : memref<128x128xf32, #tpu.memory_space<vmem>>) target(%dma_start3A_252 : memref<128x128xf32, #tpu.memory_space<vmem_shared>>) target_semaphore(%run_scoped3A : memref<!tpu.dma_semaphore, #tpu.memory_space<semaphore_mem>>)
      %dma_wait3A = arith.constant 0 : i32
      %dma_wait3A_256 = arith.constant 0 : i32
      %dma_wait3A_257 = tpu.memref_slice %arg8[%dma_wait3A, %dma_wait3A_256] : memref<256x128xf32, #tpu.memory_space<vmem>> -> memref<128x128xf32, #tpu.memory_space<vmem>>
      %dma_wait3A_258 = arith.constant 0 : i32
      %dma_wait3A_259 = tpu.memref_slice %arg9[%add3A_17, %dma_wait3A_258] : memref<10240x128xf32, #tpu.memory_space<vmem_shared>> -> memref<128x128xf32, #tpu.memory_space<vmem_shared>>
      %dma_wait3A_260 = arith.constant 0 : i32
      %dma_wait3A_261 = tpu.memref_slice %arg9[%add3A_17, %dma_wait3A_260] : memref<10240x128xf32, #tpu.memory_space<vmem_shared>> -> memref<128x128xf32, #tpu.memory_space<vmem_shared>>
      %dma_wait3A_262 = arith.constant 0 : i32
      %dma_wait3A_263 = arith.constant 0 : i32
      %dma_wait3A_264 = tpu.memref_slice %arg8[%dma_wait3A_262, %dma_wait3A_263] : memref<256x128xf32, #tpu.memory_space<vmem>> -> memref<128x128xf32, #tpu.memory_space<vmem>>
      tpu.wait_dma2 semaphore(%run_scoped3A : memref<!tpu.dma_semaphore, #tpu.memory_space<semaphore_mem>>) src(%dma_wait3A_264 : memref<128x128xf32, #tpu.memory_space<vmem>>) dst(%dma_wait3A_261 : memref<128x128xf32, #tpu.memory_space<vmem_shared>>)
      tpu.yield
    }) : () -> ()
    %mul3A_18 = arith.constant 640 : i32
    %mul3A_19 = arith.muli %arg1, %mul3A_18 : i32
    %add3A_20 = arith.constant 384 : i32
    %add3A_21 = arith.addi %mul3A_19, %add3A_20 : i32
    "tpu.region"() ({
      %run_scoped3A = tpu.sem_alloc : memref<!tpu.dma_semaphore, #tpu.memory_space<semaphore_mem>>
      %dma_start3A_246 = arith.constant 0 : i32
      %dma_start3A_247 = arith.constant 0 : i32
      %dma_start3A_248 = tpu.memref_slice %arg8[%dma_start3A_246, %dma_start3A_247] : memref<256x128xf32, #tpu.memory_space<vmem>> -> memref<128x128xf32, #tpu.memory_space<vmem>>
      %dma_start3A_249 = arith.constant 0 : i32
      %dma_start3A_250 = tpu.memref_slice %arg9[%add3A_21, %dma_start3A_249] : memref<10240x128xf32, #tpu.memory_space<vmem_shared>> -> memref<128x128xf32, #tpu.memory_space<vmem_shared>>
      %dma_start3A_251 = arith.constant 0 : i32
      %dma_start3A_252 = tpu.memref_slice %arg9[%add3A_21, %dma_start3A_251] : memref<10240x128xf32, #tpu.memory_space<vmem_shared>> -> memref<128x128xf32, #tpu.memory_space<vmem_shared>>
      %dma_start3A_253 = arith.constant 0 : i32
      %dma_start3A_254 = arith.constant 0 : i32
      %dma_start3A_255 = tpu.memref_slice %arg8[%dma_start3A_253, %dma_start3A_254] : memref<256x128xf32, #tpu.memory_space<vmem>> -> memref<128x128xf32, #tpu.memory_space<vmem>>
      tpu.enqueue_dma source(%dma_start3A_255 : memref<128x128xf32, #tpu.memory_space<vmem>>) target(%dma_start3A_252 : memref<128x128xf32, #tpu.memory_space<vmem_shared>>) target_semaphore(%run_scoped3A : memref<!tpu.dma_semaphore, #tpu.memory_space<semaphore_mem>>)
      %dma_wait3A = arith.constant 0 : i32
      %dma_wait3A_256 = arith.constant 0 : i32
      %dma_wait3A_257 = tpu.memref_slice %arg8[%dma_wait3A, %dma_wait3A_256] : memref<256x128xf32, #tpu.memory_space<vmem>> -> memref<128x128xf32, #tpu.memory_space<vmem>>
      %dma_wait3A_258 = arith.constant 0 : i32
      %dma_wait3A_259 = tpu.memref_slice %arg9[%add3A_21, %dma_wait3A_258] : memref<10240x128xf32, #tpu.memory_space<vmem_shared>> -> memref<128x128xf32, #tpu.memory_space<vmem_shared>>
      %dma_wait3A_260 = arith.constant 0 : i32
      %dma_wait3A_261 = tpu.memref_slice %arg9[%add3A_21, %dma_wait3A_260] : memref<10240x128xf32, #tpu.memory_space<vmem_shared>> -> memref<128x128xf32, #tpu.memory_space<vmem_shared>>
      %dma_wait3A_262 = arith.constant 0 : i32
      %dma_wait3A_263 = arith.constant 0 : i32
      %dma_wait3A_264 = tpu.memref_slice %arg8[%dma_wait3A_262, %dma_wait3A_263] : memref<256x128xf32, #tpu.memory_space<vmem>> -> memref<128x128xf32, #tpu.memory_space<vmem>>
      tpu.wait_dma2 semaphore(%run_scoped3A : memref<!tpu.dma_semaphore, #tpu.memory_space<semaphore_mem>>) src(%dma_wait3A_264 : memref<128x128xf32, #tpu.memory_space<vmem>>) dst(%dma_wait3A_261 : memref<128x128xf32, #tpu.memory_space<vmem_shared>>)
      tpu.yield
    }) : () -> ()
    %mul3A_22 = arith.constant 640 : i32
    %mul3A_23 = arith.muli %arg1, %mul3A_22 : i32
    %add3A_24 = arith.constant 512 : i32
    %add3A_25 = arith.addi %mul3A_23, %add3A_24 : i32
    "tpu.region"() ({
      %run_scoped3A = tpu.sem_alloc : memref<!tpu.dma_semaphore, #tpu.memory_space<semaphore_mem>>
      %dma_start3A_246 = arith.constant 0 : i32
      %dma_start3A_247 = arith.constant 0 : i32
      %dma_start3A_248 = tpu.memref_slice %arg8[%dma_start3A_246, %dma_start3A_247] : memref<256x128xf32, #tpu.memory_space<vmem>> -> memref<128x128xf32, #tpu.memory_space<vmem>>
      %dma_start3A_249 = arith.constant 0 : i32
      %dma_start3A_250 = tpu.memref_slice %arg9[%add3A_25, %dma_start3A_249] : memref<10240x128xf32, #tpu.memory_space<vmem_shared>> -> memref<128x128xf32, #tpu.memory_space<vmem_shared>>
      %dma_start3A_251 = arith.constant 0 : i32
      %dma_start3A_252 = tpu.memref_slice %arg9[%add3A_25, %dma_start3A_251] : memref<10240x128xf32, #tpu.memory_space<vmem_shared>> -> memref<128x128xf32, #tpu.memory_space<vmem_shared>>
      %dma_start3A_253 = arith.constant 0 : i32
      %dma_start3A_254 = arith.constant 0 : i32
      %dma_start3A_255 = tpu.memref_slice %arg8[%dma_start3A_253, %dma_start3A_254] : memref<256x128xf32, #tpu.memory_space<vmem>> -> memref<128x128xf32, #tpu.memory_space<vmem>>
      tpu.enqueue_dma source(%dma_start3A_255 : memref<128x128xf32, #tpu.memory_space<vmem>>) target(%dma_start3A_252 : memref<128x128xf32, #tpu.memory_space<vmem_shared>>) target_semaphore(%run_scoped3A : memref<!tpu.dma_semaphore, #tpu.memory_space<semaphore_mem>>)
      %dma_wait3A = arith.constant 0 : i32
      %dma_wait3A_256 = arith.constant 0 : i32
      %dma_wait3A_257 = tpu.memref_slice %arg8[%dma_wait3A, %dma_wait3A_256] : memref<256x128xf32, #tpu.memory_space<vmem>> -> memref<128x128xf32, #tpu.memory_space<vmem>>
      %dma_wait3A_258 = arith.constant 0 : i32
      %dma_wait3A_259 = tpu.memref_slice %arg9[%add3A_25, %dma_wait3A_258] : memref<10240x128xf32, #tpu.memory_space<vmem_shared>> -> memref<128x128xf32, #tpu.memory_space<vmem_shared>>
      %dma_wait3A_260 = arith.constant 0 : i32
      %dma_wait3A_261 = tpu.memref_slice %arg9[%add3A_25, %dma_wait3A_260] : memref<10240x128xf32, #tpu.memory_space<vmem_shared>> -> memref<128x128xf32, #tpu.memory_space<vmem_shared>>
      %dma_wait3A_262 = arith.constant 0 : i32
      %dma_wait3A_263 = arith.constant 0 : i32
      %dma_wait3A_264 = tpu.memref_slice %arg8[%dma_wait3A_262, %dma_wait3A_263] : memref<256x128xf32, #tpu.memory_space<vmem>> -> memref<128x128xf32, #tpu.memory_space<vmem>>
      tpu.wait_dma2 semaphore(%run_scoped3A : memref<!tpu.dma_semaphore, #tpu.memory_space<semaphore_mem>>) src(%dma_wait3A_264 : memref<128x128xf32, #tpu.memory_space<vmem>>) dst(%dma_wait3A_261 : memref<128x128xf32, #tpu.memory_space<vmem_shared>>)
      tpu.yield
    }) : () -> ()
    %barrier3A = arith.constant 0 : index
    tpu.barrier barrier_id(%barrier3A)
    %mul3A_26 = arith.constant 160 : i32
    %mul3A_27 = arith.muli %add3A, %mul3A_26 : i32
    %add3A_28 = arith.constant 0 : i32
    %add3A_29 = arith.addi %mul3A_27, %add3A_28 : i32
    "tpu.region"() ({
      %run_scoped3A = tpu.sem_alloc : memref<!tpu.dma_semaphore, #tpu.memory_space<semaphore_mem>>
      %dma_start3A_246 = arith.constant 0 : i32
      %dma_start3A_247 = tpu.memref_slice %arg3[%add3A_29, %dma_start3A_246] : memref<5120x64xi32, #tpu.memory_space<hbm>> -> memref<40x64xi32, #tpu.memory_space<hbm>>
      %dma_start3A_248 = arith.constant 0 : i32
      %dma_start3A_249 = tpu.memref_slice %arg3[%add3A_29, %dma_start3A_248] : memref<5120x64xi32, #tpu.memory_space<hbm>> -> memref<40x64xi32, #tpu.memory_space<hbm>>
      tpu.enqueue_dma source(%dma_start3A_249 : memref<40x64xi32, #tpu.memory_space<hbm>>) target(%arg6 : memref<40x64xi32, #tpu.memory_space<vmem>>) target_semaphore(%run_scoped3A : memref<!tpu.dma_semaphore, #tpu.memory_space<semaphore_mem>>)
      %dma_wait3A = arith.constant 0 : i32
      %dma_wait3A_250 = tpu.memref_slice %arg3[%add3A_29, %dma_wait3A] : memref<5120x64xi32, #tpu.memory_space<hbm>> -> memref<40x64xi32, #tpu.memory_space<hbm>>
      %dma_wait3A_251 = arith.constant 0 : i32
      %dma_wait3A_252 = tpu.memref_slice %arg3[%add3A_29, %dma_wait3A_251] : memref<5120x64xi32, #tpu.memory_space<hbm>> -> memref<40x64xi32, #tpu.memory_space<hbm>>
      tpu.wait_dma2 semaphore(%run_scoped3A : memref<!tpu.dma_semaphore, #tpu.memory_space<semaphore_mem>>) src(%dma_wait3A_252 : memref<40x64xi32, #tpu.memory_space<hbm>>) dst(%arg6 : memref<40x64xi32, #tpu.memory_space<vmem>>)
      tpu.yield
    }) : () -> ()
    %mul3A_30 = arith.constant 160 : i32
    %mul3A_31 = arith.muli %add3A, %mul3A_30 : i32
    %add3A_32 = arith.constant 0 : i32
    %add3A_33 = arith.addi %mul3A_31, %add3A_32 : i32
    "tpu.region"() ({
      %run_scoped3A = tpu.sem_alloc : memref<!tpu.dma_semaphore, #tpu.memory_space<semaphore_mem>>
      %dma_start3A_246 = arith.constant 0 : i32
      %dma_start3A_247 = tpu.memref_slice %arg4[%add3A_33, %dma_start3A_246] : memref<5120x64xi32, #tpu.memory_space<hbm>> -> memref<40x64xi32, #tpu.memory_space<hbm>>
      %dma_start3A_248 = arith.constant 0 : i32
      %dma_start3A_249 = tpu.memref_slice %arg4[%add3A_33, %dma_start3A_248] : memref<5120x64xi32, #tpu.memory_space<hbm>> -> memref<40x64xi32, #tpu.memory_space<hbm>>
      tpu.enqueue_dma source(%dma_start3A_249 : memref<40x64xi32, #tpu.memory_space<hbm>>) target(%arg7 : memref<40x64xi32, #tpu.memory_space<vmem>>) target_semaphore(%run_scoped3A : memref<!tpu.dma_semaphore, #tpu.memory_space<semaphore_mem>>)
      %dma_wait3A = arith.constant 0 : i32
      %dma_wait3A_250 = tpu.memref_slice %arg4[%add3A_33, %dma_wait3A] : memref<5120x64xi32, #tpu.memory_space<hbm>> -> memref<40x64xi32, #tpu.memory_space<hbm>>
      %dma_wait3A_251 = arith.constant 0 : i32
      %dma_wait3A_252 = tpu.memref_slice %arg4[%add3A_33, %dma_wait3A_251] : memref<5120x64xi32, #tpu.memory_space<hbm>> -> memref<40x64xi32, #tpu.memory_space<hbm>>
      tpu.wait_dma2 semaphore(%run_scoped3A : memref<!tpu.dma_semaphore, #tpu.memory_space<semaphore_mem>>) src(%dma_wait3A_252 : memref<40x64xi32, #tpu.memory_space<hbm>>) dst(%arg7 : memref<40x64xi32, #tpu.memory_space<vmem>>)
      tpu.yield
    }) : () -> ()
    %dma_start3A = arith.constant 0 : i32
    %dma_start3A_34 = arith.constant 0 : i32
    %dma_start3A_35 = arith.constant 0 : i32
    %dma_start3A_36 = tpu.memref_slice %arg8[%dma_start3A_34, %dma_start3A_35] : memref<256x128xf32, #tpu.memory_space<vmem>> -> memref<64x128xf32, #tpu.memory_space<vmem>>
    %dma_start3A_37 = arith.constant 0 : i32
    %dma_start3A_38 = tpu.memref_slice %arg6[%dma_start3A, %dma_start3A_37] : memref<40x64xi32, #tpu.memory_space<vmem>> -> memref<1x64xi32, #tpu.memory_space<vmem>>
    %dma_start3A_39 = tpu.memref_squeeze %dma_start3A_38 : memref<1x64xi32, #tpu.memory_space<vmem>> -> memref<64xi32, #tpu.memory_space<vmem>>
    %dma_start3A_40 = arith.constant 0 : i32
    %dma_start3A_41 = arith.constant 0 : i32
    %dma_start3A_42 = tpu.memref_slice %arg2[%dma_start3A_40, %dma_start3A_41] : memref<10240x128xf32, #tpu.memory_space<hbm>> -> memref<10240x128xf32, #tpu.memory_space<hbm>>
    tpu.enqueue_indirect_dma source(%dma_start3A_42 : memref<10240x128xf32, #tpu.memory_space<hbm>>) target(%dma_start3A_36 : memref<64x128xf32, #tpu.memory_space<vmem>>) offsets(%dma_start3A_39 : memref<64xi32, #tpu.memory_space<vmem>>) semaphore(%arg10 : memref<!tpu.dma_semaphore, #tpu.memory_space<semaphore_mem>>)
    %dma_start3A_43 = arith.constant 1 : i32
    %dma_start3A_44 = arith.constant 64 : i32
    %dma_start3A_45 = arith.constant 0 : i32
    %dma_start3A_46 = tpu.memref_slice %arg8[%dma_start3A_44, %dma_start3A_45] : memref<256x128xf32, #tpu.memory_space<vmem>> -> memref<64x128xf32, #tpu.memory_space<vmem>>
    %dma_start3A_47 = arith.constant 0 : i32
    %dma_start3A_48 = tpu.memref_slice %arg6[%dma_start3A_43, %dma_start3A_47] : memref<40x64xi32, #tpu.memory_space<vmem>> -> memref<1x64xi32, #tpu.memory_space<vmem>>
    %dma_start3A_49 = tpu.memref_squeeze %dma_start3A_48 : memref<1x64xi32, #tpu.memory_space<vmem>> -> memref<64xi32, #tpu.memory_space<vmem>>
    %dma_start3A_50 = arith.constant 0 : i32
    %dma_start3A_51 = arith.constant 0 : i32
    %dma_start3A_52 = tpu.memref_slice %arg2[%dma_start3A_50, %dma_start3A_51] : memref<10240x128xf32, #tpu.memory_space<hbm>> -> memref<10240x128xf32, #tpu.memory_space<hbm>>
    tpu.enqueue_indirect_dma source(%dma_start3A_52 : memref<10240x128xf32, #tpu.memory_space<hbm>>) target(%dma_start3A_46 : memref<64x128xf32, #tpu.memory_space<vmem>>) offsets(%dma_start3A_49 : memref<64xi32, #tpu.memory_space<vmem>>) semaphore(%arg11 : memref<!tpu.dma_semaphore, #tpu.memory_space<semaphore_mem>>)
    %dma_start3A_53 = arith.constant 2 : i32
    %dma_start3A_54 = arith.constant 128 : i32
    %dma_start3A_55 = arith.constant 0 : i32
    %dma_start3A_56 = tpu.memref_slice %arg8[%dma_start3A_54, %dma_start3A_55] : memref<256x128xf32, #tpu.memory_space<vmem>> -> memref<64x128xf32, #tpu.memory_space<vmem>>
    %dma_start3A_57 = arith.constant 0 : i32
    %dma_start3A_58 = tpu.memref_slice %arg6[%dma_start3A_53, %dma_start3A_57] : memref<40x64xi32, #tpu.memory_space<vmem>> -> memref<1x64xi32, #tpu.memory_space<vmem>>
    %dma_start3A_59 = tpu.memref_squeeze %dma_start3A_58 : memref<1x64xi32, #tpu.memory_space<vmem>> -> memref<64xi32, #tpu.memory_space<vmem>>
    %dma_start3A_60 = arith.constant 0 : i32
    %dma_start3A_61 = arith.constant 0 : i32
    %dma_start3A_62 = tpu.memref_slice %arg2[%dma_start3A_60, %dma_start3A_61] : memref<10240x128xf32, #tpu.memory_space<hbm>> -> memref<10240x128xf32, #tpu.memory_space<hbm>>
    tpu.enqueue_indirect_dma source(%dma_start3A_62 : memref<10240x128xf32, #tpu.memory_space<hbm>>) target(%dma_start3A_56 : memref<64x128xf32, #tpu.memory_space<vmem>>) offsets(%dma_start3A_59 : memref<64xi32, #tpu.memory_space<vmem>>) semaphore(%arg12 : memref<!tpu.dma_semaphore, #tpu.memory_space<semaphore_mem>>)
    %dma_start3A_63 = arith.constant 3 : i32
    %dma_start3A_64 = arith.constant 192 : i32
    %dma_start3A_65 = arith.constant 0 : i32
    %dma_start3A_66 = tpu.memref_slice %arg8[%dma_start3A_64, %dma_start3A_65] : memref<256x128xf32, #tpu.memory_space<vmem>> -> memref<64x128xf32, #tpu.memory_space<vmem>>
    %dma_start3A_67 = arith.constant 0 : i32
    %dma_start3A_68 = tpu.memref_slice %arg6[%dma_start3A_63, %dma_start3A_67] : memref<40x64xi32, #tpu.memory_space<vmem>> -> memref<1x64xi32, #tpu.memory_space<vmem>>
    %dma_start3A_69 = tpu.memref_squeeze %dma_start3A_68 : memref<1x64xi32, #tpu.memory_space<vmem>> -> memref<64xi32, #tpu.memory_space<vmem>>
    %dma_start3A_70 = arith.constant 0 : i32
    %dma_start3A_71 = arith.constant 0 : i32
    %dma_start3A_72 = tpu.memref_slice %arg2[%dma_start3A_70, %dma_start3A_71] : memref<10240x128xf32, #tpu.memory_space<hbm>> -> memref<10240x128xf32, #tpu.memory_space<hbm>>
    tpu.enqueue_indirect_dma source(%dma_start3A_72 : memref<10240x128xf32, #tpu.memory_space<hbm>>) target(%dma_start3A_66 : memref<64x128xf32, #tpu.memory_space<vmem>>) offsets(%dma_start3A_69 : memref<64xi32, #tpu.memory_space<vmem>>) semaphore(%arg13 : memref<!tpu.dma_semaphore, #tpu.memory_space<semaphore_mem>>)
    %scan3A_73 = arith.constant 0 : i32
    %scan3A_74 = arith.constant 0 : i32
    %scan3A_75 = arith.constant 10 : i32
    %scan3A_76 = arith.addi %scan3A_74, %scan3A_75 : i32
    %scan3A_77 = arith.constant 1 : i32
    scf.for %scan3A_246 = %scan3A_74 to %scan3A_76 step %scan3A_77  : i32 {
      %mul3A_247 = arith.constant 4 : i32
      %mul3A_248 = arith.muli %mul3A_247, %scan3A_246 : i32
      %add3A_249 = arith.constant 0 : i32
      %add3A_250 = arith.addi %mul3A_248, %add3A_249 : i32
      %dma_wait3A = arith.constant 0 : i32
      %dma_wait3A_251 = arith.constant 0 : i32
      %dma_wait3A_252 = tpu.memref_slice %arg8[%dma_wait3A, %dma_wait3A_251] : memref<256x128xf32, #tpu.memory_space<vmem>> -> memref<64x128xf32, #tpu.memory_space<vmem>>
      %dma_wait3A_253 = arith.constant 0 : i32
      %dma_wait3A_254 = tpu.memref_slice %arg6[%add3A_250, %dma_wait3A_253] : memref<40x64xi32, #tpu.memory_space<vmem>> -> memref<1x64xi32, #tpu.memory_space<vmem>>
      %dma_wait3A_255 = tpu.memref_squeeze %dma_wait3A_254 : memref<1x64xi32, #tpu.memory_space<vmem>> -> memref<64xi32, #tpu.memory_space<vmem>>
      %dma_wait3A_256 = arith.constant 0 : i32
      %dma_wait3A_257 = arith.constant 0 : i32
      %dma_wait3A_258 = tpu.memref_slice %arg2[%dma_wait3A_256, %dma_wait3A_257] : memref<10240x128xf32, #tpu.memory_space<hbm>> -> memref<10240x128xf32, #tpu.memory_space<hbm>>
      tpu.wait_indirect_dma semaphore(%arg10 : memref<!tpu.dma_semaphore, #tpu.memory_space<semaphore_mem>>) src(%dma_wait3A_258 : memref<10240x128xf32, #tpu.memory_space<hbm>>) dst(%dma_wait3A_252 : memref<64x128xf32, #tpu.memory_space<vmem>>)
      "tpu.region"() ({
        %run_scoped3A = tpu.sem_alloc : memref<!tpu.dma_semaphore, #tpu.memory_space<semaphore_mem>>
        %dma_start3A_309 = arith.constant 0 : i32
        %dma_start3A_310 = arith.constant 0 : i32
        %dma_start3A_311 = tpu.memref_slice %arg8[%dma_start3A_309, %dma_start3A_310] : memref<256x128xf32, #tpu.memory_space<vmem>> -> memref<64x128xf32, #tpu.memory_space<vmem>>
        %dma_start3A_312 = arith.constant 0 : i32
        %dma_start3A_313 = tpu.memref_slice %arg7[%add3A_250, %dma_start3A_312] : memref<40x64xi32, #tpu.memory_space<vmem>> -> memref<1x64xi32, #tpu.memory_space<vmem>>
        %dma_start3A_314 = tpu.memref_squeeze %dma_start3A_313 : memref<1x64xi32, #tpu.memory_space<vmem>> -> memref<64xi32, #tpu.memory_space<vmem>>
        %dma_start3A_315 = arith.constant 0 : i32
        %dma_start3A_316 = arith.constant 0 : i32
        %dma_start3A_317 = tpu.memref_slice %arg9[%dma_start3A_315, %dma_start3A_316] : memref<10240x128xf32, #tpu.memory_space<vmem_shared>> -> memref<10240x128xf32, #tpu.memory_space<vmem_shared>>
        tpu.enqueue_indirect_dma source(%dma_start3A_311 : memref<64x128xf32, #tpu.memory_space<vmem>>) target(%dma_start3A_317 : memref<10240x128xf32, #tpu.memory_space<vmem_shared>>) offsets(%dma_start3A_314 : memref<64xi32, #tpu.memory_space<vmem>>) semaphore(%run_scoped3A : memref<!tpu.dma_semaphore, #tpu.memory_space<semaphore_mem>>) {add = true}
        %dma_wait3A_318 = arith.constant 0 : i32
        %dma_wait3A_319 = arith.constant 0 : i32
        %dma_wait3A_320 = tpu.memref_slice %arg8[%dma_wait3A_318, %dma_wait3A_319] : memref<256x128xf32, #tpu.memory_space<vmem>> -> memref<64x128xf32, #tpu.memory_space<vmem>>
        %dma_wait3A_321 = arith.constant 0 : i32
        %dma_wait3A_322 = tpu.memref_slice %arg7[%add3A_250, %dma_wait3A_321] : memref<40x64xi32, #tpu.memory_space<vmem>> -> memref<1x64xi32, #tpu.memory_space<vmem>>
        %dma_wait3A_323 = tpu.memref_squeeze %dma_wait3A_322 : memref<1x64xi32, #tpu.memory_space<vmem>> -> memref<64xi32, #tpu.memory_space<vmem>>
        %dma_wait3A_324 = arith.constant 0 : i32
        %dma_wait3A_325 = arith.constant 0 : i32
        %dma_wait3A_326 = tpu.memref_slice %arg9[%dma_wait3A_324, %dma_wait3A_325] : memref<10240x128xf32, #tpu.memory_space<vmem_shared>> -> memref<10240x128xf32, #tpu.memory_space<vmem_shared>>
        tpu.wait_indirect_dma semaphore(%run_scoped3A : memref<!tpu.dma_semaphore, #tpu.memory_space<semaphore_mem>>) src(%dma_wait3A_320 : memref<64x128xf32, #tpu.memory_space<vmem>>) dst(%dma_wait3A_326 : memref<10240x128xf32, #tpu.memory_space<vmem_shared>>)
        tpu.yield
      }) : () -> ()
      %lt3A = arith.constant 9 : i32
      %lt3A_259 = arith.cmpi slt, %scan3A_246, %lt3A : i32
      %convert_element_type3A = arith.extui %lt3A_259 : i1 to i32
      %cond3A = arith.constant 0 : i32
      %cond3A_260 = arith.cmpi ne, %convert_element_type3A, %cond3A : i32
      scf.if %cond3A_260 {
        %add3A_309 = arith.constant 4 : i32
        %add3A_310 = arith.addi %add3A_250, %add3A_309 : i32
        %dma_start3A_311 = arith.constant 0 : i32
        %dma_start3A_312 = arith.constant 0 : i32
        %dma_start3A_313 = tpu.memref_slice %arg8[%dma_start3A_311, %dma_start3A_312] : memref<256x128xf32, #tpu.memory_space<vmem>> -> memref<64x128xf32, #tpu.memory_space<vmem>>
        %dma_start3A_314 = arith.constant 0 : i32
        %dma_start3A_315 = tpu.memref_slice %arg6[%add3A_310, %dma_start3A_314] : memref<40x64xi32, #tpu.memory_space<vmem>> -> memref<1x64xi32, #tpu.memory_space<vmem>>
        %dma_start3A_316 = tpu.memref_squeeze %dma_start3A_315 : memref<1x64xi32, #tpu.memory_space<vmem>> -> memref<64xi32, #tpu.memory_space<vmem>>
        %dma_start3A_317 = arith.constant 0 : i32
        %dma_start3A_318 = arith.constant 0 : i32
        %dma_start3A_319 = tpu.memref_slice %arg2[%dma_start3A_317, %dma_start3A_318] : memref<10240x128xf32, #tpu.memory_space<hbm>> -> memref<10240x128xf32, #tpu.memory_space<hbm>>
        tpu.enqueue_indirect_dma source(%dma_start3A_319 : memref<10240x128xf32, #tpu.memory_space<hbm>>) target(%dma_start3A_313 : memref<64x128xf32, #tpu.memory_space<vmem>>) offsets(%dma_start3A_316 : memref<64xi32, #tpu.memory_space<vmem>>) semaphore(%arg10 : memref<!tpu.dma_semaphore, #tpu.memory_space<semaphore_mem>>)
      } else {
      }
      %add3A_261 = arith.constant 1 : i32
      %add3A_262 = arith.addi %mul3A_248, %add3A_261 : i32
      %dma_wait3A_263 = arith.constant 64 : i32
      %dma_wait3A_264 = arith.constant 0 : i32
      %dma_wait3A_265 = tpu.memref_slice %arg8[%dma_wait3A_263, %dma_wait3A_264] : memref<256x128xf32, #tpu.memory_space<vmem>> -> memref<64x128xf32, #tpu.memory_space<vmem>>
      %dma_wait3A_266 = arith.constant 0 : i32
      %dma_wait3A_267 = tpu.memref_slice %arg6[%add3A_262, %dma_wait3A_266] : memref<40x64xi32, #tpu.memory_space<vmem>> -> memref<1x64xi32, #tpu.memory_space<vmem>>
      %dma_wait3A_268 = tpu.memref_squeeze %dma_wait3A_267 : memref<1x64xi32, #tpu.memory_space<vmem>> -> memref<64xi32, #tpu.memory_space<vmem>>
      %dma_wait3A_269 = arith.constant 0 : i32
      %dma_wait3A_270 = arith.constant 0 : i32
      %dma_wait3A_271 = tpu.memref_slice %arg2[%dma_wait3A_269, %dma_wait3A_270] : memref<10240x128xf32, #tpu.memory_space<hbm>> -> memref<10240x128xf32, #tpu.memory_space<hbm>>
      tpu.wait_indirect_dma semaphore(%arg11 : memref<!tpu.dma_semaphore, #tpu.memory_space<semaphore_mem>>) src(%dma_wait3A_271 : memref<10240x128xf32, #tpu.memory_space<hbm>>) dst(%dma_wait3A_265 : memref<64x128xf32, #tpu.memory_space<vmem>>)
      "tpu.region"() ({
        %run_scoped3A = tpu.sem_alloc : memref<!tpu.dma_semaphore, #tpu.memory_space<semaphore_mem>>
        %dma_start3A_309 = arith.constant 64 : i32
        %dma_start3A_310 = arith.constant 0 : i32
        %dma_start3A_311 = tpu.memref_slice %arg8[%dma_start3A_309, %dma_start3A_310] : memref<256x128xf32, #tpu.memory_space<vmem>> -> memref<64x128xf32, #tpu.memory_space<vmem>>
        %dma_start3A_312 = arith.constant 0 : i32
        %dma_start3A_313 = tpu.memref_slice %arg7[%add3A_262, %dma_start3A_312] : memref<40x64xi32, #tpu.memory_space<vmem>> -> memref<1x64xi32, #tpu.memory_space<vmem>>
        %dma_start3A_314 = tpu.memref_squeeze %dma_start3A_313 : memref<1x64xi32, #tpu.memory_space<vmem>> -> memref<64xi32, #tpu.memory_space<vmem>>
        %dma_start3A_315 = arith.constant 0 : i32
        %dma_start3A_316 = arith.constant 0 : i32
        %dma_start3A_317 = tpu.memref_slice %arg9[%dma_start3A_315, %dma_start3A_316] : memref<10240x128xf32, #tpu.memory_space<vmem_shared>> -> memref<10240x128xf32, #tpu.memory_space<vmem_shared>>
        tpu.enqueue_indirect_dma source(%dma_start3A_311 : memref<64x128xf32, #tpu.memory_space<vmem>>) target(%dma_start3A_317 : memref<10240x128xf32, #tpu.memory_space<vmem_shared>>) offsets(%dma_start3A_314 : memref<64xi32, #tpu.memory_space<vmem>>) semaphore(%run_scoped3A : memref<!tpu.dma_semaphore, #tpu.memory_space<semaphore_mem>>) {add = true}
        %dma_wait3A_318 = arith.constant 64 : i32
        %dma_wait3A_319 = arith.constant 0 : i32
        %dma_wait3A_320 = tpu.memref_slice %arg8[%dma_wait3A_318, %dma_wait3A_319] : memref<256x128xf32, #tpu.memory_space<vmem>> -> memref<64x128xf32, #tpu.memory_space<vmem>>
        %dma_wait3A_321 = arith.constant 0 : i32
        %dma_wait3A_322 = tpu.memref_slice %arg7[%add3A_262, %dma_wait3A_321] : memref<40x64xi32, #tpu.memory_space<vmem>> -> memref<1x64xi32, #tpu.memory_space<vmem>>
        %dma_wait3A_323 = tpu.memref_squeeze %dma_wait3A_322 : memref<1x64xi32, #tpu.memory_space<vmem>> -> memref<64xi32, #tpu.memory_space<vmem>>
        %dma_wait3A_324 = arith.constant 0 : i32
        %dma_wait3A_325 = arith.constant 0 : i32
        %dma_wait3A_326 = tpu.memref_slice %arg9[%dma_wait3A_324, %dma_wait3A_325] : memref<10240x128xf32, #tpu.memory_space<vmem_shared>> -> memref<10240x128xf32, #tpu.memory_space<vmem_shared>>
        tpu.wait_indirect_dma semaphore(%run_scoped3A : memref<!tpu.dma_semaphore, #tpu.memory_space<semaphore_mem>>) src(%dma_wait3A_320 : memref<64x128xf32, #tpu.memory_space<vmem>>) dst(%dma_wait3A_326 : memref<10240x128xf32, #tpu.memory_space<vmem_shared>>)
        tpu.yield
      }) : () -> ()
      %lt3A_272 = arith.constant 9 : i32
      %lt3A_273 = arith.cmpi slt, %scan3A_246, %lt3A_272 : i32
      %convert_element_type3A_274 = arith.extui %lt3A_273 : i1 to i32
      %cond3A_275 = arith.constant 0 : i32
      %cond3A_276 = arith.cmpi ne, %convert_element_type3A_274, %cond3A_275 : i32
      scf.if %cond3A_276 {
        %add3A_309 = arith.constant 4 : i32
        %add3A_310 = arith.addi %add3A_262, %add3A_309 : i32
        %dma_start3A_311 = arith.constant 64 : i32
        %dma_start3A_312 = arith.constant 0 : i32
        %dma_start3A_313 = tpu.memref_slice %arg8[%dma_start3A_311, %dma_start3A_312] : memref<256x128xf32, #tpu.memory_space<vmem>> -> memref<64x128xf32, #tpu.memory_space<vmem>>
        %dma_start3A_314 = arith.constant 0 : i32
        %dma_start3A_315 = tpu.memref_slice %arg6[%add3A_310, %dma_start3A_314] : memref<40x64xi32, #tpu.memory_space<vmem>> -> memref<1x64xi32, #tpu.memory_space<vmem>>
        %dma_start3A_316 = tpu.memref_squeeze %dma_start3A_315 : memref<1x64xi32, #tpu.memory_space<vmem>> -> memref<64xi32, #tpu.memory_space<vmem>>
        %dma_start3A_317 = arith.constant 0 : i32
        %dma_start3A_318 = arith.constant 0 : i32
        %dma_start3A_319 = tpu.memref_slice %arg2[%dma_start3A_317, %dma_start3A_318] : memref<10240x128xf32, #tpu.memory_space<hbm>> -> memref<10240x128xf32, #tpu.memory_space<hbm>>
        tpu.enqueue_indirect_dma source(%dma_start3A_319 : memref<10240x128xf32, #tpu.memory_space<hbm>>) target(%dma_start3A_313 : memref<64x128xf32, #tpu.memory_space<vmem>>) offsets(%dma_start3A_316 : memref<64xi32, #tpu.memory_space<vmem>>) semaphore(%arg11 : memref<!tpu.dma_semaphore, #tpu.memory_space<semaphore_mem>>)
      } else {
      }
      %add3A_277 = arith.constant 2 : i32
      %add3A_278 = arith.addi %mul3A_248, %add3A_277 : i32
      %dma_wait3A_279 = arith.constant 128 : i32
      %dma_wait3A_280 = arith.constant 0 : i32
      %dma_wait3A_281 = tpu.memref_slice %arg8[%dma_wait3A_279, %dma_wait3A_280] : memref<256x128xf32, #tpu.memory_space<vmem>> -> memref<64x128xf32, #tpu.memory_space<vmem>>
      %dma_wait3A_282 = arith.constant 0 : i32
      %dma_wait3A_283 = tpu.memref_slice %arg6[%add3A_278, %dma_wait3A_282] : memref<40x64xi32, #tpu.memory_space<vmem>> -> memref<1x64xi32, #tpu.memory_space<vmem>>
      %dma_wait3A_284 = tpu.memref_squeeze %dma_wait3A_283 : memref<1x64xi32, #tpu.memory_space<vmem>> -> memref<64xi32, #tpu.memory_space<vmem>>
      %dma_wait3A_285 = arith.constant 0 : i32
      %dma_wait3A_286 = arith.constant 0 : i32
      %dma_wait3A_287 = tpu.memref_slice %arg2[%dma_wait3A_285, %dma_wait3A_286] : memref<10240x128xf32, #tpu.memory_space<hbm>> -> memref<10240x128xf32, #tpu.memory_space<hbm>>
      tpu.wait_indirect_dma semaphore(%arg12 : memref<!tpu.dma_semaphore, #tpu.memory_space<semaphore_mem>>) src(%dma_wait3A_287 : memref<10240x128xf32, #tpu.memory_space<hbm>>) dst(%dma_wait3A_281 : memref<64x128xf32, #tpu.memory_space<vmem>>)
      "tpu.region"() ({
        %run_scoped3A = tpu.sem_alloc : memref<!tpu.dma_semaphore, #tpu.memory_space<semaphore_mem>>
        %dma_start3A_309 = arith.constant 128 : i32
        %dma_start3A_310 = arith.constant 0 : i32
        %dma_start3A_311 = tpu.memref_slice %arg8[%dma_start3A_309, %dma_start3A_310] : memref<256x128xf32, #tpu.memory_space<vmem>> -> memref<64x128xf32, #tpu.memory_space<vmem>>
        %dma_start3A_312 = arith.constant 0 : i32
        %dma_start3A_313 = tpu.memref_slice %arg7[%add3A_278, %dma_start3A_312] : memref<40x64xi32, #tpu.memory_space<vmem>> -> memref<1x64xi32, #tpu.memory_space<vmem>>
        %dma_start3A_314 = tpu.memref_squeeze %dma_start3A_313 : memref<1x64xi32, #tpu.memory_space<vmem>> -> memref<64xi32, #tpu.memory_space<vmem>>
        %dma_start3A_315 = arith.constant 0 : i32
        %dma_start3A_316 = arith.constant 0 : i32
        %dma_start3A_317 = tpu.memref_slice %arg9[%dma_start3A_315, %dma_start3A_316] : memref<10240x128xf32, #tpu.memory_space<vmem_shared>> -> memref<10240x128xf32, #tpu.memory_space<vmem_shared>>
        tpu.enqueue_indirect_dma source(%dma_start3A_311 : memref<64x128xf32, #tpu.memory_space<vmem>>) target(%dma_start3A_317 : memref<10240x128xf32, #tpu.memory_space<vmem_shared>>) offsets(%dma_start3A_314 : memref<64xi32, #tpu.memory_space<vmem>>) semaphore(%run_scoped3A : memref<!tpu.dma_semaphore, #tpu.memory_space<semaphore_mem>>) {add = true}
        %dma_wait3A_318 = arith.constant 128 : i32
        %dma_wait3A_319 = arith.constant 0 : i32
        %dma_wait3A_320 = tpu.memref_slice %arg8[%dma_wait3A_318, %dma_wait3A_319] : memref<256x128xf32, #tpu.memory_space<vmem>> -> memref<64x128xf32, #tpu.memory_space<vmem>>
        %dma_wait3A_321 = arith.constant 0 : i32
        %dma_wait3A_322 = tpu.memref_slice %arg7[%add3A_278, %dma_wait3A_321] : memref<40x64xi32, #tpu.memory_space<vmem>> -> memref<1x64xi32, #tpu.memory_space<vmem>>
        %dma_wait3A_323 = tpu.memref_squeeze %dma_wait3A_322 : memref<1x64xi32, #tpu.memory_space<vmem>> -> memref<64xi32, #tpu.memory_space<vmem>>
        %dma_wait3A_324 = arith.constant 0 : i32
        %dma_wait3A_325 = arith.constant 0 : i32
        %dma_wait3A_326 = tpu.memref_slice %arg9[%dma_wait3A_324, %dma_wait3A_325] : memref<10240x128xf32, #tpu.memory_space<vmem_shared>> -> memref<10240x128xf32, #tpu.memory_space<vmem_shared>>
        tpu.wait_indirect_dma semaphore(%run_scoped3A : memref<!tpu.dma_semaphore, #tpu.memory_space<semaphore_mem>>) src(%dma_wait3A_320 : memref<64x128xf32, #tpu.memory_space<vmem>>) dst(%dma_wait3A_326 : memref<10240x128xf32, #tpu.memory_space<vmem_shared>>)
        tpu.yield
      }) : () -> ()
      %lt3A_288 = arith.constant 9 : i32
      %lt3A_289 = arith.cmpi slt, %scan3A_246, %lt3A_288 : i32
      %convert_element_type3A_290 = arith.extui %lt3A_289 : i1 to i32
      %cond3A_291 = arith.constant 0 : i32
      %cond3A_292 = arith.cmpi ne, %convert_element_type3A_290, %cond3A_291 : i32
      scf.if %cond3A_292 {
        %add3A_309 = arith.constant 4 : i32
        %add3A_310 = arith.addi %add3A_278, %add3A_309 : i32
        %dma_start3A_311 = arith.constant 128 : i32
        %dma_start3A_312 = arith.constant 0 : i32
        %dma_start3A_313 = tpu.memref_slice %arg8[%dma_start3A_311, %dma_start3A_312] : memref<256x128xf32, #tpu.memory_space<vmem>> -> memref<64x128xf32, #tpu.memory_space<vmem>>
        %dma_start3A_314 = arith.constant 0 : i32
        %dma_start3A_315 = tpu.memref_slice %arg6[%add3A_310, %dma_start3A_314] : memref<40x64xi32, #tpu.memory_space<vmem>> -> memref<1x64xi32, #tpu.memory_space<vmem>>
        %dma_start3A_316 = tpu.memref_squeeze %dma_start3A_315 : memref<1x64xi32, #tpu.memory_space<vmem>> -> memref<64xi32, #tpu.memory_space<vmem>>
        %dma_start3A_317 = arith.constant 0 : i32
        %dma_start3A_318 = arith.constant 0 : i32
        %dma_start3A_319 = tpu.memref_slice %arg2[%dma_start3A_317, %dma_start3A_318] : memref<10240x128xf32, #tpu.memory_space<hbm>> -> memref<10240x128xf32, #tpu.memory_space<hbm>>
        tpu.enqueue_indirect_dma source(%dma_start3A_319 : memref<10240x128xf32, #tpu.memory_space<hbm>>) target(%dma_start3A_313 : memref<64x128xf32, #tpu.memory_space<vmem>>) offsets(%dma_start3A_316 : memref<64xi32, #tpu.memory_space<vmem>>) semaphore(%arg12 : memref<!tpu.dma_semaphore, #tpu.memory_space<semaphore_mem>>)
      } else {
      }
      %add3A_293 = arith.constant 3 : i32
      %add3A_294 = arith.addi %mul3A_248, %add3A_293 : i32
      %dma_wait3A_295 = arith.constant 192 : i32
      %dma_wait3A_296 = arith.constant 0 : i32
      %dma_wait3A_297 = tpu.memref_slice %arg8[%dma_wait3A_295, %dma_wait3A_296] : memref<256x128xf32, #tpu.memory_space<vmem>> -> memref<64x128xf32, #tpu.memory_space<vmem>>
      %dma_wait3A_298 = arith.constant 0 : i32
      %dma_wait3A_299 = tpu.memref_slice %arg6[%add3A_294, %dma_wait3A_298] : memref<40x64xi32, #tpu.memory_space<vmem>> -> memref<1x64xi32, #tpu.memory_space<vmem>>
      %dma_wait3A_300 = tpu.memref_squeeze %dma_wait3A_299 : memref<1x64xi32, #tpu.memory_space<vmem>> -> memref<64xi32, #tpu.memory_space<vmem>>
      %dma_wait3A_301 = arith.constant 0 : i32
      %dma_wait3A_302 = arith.constant 0 : i32
      %dma_wait3A_303 = tpu.memref_slice %arg2[%dma_wait3A_301, %dma_wait3A_302] : memref<10240x128xf32, #tpu.memory_space<hbm>> -> memref<10240x128xf32, #tpu.memory_space<hbm>>
      tpu.wait_indirect_dma semaphore(%arg13 : memref<!tpu.dma_semaphore, #tpu.memory_space<semaphore_mem>>) src(%dma_wait3A_303 : memref<10240x128xf32, #tpu.memory_space<hbm>>) dst(%dma_wait3A_297 : memref<64x128xf32, #tpu.memory_space<vmem>>)
      "tpu.region"() ({
        %run_scoped3A = tpu.sem_alloc : memref<!tpu.dma_semaphore, #tpu.memory_space<semaphore_mem>>
        %dma_start3A_309 = arith.constant 192 : i32
        %dma_start3A_310 = arith.constant 0 : i32
        %dma_start3A_311 = tpu.memref_slice %arg8[%dma_start3A_309, %dma_start3A_310] : memref<256x128xf32, #tpu.memory_space<vmem>> -> memref<64x128xf32, #tpu.memory_space<vmem>>
        %dma_start3A_312 = arith.constant 0 : i32
        %dma_start3A_313 = tpu.memref_slice %arg7[%add3A_294, %dma_start3A_312] : memref<40x64xi32, #tpu.memory_space<vmem>> -> memref<1x64xi32, #tpu.memory_space<vmem>>
        %dma_start3A_314 = tpu.memref_squeeze %dma_start3A_313 : memref<1x64xi32, #tpu.memory_space<vmem>> -> memref<64xi32, #tpu.memory_space<vmem>>
        %dma_start3A_315 = arith.constant 0 : i32
        %dma_start3A_316 = arith.constant 0 : i32
        %dma_start3A_317 = tpu.memref_slice %arg9[%dma_start3A_315, %dma_start3A_316] : memref<10240x128xf32, #tpu.memory_space<vmem_shared>> -> memref<10240x128xf32, #tpu.memory_space<vmem_shared>>
        tpu.enqueue_indirect_dma source(%dma_start3A_311 : memref<64x128xf32, #tpu.memory_space<vmem>>) target(%dma_start3A_317 : memref<10240x128xf32, #tpu.memory_space<vmem_shared>>) offsets(%dma_start3A_314 : memref<64xi32, #tpu.memory_space<vmem>>) semaphore(%run_scoped3A : memref<!tpu.dma_semaphore, #tpu.memory_space<semaphore_mem>>) {add = true}
        %dma_wait3A_318 = arith.constant 192 : i32
        %dma_wait3A_319 = arith.constant 0 : i32
        %dma_wait3A_320 = tpu.memref_slice %arg8[%dma_wait3A_318, %dma_wait3A_319] : memref<256x128xf32, #tpu.memory_space<vmem>> -> memref<64x128xf32, #tpu.memory_space<vmem>>
        %dma_wait3A_321 = arith.constant 0 : i32
        %dma_wait3A_322 = tpu.memref_slice %arg7[%add3A_294, %dma_wait3A_321] : memref<40x64xi32, #tpu.memory_space<vmem>> -> memref<1x64xi32, #tpu.memory_space<vmem>>
        %dma_wait3A_323 = tpu.memref_squeeze %dma_wait3A_322 : memref<1x64xi32, #tpu.memory_space<vmem>> -> memref<64xi32, #tpu.memory_space<vmem>>
        %dma_wait3A_324 = arith.constant 0 : i32
        %dma_wait3A_325 = arith.constant 0 : i32
        %dma_wait3A_326 = tpu.memref_slice %arg9[%dma_wait3A_324, %dma_wait3A_325] : memref<10240x128xf32, #tpu.memory_space<vmem_shared>> -> memref<10240x128xf32, #tpu.memory_space<vmem_shared>>
        tpu.wait_indirect_dma semaphore(%run_scoped3A : memref<!tpu.dma_semaphore, #tpu.memory_space<semaphore_mem>>) src(%dma_wait3A_320 : memref<64x128xf32, #tpu.memory_space<vmem>>) dst(%dma_wait3A_326 : memref<10240x128xf32, #tpu.memory_space<vmem_shared>>)
        tpu.yield
      }) : () -> ()
      %lt3A_304 = arith.constant 9 : i32
      %lt3A_305 = arith.cmpi slt, %scan3A_246, %lt3A_304 : i32
      %convert_element_type3A_306 = arith.extui %lt3A_305 : i1 to i32
      %cond3A_307 = arith.constant 0 : i32
      %cond3A_308 = arith.cmpi ne, %convert_element_type3A_306, %cond3A_307 : i32
      scf.if %cond3A_308 {
        %add3A_309 = arith.constant 4 : i32
        %add3A_310 = arith.addi %add3A_294, %add3A_309 : i32
        %dma_start3A_311 = arith.constant 192 : i32
        %dma_start3A_312 = arith.constant 0 : i32
        %dma_start3A_313 = tpu.memref_slice %arg8[%dma_start3A_311, %dma_start3A_312] : memref<256x128xf32, #tpu.memory_space<vmem>> -> memref<64x128xf32, #tpu.memory_space<vmem>>
        %dma_start3A_314 = arith.constant 0 : i32
        %dma_start3A_315 = tpu.memref_slice %arg6[%add3A_310, %dma_start3A_314] : memref<40x64xi32, #tpu.memory_space<vmem>> -> memref<1x64xi32, #tpu.memory_space<vmem>>
        %dma_start3A_316 = tpu.memref_squeeze %dma_start3A_315 : memref<1x64xi32, #tpu.memory_space<vmem>> -> memref<64xi32, #tpu.memory_space<vmem>>
        %dma_start3A_317 = arith.constant 0 : i32
        %dma_start3A_318 = arith.constant 0 : i32
        %dma_start3A_319 = tpu.memref_slice %arg2[%dma_start3A_317, %dma_start3A_318] : memref<10240x128xf32, #tpu.memory_space<hbm>> -> memref<10240x128xf32, #tpu.memory_space<hbm>>
        tpu.enqueue_indirect_dma source(%dma_start3A_319 : memref<10240x128xf32, #tpu.memory_space<hbm>>) target(%dma_start3A_313 : memref<64x128xf32, #tpu.memory_space<vmem>>) offsets(%dma_start3A_316 : memref<64xi32, #tpu.memory_space<vmem>>) semaphore(%arg13 : memref<!tpu.dma_semaphore, #tpu.memory_space<semaphore_mem>>)
      } else {
      }
    }
    %scan3A_78 = arith.constant 10 : i32
    %mul3A_79 = arith.constant 160 : i32
    %mul3A_80 = arith.muli %add3A, %mul3A_79 : i32
    %add3A_81 = arith.constant 40 : i32
    %add3A_82 = arith.addi %mul3A_80, %add3A_81 : i32
    "tpu.region"() ({
      %run_scoped3A = tpu.sem_alloc : memref<!tpu.dma_semaphore, #tpu.memory_space<semaphore_mem>>
      %dma_start3A_246 = arith.constant 0 : i32
      %dma_start3A_247 = tpu.memref_slice %arg3[%add3A_82, %dma_start3A_246] : memref<5120x64xi32, #tpu.memory_space<hbm>> -> memref<40x64xi32, #tpu.memory_space<hbm>>
      %dma_start3A_248 = arith.constant 0 : i32
      %dma_start3A_249 = tpu.memref_slice %arg3[%add3A_82, %dma_start3A_248] : memref<5120x64xi32, #tpu.memory_space<hbm>> -> memref<40x64xi32, #tpu.memory_space<hbm>>
      tpu.enqueue_dma source(%dma_start3A_249 : memref<40x64xi32, #tpu.memory_space<hbm>>) target(%arg6 : memref<40x64xi32, #tpu.memory_space<vmem>>) target_semaphore(%run_scoped3A : memref<!tpu.dma_semaphore, #tpu.memory_space<semaphore_mem>>)
      %dma_wait3A = arith.constant 0 : i32
      %dma_wait3A_250 = tpu.memref_slice %arg3[%add3A_82, %dma_wait3A] : memref<5120x64xi32, #tpu.memory_space<hbm>> -> memref<40x64xi32, #tpu.memory_space<hbm>>
      %dma_wait3A_251 = arith.constant 0 : i32
      %dma_wait3A_252 = tpu.memref_slice %arg3[%add3A_82, %dma_wait3A_251] : memref<5120x64xi32, #tpu.memory_space<hbm>> -> memref<40x64xi32, #tpu.memory_space<hbm>>
      tpu.wait_dma2 semaphore(%run_scoped3A : memref<!tpu.dma_semaphore, #tpu.memory_space<semaphore_mem>>) src(%dma_wait3A_252 : memref<40x64xi32, #tpu.memory_space<hbm>>) dst(%arg6 : memref<40x64xi32, #tpu.memory_space<vmem>>)
      tpu.yield
    }) : () -> ()
    %mul3A_83 = arith.constant 160 : i32
    %mul3A_84 = arith.muli %add3A, %mul3A_83 : i32
    %add3A_85 = arith.constant 40 : i32
    %add3A_86 = arith.addi %mul3A_84, %add3A_85 : i32
    "tpu.region"() ({
      %run_scoped3A = tpu.sem_alloc : memref<!tpu.dma_semaphore, #tpu.memory_space<semaphore_mem>>
      %dma_start3A_246 = arith.constant 0 : i32
      %dma_start3A_247 = tpu.memref_slice %arg4[%add3A_86, %dma_start3A_246] : memref<5120x64xi32, #tpu.memory_space<hbm>> -> memref<40x64xi32, #tpu.memory_space<hbm>>
      %dma_start3A_248 = arith.constant 0 : i32
      %dma_start3A_249 = tpu.memref_slice %arg4[%add3A_86, %dma_start3A_248] : memref<5120x64xi32, #tpu.memory_space<hbm>> -> memref<40x64xi32, #tpu.memory_space<hbm>>
      tpu.enqueue_dma source(%dma_start3A_249 : memref<40x64xi32, #tpu.memory_space<hbm>>) target(%arg7 : memref<40x64xi32, #tpu.memory_space<vmem>>) target_semaphore(%run_scoped3A : memref<!tpu.dma_semaphore, #tpu.memory_space<semaphore_mem>>)
      %dma_wait3A = arith.constant 0 : i32
      %dma_wait3A_250 = tpu.memref_slice %arg4[%add3A_86, %dma_wait3A] : memref<5120x64xi32, #tpu.memory_space<hbm>> -> memref<40x64xi32, #tpu.memory_space<hbm>>
      %dma_wait3A_251 = arith.constant 0 : i32
      %dma_wait3A_252 = tpu.memref_slice %arg4[%add3A_86, %dma_wait3A_251] : memref<5120x64xi32, #tpu.memory_space<hbm>> -> memref<40x64xi32, #tpu.memory_space<hbm>>
      tpu.wait_dma2 semaphore(%run_scoped3A : memref<!tpu.dma_semaphore, #tpu.memory_space<semaphore_mem>>) src(%dma_wait3A_252 : memref<40x64xi32, #tpu.memory_space<hbm>>) dst(%arg7 : memref<40x64xi32, #tpu.memory_space<vmem>>)
      tpu.yield
    }) : () -> ()
    %dma_start3A_87 = arith.constant 0 : i32
    %dma_start3A_88 = arith.constant 0 : i32
    %dma_start3A_89 = arith.constant 0 : i32
    %dma_start3A_90 = tpu.memref_slice %arg8[%dma_start3A_88, %dma_start3A_89] : memref<256x128xf32, #tpu.memory_space<vmem>> -> memref<64x128xf32, #tpu.memory_space<vmem>>
    %dma_start3A_91 = arith.constant 0 : i32
    %dma_start3A_92 = tpu.memref_slice %arg6[%dma_start3A_87, %dma_start3A_91] : memref<40x64xi32, #tpu.memory_space<vmem>> -> memref<1x64xi32, #tpu.memory_space<vmem>>
    %dma_start3A_93 = tpu.memref_squeeze %dma_start3A_92 : memref<1x64xi32, #tpu.memory_space<vmem>> -> memref<64xi32, #tpu.memory_space<vmem>>
    %dma_start3A_94 = arith.constant 0 : i32
    %dma_start3A_95 = arith.constant 0 : i32
    %dma_start3A_96 = tpu.memref_slice %arg2[%dma_start3A_94, %dma_start3A_95] : memref<10240x128xf32, #tpu.memory_space<hbm>> -> memref<10240x128xf32, #tpu.memory_space<hbm>>
    tpu.enqueue_indirect_dma source(%dma_start3A_96 : memref<10240x128xf32, #tpu.memory_space<hbm>>) target(%dma_start3A_90 : memref<64x128xf32, #tpu.memory_space<vmem>>) offsets(%dma_start3A_93 : memref<64xi32, #tpu.memory_space<vmem>>) semaphore(%arg10 : memref<!tpu.dma_semaphore, #tpu.memory_space<semaphore_mem>>)
    %dma_start3A_97 = arith.constant 1 : i32
    %dma_start3A_98 = arith.constant 64 : i32
    %dma_start3A_99 = arith.constant 0 : i32
    %dma_start3A_100 = tpu.memref_slice %arg8[%dma_start3A_98, %dma_start3A_99] : memref<256x128xf32, #tpu.memory_space<vmem>> -> memref<64x128xf32, #tpu.memory_space<vmem>>
    %dma_start3A_101 = arith.constant 0 : i32
    %dma_start3A_102 = tpu.memref_slice %arg6[%dma_start3A_97, %dma_start3A_101] : memref<40x64xi32, #tpu.memory_space<vmem>> -> memref<1x64xi32, #tpu.memory_space<vmem>>
    %dma_start3A_103 = tpu.memref_squeeze %dma_start3A_102 : memref<1x64xi32, #tpu.memory_space<vmem>> -> memref<64xi32, #tpu.memory_space<vmem>>
    %dma_start3A_104 = arith.constant 0 : i32
    %dma_start3A_105 = arith.constant 0 : i32
    %dma_start3A_106 = tpu.memref_slice %arg2[%dma_start3A_104, %dma_start3A_105] : memref<10240x128xf32, #tpu.memory_space<hbm>> -> memref<10240x128xf32, #tpu.memory_space<hbm>>
    tpu.enqueue_indirect_dma source(%dma_start3A_106 : memref<10240x128xf32, #tpu.memory_space<hbm>>) target(%dma_start3A_100 : memref<64x128xf32, #tpu.memory_space<vmem>>) offsets(%dma_start3A_103 : memref<64xi32, #tpu.memory_space<vmem>>) semaphore(%arg11 : memref<!tpu.dma_semaphore, #tpu.memory_space<semaphore_mem>>)
    %dma_start3A_107 = arith.constant 2 : i32
    %dma_start3A_108 = arith.constant 128 : i32
    %dma_start3A_109 = arith.constant 0 : i32
    %dma_start3A_110 = tpu.memref_slice %arg8[%dma_start3A_108, %dma_start3A_109] : memref<256x128xf32, #tpu.memory_space<vmem>> -> memref<64x128xf32, #tpu.memory_space<vmem>>
    %dma_start3A_111 = arith.constant 0 : i32
    %dma_start3A_112 = tpu.memref_slice %arg6[%dma_start3A_107, %dma_start3A_111] : memref<40x64xi32, #tpu.memory_space<vmem>> -> memref<1x64xi32, #tpu.memory_space<vmem>>
    %dma_start3A_113 = tpu.memref_squeeze %dma_start3A_112 : memref<1x64xi32, #tpu.memory_space<vmem>> -> memref<64xi32, #tpu.memory_space<vmem>>
    %dma_start3A_114 = arith.constant 0 : i32
    %dma_start3A_115 = arith.constant 0 : i32
    %dma_start3A_116 = tpu.memref_slice %arg2[%dma_start3A_114, %dma_start3A_115] : memref<10240x128xf32, #tpu.memory_space<hbm>> -> memref<10240x128xf32, #tpu.memory_space<hbm>>
    tpu.enqueue_indirect_dma source(%dma_start3A_116 : memref<10240x128xf32, #tpu.memory_space<hbm>>) target(%dma_start3A_110 : memref<64x128xf32, #tpu.memory_space<vmem>>) offsets(%dma_start3A_113 : memref<64xi32, #tpu.memory_space<vmem>>) semaphore(%arg12 : memref<!tpu.dma_semaphore, #tpu.memory_space<semaphore_mem>>)
    %dma_start3A_117 = arith.constant 3 : i32
    %dma_start3A_118 = arith.constant 192 : i32
    %dma_start3A_119 = arith.constant 0 : i32
    %dma_start3A_120 = tpu.memref_slice %arg8[%dma_start3A_118, %dma_start3A_119] : memref<256x128xf32, #tpu.memory_space<vmem>> -> memref<64x128xf32, #tpu.memory_space<vmem>>
    %dma_start3A_121 = arith.constant 0 : i32
    %dma_start3A_122 = tpu.memref_slice %arg6[%dma_start3A_117, %dma_start3A_121] : memref<40x64xi32, #tpu.memory_space<vmem>> -> memref<1x64xi32, #tpu.memory_space<vmem>>
    %dma_start3A_123 = tpu.memref_squeeze %dma_start3A_122 : memref<1x64xi32, #tpu.memory_space<vmem>> -> memref<64xi32, #tpu.memory_space<vmem>>
    %dma_start3A_124 = arith.constant 0 : i32
    %dma_start3A_125 = arith.constant 0 : i32
    %dma_start3A_126 = tpu.memref_slice %arg2[%dma_start3A_124, %dma_start3A_125] : memref<10240x128xf32, #tpu.memory_space<hbm>> -> memref<10240x128xf32, #tpu.memory_space<hbm>>
    tpu.enqueue_indirect_dma source(%dma_start3A_126 : memref<10240x128xf32, #tpu.memory_space<hbm>>) target(%dma_start3A_120 : memref<64x128xf32, #tpu.memory_space<vmem>>) offsets(%dma_start3A_123 : memref<64xi32, #tpu.memory_space<vmem>>) semaphore(%arg13 : memref<!tpu.dma_semaphore, #tpu.memory_space<semaphore_mem>>)
    %scan3A_127 = arith.constant 0 : i32
    %scan3A_128 = arith.constant 0 : i32
    %scan3A_129 = arith.constant 10 : i32
    %scan3A_130 = arith.addi %scan3A_128, %scan3A_129 : i32
    %scan3A_131 = arith.constant 1 : i32
    scf.for %scan3A_246 = %scan3A_128 to %scan3A_130 step %scan3A_131  : i32 {
      %mul3A_247 = arith.constant 4 : i32
      %mul3A_248 = arith.muli %mul3A_247, %scan3A_246 : i32
      %add3A_249 = arith.constant 0 : i32
      %add3A_250 = arith.addi %mul3A_248, %add3A_249 : i32
      %dma_wait3A = arith.constant 0 : i32
      %dma_wait3A_251 = arith.constant 0 : i32
      %dma_wait3A_252 = tpu.memref_slice %arg8[%dma_wait3A, %dma_wait3A_251] : memref<256x128xf32, #tpu.memory_space<vmem>> -> memref<64x128xf32, #tpu.memory_space<vmem>>
      %dma_wait3A_253 = arith.constant 0 : i32
      %dma_wait3A_254 = tpu.memref_slice %arg6[%add3A_250, %dma_wait3A_253] : memref<40x64xi32, #tpu.memory_space<vmem>> -> memref<1x64xi32, #tpu.memory_space<vmem>>
      %dma_wait3A_255 = tpu.memref_squeeze %dma_wait3A_254 : memref<1x64xi32, #tpu.memory_space<vmem>> -> memref<64xi32, #tpu.memory_space<vmem>>
      %dma_wait3A_256 = arith.constant 0 : i32
      %dma_wait3A_257 = arith.constant 0 : i32
      %dma_wait3A_258 = tpu.memref_slice %arg2[%dma_wait3A_256, %dma_wait3A_257] : memref<10240x128xf32, #tpu.memory_space<hbm>> -> memref<10240x128xf32, #tpu.memory_space<hbm>>
      tpu.wait_indirect_dma semaphore(%arg10 : memref<!tpu.dma_semaphore, #tpu.memory_space<semaphore_mem>>) src(%dma_wait3A_258 : memref<10240x128xf32, #tpu.memory_space<hbm>>) dst(%dma_wait3A_252 : memref<64x128xf32, #tpu.memory_space<vmem>>)
      "tpu.region"() ({
        %run_scoped3A = tpu.sem_alloc : memref<!tpu.dma_semaphore, #tpu.memory_space<semaphore_mem>>
        %dma_start3A_309 = arith.constant 0 : i32
        %dma_start3A_310 = arith.constant 0 : i32
        %dma_start3A_311 = tpu.memref_slice %arg8[%dma_start3A_309, %dma_start3A_310] : memref<256x128xf32, #tpu.memory_space<vmem>> -> memref<64x128xf32, #tpu.memory_space<vmem>>
        %dma_start3A_312 = arith.constant 0 : i32
        %dma_start3A_313 = tpu.memref_slice %arg7[%add3A_250, %dma_start3A_312] : memref<40x64xi32, #tpu.memory_space<vmem>> -> memref<1x64xi32, #tpu.memory_space<vmem>>
        %dma_start3A_314 = tpu.memref_squeeze %dma_start3A_313 : memref<1x64xi32, #tpu.memory_space<vmem>> -> memref<64xi32, #tpu.memory_space<vmem>>
        %dma_start3A_315 = arith.constant 0 : i32
        %dma_start3A_316 = arith.constant 0 : i32
        %dma_start3A_317 = tpu.memref_slice %arg9[%dma_start3A_315, %dma_start3A_316] : memref<10240x128xf32, #tpu.memory_space<vmem_shared>> -> memref<10240x128xf32, #tpu.memory_space<vmem_shared>>
        tpu.enqueue_indirect_dma source(%dma_start3A_311 : memref<64x128xf32, #tpu.memory_space<vmem>>) target(%dma_start3A_317 : memref<10240x128xf32, #tpu.memory_space<vmem_shared>>) offsets(%dma_start3A_314 : memref<64xi32, #tpu.memory_space<vmem>>) semaphore(%run_scoped3A : memref<!tpu.dma_semaphore, #tpu.memory_space<semaphore_mem>>) {add = true}
        %dma_wait3A_318 = arith.constant 0 : i32
        %dma_wait3A_319 = arith.constant 0 : i32
        %dma_wait3A_320 = tpu.memref_slice %arg8[%dma_wait3A_318, %dma_wait3A_319] : memref<256x128xf32, #tpu.memory_space<vmem>> -> memref<64x128xf32, #tpu.memory_space<vmem>>
        %dma_wait3A_321 = arith.constant 0 : i32
        %dma_wait3A_322 = tpu.memref_slice %arg7[%add3A_250, %dma_wait3A_321] : memref<40x64xi32, #tpu.memory_space<vmem>> -> memref<1x64xi32, #tpu.memory_space<vmem>>
        %dma_wait3A_323 = tpu.memref_squeeze %dma_wait3A_322 : memref<1x64xi32, #tpu.memory_space<vmem>> -> memref<64xi32, #tpu.memory_space<vmem>>
        %dma_wait3A_324 = arith.constant 0 : i32
        %dma_wait3A_325 = arith.constant 0 : i32
        %dma_wait3A_326 = tpu.memref_slice %arg9[%dma_wait3A_324, %dma_wait3A_325] : memref<10240x128xf32, #tpu.memory_space<vmem_shared>> -> memref<10240x128xf32, #tpu.memory_space<vmem_shared>>
        tpu.wait_indirect_dma semaphore(%run_scoped3A : memref<!tpu.dma_semaphore, #tpu.memory_space<semaphore_mem>>) src(%dma_wait3A_320 : memref<64x128xf32, #tpu.memory_space<vmem>>) dst(%dma_wait3A_326 : memref<10240x128xf32, #tpu.memory_space<vmem_shared>>)
        tpu.yield
      }) : () -> ()
      %lt3A = arith.constant 9 : i32
      %lt3A_259 = arith.cmpi slt, %scan3A_246, %lt3A : i32
      %convert_element_type3A = arith.extui %lt3A_259 : i1 to i32
      %cond3A = arith.constant 0 : i32
      %cond3A_260 = arith.cmpi ne, %convert_element_type3A, %cond3A : i32
      scf.if %cond3A_260 {
        %add3A_309 = arith.constant 4 : i32
        %add3A_310 = arith.addi %add3A_250, %add3A_309 : i32
        %dma_start3A_311 = arith.constant 0 : i32
        %dma_start3A_312 = arith.constant 0 : i32
        %dma_start3A_313 = tpu.memref_slice %arg8[%dma_start3A_311, %dma_start3A_312] : memref<256x128xf32, #tpu.memory_space<vmem>> -> memref<64x128xf32, #tpu.memory_space<vmem>>
        %dma_start3A_314 = arith.constant 0 : i32
        %dma_start3A_315 = tpu.memref_slice %arg6[%add3A_310, %dma_start3A_314] : memref<40x64xi32, #tpu.memory_space<vmem>> -> memref<1x64xi32, #tpu.memory_space<vmem>>
        %dma_start3A_316 = tpu.memref_squeeze %dma_start3A_315 : memref<1x64xi32, #tpu.memory_space<vmem>> -> memref<64xi32, #tpu.memory_space<vmem>>
        %dma_start3A_317 = arith.constant 0 : i32
        %dma_start3A_318 = arith.constant 0 : i32
        %dma_start3A_319 = tpu.memref_slice %arg2[%dma_start3A_317, %dma_start3A_318] : memref<10240x128xf32, #tpu.memory_space<hbm>> -> memref<10240x128xf32, #tpu.memory_space<hbm>>
        tpu.enqueue_indirect_dma source(%dma_start3A_319 : memref<10240x128xf32, #tpu.memory_space<hbm>>) target(%dma_start3A_313 : memref<64x128xf32, #tpu.memory_space<vmem>>) offsets(%dma_start3A_316 : memref<64xi32, #tpu.memory_space<vmem>>) semaphore(%arg10 : memref<!tpu.dma_semaphore, #tpu.memory_space<semaphore_mem>>)
      } else {
      }
      %add3A_261 = arith.constant 1 : i32
      %add3A_262 = arith.addi %mul3A_248, %add3A_261 : i32
      %dma_wait3A_263 = arith.constant 64 : i32
      %dma_wait3A_264 = arith.constant 0 : i32
      %dma_wait3A_265 = tpu.memref_slice %arg8[%dma_wait3A_263, %dma_wait3A_264] : memref<256x128xf32, #tpu.memory_space<vmem>> -> memref<64x128xf32, #tpu.memory_space<vmem>>
      %dma_wait3A_266 = arith.constant 0 : i32
      %dma_wait3A_267 = tpu.memref_slice %arg6[%add3A_262, %dma_wait3A_266] : memref<40x64xi32, #tpu.memory_space<vmem>> -> memref<1x64xi32, #tpu.memory_space<vmem>>
      %dma_wait3A_268 = tpu.memref_squeeze %dma_wait3A_267 : memref<1x64xi32, #tpu.memory_space<vmem>> -> memref<64xi32, #tpu.memory_space<vmem>>
      %dma_wait3A_269 = arith.constant 0 : i32
      %dma_wait3A_270 = arith.constant 0 : i32
      %dma_wait3A_271 = tpu.memref_slice %arg2[%dma_wait3A_269, %dma_wait3A_270] : memref<10240x128xf32, #tpu.memory_space<hbm>> -> memref<10240x128xf32, #tpu.memory_space<hbm>>
      tpu.wait_indirect_dma semaphore(%arg11 : memref<!tpu.dma_semaphore, #tpu.memory_space<semaphore_mem>>) src(%dma_wait3A_271 : memref<10240x128xf32, #tpu.memory_space<hbm>>) dst(%dma_wait3A_265 : memref<64x128xf32, #tpu.memory_space<vmem>>)
      "tpu.region"() ({
        %run_scoped3A = tpu.sem_alloc : memref<!tpu.dma_semaphore, #tpu.memory_space<semaphore_mem>>
        %dma_start3A_309 = arith.constant 64 : i32
        %dma_start3A_310 = arith.constant 0 : i32
        %dma_start3A_311 = tpu.memref_slice %arg8[%dma_start3A_309, %dma_start3A_310] : memref<256x128xf32, #tpu.memory_space<vmem>> -> memref<64x128xf32, #tpu.memory_space<vmem>>
        %dma_start3A_312 = arith.constant 0 : i32
        %dma_start3A_313 = tpu.memref_slice %arg7[%add3A_262, %dma_start3A_312] : memref<40x64xi32, #tpu.memory_space<vmem>> -> memref<1x64xi32, #tpu.memory_space<vmem>>
        %dma_start3A_314 = tpu.memref_squeeze %dma_start3A_313 : memref<1x64xi32, #tpu.memory_space<vmem>> -> memref<64xi32, #tpu.memory_space<vmem>>
        %dma_start3A_315 = arith.constant 0 : i32
        %dma_start3A_316 = arith.constant 0 : i32
        %dma_start3A_317 = tpu.memref_slice %arg9[%dma_start3A_315, %dma_start3A_316] : memref<10240x128xf32, #tpu.memory_space<vmem_shared>> -> memref<10240x128xf32, #tpu.memory_space<vmem_shared>>
        tpu.enqueue_indirect_dma source(%dma_start3A_311 : memref<64x128xf32, #tpu.memory_space<vmem>>) target(%dma_start3A_317 : memref<10240x128xf32, #tpu.memory_space<vmem_shared>>) offsets(%dma_start3A_314 : memref<64xi32, #tpu.memory_space<vmem>>) semaphore(%run_scoped3A : memref<!tpu.dma_semaphore, #tpu.memory_space<semaphore_mem>>) {add = true}
        %dma_wait3A_318 = arith.constant 64 : i32
        %dma_wait3A_319 = arith.constant 0 : i32
        %dma_wait3A_320 = tpu.memref_slice %arg8[%dma_wait3A_318, %dma_wait3A_319] : memref<256x128xf32, #tpu.memory_space<vmem>> -> memref<64x128xf32, #tpu.memory_space<vmem>>
        %dma_wait3A_321 = arith.constant 0 : i32
        %dma_wait3A_322 = tpu.memref_slice %arg7[%add3A_262, %dma_wait3A_321] : memref<40x64xi32, #tpu.memory_space<vmem>> -> memref<1x64xi32, #tpu.memory_space<vmem>>
        %dma_wait3A_323 = tpu.memref_squeeze %dma_wait3A_322 : memref<1x64xi32, #tpu.memory_space<vmem>> -> memref<64xi32, #tpu.memory_space<vmem>>
        %dma_wait3A_324 = arith.constant 0 : i32
        %dma_wait3A_325 = arith.constant 0 : i32
        %dma_wait3A_326 = tpu.memref_slice %arg9[%dma_wait3A_324, %dma_wait3A_325] : memref<10240x128xf32, #tpu.memory_space<vmem_shared>> -> memref<10240x128xf32, #tpu.memory_space<vmem_shared>>
        tpu.wait_indirect_dma semaphore(%run_scoped3A : memref<!tpu.dma_semaphore, #tpu.memory_space<semaphore_mem>>) src(%dma_wait3A_320 : memref<64x128xf32, #tpu.memory_space<vmem>>) dst(%dma_wait3A_326 : memref<10240x128xf32, #tpu.memory_space<vmem_shared>>)
        tpu.yield
      }) : () -> ()
      %lt3A_272 = arith.constant 9 : i32
      %lt3A_273 = arith.cmpi slt, %scan3A_246, %lt3A_272 : i32
      %convert_element_type3A_274 = arith.extui %lt3A_273 : i1 to i32
      %cond3A_275 = arith.constant 0 : i32
      %cond3A_276 = arith.cmpi ne, %convert_element_type3A_274, %cond3A_275 : i32
      scf.if %cond3A_276 {
        %add3A_309 = arith.constant 4 : i32
        %add3A_310 = arith.addi %add3A_262, %add3A_309 : i32
        %dma_start3A_311 = arith.constant 64 : i32
        %dma_start3A_312 = arith.constant 0 : i32
        %dma_start3A_313 = tpu.memref_slice %arg8[%dma_start3A_311, %dma_start3A_312] : memref<256x128xf32, #tpu.memory_space<vmem>> -> memref<64x128xf32, #tpu.memory_space<vmem>>
        %dma_start3A_314 = arith.constant 0 : i32
        %dma_start3A_315 = tpu.memref_slice %arg6[%add3A_310, %dma_start3A_314] : memref<40x64xi32, #tpu.memory_space<vmem>> -> memref<1x64xi32, #tpu.memory_space<vmem>>
        %dma_start3A_316 = tpu.memref_squeeze %dma_start3A_315 : memref<1x64xi32, #tpu.memory_space<vmem>> -> memref<64xi32, #tpu.memory_space<vmem>>
        %dma_start3A_317 = arith.constant 0 : i32
        %dma_start3A_318 = arith.constant 0 : i32
        %dma_start3A_319 = tpu.memref_slice %arg2[%dma_start3A_317, %dma_start3A_318] : memref<10240x128xf32, #tpu.memory_space<hbm>> -> memref<10240x128xf32, #tpu.memory_space<hbm>>
        tpu.enqueue_indirect_dma source(%dma_start3A_319 : memref<10240x128xf32, #tpu.memory_space<hbm>>) target(%dma_start3A_313 : memref<64x128xf32, #tpu.memory_space<vmem>>) offsets(%dma_start3A_316 : memref<64xi32, #tpu.memory_space<vmem>>) semaphore(%arg11 : memref<!tpu.dma_semaphore, #tpu.memory_space<semaphore_mem>>)
      } else {
      }
      %add3A_277 = arith.constant 2 : i32
      %add3A_278 = arith.addi %mul3A_248, %add3A_277 : i32
      %dma_wait3A_279 = arith.constant 128 : i32
      %dma_wait3A_280 = arith.constant 0 : i32
      %dma_wait3A_281 = tpu.memref_slice %arg8[%dma_wait3A_279, %dma_wait3A_280] : memref<256x128xf32, #tpu.memory_space<vmem>> -> memref<64x128xf32, #tpu.memory_space<vmem>>
      %dma_wait3A_282 = arith.constant 0 : i32
      %dma_wait3A_283 = tpu.memref_slice %arg6[%add3A_278, %dma_wait3A_282] : memref<40x64xi32, #tpu.memory_space<vmem>> -> memref<1x64xi32, #tpu.memory_space<vmem>>
      %dma_wait3A_284 = tpu.memref_squeeze %dma_wait3A_283 : memref<1x64xi32, #tpu.memory_space<vmem>> -> memref<64xi32, #tpu.memory_space<vmem>>
      %dma_wait3A_285 = arith.constant 0 : i32
      %dma_wait3A_286 = arith.constant 0 : i32
      %dma_wait3A_287 = tpu.memref_slice %arg2[%dma_wait3A_285, %dma_wait3A_286] : memref<10240x128xf32, #tpu.memory_space<hbm>> -> memref<10240x128xf32, #tpu.memory_space<hbm>>
      tpu.wait_indirect_dma semaphore(%arg12 : memref<!tpu.dma_semaphore, #tpu.memory_space<semaphore_mem>>) src(%dma_wait3A_287 : memref<10240x128xf32, #tpu.memory_space<hbm>>) dst(%dma_wait3A_281 : memref<64x128xf32, #tpu.memory_space<vmem>>)
      "tpu.region"() ({
        %run_scoped3A = tpu.sem_alloc : memref<!tpu.dma_semaphore, #tpu.memory_space<semaphore_mem>>
        %dma_start3A_309 = arith.constant 128 : i32
        %dma_start3A_310 = arith.constant 0 : i32
        %dma_start3A_311 = tpu.memref_slice %arg8[%dma_start3A_309, %dma_start3A_310] : memref<256x128xf32, #tpu.memory_space<vmem>> -> memref<64x128xf32, #tpu.memory_space<vmem>>
        %dma_start3A_312 = arith.constant 0 : i32
        %dma_start3A_313 = tpu.memref_slice %arg7[%add3A_278, %dma_start3A_312] : memref<40x64xi32, #tpu.memory_space<vmem>> -> memref<1x64xi32, #tpu.memory_space<vmem>>
        %dma_start3A_314 = tpu.memref_squeeze %dma_start3A_313 : memref<1x64xi32, #tpu.memory_space<vmem>> -> memref<64xi32, #tpu.memory_space<vmem>>
        %dma_start3A_315 = arith.constant 0 : i32
        %dma_start3A_316 = arith.constant 0 : i32
        %dma_start3A_317 = tpu.memref_slice %arg9[%dma_start3A_315, %dma_start3A_316] : memref<10240x128xf32, #tpu.memory_space<vmem_shared>> -> memref<10240x128xf32, #tpu.memory_space<vmem_shared>>
        tpu.enqueue_indirect_dma source(%dma_start3A_311 : memref<64x128xf32, #tpu.memory_space<vmem>>) target(%dma_start3A_317 : memref<10240x128xf32, #tpu.memory_space<vmem_shared>>) offsets(%dma_start3A_314 : memref<64xi32, #tpu.memory_space<vmem>>) semaphore(%run_scoped3A : memref<!tpu.dma_semaphore, #tpu.memory_space<semaphore_mem>>) {add = true}
        %dma_wait3A_318 = arith.constant 128 : i32
        %dma_wait3A_319 = arith.constant 0 : i32
        %dma_wait3A_320 = tpu.memref_slice %arg8[%dma_wait3A_318, %dma_wait3A_319] : memref<256x128xf32, #tpu.memory_space<vmem>> -> memref<64x128xf32, #tpu.memory_space<vmem>>
        %dma_wait3A_321 = arith.constant 0 : i32
        %dma_wait3A_322 = tpu.memref_slice %arg7[%add3A_278, %dma_wait3A_321] : memref<40x64xi32, #tpu.memory_space<vmem>> -> memref<1x64xi32, #tpu.memory_space<vmem>>
        %dma_wait3A_323 = tpu.memref_squeeze %dma_wait3A_322 : memref<1x64xi32, #tpu.memory_space<vmem>> -> memref<64xi32, #tpu.memory_space<vmem>>
        %dma_wait3A_324 = arith.constant 0 : i32
        %dma_wait3A_325 = arith.constant 0 : i32
        %dma_wait3A_326 = tpu.memref_slice %arg9[%dma_wait3A_324, %dma_wait3A_325] : memref<10240x128xf32, #tpu.memory_space<vmem_shared>> -> memref<10240x128xf32, #tpu.memory_space<vmem_shared>>
        tpu.wait_indirect_dma semaphore(%run_scoped3A : memref<!tpu.dma_semaphore, #tpu.memory_space<semaphore_mem>>) src(%dma_wait3A_320 : memref<64x128xf32, #tpu.memory_space<vmem>>) dst(%dma_wait3A_326 : memref<10240x128xf32, #tpu.memory_space<vmem_shared>>)
        tpu.yield
      }) : () -> ()
      %lt3A_288 = arith.constant 9 : i32
      %lt3A_289 = arith.cmpi slt, %scan3A_246, %lt3A_288 : i32
      %convert_element_type3A_290 = arith.extui %lt3A_289 : i1 to i32
      %cond3A_291 = arith.constant 0 : i32
      %cond3A_292 = arith.cmpi ne, %convert_element_type3A_290, %cond3A_291 : i32
      scf.if %cond3A_292 {
        %add3A_309 = arith.constant 4 : i32
        %add3A_310 = arith.addi %add3A_278, %add3A_309 : i32
        %dma_start3A_311 = arith.constant 128 : i32
        %dma_start3A_312 = arith.constant 0 : i32
        %dma_start3A_313 = tpu.memref_slice %arg8[%dma_start3A_311, %dma_start3A_312] : memref<256x128xf32, #tpu.memory_space<vmem>> -> memref<64x128xf32, #tpu.memory_space<vmem>>
        %dma_start3A_314 = arith.constant 0 : i32
        %dma_start3A_315 = tpu.memref_slice %arg6[%add3A_310, %dma_start3A_314] : memref<40x64xi32, #tpu.memory_space<vmem>> -> memref<1x64xi32, #tpu.memory_space<vmem>>
        %dma_start3A_316 = tpu.memref_squeeze %dma_start3A_315 : memref<1x64xi32, #tpu.memory_space<vmem>> -> memref<64xi32, #tpu.memory_space<vmem>>
        %dma_start3A_317 = arith.constant 0 : i32
        %dma_start3A_318 = arith.constant 0 : i32
        %dma_start3A_319 = tpu.memref_slice %arg2[%dma_start3A_317, %dma_start3A_318] : memref<10240x128xf32, #tpu.memory_space<hbm>> -> memref<10240x128xf32, #tpu.memory_space<hbm>>
        tpu.enqueue_indirect_dma source(%dma_start3A_319 : memref<10240x128xf32, #tpu.memory_space<hbm>>) target(%dma_start3A_313 : memref<64x128xf32, #tpu.memory_space<vmem>>) offsets(%dma_start3A_316 : memref<64xi32, #tpu.memory_space<vmem>>) semaphore(%arg12 : memref<!tpu.dma_semaphore, #tpu.memory_space<semaphore_mem>>)
      } else {
      }
      %add3A_293 = arith.constant 3 : i32
      %add3A_294 = arith.addi %mul3A_248, %add3A_293 : i32
      %dma_wait3A_295 = arith.constant 192 : i32
      %dma_wait3A_296 = arith.constant 0 : i32
      %dma_wait3A_297 = tpu.memref_slice %arg8[%dma_wait3A_295, %dma_wait3A_296] : memref<256x128xf32, #tpu.memory_space<vmem>> -> memref<64x128xf32, #tpu.memory_space<vmem>>
      %dma_wait3A_298 = arith.constant 0 : i32
      %dma_wait3A_299 = tpu.memref_slice %arg6[%add3A_294, %dma_wait3A_298] : memref<40x64xi32, #tpu.memory_space<vmem>> -> memref<1x64xi32, #tpu.memory_space<vmem>>
      %dma_wait3A_300 = tpu.memref_squeeze %dma_wait3A_299 : memref<1x64xi32, #tpu.memory_space<vmem>> -> memref<64xi32, #tpu.memory_space<vmem>>
      %dma_wait3A_301 = arith.constant 0 : i32
      %dma_wait3A_302 = arith.constant 0 : i32
      %dma_wait3A_303 = tpu.memref_slice %arg2[%dma_wait3A_301, %dma_wait3A_302] : memref<10240x128xf32, #tpu.memory_space<hbm>> -> memref<10240x128xf32, #tpu.memory_space<hbm>>
      tpu.wait_indirect_dma semaphore(%arg13 : memref<!tpu.dma_semaphore, #tpu.memory_space<semaphore_mem>>) src(%dma_wait3A_303 : memref<10240x128xf32, #tpu.memory_space<hbm>>) dst(%dma_wait3A_297 : memref<64x128xf32, #tpu.memory_space<vmem>>)
      "tpu.region"() ({
        %run_scoped3A = tpu.sem_alloc : memref<!tpu.dma_semaphore, #tpu.memory_space<semaphore_mem>>
        %dma_start3A_309 = arith.constant 192 : i32
        %dma_start3A_310 = arith.constant 0 : i32
        %dma_start3A_311 = tpu.memref_slice %arg8[%dma_start3A_309, %dma_start3A_310] : memref<256x128xf32, #tpu.memory_space<vmem>> -> memref<64x128xf32, #tpu.memory_space<vmem>>
        %dma_start3A_312 = arith.constant 0 : i32
        %dma_start3A_313 = tpu.memref_slice %arg7[%add3A_294, %dma_start3A_312] : memref<40x64xi32, #tpu.memory_space<vmem>> -> memref<1x64xi32, #tpu.memory_space<vmem>>
        %dma_start3A_314 = tpu.memref_squeeze %dma_start3A_313 : memref<1x64xi32, #tpu.memory_space<vmem>> -> memref<64xi32, #tpu.memory_space<vmem>>
        %dma_start3A_315 = arith.constant 0 : i32
        %dma_start3A_316 = arith.constant 0 : i32
        %dma_start3A_317 = tpu.memref_slice %arg9[%dma_start3A_315, %dma_start3A_316] : memref<10240x128xf32, #tpu.memory_space<vmem_shared>> -> memref<10240x128xf32, #tpu.memory_space<vmem_shared>>
        tpu.enqueue_indirect_dma source(%dma_start3A_311 : memref<64x128xf32, #tpu.memory_space<vmem>>) target(%dma_start3A_317 : memref<10240x128xf32, #tpu.memory_space<vmem_shared>>) offsets(%dma_start3A_314 : memref<64xi32, #tpu.memory_space<vmem>>) semaphore(%run_scoped3A : memref<!tpu.dma_semaphore, #tpu.memory_space<semaphore_mem>>) {add = true}
        %dma_wait3A_318 = arith.constant 192 : i32
        %dma_wait3A_319 = arith.constant 0 : i32
        %dma_wait3A_320 = tpu.memref_slice %arg8[%dma_wait3A_318, %dma_wait3A_319] : memref<256x128xf32, #tpu.memory_space<vmem>> -> memref<64x128xf32, #tpu.memory_space<vmem>>
        %dma_wait3A_321 = arith.constant 0 : i32
        %dma_wait3A_322 = tpu.memref_slice %arg7[%add3A_294, %dma_wait3A_321] : memref<40x64xi32, #tpu.memory_space<vmem>> -> memref<1x64xi32, #tpu.memory_space<vmem>>
        %dma_wait3A_323 = tpu.memref_squeeze %dma_wait3A_322 : memref<1x64xi32, #tpu.memory_space<vmem>> -> memref<64xi32, #tpu.memory_space<vmem>>
        %dma_wait3A_324 = arith.constant 0 : i32
        %dma_wait3A_325 = arith.constant 0 : i32
        %dma_wait3A_326 = tpu.memref_slice %arg9[%dma_wait3A_324, %dma_wait3A_325] : memref<10240x128xf32, #tpu.memory_space<vmem_shared>> -> memref<10240x128xf32, #tpu.memory_space<vmem_shared>>
        tpu.wait_indirect_dma semaphore(%run_scoped3A : memref<!tpu.dma_semaphore, #tpu.memory_space<semaphore_mem>>) src(%dma_wait3A_320 : memref<64x128xf32, #tpu.memory_space<vmem>>) dst(%dma_wait3A_326 : memref<10240x128xf32, #tpu.memory_space<vmem_shared>>)
        tpu.yield
      }) : () -> ()
      %lt3A_304 = arith.constant 9 : i32
      %lt3A_305 = arith.cmpi slt, %scan3A_246, %lt3A_304 : i32
      %convert_element_type3A_306 = arith.extui %lt3A_305 : i1 to i32
      %cond3A_307 = arith.constant 0 : i32
      %cond3A_308 = arith.cmpi ne, %convert_element_type3A_306, %cond3A_307 : i32
      scf.if %cond3A_308 {
        %add3A_309 = arith.constant 4 : i32
        %add3A_310 = arith.addi %add3A_294, %add3A_309 : i32
        %dma_start3A_311 = arith.constant 192 : i32
        %dma_start3A_312 = arith.constant 0 : i32
        %dma_start3A_313 = tpu.memref_slice %arg8[%dma_start3A_311, %dma_start3A_312] : memref<256x128xf32, #tpu.memory_space<vmem>> -> memref<64x128xf32, #tpu.memory_space<vmem>>
        %dma_start3A_314 = arith.constant 0 : i32
        %dma_start3A_315 = tpu.memref_slice %arg6[%add3A_310, %dma_start3A_314] : memref<40x64xi32, #tpu.memory_space<vmem>> -> memref<1x64xi32, #tpu.memory_space<vmem>>
        %dma_start3A_316 = tpu.memref_squeeze %dma_start3A_315 : memref<1x64xi32, #tpu.memory_space<vmem>> -> memref<64xi32, #tpu.memory_space<vmem>>
        %dma_start3A_317 = arith.constant 0 : i32
        %dma_start3A_318 = arith.constant 0 : i32
        %dma_start3A_319 = tpu.memref_slice %arg2[%dma_start3A_317, %dma_start3A_318] : memref<10240x128xf32, #tpu.memory_space<hbm>> -> memref<10240x128xf32, #tpu.memory_space<hbm>>
        tpu.enqueue_indirect_dma source(%dma_start3A_319 : memref<10240x128xf32, #tpu.memory_space<hbm>>) target(%dma_start3A_313 : memref<64x128xf32, #tpu.memory_space<vmem>>) offsets(%dma_start3A_316 : memref<64xi32, #tpu.memory_space<vmem>>) semaphore(%arg13 : memref<!tpu.dma_semaphore, #tpu.memory_space<semaphore_mem>>)
      } else {
      }
    }
    %scan3A_132 = arith.constant 10 : i32
    %mul3A_133 = arith.constant 160 : i32
    %mul3A_134 = arith.muli %add3A, %mul3A_133 : i32
    %add3A_135 = arith.constant 80 : i32
    %add3A_136 = arith.addi %mul3A_134, %add3A_135 : i32
    "tpu.region"() ({
      %run_scoped3A = tpu.sem_alloc : memref<!tpu.dma_semaphore, #tpu.memory_space<semaphore_mem>>
      %dma_start3A_246 = arith.constant 0 : i32
      %dma_start3A_247 = tpu.memref_slice %arg3[%add3A_136, %dma_start3A_246] : memref<5120x64xi32, #tpu.memory_space<hbm>> -> memref<40x64xi32, #tpu.memory_space<hbm>>
      %dma_start3A_248 = arith.constant 0 : i32
      %dma_start3A_249 = tpu.memref_slice %arg3[%add3A_136, %dma_start3A_248] : memref<5120x64xi32, #tpu.memory_space<hbm>> -> memref<40x64xi32, #tpu.memory_space<hbm>>
      tpu.enqueue_dma source(%dma_start3A_249 : memref<40x64xi32, #tpu.memory_space<hbm>>) target(%arg6 : memref<40x64xi32, #tpu.memory_space<vmem>>) target_semaphore(%run_scoped3A : memref<!tpu.dma_semaphore, #tpu.memory_space<semaphore_mem>>)
      %dma_wait3A = arith.constant 0 : i32
      %dma_wait3A_250 = tpu.memref_slice %arg3[%add3A_136, %dma_wait3A] : memref<5120x64xi32, #tpu.memory_space<hbm>> -> memref<40x64xi32, #tpu.memory_space<hbm>>
      %dma_wait3A_251 = arith.constant 0 : i32
      %dma_wait3A_252 = tpu.memref_slice %arg3[%add3A_136, %dma_wait3A_251] : memref<5120x64xi32, #tpu.memory_space<hbm>> -> memref<40x64xi32, #tpu.memory_space<hbm>>
      tpu.wait_dma2 semaphore(%run_scoped3A : memref<!tpu.dma_semaphore, #tpu.memory_space<semaphore_mem>>) src(%dma_wait3A_252 : memref<40x64xi32, #tpu.memory_space<hbm>>) dst(%arg6 : memref<40x64xi32, #tpu.memory_space<vmem>>)
      tpu.yield
    }) : () -> ()
    %mul3A_137 = arith.constant 160 : i32
    %mul3A_138 = arith.muli %add3A, %mul3A_137 : i32
    %add3A_139 = arith.constant 80 : i32
    %add3A_140 = arith.addi %mul3A_138, %add3A_139 : i32
    "tpu.region"() ({
      %run_scoped3A = tpu.sem_alloc : memref<!tpu.dma_semaphore, #tpu.memory_space<semaphore_mem>>
      %dma_start3A_246 = arith.constant 0 : i32
      %dma_start3A_247 = tpu.memref_slice %arg4[%add3A_140, %dma_start3A_246] : memref<5120x64xi32, #tpu.memory_space<hbm>> -> memref<40x64xi32, #tpu.memory_space<hbm>>
      %dma_start3A_248 = arith.constant 0 : i32
      %dma_start3A_249 = tpu.memref_slice %arg4[%add3A_140, %dma_start3A_248] : memref<5120x64xi32, #tpu.memory_space<hbm>> -> memref<40x64xi32, #tpu.memory_space<hbm>>
      tpu.enqueue_dma source(%dma_start3A_249 : memref<40x64xi32, #tpu.memory_space<hbm>>) target(%arg7 : memref<40x64xi32, #tpu.memory_space<vmem>>) target_semaphore(%run_scoped3A : memref<!tpu.dma_semaphore, #tpu.memory_space<semaphore_mem>>)
      %dma_wait3A = arith.constant 0 : i32
      %dma_wait3A_250 = tpu.memref_slice %arg4[%add3A_140, %dma_wait3A] : memref<5120x64xi32, #tpu.memory_space<hbm>> -> memref<40x64xi32, #tpu.memory_space<hbm>>
      %dma_wait3A_251 = arith.constant 0 : i32
      %dma_wait3A_252 = tpu.memref_slice %arg4[%add3A_140, %dma_wait3A_251] : memref<5120x64xi32, #tpu.memory_space<hbm>> -> memref<40x64xi32, #tpu.memory_space<hbm>>
      tpu.wait_dma2 semaphore(%run_scoped3A : memref<!tpu.dma_semaphore, #tpu.memory_space<semaphore_mem>>) src(%dma_wait3A_252 : memref<40x64xi32, #tpu.memory_space<hbm>>) dst(%arg7 : memref<40x64xi32, #tpu.memory_space<vmem>>)
      tpu.yield
    }) : () -> ()
    %dma_start3A_141 = arith.constant 0 : i32
    %dma_start3A_142 = arith.constant 0 : i32
    %dma_start3A_143 = arith.constant 0 : i32
    %dma_start3A_144 = tpu.memref_slice %arg8[%dma_start3A_142, %dma_start3A_143] : memref<256x128xf32, #tpu.memory_space<vmem>> -> memref<64x128xf32, #tpu.memory_space<vmem>>
    %dma_start3A_145 = arith.constant 0 : i32
    %dma_start3A_146 = tpu.memref_slice %arg6[%dma_start3A_141, %dma_start3A_145] : memref<40x64xi32, #tpu.memory_space<vmem>> -> memref<1x64xi32, #tpu.memory_space<vmem>>
    %dma_start3A_147 = tpu.memref_squeeze %dma_start3A_146 : memref<1x64xi32, #tpu.memory_space<vmem>> -> memref<64xi32, #tpu.memory_space<vmem>>
    %dma_start3A_148 = arith.constant 0 : i32
    %dma_start3A_149 = arith.constant 0 : i32
    %dma_start3A_150 = tpu.memref_slice %arg2[%dma_start3A_148, %dma_start3A_149] : memref<10240x128xf32, #tpu.memory_space<hbm>> -> memref<10240x128xf32, #tpu.memory_space<hbm>>
    tpu.enqueue_indirect_dma source(%dma_start3A_150 : memref<10240x128xf32, #tpu.memory_space<hbm>>) target(%dma_start3A_144 : memref<64x128xf32, #tpu.memory_space<vmem>>) offsets(%dma_start3A_147 : memref<64xi32, #tpu.memory_space<vmem>>) semaphore(%arg10 : memref<!tpu.dma_semaphore, #tpu.memory_space<semaphore_mem>>)
    %dma_start3A_151 = arith.constant 1 : i32
    %dma_start3A_152 = arith.constant 64 : i32
    %dma_start3A_153 = arith.constant 0 : i32
    %dma_start3A_154 = tpu.memref_slice %arg8[%dma_start3A_152, %dma_start3A_153] : memref<256x128xf32, #tpu.memory_space<vmem>> -> memref<64x128xf32, #tpu.memory_space<vmem>>
    %dma_start3A_155 = arith.constant 0 : i32
    %dma_start3A_156 = tpu.memref_slice %arg6[%dma_start3A_151, %dma_start3A_155] : memref<40x64xi32, #tpu.memory_space<vmem>> -> memref<1x64xi32, #tpu.memory_space<vmem>>
    %dma_start3A_157 = tpu.memref_squeeze %dma_start3A_156 : memref<1x64xi32, #tpu.memory_space<vmem>> -> memref<64xi32, #tpu.memory_space<vmem>>
    %dma_start3A_158 = arith.constant 0 : i32
    %dma_start3A_159 = arith.constant 0 : i32
    %dma_start3A_160 = tpu.memref_slice %arg2[%dma_start3A_158, %dma_start3A_159] : memref<10240x128xf32, #tpu.memory_space<hbm>> -> memref<10240x128xf32, #tpu.memory_space<hbm>>
    tpu.enqueue_indirect_dma source(%dma_start3A_160 : memref<10240x128xf32, #tpu.memory_space<hbm>>) target(%dma_start3A_154 : memref<64x128xf32, #tpu.memory_space<vmem>>) offsets(%dma_start3A_157 : memref<64xi32, #tpu.memory_space<vmem>>) semaphore(%arg11 : memref<!tpu.dma_semaphore, #tpu.memory_space<semaphore_mem>>)
    %dma_start3A_161 = arith.constant 2 : i32
    %dma_start3A_162 = arith.constant 128 : i32
    %dma_start3A_163 = arith.constant 0 : i32
    %dma_start3A_164 = tpu.memref_slice %arg8[%dma_start3A_162, %dma_start3A_163] : memref<256x128xf32, #tpu.memory_space<vmem>> -> memref<64x128xf32, #tpu.memory_space<vmem>>
    %dma_start3A_165 = arith.constant 0 : i32
    %dma_start3A_166 = tpu.memref_slice %arg6[%dma_start3A_161, %dma_start3A_165] : memref<40x64xi32, #tpu.memory_space<vmem>> -> memref<1x64xi32, #tpu.memory_space<vmem>>
    %dma_start3A_167 = tpu.memref_squeeze %dma_start3A_166 : memref<1x64xi32, #tpu.memory_space<vmem>> -> memref<64xi32, #tpu.memory_space<vmem>>
    %dma_start3A_168 = arith.constant 0 : i32
    %dma_start3A_169 = arith.constant 0 : i32
    %dma_start3A_170 = tpu.memref_slice %arg2[%dma_start3A_168, %dma_start3A_169] : memref<10240x128xf32, #tpu.memory_space<hbm>> -> memref<10240x128xf32, #tpu.memory_space<hbm>>
    tpu.enqueue_indirect_dma source(%dma_start3A_170 : memref<10240x128xf32, #tpu.memory_space<hbm>>) target(%dma_start3A_164 : memref<64x128xf32, #tpu.memory_space<vmem>>) offsets(%dma_start3A_167 : memref<64xi32, #tpu.memory_space<vmem>>) semaphore(%arg12 : memref<!tpu.dma_semaphore, #tpu.memory_space<semaphore_mem>>)
    %dma_start3A_171 = arith.constant 3 : i32
    %dma_start3A_172 = arith.constant 192 : i32
    %dma_start3A_173 = arith.constant 0 : i32
    %dma_start3A_174 = tpu.memref_slice %arg8[%dma_start3A_172, %dma_start3A_173] : memref<256x128xf32, #tpu.memory_space<vmem>> -> memref<64x128xf32, #tpu.memory_space<vmem>>
    %dma_start3A_175 = arith.constant 0 : i32
    %dma_start3A_176 = tpu.memref_slice %arg6[%dma_start3A_171, %dma_start3A_175] : memref<40x64xi32, #tpu.memory_space<vmem>> -> memref<1x64xi32, #tpu.memory_space<vmem>>
    %dma_start3A_177 = tpu.memref_squeeze %dma_start3A_176 : memref<1x64xi32, #tpu.memory_space<vmem>> -> memref<64xi32, #tpu.memory_space<vmem>>
    %dma_start3A_178 = arith.constant 0 : i32
    %dma_start3A_179 = arith.constant 0 : i32
    %dma_start3A_180 = tpu.memref_slice %arg2[%dma_start3A_178, %dma_start3A_179] : memref<10240x128xf32, #tpu.memory_space<hbm>> -> memref<10240x128xf32, #tpu.memory_space<hbm>>
    tpu.enqueue_indirect_dma source(%dma_start3A_180 : memref<10240x128xf32, #tpu.memory_space<hbm>>) target(%dma_start3A_174 : memref<64x128xf32, #tpu.memory_space<vmem>>) offsets(%dma_start3A_177 : memref<64xi32, #tpu.memory_space<vmem>>) semaphore(%arg13 : memref<!tpu.dma_semaphore, #tpu.memory_space<semaphore_mem>>)
    %scan3A_181 = arith.constant 0 : i32
    %scan3A_182 = arith.constant 0 : i32
    %scan3A_183 = arith.constant 10 : i32
    %scan3A_184 = arith.addi %scan3A_182, %scan3A_183 : i32
    %scan3A_185 = arith.constant 1 : i32
    scf.for %scan3A_246 = %scan3A_182 to %scan3A_184 step %scan3A_185  : i32 {
      %mul3A_247 = arith.constant 4 : i32
      %mul3A_248 = arith.muli %mul3A_247, %scan3A_246 : i32
      %add3A_249 = arith.constant 0 : i32
      %add3A_250 = arith.addi %mul3A_248, %add3A_249 : i32
      %dma_wait3A = arith.constant 0 : i32
      %dma_wait3A_251 = arith.constant 0 : i32
      %dma_wait3A_252 = tpu.memref_slice %arg8[%dma_wait3A, %dma_wait3A_251] : memref<256x128xf32, #tpu.memory_space<vmem>> -> memref<64x128xf32, #tpu.memory_space<vmem>>
      %dma_wait3A_253 = arith.constant 0 : i32
      %dma_wait3A_254 = tpu.memref_slice %arg6[%add3A_250, %dma_wait3A_253] : memref<40x64xi32, #tpu.memory_space<vmem>> -> memref<1x64xi32, #tpu.memory_space<vmem>>
      %dma_wait3A_255 = tpu.memref_squeeze %dma_wait3A_254 : memref<1x64xi32, #tpu.memory_space<vmem>> -> memref<64xi32, #tpu.memory_space<vmem>>
      %dma_wait3A_256 = arith.constant 0 : i32
      %dma_wait3A_257 = arith.constant 0 : i32
      %dma_wait3A_258 = tpu.memref_slice %arg2[%dma_wait3A_256, %dma_wait3A_257] : memref<10240x128xf32, #tpu.memory_space<hbm>> -> memref<10240x128xf32, #tpu.memory_space<hbm>>
      tpu.wait_indirect_dma semaphore(%arg10 : memref<!tpu.dma_semaphore, #tpu.memory_space<semaphore_mem>>) src(%dma_wait3A_258 : memref<10240x128xf32, #tpu.memory_space<hbm>>) dst(%dma_wait3A_252 : memref<64x128xf32, #tpu.memory_space<vmem>>)
      "tpu.region"() ({
        %run_scoped3A = tpu.sem_alloc : memref<!tpu.dma_semaphore, #tpu.memory_space<semaphore_mem>>
        %dma_start3A_309 = arith.constant 0 : i32
        %dma_start3A_310 = arith.constant 0 : i32
        %dma_start3A_311 = tpu.memref_slice %arg8[%dma_start3A_309, %dma_start3A_310] : memref<256x128xf32, #tpu.memory_space<vmem>> -> memref<64x128xf32, #tpu.memory_space<vmem>>
        %dma_start3A_312 = arith.constant 0 : i32
        %dma_start3A_313 = tpu.memref_slice %arg7[%add3A_250, %dma_start3A_312] : memref<40x64xi32, #tpu.memory_space<vmem>> -> memref<1x64xi32, #tpu.memory_space<vmem>>
        %dma_start3A_314 = tpu.memref_squeeze %dma_start3A_313 : memref<1x64xi32, #tpu.memory_space<vmem>> -> memref<64xi32, #tpu.memory_space<vmem>>
        %dma_start3A_315 = arith.constant 0 : i32
        %dma_start3A_316 = arith.constant 0 : i32
        %dma_start3A_317 = tpu.memref_slice %arg9[%dma_start3A_315, %dma_start3A_316] : memref<10240x128xf32, #tpu.memory_space<vmem_shared>> -> memref<10240x128xf32, #tpu.memory_space<vmem_shared>>
        tpu.enqueue_indirect_dma source(%dma_start3A_311 : memref<64x128xf32, #tpu.memory_space<vmem>>) target(%dma_start3A_317 : memref<10240x128xf32, #tpu.memory_space<vmem_shared>>) offsets(%dma_start3A_314 : memref<64xi32, #tpu.memory_space<vmem>>) semaphore(%run_scoped3A : memref<!tpu.dma_semaphore, #tpu.memory_space<semaphore_mem>>) {add = true}
        %dma_wait3A_318 = arith.constant 0 : i32
        %dma_wait3A_319 = arith.constant 0 : i32
        %dma_wait3A_320 = tpu.memref_slice %arg8[%dma_wait3A_318, %dma_wait3A_319] : memref<256x128xf32, #tpu.memory_space<vmem>> -> memref<64x128xf32, #tpu.memory_space<vmem>>
        %dma_wait3A_321 = arith.constant 0 : i32
        %dma_wait3A_322 = tpu.memref_slice %arg7[%add3A_250, %dma_wait3A_321] : memref<40x64xi32, #tpu.memory_space<vmem>> -> memref<1x64xi32, #tpu.memory_space<vmem>>
        %dma_wait3A_323 = tpu.memref_squeeze %dma_wait3A_322 : memref<1x64xi32, #tpu.memory_space<vmem>> -> memref<64xi32, #tpu.memory_space<vmem>>
        %dma_wait3A_324 = arith.constant 0 : i32
        %dma_wait3A_325 = arith.constant 0 : i32
        %dma_wait3A_326 = tpu.memref_slice %arg9[%dma_wait3A_324, %dma_wait3A_325] : memref<10240x128xf32, #tpu.memory_space<vmem_shared>> -> memref<10240x128xf32, #tpu.memory_space<vmem_shared>>
        tpu.wait_indirect_dma semaphore(%run_scoped3A : memref<!tpu.dma_semaphore, #tpu.memory_space<semaphore_mem>>) src(%dma_wait3A_320 : memref<64x128xf32, #tpu.memory_space<vmem>>) dst(%dma_wait3A_326 : memref<10240x128xf32, #tpu.memory_space<vmem_shared>>)
        tpu.yield
      }) : () -> ()
      %lt3A = arith.constant 9 : i32
      %lt3A_259 = arith.cmpi slt, %scan3A_246, %lt3A : i32
      %convert_element_type3A = arith.extui %lt3A_259 : i1 to i32
      %cond3A = arith.constant 0 : i32
      %cond3A_260 = arith.cmpi ne, %convert_element_type3A, %cond3A : i32
      scf.if %cond3A_260 {
        %add3A_309 = arith.constant 4 : i32
        %add3A_310 = arith.addi %add3A_250, %add3A_309 : i32
        %dma_start3A_311 = arith.constant 0 : i32
        %dma_start3A_312 = arith.constant 0 : i32
        %dma_start3A_313 = tpu.memref_slice %arg8[%dma_start3A_311, %dma_start3A_312] : memref<256x128xf32, #tpu.memory_space<vmem>> -> memref<64x128xf32, #tpu.memory_space<vmem>>
        %dma_start3A_314 = arith.constant 0 : i32
        %dma_start3A_315 = tpu.memref_slice %arg6[%add3A_310, %dma_start3A_314] : memref<40x64xi32, #tpu.memory_space<vmem>> -> memref<1x64xi32, #tpu.memory_space<vmem>>
        %dma_start3A_316 = tpu.memref_squeeze %dma_start3A_315 : memref<1x64xi32, #tpu.memory_space<vmem>> -> memref<64xi32, #tpu.memory_space<vmem>>
        %dma_start3A_317 = arith.constant 0 : i32
        %dma_start3A_318 = arith.constant 0 : i32
        %dma_start3A_319 = tpu.memref_slice %arg2[%dma_start3A_317, %dma_start3A_318] : memref<10240x128xf32, #tpu.memory_space<hbm>> -> memref<10240x128xf32, #tpu.memory_space<hbm>>
        tpu.enqueue_indirect_dma source(%dma_start3A_319 : memref<10240x128xf32, #tpu.memory_space<hbm>>) target(%dma_start3A_313 : memref<64x128xf32, #tpu.memory_space<vmem>>) offsets(%dma_start3A_316 : memref<64xi32, #tpu.memory_space<vmem>>) semaphore(%arg10 : memref<!tpu.dma_semaphore, #tpu.memory_space<semaphore_mem>>)
      } else {
      }
      %add3A_261 = arith.constant 1 : i32
      %add3A_262 = arith.addi %mul3A_248, %add3A_261 : i32
      %dma_wait3A_263 = arith.constant 64 : i32
      %dma_wait3A_264 = arith.constant 0 : i32
      %dma_wait3A_265 = tpu.memref_slice %arg8[%dma_wait3A_263, %dma_wait3A_264] : memref<256x128xf32, #tpu.memory_space<vmem>> -> memref<64x128xf32, #tpu.memory_space<vmem>>
      %dma_wait3A_266 = arith.constant 0 : i32
      %dma_wait3A_267 = tpu.memref_slice %arg6[%add3A_262, %dma_wait3A_266] : memref<40x64xi32, #tpu.memory_space<vmem>> -> memref<1x64xi32, #tpu.memory_space<vmem>>
      %dma_wait3A_268 = tpu.memref_squeeze %dma_wait3A_267 : memref<1x64xi32, #tpu.memory_space<vmem>> -> memref<64xi32, #tpu.memory_space<vmem>>
      %dma_wait3A_269 = arith.constant 0 : i32
      %dma_wait3A_270 = arith.constant 0 : i32
      %dma_wait3A_271 = tpu.memref_slice %arg2[%dma_wait3A_269, %dma_wait3A_270] : memref<10240x128xf32, #tpu.memory_space<hbm>> -> memref<10240x128xf32, #tpu.memory_space<hbm>>
      tpu.wait_indirect_dma semaphore(%arg11 : memref<!tpu.dma_semaphore, #tpu.memory_space<semaphore_mem>>) src(%dma_wait3A_271 : memref<10240x128xf32, #tpu.memory_space<hbm>>) dst(%dma_wait3A_265 : memref<64x128xf32, #tpu.memory_space<vmem>>)
      "tpu.region"() ({
        %run_scoped3A = tpu.sem_alloc : memref<!tpu.dma_semaphore, #tpu.memory_space<semaphore_mem>>
        %dma_start3A_309 = arith.constant 64 : i32
        %dma_start3A_310 = arith.constant 0 : i32
        %dma_start3A_311 = tpu.memref_slice %arg8[%dma_start3A_309, %dma_start3A_310] : memref<256x128xf32, #tpu.memory_space<vmem>> -> memref<64x128xf32, #tpu.memory_space<vmem>>
        %dma_start3A_312 = arith.constant 0 : i32
        %dma_start3A_313 = tpu.memref_slice %arg7[%add3A_262, %dma_start3A_312] : memref<40x64xi32, #tpu.memory_space<vmem>> -> memref<1x64xi32, #tpu.memory_space<vmem>>
        %dma_start3A_314 = tpu.memref_squeeze %dma_start3A_313 : memref<1x64xi32, #tpu.memory_space<vmem>> -> memref<64xi32, #tpu.memory_space<vmem>>
        %dma_start3A_315 = arith.constant 0 : i32
        %dma_start3A_316 = arith.constant 0 : i32
        %dma_start3A_317 = tpu.memref_slice %arg9[%dma_start3A_315, %dma_start3A_316] : memref<10240x128xf32, #tpu.memory_space<vmem_shared>> -> memref<10240x128xf32, #tpu.memory_space<vmem_shared>>
        tpu.enqueue_indirect_dma source(%dma_start3A_311 : memref<64x128xf32, #tpu.memory_space<vmem>>) target(%dma_start3A_317 : memref<10240x128xf32, #tpu.memory_space<vmem_shared>>) offsets(%dma_start3A_314 : memref<64xi32, #tpu.memory_space<vmem>>) semaphore(%run_scoped3A : memref<!tpu.dma_semaphore, #tpu.memory_space<semaphore_mem>>) {add = true}
        %dma_wait3A_318 = arith.constant 64 : i32
        %dma_wait3A_319 = arith.constant 0 : i32
        %dma_wait3A_320 = tpu.memref_slice %arg8[%dma_wait3A_318, %dma_wait3A_319] : memref<256x128xf32, #tpu.memory_space<vmem>> -> memref<64x128xf32, #tpu.memory_space<vmem>>
        %dma_wait3A_321 = arith.constant 0 : i32
        %dma_wait3A_322 = tpu.memref_slice %arg7[%add3A_262, %dma_wait3A_321] : memref<40x64xi32, #tpu.memory_space<vmem>> -> memref<1x64xi32, #tpu.memory_space<vmem>>
        %dma_wait3A_323 = tpu.memref_squeeze %dma_wait3A_322 : memref<1x64xi32, #tpu.memory_space<vmem>> -> memref<64xi32, #tpu.memory_space<vmem>>
        %dma_wait3A_324 = arith.constant 0 : i32
        %dma_wait3A_325 = arith.constant 0 : i32
        %dma_wait3A_326 = tpu.memref_slice %arg9[%dma_wait3A_324, %dma_wait3A_325] : memref<10240x128xf32, #tpu.memory_space<vmem_shared>> -> memref<10240x128xf32, #tpu.memory_space<vmem_shared>>
        tpu.wait_indirect_dma semaphore(%run_scoped3A : memref<!tpu.dma_semaphore, #tpu.memory_space<semaphore_mem>>) src(%dma_wait3A_320 : memref<64x128xf32, #tpu.memory_space<vmem>>) dst(%dma_wait3A_326 : memref<10240x128xf32, #tpu.memory_space<vmem_shared>>)
        tpu.yield
      }) : () -> ()
      %lt3A_272 = arith.constant 9 : i32
      %lt3A_273 = arith.cmpi slt, %scan3A_246, %lt3A_272 : i32
      %convert_element_type3A_274 = arith.extui %lt3A_273 : i1 to i32
      %cond3A_275 = arith.constant 0 : i32
      %cond3A_276 = arith.cmpi ne, %convert_element_type3A_274, %cond3A_275 : i32
      scf.if %cond3A_276 {
        %add3A_309 = arith.constant 4 : i32
        %add3A_310 = arith.addi %add3A_262, %add3A_309 : i32
        %dma_start3A_311 = arith.constant 64 : i32
        %dma_start3A_312 = arith.constant 0 : i32
        %dma_start3A_313 = tpu.memref_slice %arg8[%dma_start3A_311, %dma_start3A_312] : memref<256x128xf32, #tpu.memory_space<vmem>> -> memref<64x128xf32, #tpu.memory_space<vmem>>
        %dma_start3A_314 = arith.constant 0 : i32
        %dma_start3A_315 = tpu.memref_slice %arg6[%add3A_310, %dma_start3A_314] : memref<40x64xi32, #tpu.memory_space<vmem>> -> memref<1x64xi32, #tpu.memory_space<vmem>>
        %dma_start3A_316 = tpu.memref_squeeze %dma_start3A_315 : memref<1x64xi32, #tpu.memory_space<vmem>> -> memref<64xi32, #tpu.memory_space<vmem>>
        %dma_start3A_317 = arith.constant 0 : i32
        %dma_start3A_318 = arith.constant 0 : i32
        %dma_start3A_319 = tpu.memref_slice %arg2[%dma_start3A_317, %dma_start3A_318] : memref<10240x128xf32, #tpu.memory_space<hbm>> -> memref<10240x128xf32, #tpu.memory_space<hbm>>
        tpu.enqueue_indirect_dma source(%dma_start3A_319 : memref<10240x128xf32, #tpu.memory_space<hbm>>) target(%dma_start3A_313 : memref<64x128xf32, #tpu.memory_space<vmem>>) offsets(%dma_start3A_316 : memref<64xi32, #tpu.memory_space<vmem>>) semaphore(%arg11 : memref<!tpu.dma_semaphore, #tpu.memory_space<semaphore_mem>>)
      } else {
      }
      %add3A_277 = arith.constant 2 : i32
      %add3A_278 = arith.addi %mul3A_248, %add3A_277 : i32
      %dma_wait3A_279 = arith.constant 128 : i32
      %dma_wait3A_280 = arith.constant 0 : i32
      %dma_wait3A_281 = tpu.memref_slice %arg8[%dma_wait3A_279, %dma_wait3A_280] : memref<256x128xf32, #tpu.memory_space<vmem>> -> memref<64x128xf32, #tpu.memory_space<vmem>>
      %dma_wait3A_282 = arith.constant 0 : i32
      %dma_wait3A_283 = tpu.memref_slice %arg6[%add3A_278, %dma_wait3A_282] : memref<40x64xi32, #tpu.memory_space<vmem>> -> memref<1x64xi32, #tpu.memory_space<vmem>>
      %dma_wait3A_284 = tpu.memref_squeeze %dma_wait3A_283 : memref<1x64xi32, #tpu.memory_space<vmem>> -> memref<64xi32, #tpu.memory_space<vmem>>
      %dma_wait3A_285 = arith.constant 0 : i32
      %dma_wait3A_286 = arith.constant 0 : i32
      %dma_wait3A_287 = tpu.memref_slice %arg2[%dma_wait3A_285, %dma_wait3A_286] : memref<10240x128xf32, #tpu.memory_space<hbm>> -> memref<10240x128xf32, #tpu.memory_space<hbm>>
      tpu.wait_indirect_dma semaphore(%arg12 : memref<!tpu.dma_semaphore, #tpu.memory_space<semaphore_mem>>) src(%dma_wait3A_287 : memref<10240x128xf32, #tpu.memory_space<hbm>>) dst(%dma_wait3A_281 : memref<64x128xf32, #tpu.memory_space<vmem>>)
      "tpu.region"() ({
        %run_scoped3A = tpu.sem_alloc : memref<!tpu.dma_semaphore, #tpu.memory_space<semaphore_mem>>
        %dma_start3A_309 = arith.constant 128 : i32
        %dma_start3A_310 = arith.constant 0 : i32
        %dma_start3A_311 = tpu.memref_slice %arg8[%dma_start3A_309, %dma_start3A_310] : memref<256x128xf32, #tpu.memory_space<vmem>> -> memref<64x128xf32, #tpu.memory_space<vmem>>
        %dma_start3A_312 = arith.constant 0 : i32
        %dma_start3A_313 = tpu.memref_slice %arg7[%add3A_278, %dma_start3A_312] : memref<40x64xi32, #tpu.memory_space<vmem>> -> memref<1x64xi32, #tpu.memory_space<vmem>>
        %dma_start3A_314 = tpu.memref_squeeze %dma_start3A_313 : memref<1x64xi32, #tpu.memory_space<vmem>> -> memref<64xi32, #tpu.memory_space<vmem>>
        %dma_start3A_315 = arith.constant 0 : i32
        %dma_start3A_316 = arith.constant 0 : i32
        %dma_start3A_317 = tpu.memref_slice %arg9[%dma_start3A_315, %dma_start3A_316] : memref<10240x128xf32, #tpu.memory_space<vmem_shared>> -> memref<10240x128xf32, #tpu.memory_space<vmem_shared>>
        tpu.enqueue_indirect_dma source(%dma_start3A_311 : memref<64x128xf32, #tpu.memory_space<vmem>>) target(%dma_start3A_317 : memref<10240x128xf32, #tpu.memory_space<vmem_shared>>) offsets(%dma_start3A_314 : memref<64xi32, #tpu.memory_space<vmem>>) semaphore(%run_scoped3A : memref<!tpu.dma_semaphore, #tpu.memory_space<semaphore_mem>>) {add = true}
        %dma_wait3A_318 = arith.constant 128 : i32
        %dma_wait3A_319 = arith.constant 0 : i32
        %dma_wait3A_320 = tpu.memref_slice %arg8[%dma_wait3A_318, %dma_wait3A_319] : memref<256x128xf32, #tpu.memory_space<vmem>> -> memref<64x128xf32, #tpu.memory_space<vmem>>
        %dma_wait3A_321 = arith.constant 0 : i32
        %dma_wait3A_322 = tpu.memref_slice %arg7[%add3A_278, %dma_wait3A_321] : memref<40x64xi32, #tpu.memory_space<vmem>> -> memref<1x64xi32, #tpu.memory_space<vmem>>
        %dma_wait3A_323 = tpu.memref_squeeze %dma_wait3A_322 : memref<1x64xi32, #tpu.memory_space<vmem>> -> memref<64xi32, #tpu.memory_space<vmem>>
        %dma_wait3A_324 = arith.constant 0 : i32
        %dma_wait3A_325 = arith.constant 0 : i32
        %dma_wait3A_326 = tpu.memref_slice %arg9[%dma_wait3A_324, %dma_wait3A_325] : memref<10240x128xf32, #tpu.memory_space<vmem_shared>> -> memref<10240x128xf32, #tpu.memory_space<vmem_shared>>
        tpu.wait_indirect_dma semaphore(%run_scoped3A : memref<!tpu.dma_semaphore, #tpu.memory_space<semaphore_mem>>) src(%dma_wait3A_320 : memref<64x128xf32, #tpu.memory_space<vmem>>) dst(%dma_wait3A_326 : memref<10240x128xf32, #tpu.memory_space<vmem_shared>>)
        tpu.yield
      }) : () -> ()
      %lt3A_288 = arith.constant 9 : i32
      %lt3A_289 = arith.cmpi slt, %scan3A_246, %lt3A_288 : i32
      %convert_element_type3A_290 = arith.extui %lt3A_289 : i1 to i32
      %cond3A_291 = arith.constant 0 : i32
      %cond3A_292 = arith.cmpi ne, %convert_element_type3A_290, %cond3A_291 : i32
      scf.if %cond3A_292 {
        %add3A_309 = arith.constant 4 : i32
        %add3A_310 = arith.addi %add3A_278, %add3A_309 : i32
        %dma_start3A_311 = arith.constant 128 : i32
        %dma_start3A_312 = arith.constant 0 : i32
        %dma_start3A_313 = tpu.memref_slice %arg8[%dma_start3A_311, %dma_start3A_312] : memref<256x128xf32, #tpu.memory_space<vmem>> -> memref<64x128xf32, #tpu.memory_space<vmem>>
        %dma_start3A_314 = arith.constant 0 : i32
        %dma_start3A_315 = tpu.memref_slice %arg6[%add3A_310, %dma_start3A_314] : memref<40x64xi32, #tpu.memory_space<vmem>> -> memref<1x64xi32, #tpu.memory_space<vmem>>
        %dma_start3A_316 = tpu.memref_squeeze %dma_start3A_315 : memref<1x64xi32, #tpu.memory_space<vmem>> -> memref<64xi32, #tpu.memory_space<vmem>>
        %dma_start3A_317 = arith.constant 0 : i32
        %dma_start3A_318 = arith.constant 0 : i32
        %dma_start3A_319 = tpu.memref_slice %arg2[%dma_start3A_317, %dma_start3A_318] : memref<10240x128xf32, #tpu.memory_space<hbm>> -> memref<10240x128xf32, #tpu.memory_space<hbm>>
        tpu.enqueue_indirect_dma source(%dma_start3A_319 : memref<10240x128xf32, #tpu.memory_space<hbm>>) target(%dma_start3A_313 : memref<64x128xf32, #tpu.memory_space<vmem>>) offsets(%dma_start3A_316 : memref<64xi32, #tpu.memory_space<vmem>>) semaphore(%arg12 : memref<!tpu.dma_semaphore, #tpu.memory_space<semaphore_mem>>)
      } else {
      }
      %add3A_293 = arith.constant 3 : i32
      %add3A_294 = arith.addi %mul3A_248, %add3A_293 : i32
      %dma_wait3A_295 = arith.constant 192 : i32
      %dma_wait3A_296 = arith.constant 0 : i32
      %dma_wait3A_297 = tpu.memref_slice %arg8[%dma_wait3A_295, %dma_wait3A_296] : memref<256x128xf32, #tpu.memory_space<vmem>> -> memref<64x128xf32, #tpu.memory_space<vmem>>
      %dma_wait3A_298 = arith.constant 0 : i32
      %dma_wait3A_299 = tpu.memref_slice %arg6[%add3A_294, %dma_wait3A_298] : memref<40x64xi32, #tpu.memory_space<vmem>> -> memref<1x64xi32, #tpu.memory_space<vmem>>
      %dma_wait3A_300 = tpu.memref_squeeze %dma_wait3A_299 : memref<1x64xi32, #tpu.memory_space<vmem>> -> memref<64xi32, #tpu.memory_space<vmem>>
      %dma_wait3A_301 = arith.constant 0 : i32
      %dma_wait3A_302 = arith.constant 0 : i32
      %dma_wait3A_303 = tpu.memref_slice %arg2[%dma_wait3A_301, %dma_wait3A_302] : memref<10240x128xf32, #tpu.memory_space<hbm>> -> memref<10240x128xf32, #tpu.memory_space<hbm>>
      tpu.wait_indirect_dma semaphore(%arg13 : memref<!tpu.dma_semaphore, #tpu.memory_space<semaphore_mem>>) src(%dma_wait3A_303 : memref<10240x128xf32, #tpu.memory_space<hbm>>) dst(%dma_wait3A_297 : memref<64x128xf32, #tpu.memory_space<vmem>>)
      "tpu.region"() ({
        %run_scoped3A = tpu.sem_alloc : memref<!tpu.dma_semaphore, #tpu.memory_space<semaphore_mem>>
        %dma_start3A_309 = arith.constant 192 : i32
        %dma_start3A_310 = arith.constant 0 : i32
        %dma_start3A_311 = tpu.memref_slice %arg8[%dma_start3A_309, %dma_start3A_310] : memref<256x128xf32, #tpu.memory_space<vmem>> -> memref<64x128xf32, #tpu.memory_space<vmem>>
        %dma_start3A_312 = arith.constant 0 : i32
        %dma_start3A_313 = tpu.memref_slice %arg7[%add3A_294, %dma_start3A_312] : memref<40x64xi32, #tpu.memory_space<vmem>> -> memref<1x64xi32, #tpu.memory_space<vmem>>
        %dma_start3A_314 = tpu.memref_squeeze %dma_start3A_313 : memref<1x64xi32, #tpu.memory_space<vmem>> -> memref<64xi32, #tpu.memory_space<vmem>>
        %dma_start3A_315 = arith.constant 0 : i32
        %dma_start3A_316 = arith.constant 0 : i32
        %dma_start3A_317 = tpu.memref_slice %arg9[%dma_start3A_315, %dma_start3A_316] : memref<10240x128xf32, #tpu.memory_space<vmem_shared>> -> memref<10240x128xf32, #tpu.memory_space<vmem_shared>>
        tpu.enqueue_indirect_dma source(%dma_start3A_311 : memref<64x128xf32, #tpu.memory_space<vmem>>) target(%dma_start3A_317 : memref<10240x128xf32, #tpu.memory_space<vmem_shared>>) offsets(%dma_start3A_314 : memref<64xi32, #tpu.memory_space<vmem>>) semaphore(%run_scoped3A : memref<!tpu.dma_semaphore, #tpu.memory_space<semaphore_mem>>) {add = true}
        %dma_wait3A_318 = arith.constant 192 : i32
        %dma_wait3A_319 = arith.constant 0 : i32
        %dma_wait3A_320 = tpu.memref_slice %arg8[%dma_wait3A_318, %dma_wait3A_319] : memref<256x128xf32, #tpu.memory_space<vmem>> -> memref<64x128xf32, #tpu.memory_space<vmem>>
        %dma_wait3A_321 = arith.constant 0 : i32
        %dma_wait3A_322 = tpu.memref_slice %arg7[%add3A_294, %dma_wait3A_321] : memref<40x64xi32, #tpu.memory_space<vmem>> -> memref<1x64xi32, #tpu.memory_space<vmem>>
        %dma_wait3A_323 = tpu.memref_squeeze %dma_wait3A_322 : memref<1x64xi32, #tpu.memory_space<vmem>> -> memref<64xi32, #tpu.memory_space<vmem>>
        %dma_wait3A_324 = arith.constant 0 : i32
        %dma_wait3A_325 = arith.constant 0 : i32
        %dma_wait3A_326 = tpu.memref_slice %arg9[%dma_wait3A_324, %dma_wait3A_325] : memref<10240x128xf32, #tpu.memory_space<vmem_shared>> -> memref<10240x128xf32, #tpu.memory_space<vmem_shared>>
        tpu.wait_indirect_dma semaphore(%run_scoped3A : memref<!tpu.dma_semaphore, #tpu.memory_space<semaphore_mem>>) src(%dma_wait3A_320 : memref<64x128xf32, #tpu.memory_space<vmem>>) dst(%dma_wait3A_326 : memref<10240x128xf32, #tpu.memory_space<vmem_shared>>)
        tpu.yield
      }) : () -> ()
      %lt3A_304 = arith.constant 9 : i32
      %lt3A_305 = arith.cmpi slt, %scan3A_246, %lt3A_304 : i32
      %convert_element_type3A_306 = arith.extui %lt3A_305 : i1 to i32
      %cond3A_307 = arith.constant 0 : i32
      %cond3A_308 = arith.cmpi ne, %convert_element_type3A_306, %cond3A_307 : i32
      scf.if %cond3A_308 {
        %add3A_309 = arith.constant 4 : i32
        %add3A_310 = arith.addi %add3A_294, %add3A_309 : i32
        %dma_start3A_311 = arith.constant 192 : i32
        %dma_start3A_312 = arith.constant 0 : i32
        %dma_start3A_313 = tpu.memref_slice %arg8[%dma_start3A_311, %dma_start3A_312] : memref<256x128xf32, #tpu.memory_space<vmem>> -> memref<64x128xf32, #tpu.memory_space<vmem>>
        %dma_start3A_314 = arith.constant 0 : i32
        %dma_start3A_315 = tpu.memref_slice %arg6[%add3A_310, %dma_start3A_314] : memref<40x64xi32, #tpu.memory_space<vmem>> -> memref<1x64xi32, #tpu.memory_space<vmem>>
        %dma_start3A_316 = tpu.memref_squeeze %dma_start3A_315 : memref<1x64xi32, #tpu.memory_space<vmem>> -> memref<64xi32, #tpu.memory_space<vmem>>
        %dma_start3A_317 = arith.constant 0 : i32
        %dma_start3A_318 = arith.constant 0 : i32
        %dma_start3A_319 = tpu.memref_slice %arg2[%dma_start3A_317, %dma_start3A_318] : memref<10240x128xf32, #tpu.memory_space<hbm>> -> memref<10240x128xf32, #tpu.memory_space<hbm>>
        tpu.enqueue_indirect_dma source(%dma_start3A_319 : memref<10240x128xf32, #tpu.memory_space<hbm>>) target(%dma_start3A_313 : memref<64x128xf32, #tpu.memory_space<vmem>>) offsets(%dma_start3A_316 : memref<64xi32, #tpu.memory_space<vmem>>) semaphore(%arg13 : memref<!tpu.dma_semaphore, #tpu.memory_space<semaphore_mem>>)
      } else {
      }
    }
    %scan3A_186 = arith.constant 10 : i32
    %mul3A_187 = arith.constant 160 : i32
    %mul3A_188 = arith.muli %add3A, %mul3A_187 : i32
    %add3A_189 = arith.constant 120 : i32
    %add3A_190 = arith.addi %mul3A_188, %add3A_189 : i32
    "tpu.region"() ({
      %run_scoped3A = tpu.sem_alloc : memref<!tpu.dma_semaphore, #tpu.memory_space<semaphore_mem>>
      %dma_start3A_246 = arith.constant 0 : i32
      %dma_start3A_247 = tpu.memref_slice %arg3[%add3A_190, %dma_start3A_246] : memref<5120x64xi32, #tpu.memory_space<hbm>> -> memref<40x64xi32, #tpu.memory_space<hbm>>
      %dma_start3A_248 = arith.constant 0 : i32
      %dma_start3A_249 = tpu.memref_slice %arg3[%add3A_190, %dma_start3A_248] : memref<5120x64xi32, #tpu.memory_space<hbm>> -> memref<40x64xi32, #tpu.memory_space<hbm>>
      tpu.enqueue_dma source(%dma_start3A_249 : memref<40x64xi32, #tpu.memory_space<hbm>>) target(%arg6 : memref<40x64xi32, #tpu.memory_space<vmem>>) target_semaphore(%run_scoped3A : memref<!tpu.dma_semaphore, #tpu.memory_space<semaphore_mem>>)
      %dma_wait3A = arith.constant 0 : i32
      %dma_wait3A_250 = tpu.memref_slice %arg3[%add3A_190, %dma_wait3A] : memref<5120x64xi32, #tpu.memory_space<hbm>> -> memref<40x64xi32, #tpu.memory_space<hbm>>
      %dma_wait3A_251 = arith.constant 0 : i32
      %dma_wait3A_252 = tpu.memref_slice %arg3[%add3A_190, %dma_wait3A_251] : memref<5120x64xi32, #tpu.memory_space<hbm>> -> memref<40x64xi32, #tpu.memory_space<hbm>>
      tpu.wait_dma2 semaphore(%run_scoped3A : memref<!tpu.dma_semaphore, #tpu.memory_space<semaphore_mem>>) src(%dma_wait3A_252 : memref<40x64xi32, #tpu.memory_space<hbm>>) dst(%arg6 : memref<40x64xi32, #tpu.memory_space<vmem>>)
      tpu.yield
    }) : () -> ()
    %mul3A_191 = arith.constant 160 : i32
    %mul3A_192 = arith.muli %add3A, %mul3A_191 : i32
    %add3A_193 = arith.constant 120 : i32
    %add3A_194 = arith.addi %mul3A_192, %add3A_193 : i32
    "tpu.region"() ({
      %run_scoped3A = tpu.sem_alloc : memref<!tpu.dma_semaphore, #tpu.memory_space<semaphore_mem>>
      %dma_start3A_246 = arith.constant 0 : i32
      %dma_start3A_247 = tpu.memref_slice %arg4[%add3A_194, %dma_start3A_246] : memref<5120x64xi32, #tpu.memory_space<hbm>> -> memref<40x64xi32, #tpu.memory_space<hbm>>
      %dma_start3A_248 = arith.constant 0 : i32
      %dma_start3A_249 = tpu.memref_slice %arg4[%add3A_194, %dma_start3A_248] : memref<5120x64xi32, #tpu.memory_space<hbm>> -> memref<40x64xi32, #tpu.memory_space<hbm>>
      tpu.enqueue_dma source(%dma_start3A_249 : memref<40x64xi32, #tpu.memory_space<hbm>>) target(%arg7 : memref<40x64xi32, #tpu.memory_space<vmem>>) target_semaphore(%run_scoped3A : memref<!tpu.dma_semaphore, #tpu.memory_space<semaphore_mem>>)
      %dma_wait3A = arith.constant 0 : i32
      %dma_wait3A_250 = tpu.memref_slice %arg4[%add3A_194, %dma_wait3A] : memref<5120x64xi32, #tpu.memory_space<hbm>> -> memref<40x64xi32, #tpu.memory_space<hbm>>
      %dma_wait3A_251 = arith.constant 0 : i32
      %dma_wait3A_252 = tpu.memref_slice %arg4[%add3A_194, %dma_wait3A_251] : memref<5120x64xi32, #tpu.memory_space<hbm>> -> memref<40x64xi32, #tpu.memory_space<hbm>>
      tpu.wait_dma2 semaphore(%run_scoped3A : memref<!tpu.dma_semaphore, #tpu.memory_space<semaphore_mem>>) src(%dma_wait3A_252 : memref<40x64xi32, #tpu.memory_space<hbm>>) dst(%arg7 : memref<40x64xi32, #tpu.memory_space<vmem>>)
      tpu.yield
    }) : () -> ()
    %dma_start3A_195 = arith.constant 0 : i32
    %dma_start3A_196 = arith.constant 0 : i32
    %dma_start3A_197 = arith.constant 0 : i32
    %dma_start3A_198 = tpu.memref_slice %arg8[%dma_start3A_196, %dma_start3A_197] : memref<256x128xf32, #tpu.memory_space<vmem>> -> memref<64x128xf32, #tpu.memory_space<vmem>>
    %dma_start3A_199 = arith.constant 0 : i32
    %dma_start3A_200 = tpu.memref_slice %arg6[%dma_start3A_195, %dma_start3A_199] : memref<40x64xi32, #tpu.memory_space<vmem>> -> memref<1x64xi32, #tpu.memory_space<vmem>>
    %dma_start3A_201 = tpu.memref_squeeze %dma_start3A_200 : memref<1x64xi32, #tpu.memory_space<vmem>> -> memref<64xi32, #tpu.memory_space<vmem>>
    %dma_start3A_202 = arith.constant 0 : i32
    %dma_start3A_203 = arith.constant 0 : i32
    %dma_start3A_204 = tpu.memref_slice %arg2[%dma_start3A_202, %dma_start3A_203] : memref<10240x128xf32, #tpu.memory_space<hbm>> -> memref<10240x128xf32, #tpu.memory_space<hbm>>
    tpu.enqueue_indirect_dma source(%dma_start3A_204 : memref<10240x128xf32, #tpu.memory_space<hbm>>) target(%dma_start3A_198 : memref<64x128xf32, #tpu.memory_space<vmem>>) offsets(%dma_start3A_201 : memref<64xi32, #tpu.memory_space<vmem>>) semaphore(%arg10 : memref<!tpu.dma_semaphore, #tpu.memory_space<semaphore_mem>>)
    %dma_start3A_205 = arith.constant 1 : i32
    %dma_start3A_206 = arith.constant 64 : i32
    %dma_start3A_207 = arith.constant 0 : i32
    %dma_start3A_208 = tpu.memref_slice %arg8[%dma_start3A_206, %dma_start3A_207] : memref<256x128xf32, #tpu.memory_space<vmem>> -> memref<64x128xf32, #tpu.memory_space<vmem>>
    %dma_start3A_209 = arith.constant 0 : i32
    %dma_start3A_210 = tpu.memref_slice %arg6[%dma_start3A_205, %dma_start3A_209] : memref<40x64xi32, #tpu.memory_space<vmem>> -> memref<1x64xi32, #tpu.memory_space<vmem>>
    %dma_start3A_211 = tpu.memref_squeeze %dma_start3A_210 : memref<1x64xi32, #tpu.memory_space<vmem>> -> memref<64xi32, #tpu.memory_space<vmem>>
    %dma_start3A_212 = arith.constant 0 : i32
    %dma_start3A_213 = arith.constant 0 : i32
    %dma_start3A_214 = tpu.memref_slice %arg2[%dma_start3A_212, %dma_start3A_213] : memref<10240x128xf32, #tpu.memory_space<hbm>> -> memref<10240x128xf32, #tpu.memory_space<hbm>>
    tpu.enqueue_indirect_dma source(%dma_start3A_214 : memref<10240x128xf32, #tpu.memory_space<hbm>>) target(%dma_start3A_208 : memref<64x128xf32, #tpu.memory_space<vmem>>) offsets(%dma_start3A_211 : memref<64xi32, #tpu.memory_space<vmem>>) semaphore(%arg11 : memref<!tpu.dma_semaphore, #tpu.memory_space<semaphore_mem>>)
    %dma_start3A_215 = arith.constant 2 : i32
    %dma_start3A_216 = arith.constant 128 : i32
    %dma_start3A_217 = arith.constant 0 : i32
    %dma_start3A_218 = tpu.memref_slice %arg8[%dma_start3A_216, %dma_start3A_217] : memref<256x128xf32, #tpu.memory_space<vmem>> -> memref<64x128xf32, #tpu.memory_space<vmem>>
    %dma_start3A_219 = arith.constant 0 : i32
    %dma_start3A_220 = tpu.memref_slice %arg6[%dma_start3A_215, %dma_start3A_219] : memref<40x64xi32, #tpu.memory_space<vmem>> -> memref<1x64xi32, #tpu.memory_space<vmem>>
    %dma_start3A_221 = tpu.memref_squeeze %dma_start3A_220 : memref<1x64xi32, #tpu.memory_space<vmem>> -> memref<64xi32, #tpu.memory_space<vmem>>
    %dma_start3A_222 = arith.constant 0 : i32
    %dma_start3A_223 = arith.constant 0 : i32
    %dma_start3A_224 = tpu.memref_slice %arg2[%dma_start3A_222, %dma_start3A_223] : memref<10240x128xf32, #tpu.memory_space<hbm>> -> memref<10240x128xf32, #tpu.memory_space<hbm>>
    tpu.enqueue_indirect_dma source(%dma_start3A_224 : memref<10240x128xf32, #tpu.memory_space<hbm>>) target(%dma_start3A_218 : memref<64x128xf32, #tpu.memory_space<vmem>>) offsets(%dma_start3A_221 : memref<64xi32, #tpu.memory_space<vmem>>) semaphore(%arg12 : memref<!tpu.dma_semaphore, #tpu.memory_space<semaphore_mem>>)
    %dma_start3A_225 = arith.constant 3 : i32
    %dma_start3A_226 = arith.constant 192 : i32
    %dma_start3A_227 = arith.constant 0 : i32
    %dma_start3A_228 = tpu.memref_slice %arg8[%dma_start3A_226, %dma_start3A_227] : memref<256x128xf32, #tpu.memory_space<vmem>> -> memref<64x128xf32, #tpu.memory_space<vmem>>
    %dma_start3A_229 = arith.constant 0 : i32
    %dma_start3A_230 = tpu.memref_slice %arg6[%dma_start3A_225, %dma_start3A_229] : memref<40x64xi32, #tpu.memory_space<vmem>> -> memref<1x64xi32, #tpu.memory_space<vmem>>
    %dma_start3A_231 = tpu.memref_squeeze %dma_start3A_230 : memref<1x64xi32, #tpu.memory_space<vmem>> -> memref<64xi32, #tpu.memory_space<vmem>>
    %dma_start3A_232 = arith.constant 0 : i32
    %dma_start3A_233 = arith.constant 0 : i32
    %dma_start3A_234 = tpu.memref_slice %arg2[%dma_start3A_232, %dma_start3A_233] : memref<10240x128xf32, #tpu.memory_space<hbm>> -> memref<10240x128xf32, #tpu.memory_space<hbm>>
    tpu.enqueue_indirect_dma source(%dma_start3A_234 : memref<10240x128xf32, #tpu.memory_space<hbm>>) target(%dma_start3A_228 : memref<64x128xf32, #tpu.memory_space<vmem>>) offsets(%dma_start3A_231 : memref<64xi32, #tpu.memory_space<vmem>>) semaphore(%arg13 : memref<!tpu.dma_semaphore, #tpu.memory_space<semaphore_mem>>)
    %scan3A_235 = arith.constant 0 : i32
    %scan3A_236 = arith.constant 0 : i32
    %scan3A_237 = arith.constant 10 : i32
    %scan3A_238 = arith.addi %scan3A_236, %scan3A_237 : i32
    %scan3A_239 = arith.constant 1 : i32
    scf.for %scan3A_246 = %scan3A_236 to %scan3A_238 step %scan3A_239  : i32 {
      %mul3A_247 = arith.constant 4 : i32
      %mul3A_248 = arith.muli %mul3A_247, %scan3A_246 : i32
      %add3A_249 = arith.constant 0 : i32
      %add3A_250 = arith.addi %mul3A_248, %add3A_249 : i32
      %dma_wait3A = arith.constant 0 : i32
      %dma_wait3A_251 = arith.constant 0 : i32
      %dma_wait3A_252 = tpu.memref_slice %arg8[%dma_wait3A, %dma_wait3A_251] : memref<256x128xf32, #tpu.memory_space<vmem>> -> memref<64x128xf32, #tpu.memory_space<vmem>>
      %dma_wait3A_253 = arith.constant 0 : i32
      %dma_wait3A_254 = tpu.memref_slice %arg6[%add3A_250, %dma_wait3A_253] : memref<40x64xi32, #tpu.memory_space<vmem>> -> memref<1x64xi32, #tpu.memory_space<vmem>>
      %dma_wait3A_255 = tpu.memref_squeeze %dma_wait3A_254 : memref<1x64xi32, #tpu.memory_space<vmem>> -> memref<64xi32, #tpu.memory_space<vmem>>
      %dma_wait3A_256 = arith.constant 0 : i32
      %dma_wait3A_257 = arith.constant 0 : i32
      %dma_wait3A_258 = tpu.memref_slice %arg2[%dma_wait3A_256, %dma_wait3A_257] : memref<10240x128xf32, #tpu.memory_space<hbm>> -> memref<10240x128xf32, #tpu.memory_space<hbm>>
      tpu.wait_indirect_dma semaphore(%arg10 : memref<!tpu.dma_semaphore, #tpu.memory_space<semaphore_mem>>) src(%dma_wait3A_258 : memref<10240x128xf32, #tpu.memory_space<hbm>>) dst(%dma_wait3A_252 : memref<64x128xf32, #tpu.memory_space<vmem>>)
      "tpu.region"() ({
        %run_scoped3A = tpu.sem_alloc : memref<!tpu.dma_semaphore, #tpu.memory_space<semaphore_mem>>
        %dma_start3A_309 = arith.constant 0 : i32
        %dma_start3A_310 = arith.constant 0 : i32
        %dma_start3A_311 = tpu.memref_slice %arg8[%dma_start3A_309, %dma_start3A_310] : memref<256x128xf32, #tpu.memory_space<vmem>> -> memref<64x128xf32, #tpu.memory_space<vmem>>
        %dma_start3A_312 = arith.constant 0 : i32
        %dma_start3A_313 = tpu.memref_slice %arg7[%add3A_250, %dma_start3A_312] : memref<40x64xi32, #tpu.memory_space<vmem>> -> memref<1x64xi32, #tpu.memory_space<vmem>>
        %dma_start3A_314 = tpu.memref_squeeze %dma_start3A_313 : memref<1x64xi32, #tpu.memory_space<vmem>> -> memref<64xi32, #tpu.memory_space<vmem>>
        %dma_start3A_315 = arith.constant 0 : i32
        %dma_start3A_316 = arith.constant 0 : i32
        %dma_start3A_317 = tpu.memref_slice %arg9[%dma_start3A_315, %dma_start3A_316] : memref<10240x128xf32, #tpu.memory_space<vmem_shared>> -> memref<10240x128xf32, #tpu.memory_space<vmem_shared>>
        tpu.enqueue_indirect_dma source(%dma_start3A_311 : memref<64x128xf32, #tpu.memory_space<vmem>>) target(%dma_start3A_317 : memref<10240x128xf32, #tpu.memory_space<vmem_shared>>) offsets(%dma_start3A_314 : memref<64xi32, #tpu.memory_space<vmem>>) semaphore(%run_scoped3A : memref<!tpu.dma_semaphore, #tpu.memory_space<semaphore_mem>>) {add = true}
        %dma_wait3A_318 = arith.constant 0 : i32
        %dma_wait3A_319 = arith.constant 0 : i32
        %dma_wait3A_320 = tpu.memref_slice %arg8[%dma_wait3A_318, %dma_wait3A_319] : memref<256x128xf32, #tpu.memory_space<vmem>> -> memref<64x128xf32, #tpu.memory_space<vmem>>
        %dma_wait3A_321 = arith.constant 0 : i32
        %dma_wait3A_322 = tpu.memref_slice %arg7[%add3A_250, %dma_wait3A_321] : memref<40x64xi32, #tpu.memory_space<vmem>> -> memref<1x64xi32, #tpu.memory_space<vmem>>
        %dma_wait3A_323 = tpu.memref_squeeze %dma_wait3A_322 : memref<1x64xi32, #tpu.memory_space<vmem>> -> memref<64xi32, #tpu.memory_space<vmem>>
        %dma_wait3A_324 = arith.constant 0 : i32
        %dma_wait3A_325 = arith.constant 0 : i32
        %dma_wait3A_326 = tpu.memref_slice %arg9[%dma_wait3A_324, %dma_wait3A_325] : memref<10240x128xf32, #tpu.memory_space<vmem_shared>> -> memref<10240x128xf32, #tpu.memory_space<vmem_shared>>
        tpu.wait_indirect_dma semaphore(%run_scoped3A : memref<!tpu.dma_semaphore, #tpu.memory_space<semaphore_mem>>) src(%dma_wait3A_320 : memref<64x128xf32, #tpu.memory_space<vmem>>) dst(%dma_wait3A_326 : memref<10240x128xf32, #tpu.memory_space<vmem_shared>>)
        tpu.yield
      }) : () -> ()
      %lt3A = arith.constant 9 : i32
      %lt3A_259 = arith.cmpi slt, %scan3A_246, %lt3A : i32
      %convert_element_type3A = arith.extui %lt3A_259 : i1 to i32
      %cond3A = arith.constant 0 : i32
      %cond3A_260 = arith.cmpi ne, %convert_element_type3A, %cond3A : i32
      scf.if %cond3A_260 {
        %add3A_309 = arith.constant 4 : i32
        %add3A_310 = arith.addi %add3A_250, %add3A_309 : i32
        %dma_start3A_311 = arith.constant 0 : i32
        %dma_start3A_312 = arith.constant 0 : i32
        %dma_start3A_313 = tpu.memref_slice %arg8[%dma_start3A_311, %dma_start3A_312] : memref<256x128xf32, #tpu.memory_space<vmem>> -> memref<64x128xf32, #tpu.memory_space<vmem>>
        %dma_start3A_314 = arith.constant 0 : i32
        %dma_start3A_315 = tpu.memref_slice %arg6[%add3A_310, %dma_start3A_314] : memref<40x64xi32, #tpu.memory_space<vmem>> -> memref<1x64xi32, #tpu.memory_space<vmem>>
        %dma_start3A_316 = tpu.memref_squeeze %dma_start3A_315 : memref<1x64xi32, #tpu.memory_space<vmem>> -> memref<64xi32, #tpu.memory_space<vmem>>
        %dma_start3A_317 = arith.constant 0 : i32
        %dma_start3A_318 = arith.constant 0 : i32
        %dma_start3A_319 = tpu.memref_slice %arg2[%dma_start3A_317, %dma_start3A_318] : memref<10240x128xf32, #tpu.memory_space<hbm>> -> memref<10240x128xf32, #tpu.memory_space<hbm>>
        tpu.enqueue_indirect_dma source(%dma_start3A_319 : memref<10240x128xf32, #tpu.memory_space<hbm>>) target(%dma_start3A_313 : memref<64x128xf32, #tpu.memory_space<vmem>>) offsets(%dma_start3A_316 : memref<64xi32, #tpu.memory_space<vmem>>) semaphore(%arg10 : memref<!tpu.dma_semaphore, #tpu.memory_space<semaphore_mem>>)
      } else {
      }
      %add3A_261 = arith.constant 1 : i32
      %add3A_262 = arith.addi %mul3A_248, %add3A_261 : i32
      %dma_wait3A_263 = arith.constant 64 : i32
      %dma_wait3A_264 = arith.constant 0 : i32
      %dma_wait3A_265 = tpu.memref_slice %arg8[%dma_wait3A_263, %dma_wait3A_264] : memref<256x128xf32, #tpu.memory_space<vmem>> -> memref<64x128xf32, #tpu.memory_space<vmem>>
      %dma_wait3A_266 = arith.constant 0 : i32
      %dma_wait3A_267 = tpu.memref_slice %arg6[%add3A_262, %dma_wait3A_266] : memref<40x64xi32, #tpu.memory_space<vmem>> -> memref<1x64xi32, #tpu.memory_space<vmem>>
      %dma_wait3A_268 = tpu.memref_squeeze %dma_wait3A_267 : memref<1x64xi32, #tpu.memory_space<vmem>> -> memref<64xi32, #tpu.memory_space<vmem>>
      %dma_wait3A_269 = arith.constant 0 : i32
      %dma_wait3A_270 = arith.constant 0 : i32
      %dma_wait3A_271 = tpu.memref_slice %arg2[%dma_wait3A_269, %dma_wait3A_270] : memref<10240x128xf32, #tpu.memory_space<hbm>> -> memref<10240x128xf32, #tpu.memory_space<hbm>>
      tpu.wait_indirect_dma semaphore(%arg11 : memref<!tpu.dma_semaphore, #tpu.memory_space<semaphore_mem>>) src(%dma_wait3A_271 : memref<10240x128xf32, #tpu.memory_space<hbm>>) dst(%dma_wait3A_265 : memref<64x128xf32, #tpu.memory_space<vmem>>)
      "tpu.region"() ({
        %run_scoped3A = tpu.sem_alloc : memref<!tpu.dma_semaphore, #tpu.memory_space<semaphore_mem>>
        %dma_start3A_309 = arith.constant 64 : i32
        %dma_start3A_310 = arith.constant 0 : i32
        %dma_start3A_311 = tpu.memref_slice %arg8[%dma_start3A_309, %dma_start3A_310] : memref<256x128xf32, #tpu.memory_space<vmem>> -> memref<64x128xf32, #tpu.memory_space<vmem>>
        %dma_start3A_312 = arith.constant 0 : i32
        %dma_start3A_313 = tpu.memref_slice %arg7[%add3A_262, %dma_start3A_312] : memref<40x64xi32, #tpu.memory_space<vmem>> -> memref<1x64xi32, #tpu.memory_space<vmem>>
        %dma_start3A_314 = tpu.memref_squeeze %dma_start3A_313 : memref<1x64xi32, #tpu.memory_space<vmem>> -> memref<64xi32, #tpu.memory_space<vmem>>
        %dma_start3A_315 = arith.constant 0 : i32
        %dma_start3A_316 = arith.constant 0 : i32
        %dma_start3A_317 = tpu.memref_slice %arg9[%dma_start3A_315, %dma_start3A_316] : memref<10240x128xf32, #tpu.memory_space<vmem_shared>> -> memref<10240x128xf32, #tpu.memory_space<vmem_shared>>
        tpu.enqueue_indirect_dma source(%dma_start3A_311 : memref<64x128xf32, #tpu.memory_space<vmem>>) target(%dma_start3A_317 : memref<10240x128xf32, #tpu.memory_space<vmem_shared>>) offsets(%dma_start3A_314 : memref<64xi32, #tpu.memory_space<vmem>>) semaphore(%run_scoped3A : memref<!tpu.dma_semaphore, #tpu.memory_space<semaphore_mem>>) {add = true}
        %dma_wait3A_318 = arith.constant 64 : i32
        %dma_wait3A_319 = arith.constant 0 : i32
        %dma_wait3A_320 = tpu.memref_slice %arg8[%dma_wait3A_318, %dma_wait3A_319] : memref<256x128xf32, #tpu.memory_space<vmem>> -> memref<64x128xf32, #tpu.memory_space<vmem>>
        %dma_wait3A_321 = arith.constant 0 : i32
        %dma_wait3A_322 = tpu.memref_slice %arg7[%add3A_262, %dma_wait3A_321] : memref<40x64xi32, #tpu.memory_space<vmem>> -> memref<1x64xi32, #tpu.memory_space<vmem>>
        %dma_wait3A_323 = tpu.memref_squeeze %dma_wait3A_322 : memref<1x64xi32, #tpu.memory_space<vmem>> -> memref<64xi32, #tpu.memory_space<vmem>>
        %dma_wait3A_324 = arith.constant 0 : i32
        %dma_wait3A_325 = arith.constant 0 : i32
        %dma_wait3A_326 = tpu.memref_slice %arg9[%dma_wait3A_324, %dma_wait3A_325] : memref<10240x128xf32, #tpu.memory_space<vmem_shared>> -> memref<10240x128xf32, #tpu.memory_space<vmem_shared>>
        tpu.wait_indirect_dma semaphore(%run_scoped3A : memref<!tpu.dma_semaphore, #tpu.memory_space<semaphore_mem>>) src(%dma_wait3A_320 : memref<64x128xf32, #tpu.memory_space<vmem>>) dst(%dma_wait3A_326 : memref<10240x128xf32, #tpu.memory_space<vmem_shared>>)
        tpu.yield
      }) : () -> ()
      %lt3A_272 = arith.constant 9 : i32
      %lt3A_273 = arith.cmpi slt, %scan3A_246, %lt3A_272 : i32
      %convert_element_type3A_274 = arith.extui %lt3A_273 : i1 to i32
      %cond3A_275 = arith.constant 0 : i32
      %cond3A_276 = arith.cmpi ne, %convert_element_type3A_274, %cond3A_275 : i32
      scf.if %cond3A_276 {
        %add3A_309 = arith.constant 4 : i32
        %add3A_310 = arith.addi %add3A_262, %add3A_309 : i32
        %dma_start3A_311 = arith.constant 64 : i32
        %dma_start3A_312 = arith.constant 0 : i32
        %dma_start3A_313 = tpu.memref_slice %arg8[%dma_start3A_311, %dma_start3A_312] : memref<256x128xf32, #tpu.memory_space<vmem>> -> memref<64x128xf32, #tpu.memory_space<vmem>>
        %dma_start3A_314 = arith.constant 0 : i32
        %dma_start3A_315 = tpu.memref_slice %arg6[%add3A_310, %dma_start3A_314] : memref<40x64xi32, #tpu.memory_space<vmem>> -> memref<1x64xi32, #tpu.memory_space<vmem>>
        %dma_start3A_316 = tpu.memref_squeeze %dma_start3A_315 : memref<1x64xi32, #tpu.memory_space<vmem>> -> memref<64xi32, #tpu.memory_space<vmem>>
        %dma_start3A_317 = arith.constant 0 : i32
        %dma_start3A_318 = arith.constant 0 : i32
        %dma_start3A_319 = tpu.memref_slice %arg2[%dma_start3A_317, %dma_start3A_318] : memref<10240x128xf32, #tpu.memory_space<hbm>> -> memref<10240x128xf32, #tpu.memory_space<hbm>>
        tpu.enqueue_indirect_dma source(%dma_start3A_319 : memref<10240x128xf32, #tpu.memory_space<hbm>>) target(%dma_start3A_313 : memref<64x128xf32, #tpu.memory_space<vmem>>) offsets(%dma_start3A_316 : memref<64xi32, #tpu.memory_space<vmem>>) semaphore(%arg11 : memref<!tpu.dma_semaphore, #tpu.memory_space<semaphore_mem>>)
      } else {
      }
      %add3A_277 = arith.constant 2 : i32
      %add3A_278 = arith.addi %mul3A_248, %add3A_277 : i32
      %dma_wait3A_279 = arith.constant 128 : i32
      %dma_wait3A_280 = arith.constant 0 : i32
      %dma_wait3A_281 = tpu.memref_slice %arg8[%dma_wait3A_279, %dma_wait3A_280] : memref<256x128xf32, #tpu.memory_space<vmem>> -> memref<64x128xf32, #tpu.memory_space<vmem>>
      %dma_wait3A_282 = arith.constant 0 : i32
      %dma_wait3A_283 = tpu.memref_slice %arg6[%add3A_278, %dma_wait3A_282] : memref<40x64xi32, #tpu.memory_space<vmem>> -> memref<1x64xi32, #tpu.memory_space<vmem>>
      %dma_wait3A_284 = tpu.memref_squeeze %dma_wait3A_283 : memref<1x64xi32, #tpu.memory_space<vmem>> -> memref<64xi32, #tpu.memory_space<vmem>>
      %dma_wait3A_285 = arith.constant 0 : i32
      %dma_wait3A_286 = arith.constant 0 : i32
      %dma_wait3A_287 = tpu.memref_slice %arg2[%dma_wait3A_285, %dma_wait3A_286] : memref<10240x128xf32, #tpu.memory_space<hbm>> -> memref<10240x128xf32, #tpu.memory_space<hbm>>
      tpu.wait_indirect_dma semaphore(%arg12 : memref<!tpu.dma_semaphore, #tpu.memory_space<semaphore_mem>>) src(%dma_wait3A_287 : memref<10240x128xf32, #tpu.memory_space<hbm>>) dst(%dma_wait3A_281 : memref<64x128xf32, #tpu.memory_space<vmem>>)
      "tpu.region"() ({
        %run_scoped3A = tpu.sem_alloc : memref<!tpu.dma_semaphore, #tpu.memory_space<semaphore_mem>>
        %dma_start3A_309 = arith.constant 128 : i32
        %dma_start3A_310 = arith.constant 0 : i32
        %dma_start3A_311 = tpu.memref_slice %arg8[%dma_start3A_309, %dma_start3A_310] : memref<256x128xf32, #tpu.memory_space<vmem>> -> memref<64x128xf32, #tpu.memory_space<vmem>>
        %dma_start3A_312 = arith.constant 0 : i32
        %dma_start3A_313 = tpu.memref_slice %arg7[%add3A_278, %dma_start3A_312] : memref<40x64xi32, #tpu.memory_space<vmem>> -> memref<1x64xi32, #tpu.memory_space<vmem>>
        %dma_start3A_314 = tpu.memref_squeeze %dma_start3A_313 : memref<1x64xi32, #tpu.memory_space<vmem>> -> memref<64xi32, #tpu.memory_space<vmem>>
        %dma_start3A_315 = arith.constant 0 : i32
        %dma_start3A_316 = arith.constant 0 : i32
        %dma_start3A_317 = tpu.memref_slice %arg9[%dma_start3A_315, %dma_start3A_316] : memref<10240x128xf32, #tpu.memory_space<vmem_shared>> -> memref<10240x128xf32, #tpu.memory_space<vmem_shared>>
        tpu.enqueue_indirect_dma source(%dma_start3A_311 : memref<64x128xf32, #tpu.memory_space<vmem>>) target(%dma_start3A_317 : memref<10240x128xf32, #tpu.memory_space<vmem_shared>>) offsets(%dma_start3A_314 : memref<64xi32, #tpu.memory_space<vmem>>) semaphore(%run_scoped3A : memref<!tpu.dma_semaphore, #tpu.memory_space<semaphore_mem>>) {add = true}
        %dma_wait3A_318 = arith.constant 128 : i32
        %dma_wait3A_319 = arith.constant 0 : i32
        %dma_wait3A_320 = tpu.memref_slice %arg8[%dma_wait3A_318, %dma_wait3A_319] : memref<256x128xf32, #tpu.memory_space<vmem>> -> memref<64x128xf32, #tpu.memory_space<vmem>>
        %dma_wait3A_321 = arith.constant 0 : i32
        %dma_wait3A_322 = tpu.memref_slice %arg7[%add3A_278, %dma_wait3A_321] : memref<40x64xi32, #tpu.memory_space<vmem>> -> memref<1x64xi32, #tpu.memory_space<vmem>>
        %dma_wait3A_323 = tpu.memref_squeeze %dma_wait3A_322 : memref<1x64xi32, #tpu.memory_space<vmem>> -> memref<64xi32, #tpu.memory_space<vmem>>
        %dma_wait3A_324 = arith.constant 0 : i32
        %dma_wait3A_325 = arith.constant 0 : i32
        %dma_wait3A_326 = tpu.memref_slice %arg9[%dma_wait3A_324, %dma_wait3A_325] : memref<10240x128xf32, #tpu.memory_space<vmem_shared>> -> memref<10240x128xf32, #tpu.memory_space<vmem_shared>>
        tpu.wait_indirect_dma semaphore(%run_scoped3A : memref<!tpu.dma_semaphore, #tpu.memory_space<semaphore_mem>>) src(%dma_wait3A_320 : memref<64x128xf32, #tpu.memory_space<vmem>>) dst(%dma_wait3A_326 : memref<10240x128xf32, #tpu.memory_space<vmem_shared>>)
        tpu.yield
      }) : () -> ()
      %lt3A_288 = arith.constant 9 : i32
      %lt3A_289 = arith.cmpi slt, %scan3A_246, %lt3A_288 : i32
      %convert_element_type3A_290 = arith.extui %lt3A_289 : i1 to i32
      %cond3A_291 = arith.constant 0 : i32
      %cond3A_292 = arith.cmpi ne, %convert_element_type3A_290, %cond3A_291 : i32
      scf.if %cond3A_292 {
        %add3A_309 = arith.constant 4 : i32
        %add3A_310 = arith.addi %add3A_278, %add3A_309 : i32
        %dma_start3A_311 = arith.constant 128 : i32
        %dma_start3A_312 = arith.constant 0 : i32
        %dma_start3A_313 = tpu.memref_slice %arg8[%dma_start3A_311, %dma_start3A_312] : memref<256x128xf32, #tpu.memory_space<vmem>> -> memref<64x128xf32, #tpu.memory_space<vmem>>
        %dma_start3A_314 = arith.constant 0 : i32
        %dma_start3A_315 = tpu.memref_slice %arg6[%add3A_310, %dma_start3A_314] : memref<40x64xi32, #tpu.memory_space<vmem>> -> memref<1x64xi32, #tpu.memory_space<vmem>>
        %dma_start3A_316 = tpu.memref_squeeze %dma_start3A_315 : memref<1x64xi32, #tpu.memory_space<vmem>> -> memref<64xi32, #tpu.memory_space<vmem>>
        %dma_start3A_317 = arith.constant 0 : i32
        %dma_start3A_318 = arith.constant 0 : i32
        %dma_start3A_319 = tpu.memref_slice %arg2[%dma_start3A_317, %dma_start3A_318] : memref<10240x128xf32, #tpu.memory_space<hbm>> -> memref<10240x128xf32, #tpu.memory_space<hbm>>
        tpu.enqueue_indirect_dma source(%dma_start3A_319 : memref<10240x128xf32, #tpu.memory_space<hbm>>) target(%dma_start3A_313 : memref<64x128xf32, #tpu.memory_space<vmem>>) offsets(%dma_start3A_316 : memref<64xi32, #tpu.memory_space<vmem>>) semaphore(%arg12 : memref<!tpu.dma_semaphore, #tpu.memory_space<semaphore_mem>>)
      } else {
      }
      %add3A_293 = arith.constant 3 : i32
      %add3A_294 = arith.addi %mul3A_248, %add3A_293 : i32
      %dma_wait3A_295 = arith.constant 192 : i32
      %dma_wait3A_296 = arith.constant 0 : i32
      %dma_wait3A_297 = tpu.memref_slice %arg8[%dma_wait3A_295, %dma_wait3A_296] : memref<256x128xf32, #tpu.memory_space<vmem>> -> memref<64x128xf32, #tpu.memory_space<vmem>>
      %dma_wait3A_298 = arith.constant 0 : i32
      %dma_wait3A_299 = tpu.memref_slice %arg6[%add3A_294, %dma_wait3A_298] : memref<40x64xi32, #tpu.memory_space<vmem>> -> memref<1x64xi32, #tpu.memory_space<vmem>>
      %dma_wait3A_300 = tpu.memref_squeeze %dma_wait3A_299 : memref<1x64xi32, #tpu.memory_space<vmem>> -> memref<64xi32, #tpu.memory_space<vmem>>
      %dma_wait3A_301 = arith.constant 0 : i32
      %dma_wait3A_302 = arith.constant 0 : i32
      %dma_wait3A_303 = tpu.memref_slice %arg2[%dma_wait3A_301, %dma_wait3A_302] : memref<10240x128xf32, #tpu.memory_space<hbm>> -> memref<10240x128xf32, #tpu.memory_space<hbm>>
      tpu.wait_indirect_dma semaphore(%arg13 : memref<!tpu.dma_semaphore, #tpu.memory_space<semaphore_mem>>) src(%dma_wait3A_303 : memref<10240x128xf32, #tpu.memory_space<hbm>>) dst(%dma_wait3A_297 : memref<64x128xf32, #tpu.memory_space<vmem>>)
      "tpu.region"() ({
        %run_scoped3A = tpu.sem_alloc : memref<!tpu.dma_semaphore, #tpu.memory_space<semaphore_mem>>
        %dma_start3A_309 = arith.constant 192 : i32
        %dma_start3A_310 = arith.constant 0 : i32
        %dma_start3A_311 = tpu.memref_slice %arg8[%dma_start3A_309, %dma_start3A_310] : memref<256x128xf32, #tpu.memory_space<vmem>> -> memref<64x128xf32, #tpu.memory_space<vmem>>
        %dma_start3A_312 = arith.constant 0 : i32
        %dma_start3A_313 = tpu.memref_slice %arg7[%add3A_294, %dma_start3A_312] : memref<40x64xi32, #tpu.memory_space<vmem>> -> memref<1x64xi32, #tpu.memory_space<vmem>>
        %dma_start3A_314 = tpu.memref_squeeze %dma_start3A_313 : memref<1x64xi32, #tpu.memory_space<vmem>> -> memref<64xi32, #tpu.memory_space<vmem>>
        %dma_start3A_315 = arith.constant 0 : i32
        %dma_start3A_316 = arith.constant 0 : i32
        %dma_start3A_317 = tpu.memref_slice %arg9[%dma_start3A_315, %dma_start3A_316] : memref<10240x128xf32, #tpu.memory_space<vmem_shared>> -> memref<10240x128xf32, #tpu.memory_space<vmem_shared>>
        tpu.enqueue_indirect_dma source(%dma_start3A_311 : memref<64x128xf32, #tpu.memory_space<vmem>>) target(%dma_start3A_317 : memref<10240x128xf32, #tpu.memory_space<vmem_shared>>) offsets(%dma_start3A_314 : memref<64xi32, #tpu.memory_space<vmem>>) semaphore(%run_scoped3A : memref<!tpu.dma_semaphore, #tpu.memory_space<semaphore_mem>>) {add = true}
        %dma_wait3A_318 = arith.constant 192 : i32
        %dma_wait3A_319 = arith.constant 0 : i32
        %dma_wait3A_320 = tpu.memref_slice %arg8[%dma_wait3A_318, %dma_wait3A_319] : memref<256x128xf32, #tpu.memory_space<vmem>> -> memref<64x128xf32, #tpu.memory_space<vmem>>
        %dma_wait3A_321 = arith.constant 0 : i32
        %dma_wait3A_322 = tpu.memref_slice %arg7[%add3A_294, %dma_wait3A_321] : memref<40x64xi32, #tpu.memory_space<vmem>> -> memref<1x64xi32, #tpu.memory_space<vmem>>
        %dma_wait3A_323 = tpu.memref_squeeze %dma_wait3A_322 : memref<1x64xi32, #tpu.memory_space<vmem>> -> memref<64xi32, #tpu.memory_space<vmem>>
        %dma_wait3A_324 = arith.constant 0 : i32
        %dma_wait3A_325 = arith.constant 0 : i32
        %dma_wait3A_326 = tpu.memref_slice %arg9[%dma_wait3A_324, %dma_wait3A_325] : memref<10240x128xf32, #tpu.memory_space<vmem_shared>> -> memref<10240x128xf32, #tpu.memory_space<vmem_shared>>
        tpu.wait_indirect_dma semaphore(%run_scoped3A : memref<!tpu.dma_semaphore, #tpu.memory_space<semaphore_mem>>) src(%dma_wait3A_320 : memref<64x128xf32, #tpu.memory_space<vmem>>) dst(%dma_wait3A_326 : memref<10240x128xf32, #tpu.memory_space<vmem_shared>>)
        tpu.yield
      }) : () -> ()
      %lt3A_304 = arith.constant 9 : i32
      %lt3A_305 = arith.cmpi slt, %scan3A_246, %lt3A_304 : i32
      %convert_element_type3A_306 = arith.extui %lt3A_305 : i1 to i32
      %cond3A_307 = arith.constant 0 : i32
      %cond3A_308 = arith.cmpi ne, %convert_element_type3A_306, %cond3A_307 : i32
      scf.if %cond3A_308 {
        %add3A_309 = arith.constant 4 : i32
        %add3A_310 = arith.addi %add3A_294, %add3A_309 : i32
        %dma_start3A_311 = arith.constant 192 : i32
        %dma_start3A_312 = arith.constant 0 : i32
        %dma_start3A_313 = tpu.memref_slice %arg8[%dma_start3A_311, %dma_start3A_312] : memref<256x128xf32, #tpu.memory_space<vmem>> -> memref<64x128xf32, #tpu.memory_space<vmem>>
        %dma_start3A_314 = arith.constant 0 : i32
        %dma_start3A_315 = tpu.memref_slice %arg6[%add3A_310, %dma_start3A_314] : memref<40x64xi32, #tpu.memory_space<vmem>> -> memref<1x64xi32, #tpu.memory_space<vmem>>
        %dma_start3A_316 = tpu.memref_squeeze %dma_start3A_315 : memref<1x64xi32, #tpu.memory_space<vmem>> -> memref<64xi32, #tpu.memory_space<vmem>>
        %dma_start3A_317 = arith.constant 0 : i32
        %dma_start3A_318 = arith.constant 0 : i32
        %dma_start3A_319 = tpu.memref_slice %arg2[%dma_start3A_317, %dma_start3A_318] : memref<10240x128xf32, #tpu.memory_space<hbm>> -> memref<10240x128xf32, #tpu.memory_space<hbm>>
        tpu.enqueue_indirect_dma source(%dma_start3A_319 : memref<10240x128xf32, #tpu.memory_space<hbm>>) target(%dma_start3A_313 : memref<64x128xf32, #tpu.memory_space<vmem>>) offsets(%dma_start3A_316 : memref<64xi32, #tpu.memory_space<vmem>>) semaphore(%arg13 : memref<!tpu.dma_semaphore, #tpu.memory_space<semaphore_mem>>)
      } else {
      }
    }
    %scan3A_240 = arith.constant 10 : i32
    %barrier3A_241 = arith.constant 0 : index
    tpu.barrier barrier_id(%barrier3A_241)
    %mul3A_242 = arith.constant 640 : i32
    %mul3A_243 = arith.muli %arg1, %mul3A_242 : i32
    %mul3A_244 = arith.constant 640 : i32
    %mul3A_245 = arith.muli %arg1, %mul3A_244 : i32
    "tpu.region"() ({
      %run_scoped3A = tpu.sem_alloc : memref<!tpu.dma_semaphore, #tpu.memory_space<semaphore_mem>>
      %dma_start3A_246 = arith.constant 0 : i32
      %dma_start3A_247 = tpu.memref_slice %arg5[%arg0, %mul3A_245, %dma_start3A_246] : memref<2x10240x128xf32, #tpu.memory_space<hbm>> -> memref<1x640x128xf32, #tpu.memory_space<hbm>>
      %dma_start3A_248 = tpu.memref_squeeze %dma_start3A_247 : memref<1x640x128xf32, #tpu.memory_space<hbm>> -> memref<640x128xf32, #tpu.memory_space<hbm>>
      %dma_start3A_249 = arith.constant 0 : i32
      %dma_start3A_250 = tpu.memref_slice %arg9[%mul3A_243, %dma_start3A_249] : memref<10240x128xf32, #tpu.memory_space<vmem_shared>> -> memref<640x128xf32, #tpu.memory_space<vmem_shared>>
      tpu.enqueue_dma source(%dma_start3A_250 : memref<640x128xf32, #tpu.memory_space<vmem_shared>>) target(%dma_start3A_248 : memref<640x128xf32, #tpu.memory_space<hbm>>) target_semaphore(%run_scoped3A : memref<!tpu.dma_semaphore, #tpu.memory_space<semaphore_mem>>)
      %dma_wait3A = arith.constant 0 : i32
      %dma_wait3A_251 = tpu.memref_slice %arg5[%arg0, %mul3A_245, %dma_wait3A] : memref<2x10240x128xf32, #tpu.memory_space<hbm>> -> memref<1x640x128xf32, #tpu.memory_space<hbm>>
      %dma_wait3A_252 = tpu.memref_squeeze %dma_wait3A_251 : memref<1x640x128xf32, #tpu.memory_space<hbm>> -> memref<640x128xf32, #tpu.memory_space<hbm>>
      %dma_wait3A_253 = arith.constant 0 : i32
      %dma_wait3A_254 = tpu.memref_slice %arg9[%mul3A_243, %dma_wait3A_253] : memref<10240x128xf32, #tpu.memory_space<vmem_shared>> -> memref<640x128xf32, #tpu.memory_space<vmem_shared>>
      tpu.wait_dma2 semaphore(%run_scoped3A : memref<!tpu.dma_semaphore, #tpu.memory_space<semaphore_mem>>) src(%dma_wait3A_254 : memref<640x128xf32, #tpu.memory_space<vmem_shared>>) dst(%dma_wait3A_252 : memref<640x128xf32, #tpu.memory_space<hbm>>)
      tpu.yield
    }) : () -> ()
    return
  }
}

#map = affine_map<(d0, d1) -> (0, 0)>
#map1 = affine_map<(d0, d1) -> (0, 0, 0)>
module attributes {stable_mosaic.version = 14 : i64} {
  func.func @_deg_body(%arg0: i32, %arg1: i32, %arg2: memref<5120x64xi32, #tpu.memory_space<hbm>>, %arg3: memref<2x10240x128xf32, #tpu.memory_space<hbm>>, %arg4: memref<160x64xi32, #tpu.memory_space<vmem>>, %arg5: memref<128x128xf32, #tpu.memory_space<vmem>>, %arg6: memref<10240x128xf32, #tpu.memory_space<vmem_shared>>) attributes {dimension_semantics = [#tpu.dimension_semantics<core_parallel>, #tpu.dimension_semantics<subcore_parallel>], iteration_bounds = array<i64: 2, 16>, scalar_prefetch = 0 : i64, scratch_operands = 3 : i64, tpu.core_type = #tpu.core_type<sc_vector_subcore>, window_params = [{transform_indices = #map}, {transform_indices = #map1}]} {
    %mul3A = arith.constant 16 : i32
    %mul3A_0 = arith.muli %arg0, %mul3A : i32
    %add3A = arith.addi %mul3A_0, %arg1 : i32
    %scan3A = arith.constant 0 : i32
    %scan3A_1 = arith.constant 0 : i32
    %scan3A_2 = arith.constant 128 : i32
    %scan3A_3 = arith.addi %scan3A_1, %scan3A_2 : i32
    %scan3A_4 = arith.constant 1 : i32
    scf.for %scan3A_45 = %scan3A_1 to %scan3A_3 step %scan3A_4  : i32 {
      %broadcast_in_dim3A = arith.constant 0.000000e+00 : f32
      %broadcast_in_dim3A_46 = vector.broadcast %broadcast_in_dim3A : f32 to vector<16xf32>
      %swap3A = arith.index_cast %scan3A_45 : i32 to index
      %swap3A_47 = arith.constant 0 : index
      %swap3A_48 = tpu.vector_load %arg5[%swap3A, %swap3A_47] {strides = array<i32>} : memref<128x128xf32, #tpu.memory_space<vmem>>, vector<1x16xf32>,
      %swap3A_49 = vector.shape_cast %swap3A_48 : vector<1x16xf32> to vector<16xf32>
      %swap3A_50 = vector.shape_cast %broadcast_in_dim3A_46 : vector<16xf32> to vector<1x16xf32>
      tpu.vector_store %arg5[%swap3A, %swap3A_47], %swap3A_50 {strides = array<i32>} : memref<128x128xf32, #tpu.memory_space<vmem>>, vector<1x16xf32>,
      %broadcast_in_dim3A_51 = arith.constant 0.000000e+00 : f32
      %broadcast_in_dim3A_52 = vector.broadcast %broadcast_in_dim3A_51 : f32 to vector<16xf32>
      %swap3A_53 = arith.index_cast %scan3A_45 : i32 to index
      %swap3A_54 = arith.constant 16 : index
      %swap3A_55 = tpu.vector_load %arg5[%swap3A_53, %swap3A_54] {strides = array<i32>} : memref<128x128xf32, #tpu.memory_space<vmem>>, vector<1x16xf32>,
      %swap3A_56 = vector.shape_cast %swap3A_55 : vector<1x16xf32> to vector<16xf32>
      %swap3A_57 = vector.shape_cast %broadcast_in_dim3A_52 : vector<16xf32> to vector<1x16xf32>
      tpu.vector_store %arg5[%swap3A_53, %swap3A_54], %swap3A_57 {strides = array<i32>} : memref<128x128xf32, #tpu.memory_space<vmem>>, vector<1x16xf32>,
      %broadcast_in_dim3A_58 = arith.constant 0.000000e+00 : f32
      %broadcast_in_dim3A_59 = vector.broadcast %broadcast_in_dim3A_58 : f32 to vector<16xf32>
      %swap3A_60 = arith.index_cast %scan3A_45 : i32 to index
      %swap3A_61 = arith.constant 32 : index
      %swap3A_62 = tpu.vector_load %arg5[%swap3A_60, %swap3A_61] {strides = array<i32>} : memref<128x128xf32, #tpu.memory_space<vmem>>, vector<1x16xf32>,
      %swap3A_63 = vector.shape_cast %swap3A_62 : vector<1x16xf32> to vector<16xf32>
      %swap3A_64 = vector.shape_cast %broadcast_in_dim3A_59 : vector<16xf32> to vector<1x16xf32>
      tpu.vector_store %arg5[%swap3A_60, %swap3A_61], %swap3A_64 {strides = array<i32>} : memref<128x128xf32, #tpu.memory_space<vmem>>, vector<1x16xf32>,
      %broadcast_in_dim3A_65 = arith.constant 0.000000e+00 : f32
      %broadcast_in_dim3A_66 = vector.broadcast %broadcast_in_dim3A_65 : f32 to vector<16xf32>
      %swap3A_67 = arith.index_cast %scan3A_45 : i32 to index
      %swap3A_68 = arith.constant 48 : index
      %swap3A_69 = tpu.vector_load %arg5[%swap3A_67, %swap3A_68] {strides = array<i32>} : memref<128x128xf32, #tpu.memory_space<vmem>>, vector<1x16xf32>,
      %swap3A_70 = vector.shape_cast %swap3A_69 : vector<1x16xf32> to vector<16xf32>
      %swap3A_71 = vector.shape_cast %broadcast_in_dim3A_66 : vector<16xf32> to vector<1x16xf32>
      tpu.vector_store %arg5[%swap3A_67, %swap3A_68], %swap3A_71 {strides = array<i32>} : memref<128x128xf32, #tpu.memory_space<vmem>>, vector<1x16xf32>,
      %broadcast_in_dim3A_72 = arith.constant 0.000000e+00 : f32
      %broadcast_in_dim3A_73 = vector.broadcast %broadcast_in_dim3A_72 : f32 to vector<16xf32>
      %swap3A_74 = arith.index_cast %scan3A_45 : i32 to index
      %swap3A_75 = arith.constant 64 : index
      %swap3A_76 = tpu.vector_load %arg5[%swap3A_74, %swap3A_75] {strides = array<i32>} : memref<128x128xf32, #tpu.memory_space<vmem>>, vector<1x16xf32>,
      %swap3A_77 = vector.shape_cast %swap3A_76 : vector<1x16xf32> to vector<16xf32>
      %swap3A_78 = vector.shape_cast %broadcast_in_dim3A_73 : vector<16xf32> to vector<1x16xf32>
      tpu.vector_store %arg5[%swap3A_74, %swap3A_75], %swap3A_78 {strides = array<i32>} : memref<128x128xf32, #tpu.memory_space<vmem>>, vector<1x16xf32>,
      %broadcast_in_dim3A_79 = arith.constant 0.000000e+00 : f32
      %broadcast_in_dim3A_80 = vector.broadcast %broadcast_in_dim3A_79 : f32 to vector<16xf32>
      %swap3A_81 = arith.index_cast %scan3A_45 : i32 to index
      %swap3A_82 = arith.constant 80 : index
      %swap3A_83 = tpu.vector_load %arg5[%swap3A_81, %swap3A_82] {strides = array<i32>} : memref<128x128xf32, #tpu.memory_space<vmem>>, vector<1x16xf32>,
      %swap3A_84 = vector.shape_cast %swap3A_83 : vector<1x16xf32> to vector<16xf32>
      %swap3A_85 = vector.shape_cast %broadcast_in_dim3A_80 : vector<16xf32> to vector<1x16xf32>
      tpu.vector_store %arg5[%swap3A_81, %swap3A_82], %swap3A_85 {strides = array<i32>} : memref<128x128xf32, #tpu.memory_space<vmem>>, vector<1x16xf32>,
      %broadcast_in_dim3A_86 = arith.constant 0.000000e+00 : f32
      %broadcast_in_dim3A_87 = vector.broadcast %broadcast_in_dim3A_86 : f32 to vector<16xf32>
      %swap3A_88 = arith.index_cast %scan3A_45 : i32 to index
      %swap3A_89 = arith.constant 96 : index
      %swap3A_90 = tpu.vector_load %arg5[%swap3A_88, %swap3A_89] {strides = array<i32>} : memref<128x128xf32, #tpu.memory_space<vmem>>, vector<1x16xf32>,
      %swap3A_91 = vector.shape_cast %swap3A_90 : vector<1x16xf32> to vector<16xf32>
      %swap3A_92 = vector.shape_cast %broadcast_in_dim3A_87 : vector<16xf32> to vector<1x16xf32>
      tpu.vector_store %arg5[%swap3A_88, %swap3A_89], %swap3A_92 {strides = array<i32>} : memref<128x128xf32, #tpu.memory_space<vmem>>, vector<1x16xf32>,
      %broadcast_in_dim3A_93 = arith.constant 0.000000e+00 : f32
      %broadcast_in_dim3A_94 = vector.broadcast %broadcast_in_dim3A_93 : f32 to vector<16xf32>
      %swap3A_95 = arith.index_cast %scan3A_45 : i32 to index
      %swap3A_96 = arith.constant 112 : index
      %swap3A_97 = tpu.vector_load %arg5[%swap3A_95, %swap3A_96] {strides = array<i32>} : memref<128x128xf32, #tpu.memory_space<vmem>>, vector<1x16xf32>,
      %swap3A_98 = vector.shape_cast %swap3A_97 : vector<1x16xf32> to vector<16xf32>
      %swap3A_99 = vector.shape_cast %broadcast_in_dim3A_94 : vector<16xf32> to vector<1x16xf32>
      tpu.vector_store %arg5[%swap3A_95, %swap3A_96], %swap3A_99 {strides = array<i32>} : memref<128x128xf32, #tpu.memory_space<vmem>>, vector<1x16xf32>,
    }
    %scan3A_5 = arith.constant 128 : i32
    %mul3A_6 = arith.constant 640 : i32
    %mul3A_7 = arith.muli %arg1, %mul3A_6 : i32
    %add3A_8 = arith.constant 0 : i32
    %add3A_9 = arith.addi %mul3A_7, %add3A_8 : i32
    "tpu.region"() ({
      %run_scoped3A = tpu.sem_alloc : memref<!tpu.dma_semaphore, #tpu.memory_space<semaphore_mem>>
      %dma_start3A = arith.constant 0 : i32
      %dma_start3A_45 = arith.constant 0 : i32
      %dma_start3A_46 = tpu.memref_slice %arg5[%dma_start3A, %dma_start3A_45] : memref<128x128xf32, #tpu.memory_space<vmem>> -> memref<128x128xf32, #tpu.memory_space<vmem>>
      %dma_start3A_47 = arith.constant 0 : i32
      %dma_start3A_48 = tpu.memref_slice %arg6[%add3A_9, %dma_start3A_47] : memref<10240x128xf32, #tpu.memory_space<vmem_shared>> -> memref<128x128xf32, #tpu.memory_space<vmem_shared>>
      %dma_start3A_49 = arith.constant 0 : i32
      %dma_start3A_50 = tpu.memref_slice %arg6[%add3A_9, %dma_start3A_49] : memref<10240x128xf32, #tpu.memory_space<vmem_shared>> -> memref<128x128xf32, #tpu.memory_space<vmem_shared>>
      %dma_start3A_51 = arith.constant 0 : i32
      %dma_start3A_52 = arith.constant 0 : i32
      %dma_start3A_53 = tpu.memref_slice %arg5[%dma_start3A_51, %dma_start3A_52] : memref<128x128xf32, #tpu.memory_space<vmem>> -> memref<128x128xf32, #tpu.memory_space<vmem>>
      tpu.enqueue_dma source(%dma_start3A_53 : memref<128x128xf32, #tpu.memory_space<vmem>>) target(%dma_start3A_50 : memref<128x128xf32, #tpu.memory_space<vmem_shared>>) target_semaphore(%run_scoped3A : memref<!tpu.dma_semaphore, #tpu.memory_space<semaphore_mem>>)
      %dma_wait3A = arith.constant 0 : i32
      %dma_wait3A_54 = arith.constant 0 : i32
      %dma_wait3A_55 = tpu.memref_slice %arg5[%dma_wait3A, %dma_wait3A_54] : memref<128x128xf32, #tpu.memory_space<vmem>> -> memref<128x128xf32, #tpu.memory_space<vmem>>
      %dma_wait3A_56 = arith.constant 0 : i32
      %dma_wait3A_57 = tpu.memref_slice %arg6[%add3A_9, %dma_wait3A_56] : memref<10240x128xf32, #tpu.memory_space<vmem_shared>> -> memref<128x128xf32, #tpu.memory_space<vmem_shared>>
      %dma_wait3A_58 = arith.constant 0 : i32
      %dma_wait3A_59 = tpu.memref_slice %arg6[%add3A_9, %dma_wait3A_58] : memref<10240x128xf32, #tpu.memory_space<vmem_shared>> -> memref<128x128xf32, #tpu.memory_space<vmem_shared>>
      %dma_wait3A_60 = arith.constant 0 : i32
      %dma_wait3A_61 = arith.constant 0 : i32
      %dma_wait3A_62 = tpu.memref_slice %arg5[%dma_wait3A_60, %dma_wait3A_61] : memref<128x128xf32, #tpu.memory_space<vmem>> -> memref<128x128xf32, #tpu.memory_space<vmem>>
      tpu.wait_dma2 semaphore(%run_scoped3A : memref<!tpu.dma_semaphore, #tpu.memory_space<semaphore_mem>>) src(%dma_wait3A_62 : memref<128x128xf32, #tpu.memory_space<vmem>>) dst(%dma_wait3A_59 : memref<128x128xf32, #tpu.memory_space<vmem_shared>>)
      tpu.yield
    }) : () -> ()
    %mul3A_10 = arith.constant 640 : i32
    %mul3A_11 = arith.muli %arg1, %mul3A_10 : i32
    %add3A_12 = arith.constant 128 : i32
    %add3A_13 = arith.addi %mul3A_11, %add3A_12 : i32
    "tpu.region"() ({
      %run_scoped3A = tpu.sem_alloc : memref<!tpu.dma_semaphore, #tpu.memory_space<semaphore_mem>>
      %dma_start3A = arith.constant 0 : i32
      %dma_start3A_45 = arith.constant 0 : i32
      %dma_start3A_46 = tpu.memref_slice %arg5[%dma_start3A, %dma_start3A_45] : memref<128x128xf32, #tpu.memory_space<vmem>> -> memref<128x128xf32, #tpu.memory_space<vmem>>
      %dma_start3A_47 = arith.constant 0 : i32
      %dma_start3A_48 = tpu.memref_slice %arg6[%add3A_13, %dma_start3A_47] : memref<10240x128xf32, #tpu.memory_space<vmem_shared>> -> memref<128x128xf32, #tpu.memory_space<vmem_shared>>
      %dma_start3A_49 = arith.constant 0 : i32
      %dma_start3A_50 = tpu.memref_slice %arg6[%add3A_13, %dma_start3A_49] : memref<10240x128xf32, #tpu.memory_space<vmem_shared>> -> memref<128x128xf32, #tpu.memory_space<vmem_shared>>
      %dma_start3A_51 = arith.constant 0 : i32
      %dma_start3A_52 = arith.constant 0 : i32
      %dma_start3A_53 = tpu.memref_slice %arg5[%dma_start3A_51, %dma_start3A_52] : memref<128x128xf32, #tpu.memory_space<vmem>> -> memref<128x128xf32, #tpu.memory_space<vmem>>
      tpu.enqueue_dma source(%dma_start3A_53 : memref<128x128xf32, #tpu.memory_space<vmem>>) target(%dma_start3A_50 : memref<128x128xf32, #tpu.memory_space<vmem_shared>>) target_semaphore(%run_scoped3A : memref<!tpu.dma_semaphore, #tpu.memory_space<semaphore_mem>>)
      %dma_wait3A = arith.constant 0 : i32
      %dma_wait3A_54 = arith.constant 0 : i32
      %dma_wait3A_55 = tpu.memref_slice %arg5[%dma_wait3A, %dma_wait3A_54] : memref<128x128xf32, #tpu.memory_space<vmem>> -> memref<128x128xf32, #tpu.memory_space<vmem>>
      %dma_wait3A_56 = arith.constant 0 : i32
      %dma_wait3A_57 = tpu.memref_slice %arg6[%add3A_13, %dma_wait3A_56] : memref<10240x128xf32, #tpu.memory_space<vmem_shared>> -> memref<128x128xf32, #tpu.memory_space<vmem_shared>>
      %dma_wait3A_58 = arith.constant 0 : i32
      %dma_wait3A_59 = tpu.memref_slice %arg6[%add3A_13, %dma_wait3A_58] : memref<10240x128xf32, #tpu.memory_space<vmem_shared>> -> memref<128x128xf32, #tpu.memory_space<vmem_shared>>
      %dma_wait3A_60 = arith.constant 0 : i32
      %dma_wait3A_61 = arith.constant 0 : i32
      %dma_wait3A_62 = tpu.memref_slice %arg5[%dma_wait3A_60, %dma_wait3A_61] : memref<128x128xf32, #tpu.memory_space<vmem>> -> memref<128x128xf32, #tpu.memory_space<vmem>>
      tpu.wait_dma2 semaphore(%run_scoped3A : memref<!tpu.dma_semaphore, #tpu.memory_space<semaphore_mem>>) src(%dma_wait3A_62 : memref<128x128xf32, #tpu.memory_space<vmem>>) dst(%dma_wait3A_59 : memref<128x128xf32, #tpu.memory_space<vmem_shared>>)
      tpu.yield
    }) : () -> ()
    %mul3A_14 = arith.constant 640 : i32
    %mul3A_15 = arith.muli %arg1, %mul3A_14 : i32
    %add3A_16 = arith.constant 256 : i32
    %add3A_17 = arith.addi %mul3A_15, %add3A_16 : i32
    "tpu.region"() ({
      %run_scoped3A = tpu.sem_alloc : memref<!tpu.dma_semaphore, #tpu.memory_space<semaphore_mem>>
      %dma_start3A = arith.constant 0 : i32
      %dma_start3A_45 = arith.constant 0 : i32
      %dma_start3A_46 = tpu.memref_slice %arg5[%dma_start3A, %dma_start3A_45] : memref<128x128xf32, #tpu.memory_space<vmem>> -> memref<128x128xf32, #tpu.memory_space<vmem>>
      %dma_start3A_47 = arith.constant 0 : i32
      %dma_start3A_48 = tpu.memref_slice %arg6[%add3A_17, %dma_start3A_47] : memref<10240x128xf32, #tpu.memory_space<vmem_shared>> -> memref<128x128xf32, #tpu.memory_space<vmem_shared>>
      %dma_start3A_49 = arith.constant 0 : i32
      %dma_start3A_50 = tpu.memref_slice %arg6[%add3A_17, %dma_start3A_49] : memref<10240x128xf32, #tpu.memory_space<vmem_shared>> -> memref<128x128xf32, #tpu.memory_space<vmem_shared>>
      %dma_start3A_51 = arith.constant 0 : i32
      %dma_start3A_52 = arith.constant 0 : i32
      %dma_start3A_53 = tpu.memref_slice %arg5[%dma_start3A_51, %dma_start3A_52] : memref<128x128xf32, #tpu.memory_space<vmem>> -> memref<128x128xf32, #tpu.memory_space<vmem>>
      tpu.enqueue_dma source(%dma_start3A_53 : memref<128x128xf32, #tpu.memory_space<vmem>>) target(%dma_start3A_50 : memref<128x128xf32, #tpu.memory_space<vmem_shared>>) target_semaphore(%run_scoped3A : memref<!tpu.dma_semaphore, #tpu.memory_space<semaphore_mem>>)
      %dma_wait3A = arith.constant 0 : i32
      %dma_wait3A_54 = arith.constant 0 : i32
      %dma_wait3A_55 = tpu.memref_slice %arg5[%dma_wait3A, %dma_wait3A_54] : memref<128x128xf32, #tpu.memory_space<vmem>> -> memref<128x128xf32, #tpu.memory_space<vmem>>
      %dma_wait3A_56 = arith.constant 0 : i32
      %dma_wait3A_57 = tpu.memref_slice %arg6[%add3A_17, %dma_wait3A_56] : memref<10240x128xf32, #tpu.memory_space<vmem_shared>> -> memref<128x128xf32, #tpu.memory_space<vmem_shared>>
      %dma_wait3A_58 = arith.constant 0 : i32
      %dma_wait3A_59 = tpu.memref_slice %arg6[%add3A_17, %dma_wait3A_58] : memref<10240x128xf32, #tpu.memory_space<vmem_shared>> -> memref<128x128xf32, #tpu.memory_space<vmem_shared>>
      %dma_wait3A_60 = arith.constant 0 : i32
      %dma_wait3A_61 = arith.constant 0 : i32
      %dma_wait3A_62 = tpu.memref_slice %arg5[%dma_wait3A_60, %dma_wait3A_61] : memref<128x128xf32, #tpu.memory_space<vmem>> -> memref<128x128xf32, #tpu.memory_space<vmem>>
      tpu.wait_dma2 semaphore(%run_scoped3A : memref<!tpu.dma_semaphore, #tpu.memory_space<semaphore_mem>>) src(%dma_wait3A_62 : memref<128x128xf32, #tpu.memory_space<vmem>>) dst(%dma_wait3A_59 : memref<128x128xf32, #tpu.memory_space<vmem_shared>>)
      tpu.yield
    }) : () -> ()
    %mul3A_18 = arith.constant 640 : i32
    %mul3A_19 = arith.muli %arg1, %mul3A_18 : i32
    %add3A_20 = arith.constant 384 : i32
    %add3A_21 = arith.addi %mul3A_19, %add3A_20 : i32
    "tpu.region"() ({
      %run_scoped3A = tpu.sem_alloc : memref<!tpu.dma_semaphore, #tpu.memory_space<semaphore_mem>>
      %dma_start3A = arith.constant 0 : i32
      %dma_start3A_45 = arith.constant 0 : i32
      %dma_start3A_46 = tpu.memref_slice %arg5[%dma_start3A, %dma_start3A_45] : memref<128x128xf32, #tpu.memory_space<vmem>> -> memref<128x128xf32, #tpu.memory_space<vmem>>
      %dma_start3A_47 = arith.constant 0 : i32
      %dma_start3A_48 = tpu.memref_slice %arg6[%add3A_21, %dma_start3A_47] : memref<10240x128xf32, #tpu.memory_space<vmem_shared>> -> memref<128x128xf32, #tpu.memory_space<vmem_shared>>
      %dma_start3A_49 = arith.constant 0 : i32
      %dma_start3A_50 = tpu.memref_slice %arg6[%add3A_21, %dma_start3A_49] : memref<10240x128xf32, #tpu.memory_space<vmem_shared>> -> memref<128x128xf32, #tpu.memory_space<vmem_shared>>
      %dma_start3A_51 = arith.constant 0 : i32
      %dma_start3A_52 = arith.constant 0 : i32
      %dma_start3A_53 = tpu.memref_slice %arg5[%dma_start3A_51, %dma_start3A_52] : memref<128x128xf32, #tpu.memory_space<vmem>> -> memref<128x128xf32, #tpu.memory_space<vmem>>
      tpu.enqueue_dma source(%dma_start3A_53 : memref<128x128xf32, #tpu.memory_space<vmem>>) target(%dma_start3A_50 : memref<128x128xf32, #tpu.memory_space<vmem_shared>>) target_semaphore(%run_scoped3A : memref<!tpu.dma_semaphore, #tpu.memory_space<semaphore_mem>>)
      %dma_wait3A = arith.constant 0 : i32
      %dma_wait3A_54 = arith.constant 0 : i32
      %dma_wait3A_55 = tpu.memref_slice %arg5[%dma_wait3A, %dma_wait3A_54] : memref<128x128xf32, #tpu.memory_space<vmem>> -> memref<128x128xf32, #tpu.memory_space<vmem>>
      %dma_wait3A_56 = arith.constant 0 : i32
      %dma_wait3A_57 = tpu.memref_slice %arg6[%add3A_21, %dma_wait3A_56] : memref<10240x128xf32, #tpu.memory_space<vmem_shared>> -> memref<128x128xf32, #tpu.memory_space<vmem_shared>>
      %dma_wait3A_58 = arith.constant 0 : i32
      %dma_wait3A_59 = tpu.memref_slice %arg6[%add3A_21, %dma_wait3A_58] : memref<10240x128xf32, #tpu.memory_space<vmem_shared>> -> memref<128x128xf32, #tpu.memory_space<vmem_shared>>
      %dma_wait3A_60 = arith.constant 0 : i32
      %dma_wait3A_61 = arith.constant 0 : i32
      %dma_wait3A_62 = tpu.memref_slice %arg5[%dma_wait3A_60, %dma_wait3A_61] : memref<128x128xf32, #tpu.memory_space<vmem>> -> memref<128x128xf32, #tpu.memory_space<vmem>>
      tpu.wait_dma2 semaphore(%run_scoped3A : memref<!tpu.dma_semaphore, #tpu.memory_space<semaphore_mem>>) src(%dma_wait3A_62 : memref<128x128xf32, #tpu.memory_space<vmem>>) dst(%dma_wait3A_59 : memref<128x128xf32, #tpu.memory_space<vmem_shared>>)
      tpu.yield
    }) : () -> ()
    %mul3A_22 = arith.constant 640 : i32
    %mul3A_23 = arith.muli %arg1, %mul3A_22 : i32
    %add3A_24 = arith.constant 512 : i32
    %add3A_25 = arith.addi %mul3A_23, %add3A_24 : i32
    "tpu.region"() ({
      %run_scoped3A = tpu.sem_alloc : memref<!tpu.dma_semaphore, #tpu.memory_space<semaphore_mem>>
      %dma_start3A = arith.constant 0 : i32
      %dma_start3A_45 = arith.constant 0 : i32
      %dma_start3A_46 = tpu.memref_slice %arg5[%dma_start3A, %dma_start3A_45] : memref<128x128xf32, #tpu.memory_space<vmem>> -> memref<128x128xf32, #tpu.memory_space<vmem>>
      %dma_start3A_47 = arith.constant 0 : i32
      %dma_start3A_48 = tpu.memref_slice %arg6[%add3A_25, %dma_start3A_47] : memref<10240x128xf32, #tpu.memory_space<vmem_shared>> -> memref<128x128xf32, #tpu.memory_space<vmem_shared>>
      %dma_start3A_49 = arith.constant 0 : i32
      %dma_start3A_50 = tpu.memref_slice %arg6[%add3A_25, %dma_start3A_49] : memref<10240x128xf32, #tpu.memory_space<vmem_shared>> -> memref<128x128xf32, #tpu.memory_space<vmem_shared>>
      %dma_start3A_51 = arith.constant 0 : i32
      %dma_start3A_52 = arith.constant 0 : i32
      %dma_start3A_53 = tpu.memref_slice %arg5[%dma_start3A_51, %dma_start3A_52] : memref<128x128xf32, #tpu.memory_space<vmem>> -> memref<128x128xf32, #tpu.memory_space<vmem>>
      tpu.enqueue_dma source(%dma_start3A_53 : memref<128x128xf32, #tpu.memory_space<vmem>>) target(%dma_start3A_50 : memref<128x128xf32, #tpu.memory_space<vmem_shared>>) target_semaphore(%run_scoped3A : memref<!tpu.dma_semaphore, #tpu.memory_space<semaphore_mem>>)
      %dma_wait3A = arith.constant 0 : i32
      %dma_wait3A_54 = arith.constant 0 : i32
      %dma_wait3A_55 = tpu.memref_slice %arg5[%dma_wait3A, %dma_wait3A_54] : memref<128x128xf32, #tpu.memory_space<vmem>> -> memref<128x128xf32, #tpu.memory_space<vmem>>
      %dma_wait3A_56 = arith.constant 0 : i32
      %dma_wait3A_57 = tpu.memref_slice %arg6[%add3A_25, %dma_wait3A_56] : memref<10240x128xf32, #tpu.memory_space<vmem_shared>> -> memref<128x128xf32, #tpu.memory_space<vmem_shared>>
      %dma_wait3A_58 = arith.constant 0 : i32
      %dma_wait3A_59 = tpu.memref_slice %arg6[%add3A_25, %dma_wait3A_58] : memref<10240x128xf32, #tpu.memory_space<vmem_shared>> -> memref<128x128xf32, #tpu.memory_space<vmem_shared>>
      %dma_wait3A_60 = arith.constant 0 : i32
      %dma_wait3A_61 = arith.constant 0 : i32
      %dma_wait3A_62 = tpu.memref_slice %arg5[%dma_wait3A_60, %dma_wait3A_61] : memref<128x128xf32, #tpu.memory_space<vmem>> -> memref<128x128xf32, #tpu.memory_space<vmem>>
      tpu.wait_dma2 semaphore(%run_scoped3A : memref<!tpu.dma_semaphore, #tpu.memory_space<semaphore_mem>>) src(%dma_wait3A_62 : memref<128x128xf32, #tpu.memory_space<vmem>>) dst(%dma_wait3A_59 : memref<128x128xf32, #tpu.memory_space<vmem_shared>>)
      tpu.yield
    }) : () -> ()
    %scan3A_26 = arith.constant 0 : i32
    %scan3A_27 = arith.constant 0 : i32
    %scan3A_28 = arith.constant 64 : i32
    %scan3A_29 = arith.addi %scan3A_27, %scan3A_28 : i32
    %scan3A_30 = arith.constant 1 : i32
    scf.for %scan3A_45 = %scan3A_27 to %scan3A_29 step %scan3A_30  : i32 {
      %broadcast_in_dim3A = arith.constant 1.000000e+00 : f32
      %broadcast_in_dim3A_46 = vector.broadcast %broadcast_in_dim3A : f32 to vector<16xf32>
      %swap3A = arith.index_cast %scan3A_45 : i32 to index
      %swap3A_47 = arith.constant 0 : index
      %swap3A_48 = tpu.vector_load %arg5[%swap3A, %swap3A_47] {strides = array<i32>} : memref<128x128xf32, #tpu.memory_space<vmem>>, vector<1x16xf32>,
      %swap3A_49 = vector.shape_cast %swap3A_48 : vector<1x16xf32> to vector<16xf32>
      %swap3A_50 = vector.shape_cast %broadcast_in_dim3A_46 : vector<16xf32> to vector<1x16xf32>
      tpu.vector_store %arg5[%swap3A, %swap3A_47], %swap3A_50 {strides = array<i32>} : memref<128x128xf32, #tpu.memory_space<vmem>>, vector<1x16xf32>,
      %broadcast_in_dim3A_51 = arith.constant 1.000000e+00 : f32
      %broadcast_in_dim3A_52 = vector.broadcast %broadcast_in_dim3A_51 : f32 to vector<16xf32>
      %swap3A_53 = arith.index_cast %scan3A_45 : i32 to index
      %swap3A_54 = arith.constant 16 : index
      %swap3A_55 = tpu.vector_load %arg5[%swap3A_53, %swap3A_54] {strides = array<i32>} : memref<128x128xf32, #tpu.memory_space<vmem>>, vector<1x16xf32>,
      %swap3A_56 = vector.shape_cast %swap3A_55 : vector<1x16xf32> to vector<16xf32>
      %swap3A_57 = vector.shape_cast %broadcast_in_dim3A_52 : vector<16xf32> to vector<1x16xf32>
      tpu.vector_store %arg5[%swap3A_53, %swap3A_54], %swap3A_57 {strides = array<i32>} : memref<128x128xf32, #tpu.memory_space<vmem>>, vector<1x16xf32>,
      %broadcast_in_dim3A_58 = arith.constant 1.000000e+00 : f32
      %broadcast_in_dim3A_59 = vector.broadcast %broadcast_in_dim3A_58 : f32 to vector<16xf32>
      %swap3A_60 = arith.index_cast %scan3A_45 : i32 to index
      %swap3A_61 = arith.constant 32 : index
      %swap3A_62 = tpu.vector_load %arg5[%swap3A_60, %swap3A_61] {strides = array<i32>} : memref<128x128xf32, #tpu.memory_space<vmem>>, vector<1x16xf32>,
      %swap3A_63 = vector.shape_cast %swap3A_62 : vector<1x16xf32> to vector<16xf32>
      %swap3A_64 = vector.shape_cast %broadcast_in_dim3A_59 : vector<16xf32> to vector<1x16xf32>
      tpu.vector_store %arg5[%swap3A_60, %swap3A_61], %swap3A_64 {strides = array<i32>} : memref<128x128xf32, #tpu.memory_space<vmem>>, vector<1x16xf32>,
      %broadcast_in_dim3A_65 = arith.constant 1.000000e+00 : f32
      %broadcast_in_dim3A_66 = vector.broadcast %broadcast_in_dim3A_65 : f32 to vector<16xf32>
      %swap3A_67 = arith.index_cast %scan3A_45 : i32 to index
      %swap3A_68 = arith.constant 48 : index
      %swap3A_69 = tpu.vector_load %arg5[%swap3A_67, %swap3A_68] {strides = array<i32>} : memref<128x128xf32, #tpu.memory_space<vmem>>, vector<1x16xf32>,
      %swap3A_70 = vector.shape_cast %swap3A_69 : vector<1x16xf32> to vector<16xf32>
      %swap3A_71 = vector.shape_cast %broadcast_in_dim3A_66 : vector<16xf32> to vector<1x16xf32>
      tpu.vector_store %arg5[%swap3A_67, %swap3A_68], %swap3A_71 {strides = array<i32>} : memref<128x128xf32, #tpu.memory_space<vmem>>, vector<1x16xf32>,
      %broadcast_in_dim3A_72 = arith.constant 1.000000e+00 : f32
      %broadcast_in_dim3A_73 = vector.broadcast %broadcast_in_dim3A_72 : f32 to vector<16xf32>
      %swap3A_74 = arith.index_cast %scan3A_45 : i32 to index
      %swap3A_75 = arith.constant 64 : index
      %swap3A_76 = tpu.vector_load %arg5[%swap3A_74, %swap3A_75] {strides = array<i32>} : memref<128x128xf32, #tpu.memory_space<vmem>>, vector<1x16xf32>,
      %swap3A_77 = vector.shape_cast %swap3A_76 : vector<1x16xf32> to vector<16xf32>
      %swap3A_78 = vector.shape_cast %broadcast_in_dim3A_73 : vector<16xf32> to vector<1x16xf32>
      tpu.vector_store %arg5[%swap3A_74, %swap3A_75], %swap3A_78 {strides = array<i32>} : memref<128x128xf32, #tpu.memory_space<vmem>>, vector<1x16xf32>,
      %broadcast_in_dim3A_79 = arith.constant 1.000000e+00 : f32
      %broadcast_in_dim3A_80 = vector.broadcast %broadcast_in_dim3A_79 : f32 to vector<16xf32>
      %swap3A_81 = arith.index_cast %scan3A_45 : i32 to index
      %swap3A_82 = arith.constant 80 : index
      %swap3A_83 = tpu.vector_load %arg5[%swap3A_81, %swap3A_82] {strides = array<i32>} : memref<128x128xf32, #tpu.memory_space<vmem>>, vector<1x16xf32>,
      %swap3A_84 = vector.shape_cast %swap3A_83 : vector<1x16xf32> to vector<16xf32>
      %swap3A_85 = vector.shape_cast %broadcast_in_dim3A_80 : vector<16xf32> to vector<1x16xf32>
      tpu.vector_store %arg5[%swap3A_81, %swap3A_82], %swap3A_85 {strides = array<i32>} : memref<128x128xf32, #tpu.memory_space<vmem>>, vector<1x16xf32>,
      %broadcast_in_dim3A_86 = arith.constant 1.000000e+00 : f32
      %broadcast_in_dim3A_87 = vector.broadcast %broadcast_in_dim3A_86 : f32 to vector<16xf32>
      %swap3A_88 = arith.index_cast %scan3A_45 : i32 to index
      %swap3A_89 = arith.constant 96 : index
      %swap3A_90 = tpu.vector_load %arg5[%swap3A_88, %swap3A_89] {strides = array<i32>} : memref<128x128xf32, #tpu.memory_space<vmem>>, vector<1x16xf32>,
      %swap3A_91 = vector.shape_cast %swap3A_90 : vector<1x16xf32> to vector<16xf32>
      %swap3A_92 = vector.shape_cast %broadcast_in_dim3A_87 : vector<16xf32> to vector<1x16xf32>
      tpu.vector_store %arg5[%swap3A_88, %swap3A_89], %swap3A_92 {strides = array<i32>} : memref<128x128xf32, #tpu.memory_space<vmem>>, vector<1x16xf32>,
      %broadcast_in_dim3A_93 = arith.constant 1.000000e+00 : f32
      %broadcast_in_dim3A_94 = vector.broadcast %broadcast_in_dim3A_93 : f32 to vector<16xf32>
      %swap3A_95 = arith.index_cast %scan3A_45 : i32 to index
      %swap3A_96 = arith.constant 112 : index
      %swap3A_97 = tpu.vector_load %arg5[%swap3A_95, %swap3A_96] {strides = array<i32>} : memref<128x128xf32, #tpu.memory_space<vmem>>, vector<1x16xf32>,
      %swap3A_98 = vector.shape_cast %swap3A_97 : vector<1x16xf32> to vector<16xf32>
      %swap3A_99 = vector.shape_cast %broadcast_in_dim3A_94 : vector<16xf32> to vector<1x16xf32>
      tpu.vector_store %arg5[%swap3A_95, %swap3A_96], %swap3A_99 {strides = array<i32>} : memref<128x128xf32, #tpu.memory_space<vmem>>, vector<1x16xf32>,
    }
    %scan3A_31 = arith.constant 64 : i32
    %barrier3A = arith.constant 0 : index
    tpu.barrier barrier_id(%barrier3A)
    %mul3A_32 = arith.constant 160 : i32
    %mul3A_33 = arith.muli %add3A, %mul3A_32 : i32
    "tpu.region"() ({
      %run_scoped3A = tpu.sem_alloc : memref<!tpu.dma_semaphore, #tpu.memory_space<semaphore_mem>>
      %dma_start3A = arith.constant 0 : i32
      %dma_start3A_45 = tpu.memref_slice %arg2[%mul3A_33, %dma_start3A] : memref<5120x64xi32, #tpu.memory_space<hbm>> -> memref<160x64xi32, #tpu.memory_space<hbm>>
      %dma_start3A_46 = arith.constant 0 : i32
      %dma_start3A_47 = tpu.memref_slice %arg2[%mul3A_33, %dma_start3A_46] : memref<5120x64xi32, #tpu.memory_space<hbm>> -> memref<160x64xi32, #tpu.memory_space<hbm>>
      tpu.enqueue_dma source(%dma_start3A_47 : memref<160x64xi32, #tpu.memory_space<hbm>>) target(%arg4 : memref<160x64xi32, #tpu.memory_space<vmem>>) target_semaphore(%run_scoped3A : memref<!tpu.dma_semaphore, #tpu.memory_space<semaphore_mem>>)
      %dma_wait3A = arith.constant 0 : i32
      %dma_wait3A_48 = tpu.memref_slice %arg2[%mul3A_33, %dma_wait3A] : memref<5120x64xi32, #tpu.memory_space<hbm>> -> memref<160x64xi32, #tpu.memory_space<hbm>>
      %dma_wait3A_49 = arith.constant 0 : i32
      %dma_wait3A_50 = tpu.memref_slice %arg2[%mul3A_33, %dma_wait3A_49] : memref<5120x64xi32, #tpu.memory_space<hbm>> -> memref<160x64xi32, #tpu.memory_space<hbm>>
      tpu.wait_dma2 semaphore(%run_scoped3A : memref<!tpu.dma_semaphore, #tpu.memory_space<semaphore_mem>>) src(%dma_wait3A_50 : memref<160x64xi32, #tpu.memory_space<hbm>>) dst(%arg4 : memref<160x64xi32, #tpu.memory_space<vmem>>)
      tpu.yield
    }) : () -> ()
    %scan3A_34 = arith.constant 0 : i32
    %scan3A_35 = arith.constant 0 : i32
    %scan3A_36 = arith.constant 160 : i32
    %scan3A_37 = arith.addi %scan3A_35, %scan3A_36 : i32
    %scan3A_38 = arith.constant 1 : i32
    scf.for %scan3A_45 = %scan3A_35 to %scan3A_37 step %scan3A_38  : i32 {
      "tpu.region"() ({
        %run_scoped3A = tpu.sem_alloc : memref<!tpu.dma_semaphore, #tpu.memory_space<semaphore_mem>>
        %dma_start3A = arith.constant 0 : i32
        %dma_start3A_46 = arith.constant 0 : i32
        %dma_start3A_47 = tpu.memref_slice %arg5[%dma_start3A, %dma_start3A_46] : memref<128x128xf32, #tpu.memory_space<vmem>> -> memref<64x128xf32, #tpu.memory_space<vmem>>
        %dma_start3A_48 = arith.constant 0 : i32
        %dma_start3A_49 = tpu.memref_slice %arg4[%scan3A_45, %dma_start3A_48] : memref<160x64xi32, #tpu.memory_space<vmem>> -> memref<1x64xi32, #tpu.memory_space<vmem>>
        %dma_start3A_50 = tpu.memref_squeeze %dma_start3A_49 : memref<1x64xi32, #tpu.memory_space<vmem>> -> memref<64xi32, #tpu.memory_space<vmem>>
        %dma_start3A_51 = arith.constant 0 : i32
        %dma_start3A_52 = arith.constant 0 : i32
        %dma_start3A_53 = tpu.memref_slice %arg6[%dma_start3A_51, %dma_start3A_52] : memref<10240x128xf32, #tpu.memory_space<vmem_shared>> -> memref<10240x128xf32, #tpu.memory_space<vmem_shared>>
        tpu.enqueue_indirect_dma source(%dma_start3A_47 : memref<64x128xf32, #tpu.memory_space<vmem>>) target(%dma_start3A_53 : memref<10240x128xf32, #tpu.memory_space<vmem_shared>>) offsets(%dma_start3A_50 : memref<64xi32, #tpu.memory_space<vmem>>) semaphore(%run_scoped3A : memref<!tpu.dma_semaphore, #tpu.memory_space<semaphore_mem>>) {add = true}
        %dma_wait3A = arith.constant 0 : i32
        %dma_wait3A_54 = arith.constant 0 : i32
        %dma_wait3A_55 = tpu.memref_slice %arg5[%dma_wait3A, %dma_wait3A_54] : memref<128x128xf32, #tpu.memory_space<vmem>> -> memref<64x128xf32, #tpu.memory_space<vmem>>
        %dma_wait3A_56 = arith.constant 0 : i32
        %dma_wait3A_57 = tpu.memref_slice %arg4[%scan3A_45, %dma_wait3A_56] : memref<160x64xi32, #tpu.memory_space<vmem>> -> memref<1x64xi32, #tpu.memory_space<vmem>>
        %dma_wait3A_58 = tpu.memref_squeeze %dma_wait3A_57 : memref<1x64xi32, #tpu.memory_space<vmem>> -> memref<64xi32, #tpu.memory_space<vmem>>
        %dma_wait3A_59 = arith.constant 0 : i32
        %dma_wait3A_60 = arith.constant 0 : i32
        %dma_wait3A_61 = tpu.memref_slice %arg6[%dma_wait3A_59, %dma_wait3A_60] : memref<10240x128xf32, #tpu.memory_space<vmem_shared>> -> memref<10240x128xf32, #tpu.memory_space<vmem_shared>>
        tpu.wait_indirect_dma semaphore(%run_scoped3A : memref<!tpu.dma_semaphore, #tpu.memory_space<semaphore_mem>>) src(%dma_wait3A_55 : memref<64x128xf32, #tpu.memory_space<vmem>>) dst(%dma_wait3A_61 : memref<10240x128xf32, #tpu.memory_space<vmem_shared>>)
        tpu.yield
      }) : () -> ()
    }
    %scan3A_39 = arith.constant 160 : i32
    %barrier3A_40 = arith.constant 0 : index
    tpu.barrier barrier_id(%barrier3A_40)
    %mul3A_41 = arith.constant 640 : i32
    %mul3A_42 = arith.muli %arg1, %mul3A_41 : i32
    %mul3A_43 = arith.constant 640 : i32
    %mul3A_44 = arith.muli %arg1, %mul3A_43 : i32
    "tpu.region"() ({
      %run_scoped3A = tpu.sem_alloc : memref<!tpu.dma_semaphore, #tpu.memory_space<semaphore_mem>>
      %dma_start3A = arith.constant 0 : i32
      %dma_start3A_45 = tpu.memref_slice %arg3[%arg0, %mul3A_44, %dma_start3A] : memref<2x10240x128xf32, #tpu.memory_space<hbm>> -> memref<1x640x128xf32, #tpu.memory_space<hbm>>
      %dma_start3A_46 = tpu.memref_squeeze %dma_start3A_45 : memref<1x640x128xf32, #tpu.memory_space<hbm>> -> memref<640x128xf32, #tpu.memory_space<hbm>>
      %dma_start3A_47 = arith.constant 0 : i32
      %dma_start3A_48 = tpu.memref_slice %arg6[%mul3A_42, %dma_start3A_47] : memref<10240x128xf32, #tpu.memory_space<vmem_shared>> -> memref<640x128xf32, #tpu.memory_space<vmem_shared>>
      tpu.enqueue_dma source(%dma_start3A_48 : memref<640x128xf32, #tpu.memory_space<vmem_shared>>) target(%dma_start3A_46 : memref<640x128xf32, #tpu.memory_space<hbm>>) target_semaphore(%run_scoped3A : memref<!tpu.dma_semaphore, #tpu.memory_space<semaphore_mem>>)
      %dma_wait3A = arith.constant 0 : i32
      %dma_wait3A_49 = tpu.memref_slice %arg3[%arg0, %mul3A_44, %dma_wait3A] : memref<2x10240x128xf32, #tpu.memory_space<hbm>> -> memref<1x640x128xf32, #tpu.memory_space<hbm>>
      %dma_wait3A_50 = tpu.memref_squeeze %dma_wait3A_49 : memref<1x640x128xf32, #tpu.memory_space<hbm>> -> memref<640x128xf32, #tpu.memory_space<hbm>>
      %dma_wait3A_51 = arith.constant 0 : i32
      %dma_wait3A_52 = tpu.memref_slice %arg6[%mul3A_42, %dma_wait3A_51] : memref<10240x128xf32, #tpu.memory_space<vmem_shared>> -> memref<640x128xf32, #tpu.memory_space<vmem_shared>>
      tpu.wait_dma2 semaphore(%run_scoped3A : memref<!tpu.dma_semaphore, #tpu.memory_space<semaphore_mem>>) src(%dma_wait3A_52 : memref<640x128xf32, #tpu.memory_space<vmem_shared>>) dst(%dma_wait3A_50 : memref<640x128xf32, #tpu.memory_space<hbm>>)
      tpu.yield
    }) : () -> ()
    return
  }
}

module attributes {stable_mosaic.version = 14 : i64} {
  func.func @_tcA0_body(%arg0: i32, %arg1: memref<1024x128xf32, #tpu.memory_space<vmem>>, %arg2: memref<128x128xf32, #tpu.memory_space<vmem>>, %arg3: memref<1024x128xf32, #tpu.memory_space<vmem>>) attributes {dimension_semantics = [#tpu.dimension_semantics<arbitrary>], iteration_bounds = array<i64: 10>, scalar_prefetch = 0 : i64, scratch_operands = 0 : i64, tpu.core_type = #tpu.core_type<tc>, window_params = [{transform_indices = @transform_0, window_bounds = array<i64: 1024, 128>}, {pipeline_mode = #tpu.pipeline_mode<synchronous>, transform_indices = @transform_1, window_bounds = array<i64: 128, 128>}, {transform_indices = @transform_2, window_bounds = array<i64: 1024, 128>}]} {
    %get3A = arith.constant 0 : index
    %get3A_0 = arith.constant 0 : index
    %get3A_1 = vector.load %arg1[%get3A, %get3A_0] : memref<1024x128xf32, #tpu.memory_space<vmem>>, vector<1024x128xf32>
    %get3A_2 = arith.constant 0 : index
    %get3A_3 = arith.constant 0 : index
    %get3A_4 = vector.load %arg2[%get3A_2, %get3A_3] : memref<128x128xf32, #tpu.memory_space<vmem>>, vector<128x128xf32>
    %dot_general3A = arith.constant dense<0.000000e+00> : vector<1024x128xf32>
    %dot_general3A_5 = tpu.matmul %get3A_1, %get3A_4, %dot_general3A {dimension_numbers = #tpu.dot_dimension_numbers<[1], [0], [0], [1], [0, 0, 1, 1], [], []>, transpose_lhs_hint = false} : vector<1024x128xf32>, vector<128x128xf32>, vector<1024x128xf32> -> vector<1024x128xf32>
    %swap3A = arith.constant 0 : index
    %swap3A_6 = arith.constant 0 : index
    %swap3A_7 = vector.load %arg3[%swap3A, %swap3A_6] : memref<1024x128xf32, #tpu.memory_space<vmem>>, vector<1024x128xf32>
    tpu.vector_store %arg3[%swap3A, %swap3A_6], %dot_general3A_5 {strides = array<i32>} : memref<1024x128xf32, #tpu.memory_space<vmem>>, vector<1024x128xf32>,
    return
  }
  func.func @transform_0(%arg0: i32) -> (i32, i32) {
    %c0_i32 = arith.constant 0 : i32
    %c0_i32_0 = arith.constant 0 : i32
    return %arg0, %c0_i32 : i32, i32
  }
  func.func @transform_1(%arg0: i32) -> (i32, i32) {
    %c0_i32 = arith.constant 0 : i32
    %c0_i32_0 = arith.constant 0 : i32
    %c0_i32_1 = arith.constant 0 : i32
    return %c0_i32, %c0_i32_0 : i32, i32
  }
  func.func @transform_2(%arg0: i32) -> (i32, i32) {
    %c0_i32 = arith.constant 0 : i32
    %c0_i32_0 = arith.constant 0 : i32
    return %arg0, %c0_i32 : i32, i32
  }
}

module attributes {stable_mosaic.version = 14 : i64} {
  func.func @_tcA_body(%arg0: i32, %arg1: memref<1024x128xf32, #tpu.memory_space<vmem>>, %arg2: memref<1024x128xf32, #tpu.memory_space<vmem>>, %arg3: memref<1024x128xf32, #tpu.memory_space<vmem>>, %arg4: memref<1024x128xf32, #tpu.memory_space<vmem>>, %arg5: memref<1024x128xf32, #tpu.memory_space<vmem>>) attributes {dimension_semantics = [#tpu.dimension_semantics<arbitrary>], iteration_bounds = array<i64: 10>, scalar_prefetch = 0 : i64, scratch_operands = 0 : i64, tpu.core_type = #tpu.core_type<tc>, window_params = [{transform_indices = @transform_0, window_bounds = array<i64: 1024, 128>}, {transform_indices = @transform_1, window_bounds = array<i64: 1024, 128>}, {transform_indices = @transform_2, window_bounds = array<i64: 1024, 128>}, {transform_indices = @transform_3, window_bounds = array<i64: 1024, 128>}, {transform_indices = @transform_4, window_bounds = array<i64: 1024, 128>}]} {
    %get3A = arith.constant 0 : index
    %get3A_0 = arith.constant 0 : index
    %get3A_1 = vector.load %arg2[%get3A, %get3A_0] : memref<1024x128xf32, #tpu.memory_space<vmem>>, vector<1024x1xf32>
    %get3A_2 = arith.constant 0 : index
    %get3A_3 = arith.constant 0 : index
    %get3A_4 = vector.load %arg3[%get3A_2, %get3A_3] : memref<1024x128xf32, #tpu.memory_space<vmem>>, vector<1024x1xf32>
    %add3A = arith.addf %get3A_1, %get3A_4 : vector<1024x1xf32>
    %add3A_5 = arith.constant 1.000000e+00 : f32
    %add3A_6 = vector.broadcast %add3A_5 : f32 to vector<1024x1xf32>
    %add3A_7 = arith.addf %add3A, %add3A_6 : vector<1024x1xf32>
    %max3A = arith.constant 9.99999996E-13 : f32
    %max3A_8 = vector.broadcast %max3A : f32 to vector<1024x1xf32>
    %max3A_9 = arith.maximumf %add3A_7, %max3A_8 : vector<1024x1xf32>
    %rsqrt3A = math.rsqrt %max3A_9 : vector<1024x1xf32>
    %get3A_10 = arith.constant 0 : index
    %get3A_11 = arith.constant 0 : index
    %get3A_12 = vector.load %arg1[%get3A_10, %get3A_11] : memref<1024x128xf32, #tpu.memory_space<vmem>>, vector<1024x128xf32>
    %mul3A = vector.broadcast %rsqrt3A : vector<1024x1xf32> to vector<1024x128xf32>
    %mul3A_13 = arith.mulf %get3A_12, %mul3A : vector<1024x128xf32>
    %swap3A = arith.constant 0 : index
    %swap3A_14 = arith.constant 0 : index
    %swap3A_15 = vector.load %arg4[%swap3A, %swap3A_14] : memref<1024x128xf32, #tpu.memory_space<vmem>>, vector<1024x128xf32>
    tpu.vector_store %arg4[%swap3A, %swap3A_14], %mul3A_13 {strides = array<i32>} : memref<1024x128xf32, #tpu.memory_space<vmem>>, vector<1024x128xf32>,
    %broadcast_in_dim3A = vector.shape_cast %rsqrt3A : vector<1024x1xf32> to vector<1024x1xf32>
    %broadcast_in_dim3A_16 = vector.broadcast %broadcast_in_dim3A : vector<1024x1xf32> to vector<1024x128xf32>
    %swap3A_17 = arith.constant 0 : index
    %swap3A_18 = arith.constant 0 : index
    %swap3A_19 = vector.load %arg5[%swap3A_17, %swap3A_18] : memref<1024x128xf32, #tpu.memory_space<vmem>>, vector<1024x128xf32>
    tpu.vector_store %arg5[%swap3A_17, %swap3A_18], %broadcast_in_dim3A_16 {strides = array<i32>} : memref<1024x128xf32, #tpu.memory_space<vmem>>, vector<1024x128xf32>,
    return
  }
  func.func @transform_0(%arg0: i32) -> (i32, i32) {
    %c0_i32 = arith.constant 0 : i32
    %c0_i32_0 = arith.constant 0 : i32
    return %arg0, %c0_i32 : i32, i32
  }
  func.func @transform_1(%arg0: i32) -> (i32, i32) {
    %c0_i32 = arith.constant 0 : i32
    %c0_i32_0 = arith.constant 0 : i32
    return %arg0, %c0_i32 : i32, i32
  }
  func.func @transform_2(%arg0: i32) -> (i32, i32) {
    %c0_i32 = arith.constant 0 : i32
    %c0_i32_0 = arith.constant 0 : i32
    return %arg0, %c0_i32 : i32, i32
  }
  func.func @transform_3(%arg0: i32) -> (i32, i32) {
    %c0_i32 = arith.constant 0 : i32
    %c0_i32_0 = arith.constant 0 : i32
    return %arg0, %c0_i32 : i32, i32
  }
  func.func @transform_4(%arg0: i32) -> (i32, i32) {
    %c0_i32 = arith.constant 0 : i32
    %c0_i32_0 = arith.constant 0 : i32
    return %arg0, %c0_i32 : i32, i32
  }
}

module attributes {stable_mosaic.version = 14 : i64} {
  func.func @_tcB_body(%arg0: i32, %arg1: memref<1024x128xf32, #tpu.memory_space<vmem>>, %arg2: memref<1024x128xf32, #tpu.memory_space<vmem>>, %arg3: memref<1024x128xf32, #tpu.memory_space<vmem>>, %arg4: memref<1024x128xf32, #tpu.memory_space<vmem>>, %arg5: memref<1x128xf32, #tpu.memory_space<vmem>>, %arg6: memref<1x128xf32, #tpu.memory_space<vmem>>, %arg7: memref<1x128xf32, #tpu.memory_space<vmem>>, %arg8: memref<128x128xf32, #tpu.memory_space<vmem>>, %arg9: memref<1024x128xf32, #tpu.memory_space<vmem>>) attributes {dimension_semantics = [#tpu.dimension_semantics<arbitrary>], iteration_bounds = array<i64: 10>, scalar_prefetch = 0 : i64, scratch_operands = 0 : i64, tpu.core_type = #tpu.core_type<tc>, window_params = [{transform_indices = @transform_0, window_bounds = array<i64: 1024, 128>}, {transform_indices = @transform_1, window_bounds = array<i64: 1024, 128>}, {transform_indices = @transform_2, window_bounds = array<i64: 1024, 128>}, {transform_indices = @transform_3, window_bounds = array<i64: 1024, 128>}, {pipeline_mode = #tpu.pipeline_mode<synchronous>, transform_indices = @transform_4, window_bounds = array<i64: 1, 128>}, {pipeline_mode = #tpu.pipeline_mode<synchronous>, transform_indices = @transform_5, window_bounds = array<i64: 1, 128>}, {pipeline_mode = #tpu.pipeline_mode<synchronous>, transform_indices = @transform_6, window_bounds = array<i64: 1, 128>}, {pipeline_mode = #tpu.pipeline_mode<synchronous>, transform_indices = @transform_7, window_bounds = array<i64: 128, 128>}, {transform_indices = @transform_8, window_bounds = array<i64: 1024, 128>}]} {
    %get3A = arith.constant 0 : index
    %get3A_0 = arith.constant 0 : index
    %get3A_1 = vector.load %arg4[%get3A, %get3A_0] : memref<1024x128xf32, #tpu.memory_space<vmem>>, vector<1024x128xf32>
    %get3A_2 = arith.constant 0 : index
    %get3A_3 = arith.constant 0 : index
    %get3A_4 = vector.load %arg1[%get3A_2, %get3A_3] : memref<1024x128xf32, #tpu.memory_space<vmem>>, vector<1024x128xf32>
    %get3A_5 = arith.constant 0 : index
    %get3A_6 = arith.constant 0 : index
    %get3A_7 = vector.load %arg2[%get3A_5, %get3A_6] : memref<1024x128xf32, #tpu.memory_space<vmem>>, vector<1024x128xf32>
    %add3A = arith.addf %get3A_4, %get3A_7 : vector<1024x128xf32>
    %get3A_8 = arith.constant 0 : index
    %get3A_9 = arith.constant 0 : index
    %get3A_10 = vector.load %arg3[%get3A_8, %get3A_9] : memref<1024x128xf32, #tpu.memory_space<vmem>>, vector<1024x128xf32>
    %add3A_11 = arith.addf %add3A, %get3A_10 : vector<1024x128xf32>
    %mul3A = arith.mulf %get3A_1, %add3A_11 : vector<1024x128xf32>
    %get3A_12 = arith.constant 0 : index
    %get3A_13 = arith.constant 0 : index
    %get3A_14 = vector.load %arg5[%get3A_12, %get3A_13] : memref<1x128xf32, #tpu.memory_space<vmem>>, vector<1x128xf32>
    %add3A_15 = vector.broadcast %get3A_14 : vector<1x128xf32> to vector<1024x128xf32>
    %add3A_16 = arith.addf %mul3A, %add3A_15 : vector<1024x128xf32>
    %reduce_sum3A = arith.constant dense<0.000000e+00> : vector<1024xf32>
    %reduce_sum3A_17 = vector.multi_reduction <add>, %add3A_16, %reduce_sum3A [1] : vector<1024x128xf32> to vector<1024xf32>
    %broadcast_in_dim3A = vector.shape_cast %reduce_sum3A_17 : vector<1024xf32> to vector<1024x1xf32>
    %div3A = arith.constant 1.280000e+02 : f32
    %div3A_18 = vector.broadcast %div3A : f32 to vector<1024x1xf32>
    %div3A_19 = arith.divf %broadcast_in_dim3A, %div3A_18 : vector<1024x1xf32>
    %sub3A = vector.broadcast %div3A_19 : vector<1024x1xf32> to vector<1024x128xf32>
    %sub3A_20 = arith.subf %add3A_16, %sub3A : vector<1024x128xf32>
    %integer_pow3A = arith.mulf %sub3A_20, %sub3A_20 : vector<1024x128xf32>
    %reduce_sum3A_21 = arith.constant dense<0.000000e+00> : vector<1024xf32>
    %reduce_sum3A_22 = vector.multi_reduction <add>, %integer_pow3A, %reduce_sum3A_21 [1] : vector<1024x128xf32> to vector<1024xf32>
    %broadcast_in_dim3A_23 = vector.shape_cast %reduce_sum3A_22 : vector<1024xf32> to vector<1024x1xf32>
    %div3A_24 = arith.constant 1.280000e+02 : f32
    %div3A_25 = vector.broadcast %div3A_24 : f32 to vector<1024x1xf32>
    %div3A_26 = arith.divf %broadcast_in_dim3A_23, %div3A_25 : vector<1024x1xf32>
    %sub3A_27 = vector.broadcast %div3A_19 : vector<1024x1xf32> to vector<1024x128xf32>
    %sub3A_28 = arith.subf %add3A_16, %sub3A_27 : vector<1024x128xf32>
    %add3A_29 = arith.constant 9.99999974E-6 : f32
    %add3A_30 = vector.broadcast %add3A_29 : f32 to vector<1024x1xf32>
    %add3A_31 = arith.addf %div3A_26, %add3A_30 : vector<1024x1xf32>
    %rsqrt3A = math.rsqrt %add3A_31 : vector<1024x1xf32>
    %mul3A_32 = vector.broadcast %rsqrt3A : vector<1024x1xf32> to vector<1024x128xf32>
    %mul3A_33 = arith.mulf %sub3A_28, %mul3A_32 : vector<1024x128xf32>
    %get3A_34 = arith.constant 0 : index
    %get3A_35 = arith.constant 0 : index
    %get3A_36 = vector.load %arg6[%get3A_34, %get3A_35] : memref<1x128xf32, #tpu.memory_space<vmem>>, vector<1x128xf32>
    %mul3A_37 = vector.broadcast %get3A_36 : vector<1x128xf32> to vector<1024x128xf32>
    %mul3A_38 = arith.mulf %mul3A_33, %mul3A_37 : vector<1024x128xf32>
    %get3A_39 = arith.constant 0 : index
    %get3A_40 = arith.constant 0 : index
    %get3A_41 = vector.load %arg7[%get3A_39, %get3A_40] : memref<1x128xf32, #tpu.memory_space<vmem>>, vector<1x128xf32>
    %add3A_42 = vector.broadcast %get3A_41 : vector<1x128xf32> to vector<1024x128xf32>
    %add3A_43 = arith.addf %mul3A_38, %add3A_42 : vector<1024x128xf32>
    %max3A = arith.constant 0.000000e+00 : f32
    %max3A_44 = vector.broadcast %max3A : f32 to vector<1024x128xf32>
    %max3A_45 = arith.maximumf %add3A_43, %max3A_44 : vector<1024x128xf32>
    %get3A_46 = arith.constant 0 : index
    %get3A_47 = arith.constant 0 : index
    %get3A_48 = vector.load %arg8[%get3A_46, %get3A_47] : memref<128x128xf32, #tpu.memory_space<vmem>>, vector<128x128xf32>
    %dot_general3A = arith.constant dense<0.000000e+00> : vector<1024x128xf32>
    %dot_general3A_49 = tpu.matmul %max3A_45, %get3A_48, %dot_general3A {dimension_numbers = #tpu.dot_dimension_numbers<[1], [0], [0], [1], [0, 0, 1, 1], [], []>, transpose_lhs_hint = false} : vector<1024x128xf32>, vector<128x128xf32>, vector<1024x128xf32> -> vector<1024x128xf32>
    %get3A_50 = arith.constant 0 : index
    %get3A_51 = arith.constant 0 : index
    %get3A_52 = vector.load %arg4[%get3A_50, %get3A_51] : memref<1024x128xf32, #tpu.memory_space<vmem>>, vector<1024x1xf32>
    %mul3A_53 = vector.broadcast %get3A_52 : vector<1024x1xf32> to vector<1024x128xf32>
    %mul3A_54 = arith.mulf %dot_general3A_49, %mul3A_53 : vector<1024x128xf32>
    %swap3A = arith.constant 0 : index
    %swap3A_55 = arith.constant 0 : index
    %swap3A_56 = vector.load %arg9[%swap3A, %swap3A_55] : memref<1024x128xf32, #tpu.memory_space<vmem>>, vector<1024x128xf32>
    tpu.vector_store %arg9[%swap3A, %swap3A_55], %mul3A_54 {strides = array<i32>} : memref<1024x128xf32, #tpu.memory_space<vmem>>, vector<1024x128xf32>,
    return
  }
  func.func @transform_0(%arg0: i32) -> (i32, i32) {
    %c0_i32 = arith.constant 0 : i32
    %c0_i32_0 = arith.constant 0 : i32
    return %arg0, %c0_i32 : i32, i32
  }
  func.func @transform_1(%arg0: i32) -> (i32, i32) {
    %c0_i32 = arith.constant 0 : i32
    %c0_i32_0 = arith.constant 0 : i32
    return %arg0, %c0_i32 : i32, i32
  }
  func.func @transform_2(%arg0: i32) -> (i32, i32) {
    %c0_i32 = arith.constant 0 : i32
    %c0_i32_0 = arith.constant 0 : i32
    return %arg0, %c0_i32 : i32, i32
  }
  func.func @transform_3(%arg0: i32) -> (i32, i32) {
    %c0_i32 = arith.constant 0 : i32
    %c0_i32_0 = arith.constant 0 : i32
    return %arg0, %c0_i32 : i32, i32
  }
  func.func @transform_4(%arg0: i32) -> (i32, i32) {
    %c0_i32 = arith.constant 0 : i32
    %c0_i32_0 = arith.constant 0 : i32
    %c0_i32_1 = arith.constant 0 : i32
    return %c0_i32, %c0_i32_0 : i32, i32
  }
  func.func @transform_5(%arg0: i32) -> (i32, i32) {
    %c0_i32 = arith.constant 0 : i32
    %c0_i32_0 = arith.constant 0 : i32
    %c0_i32_1 = arith.constant 0 : i32
    return %c0_i32, %c0_i32_0 : i32, i32
  }
  func.func @transform_6(%arg0: i32) -> (i32, i32) {
    %c0_i32 = arith.constant 0 : i32
    %c0_i32_0 = arith.constant 0 : i32
    %c0_i32_1 = arith.constant 0 : i32
    return %c0_i32, %c0_i32_0 : i32, i32
  }
  func.func @transform_7(%arg0: i32) -> (i32, i32) {
    %c0_i32 = arith.constant 0 : i32
    %c0_i32_0 = arith.constant 0 : i32
    %c0_i32_1 = arith.constant 0 : i32
    return %c0_i32, %c0_i32_0 : i32, i32
  }
  func.func @transform_8(%arg0: i32) -> (i32, i32) {
    %c0_i32 = arith.constant 0 : i32
    %c0_i32_0 = arith.constant 0 : i32
    return %arg0, %c0_i32 : i32, i32
  }
}

module attributes {stable_mosaic.version = 14 : i64} {
  func.func @_tcC_body(%arg0: i32, %arg1: memref<1024x128xf32, #tpu.memory_space<vmem>>, %arg2: memref<1024x128xf32, #tpu.memory_space<vmem>>, %arg3: memref<1024x128xf32, #tpu.memory_space<vmem>>, %arg4: memref<1024x128xf32, #tpu.memory_space<vmem>>, %arg5: memref<1x128xf32, #tpu.memory_space<vmem>>, %arg6: memref<1x128xf32, #tpu.memory_space<vmem>>, %arg7: memref<1x128xf32, #tpu.memory_space<vmem>>, %arg8: memref<128x128xf32, #tpu.memory_space<vmem>>, %arg9: memref<1x128xf32, #tpu.memory_space<vmem>>, %arg10: memref<128x128xf32, #tpu.memory_space<vmem>>, %arg11: memref<1x128xf32, #tpu.memory_space<vmem>>, %arg12: memref<1024x128xf32, #tpu.memory_space<vmem>>) attributes {dimension_semantics = [#tpu.dimension_semantics<arbitrary>], iteration_bounds = array<i64: 10>, scalar_prefetch = 0 : i64, scratch_operands = 0 : i64, tpu.core_type = #tpu.core_type<tc>, window_params = [{transform_indices = @transform_0, window_bounds = array<i64: 1024, 128>}, {transform_indices = @transform_1, window_bounds = array<i64: 1024, 128>}, {transform_indices = @transform_2, window_bounds = array<i64: 1024, 128>}, {transform_indices = @transform_3, window_bounds = array<i64: 1024, 128>}, {pipeline_mode = #tpu.pipeline_mode<synchronous>, transform_indices = @transform_4, window_bounds = array<i64: 1, 128>}, {pipeline_mode = #tpu.pipeline_mode<synchronous>, transform_indices = @transform_5, window_bounds = array<i64: 1, 128>}, {pipeline_mode = #tpu.pipeline_mode<synchronous>, transform_indices = @transform_6, window_bounds = array<i64: 1, 128>}, {pipeline_mode = #tpu.pipeline_mode<synchronous>, transform_indices = @transform_7, window_bounds = array<i64: 128, 128>}, {pipeline_mode = #tpu.pipeline_mode<synchronous>, transform_indices = @transform_8, window_bounds = array<i64: 1, 128>}, {pipeline_mode = #tpu.pipeline_mode<synchronous>, transform_indices = @transform_9, window_bounds = array<i64: 128, 128>}, {pipeline_mode = #tpu.pipeline_mode<synchronous>, transform_indices = @transform_10, window_bounds = array<i64: 1, 128>}, {transform_indices = @transform_11, window_bounds = array<i64: 1024, 128>}]} {
    %get3A = arith.constant 0 : index
    %get3A_0 = arith.constant 0 : index
    %get3A_1 = vector.load %arg4[%get3A, %get3A_0] : memref<1024x128xf32, #tpu.memory_space<vmem>>, vector<1024x128xf32>
    %get3A_2 = arith.constant 0 : index
    %get3A_3 = arith.constant 0 : index
    %get3A_4 = vector.load %arg1[%get3A_2, %get3A_3] : memref<1024x128xf32, #tpu.memory_space<vmem>>, vector<1024x128xf32>
    %get3A_5 = arith.constant 0 : index
    %get3A_6 = arith.constant 0 : index
    %get3A_7 = vector.load %arg2[%get3A_5, %get3A_6] : memref<1024x128xf32, #tpu.memory_space<vmem>>, vector<1024x128xf32>
    %add3A = arith.addf %get3A_4, %get3A_7 : vector<1024x128xf32>
    %get3A_8 = arith.constant 0 : index
    %get3A_9 = arith.constant 0 : index
    %get3A_10 = vector.load %arg3[%get3A_8, %get3A_9] : memref<1024x128xf32, #tpu.memory_space<vmem>>, vector<1024x128xf32>
    %add3A_11 = arith.addf %add3A, %get3A_10 : vector<1024x128xf32>
    %mul3A = arith.mulf %get3A_1, %add3A_11 : vector<1024x128xf32>
    %get3A_12 = arith.constant 0 : index
    %get3A_13 = arith.constant 0 : index
    %get3A_14 = vector.load %arg5[%get3A_12, %get3A_13] : memref<1x128xf32, #tpu.memory_space<vmem>>, vector<1x128xf32>
    %add3A_15 = vector.broadcast %get3A_14 : vector<1x128xf32> to vector<1024x128xf32>
    %add3A_16 = arith.addf %mul3A, %add3A_15 : vector<1024x128xf32>
    %reduce_sum3A = arith.constant dense<0.000000e+00> : vector<1024xf32>
    %reduce_sum3A_17 = vector.multi_reduction <add>, %add3A_16, %reduce_sum3A [1] : vector<1024x128xf32> to vector<1024xf32>
    %broadcast_in_dim3A = vector.shape_cast %reduce_sum3A_17 : vector<1024xf32> to vector<1024x1xf32>
    %div3A = arith.constant 1.280000e+02 : f32
    %div3A_18 = vector.broadcast %div3A : f32 to vector<1024x1xf32>
    %div3A_19 = arith.divf %broadcast_in_dim3A, %div3A_18 : vector<1024x1xf32>
    %sub3A = vector.broadcast %div3A_19 : vector<1024x1xf32> to vector<1024x128xf32>
    %sub3A_20 = arith.subf %add3A_16, %sub3A : vector<1024x128xf32>
    %integer_pow3A = arith.mulf %sub3A_20, %sub3A_20 : vector<1024x128xf32>
    %reduce_sum3A_21 = arith.constant dense<0.000000e+00> : vector<1024xf32>
    %reduce_sum3A_22 = vector.multi_reduction <add>, %integer_pow3A, %reduce_sum3A_21 [1] : vector<1024x128xf32> to vector<1024xf32>
    %broadcast_in_dim3A_23 = vector.shape_cast %reduce_sum3A_22 : vector<1024xf32> to vector<1024x1xf32>
    %div3A_24 = arith.constant 1.280000e+02 : f32
    %div3A_25 = vector.broadcast %div3A_24 : f32 to vector<1024x1xf32>
    %div3A_26 = arith.divf %broadcast_in_dim3A_23, %div3A_25 : vector<1024x1xf32>
    %sub3A_27 = vector.broadcast %div3A_19 : vector<1024x1xf32> to vector<1024x128xf32>
    %sub3A_28 = arith.subf %add3A_16, %sub3A_27 : vector<1024x128xf32>
    %add3A_29 = arith.constant 9.99999974E-6 : f32
    %add3A_30 = vector.broadcast %add3A_29 : f32 to vector<1024x1xf32>
    %add3A_31 = arith.addf %div3A_26, %add3A_30 : vector<1024x1xf32>
    %rsqrt3A = math.rsqrt %add3A_31 : vector<1024x1xf32>
    %mul3A_32 = vector.broadcast %rsqrt3A : vector<1024x1xf32> to vector<1024x128xf32>
    %mul3A_33 = arith.mulf %sub3A_28, %mul3A_32 : vector<1024x128xf32>
    %get3A_34 = arith.constant 0 : index
    %get3A_35 = arith.constant 0 : index
    %get3A_36 = vector.load %arg6[%get3A_34, %get3A_35] : memref<1x128xf32, #tpu.memory_space<vmem>>, vector<1x128xf32>
    %mul3A_37 = vector.broadcast %get3A_36 : vector<1x128xf32> to vector<1024x128xf32>
    %mul3A_38 = arith.mulf %mul3A_33, %mul3A_37 : vector<1024x128xf32>
    %get3A_39 = arith.constant 0 : index
    %get3A_40 = arith.constant 0 : index
    %get3A_41 = vector.load %arg7[%get3A_39, %get3A_40] : memref<1x128xf32, #tpu.memory_space<vmem>>, vector<1x128xf32>
    %add3A_42 = vector.broadcast %get3A_41 : vector<1x128xf32> to vector<1024x128xf32>
    %add3A_43 = arith.addf %mul3A_38, %add3A_42 : vector<1024x128xf32>
    %max3A = arith.constant 0.000000e+00 : f32
    %max3A_44 = vector.broadcast %max3A : f32 to vector<1024x128xf32>
    %max3A_45 = arith.maximumf %add3A_43, %max3A_44 : vector<1024x128xf32>
    %get3A_46 = arith.constant 0 : index
    %get3A_47 = arith.constant 0 : index
    %get3A_48 = vector.load %arg8[%get3A_46, %get3A_47] : memref<128x128xf32, #tpu.memory_space<vmem>>, vector<128x128xf32>
    %dot_general3A = arith.constant dense<0.000000e+00> : vector<1024x128xf32>
    %dot_general3A_49 = tpu.matmul %max3A_45, %get3A_48, %dot_general3A {dimension_numbers = #tpu.dot_dimension_numbers<[1], [0], [0], [1], [0, 0, 1, 1], [], []>, transpose_lhs_hint = false} : vector<1024x128xf32>, vector<128x128xf32>, vector<1024x128xf32> -> vector<1024x128xf32>
    %get3A_50 = arith.constant 0 : index
    %get3A_51 = arith.constant 0 : index
    %get3A_52 = vector.load %arg9[%get3A_50, %get3A_51] : memref<1x128xf32, #tpu.memory_space<vmem>>, vector<1x128xf32>
    %add3A_53 = vector.broadcast %get3A_52 : vector<1x128xf32> to vector<1024x128xf32>
    %add3A_54 = arith.addf %dot_general3A_49, %add3A_53 : vector<1024x128xf32>
    %max3A_55 = arith.constant 0.000000e+00 : f32
    %max3A_56 = vector.broadcast %max3A_55 : f32 to vector<1024x128xf32>
    %max3A_57 = arith.maximumf %add3A_54, %max3A_56 : vector<1024x128xf32>
    %get3A_58 = arith.constant 0 : index
    %get3A_59 = arith.constant 0 : index
    %get3A_60 = vector.load %arg10[%get3A_58, %get3A_59] : memref<128x128xf32, #tpu.memory_space<vmem>>, vector<128x128xf32>
    %dot_general3A_61 = arith.constant dense<0.000000e+00> : vector<1024x128xf32>
    %dot_general3A_62 = tpu.matmul %max3A_57, %get3A_60, %dot_general3A_61 {dimension_numbers = #tpu.dot_dimension_numbers<[1], [0], [0], [1], [0, 0, 1, 1], [], []>, transpose_lhs_hint = false} : vector<1024x128xf32>, vector<128x128xf32>, vector<1024x128xf32> -> vector<1024x128xf32>
    %get3A_63 = arith.constant 0 : index
    %get3A_64 = arith.constant 0 : index
    %get3A_65 = vector.load %arg11[%get3A_63, %get3A_64] : memref<1x128xf32, #tpu.memory_space<vmem>>, vector<1x128xf32>
    %add3A_66 = vector.broadcast %get3A_65 : vector<1x128xf32> to vector<1024x128xf32>
    %add3A_67 = arith.addf %dot_general3A_62, %add3A_66 : vector<1024x128xf32>
    %swap3A = arith.constant 0 : index
    %swap3A_68 = arith.constant 0 : index
    %swap3A_69 = vector.load %arg12[%swap3A, %swap3A_68] : memref<1024x128xf32, #tpu.memory_space<vmem>>, vector<1024x128xf32>
    tpu.vector_store %arg12[%swap3A, %swap3A_68], %add3A_67 {strides = array<i32>} : memref<1024x128xf32, #tpu.memory_space<vmem>>, vector<1024x128xf32>,
    return
  }
  func.func @transform_0(%arg0: i32) -> (i32, i32) {
    %c0_i32 = arith.constant 0 : i32
    %c0_i32_0 = arith.constant 0 : i32
    return %arg0, %c0_i32 : i32, i32
  }
  func.func @transform_1(%arg0: i32) -> (i32, i32) {
    %c0_i32 = arith.constant 0 : i32
    %c0_i32_0 = arith.constant 0 : i32
    return %arg0, %c0_i32 : i32, i32
  }
  func.func @transform_2(%arg0: i32) -> (i32, i32) {
    %c0_i32 = arith.constant 0 : i32
    %c0_i32_0 = arith.constant 0 : i32
    return %arg0, %c0_i32 : i32, i32
  }
  func.func @transform_3(%arg0: i32) -> (i32, i32) {
    %c0_i32 = arith.constant 0 : i32
    %c0_i32_0 = arith.constant 0 : i32
    return %arg0, %c0_i32 : i32, i32
  }
  func.func @transform_4(%arg0: i32) -> (i32, i32) {
    %c0_i32 = arith.constant 0 : i32
    %c0_i32_0 = arith.constant 0 : i32
    %c0_i32_1 = arith.constant 0 : i32
    return %c0_i32, %c0_i32_0 : i32, i32
  }
  func.func @transform_5(%arg0: i32) -> (i32, i32) {
    %c0_i32 = arith.constant 0 : i32
    %c0_i32_0 = arith.constant 0 : i32
    %c0_i32_1 = arith.constant 0 : i32
    return %c0_i32, %c0_i32_0 : i32, i32
  }
  func.func @transform_6(%arg0: i32) -> (i32, i32) {
    %c0_i32 = arith.constant 0 : i32
    %c0_i32_0 = arith.constant 0 : i32
    %c0_i32_1 = arith.constant 0 : i32
    return %c0_i32, %c0_i32_0 : i32, i32
  }
  func.func @transform_7(%arg0: i32) -> (i32, i32) {
    %c0_i32 = arith.constant 0 : i32
    %c0_i32_0 = arith.constant 0 : i32
    %c0_i32_1 = arith.constant 0 : i32
    return %c0_i32, %c0_i32_0 : i32, i32
  }
  func.func @transform_8(%arg0: i32) -> (i32, i32) {
    %c0_i32 = arith.constant 0 : i32
    %c0_i32_0 = arith.constant 0 : i32
    %c0_i32_1 = arith.constant 0 : i32
    return %c0_i32, %c0_i32_0 : i32, i32
  }
  func.func @transform_9(%arg0: i32) -> (i32, i32) {
    %c0_i32 = arith.constant 0 : i32
    %c0_i32_0 = arith.constant 0 : i32
    %c0_i32_1 = arith.constant 0 : i32
    return %c0_i32, %c0_i32_0 : i32, i32
  }
  func.func @transform_10(%arg0: i32) -> (i32, i32) {
    %c0_i32 = arith.constant 0 : i32
    %c0_i32_0 = arith.constant 0 : i32
    %c0_i32_1 = arith.constant 0 : i32
    return %c0_i32, %c0_i32_0 : i32, i32
  }
  func.func @transform_11(%arg0: i32) -> (i32, i32) {
    %c0_i32 = arith.constant 0 : i32
    %c0_i32_0 = arith.constant 0 : i32
    return %arg0, %c0_i32 : i32, i32
  }
}

</mosaic_0001>

<sc_bundles>
// kernel: kernel.12.cloned.1.call-start
scs
__scs_entry_jumppad:
0x0: {  	(pc) =	sbr.rel $0x88, $3  }
0x1: {  	(tag) =	ssettag $0x0;
	lr =	simm.s32 $0x1  }
0x2: {  	[smem:$0x3F93] =	sst lr;
	_ =	strace $0xD0000000  }
0x3: {  	_ = 	snop  }
0x4: {  	_ = 	snop  }
0x5: {  	_ = 	snop  }
0x6: {  	_ = 	snop  }
0x7: {  	_ = 	snop  }
__scs_overlays_trampoline_lowered:
0x8: {  	[smem:$0x3FA2] =	sst s0  }
0x9: {  	[smem:$0x3FA3] =	sst s1  }
0xa: {  	[smem:$0x3FA4] =	sst s2  }
0xb: {  	[smem:$0x3FA5] =	sst s3  }
0xc: {  	[smem:$0x3FA6] =	sst s4  }
0xd: {  	[smem:$0x3FA7] =	sst s5  }
0xe: {  	[smem:$0x3FA8] =	sst s6  }
0xf: {  	[smem:$0x3FA9] =	sst s7  }
0x10: {  	[smem:$0x3FAA] =	sst s8  }
0x11: {  	[smem:$0x3FAB] =	sst s9;
	s0 =	simm.s32 @!p0 $0x0  }
0x12: {  	s1 =	sld [smem:$0x3F91];
	s0 =	simm.s32 @p0 $0x1  }
0x13: {  	[smem:$0x3FAC] =	sst s0;
	s0 =	simm.s32 @!p1 $0x0  }
0x14: {  	s2 =	sld [smem:$0x3F90];
	s0 =	simm.s32 @p1 $0x1  }
0x15: {  	[smem:$0x3FAD] =	sst s0;
	s0 =	simm.s32 @!p2 $0x0  }
0x16: {  	s3 =	sld [smem:$0x3FDB];
	s0 =	simm.s32 @p2 $0x1  }
0x17: {  	s4 =	simm.s32 $0x1BF5;
	[smem:$0x3FAF] =	sst s0  }
0x18: {  	s0 =	sld [smem:$0x3F92];
	_ =	swait.ge [sflag:s4], $0x0  }
0x19: {  	s7 =	sld [smem:$0x3F93]  }
0x1a: {  	s8 =	sadd.s32 $0xFFFFE003, lr  }
0x1b: {  	s9 =	sadd.s32 $0xFFFFFEF7, lr;
	s5 =	simm.s32 $0xFFFFFFFF;
	p2 =	slt.u32 s8, $0xFFFFF086  }
0x1c: {  	p1 =	slt.u32 s9, $0xF7A;
	s5 =	simm.s32 @!p2 $0x0  }
0x1d: {  	s5 =	simm.s32 @p1 $0x1;
	p0 =	seq.s32 s7, s2  }
0x1e: {  	s7 =	smul.u32 @!p0 $0xF7A, s2;
	p2 =	seq.s32 @!p0 s5, $0x0  }
0x1f: {  	s9 =	smul.u32 $0xF7A, s1;
	s8 =	simm.s32 @!p0 $0x1BF5;
	p2 =	por !p2, p0  }
0x20: {  	[sflag:s8] =	ssyncset.s32 @!p0 $0xFFFFF086;
	s6 =	sadd.s32 @!p0 s3, s7;
	s7 =	simm.s32 @!p0 $0x108  }
0x21: {  	s3 =	sadd.s32 s3, s9;
	s6 =	sadd.s32 @!p0 $0x88, s6;
	s7 =	simm.s32 @p2 $0x1082  }
0x22: {  	[simem:s7], [sflag:s8] =	dma.local @!p0 [hbm:s6], $0xF7A  }
0x23: {  	s9 =	sor.u32 $0xD0000000, s2;
	s6 =	simm.s32 $0x108;
	_ =	swait.ge @!p0 [sflag:s8], $0x0  }
0x24: {  	s3 =	sadd.s32 $0x88, s3;
	s6 =	simm.s32 @!p1 $0x1082;
	[sflag:s4] =	ssyncset.s32 $0xFFFFF086  }
0x25: {  	[simem:s6], [sflag:s4] =	dma.local [hbm:s3], $0xF7A  }
0x26: {  	[smem:$0x3F93] =	sst s1;
	(tag) =	ssettag s2;
	_ =	strace s9  }
0x27: {  	s1 =	sld [smem:$0x3FA3]  }
0x28: {  	s2 =	sld [smem:$0x3FA4]  }
0x29: {  	s4 =	sld [smem:$0x3FA6]  }
0x2a: {  	p0 =	seq.s32 s5, $0x0;
	s5 =	sld [smem:$0x3FA7]  }
0x2b: {  	s6 =	sld [smem:$0x3FA8]  }
0x2c: {  	s7 =	sld [smem:$0x3FA9]  }
0x2d: {  	s3 =	simm.s32 $0x108;
	s8 =	sld [smem:$0x3FAA]  }
0x2e: {  	s3 =	simm.s32 @!p0 $0x1082;
	s9 =	sld [smem:$0x3FAB]  }
0x2f: {  	lr =	sadd.s32 s0, s3;
	s0 =	sld [smem:$0x3FA2]  }
0x30: {  	s3 =	sld [smem:$0x3FA5]  }
0x31: {  	[smem:$0x3FAE] =	sst s10  }
0x32: {  	s10 =	sld [smem:$0x3FAC];
	_ =	sdelay $0x3  }
0x33: {  	p0 =	seq.s32 s10, $0x1;
	s10 =	sld [smem:$0x3FAE];
	_ =	sdelay $0x3  }
0x34: {  	[smem:$0x3FAE] =	sst s10  }
0x35: {  	s10 =	sld [smem:$0x3FAD];
	_ =	sdelay $0x3  }
0x36: {  	p1 =	seq.s32 s10, $0x1;
	s10 =	sld [smem:$0x3FAE];
	_ =	sdelay $0x3  }
0x37: {  	[smem:$0x3FAE] =	sst s10  }
0x38: {  	s10 =	sld [smem:$0x3FAF]  }
0x39: {  	_ = 	snop;
	(pc) =	sbr.ind lr, $3  }
0x3a: {  	_ = 	snop  }
0x3b: {  	_ = 	snop  }
0x3c: {  	p2 =	seq.s32 s10, $0x1;
	s10 =	sld [smem:$0x3FAE]  }
0x3d: {  	_ =	shalt  }
0x3e: {  	_ =	shalt  }
0x3f: {  	_ =	shalt  }
0x40: {  	_ =	shalt  }
0x41: {  	_ =	shalt  }
0x42: {  	_ =	shalt  }
0x43: {  	_ =	shalt  }
0x44: {  	_ =	shalt  }
0x45: {  	_ =	shalt  }
0x46: {  	_ =	shalt  }
0x47: {  	_ =	shalt  }
0x48: {  	_ =	shalt  }
0x49: {  	_ =	shalt  }
0x4a: {  	_ =	shalt  }
0x4b: {  	_ =	shalt  }
0x4c: {  	_ =	shalt  }
0x4d: {  	_ =	shalt  }
0x4e: {  	_ =	shalt  }
0x4f: {  	_ =	shalt  }
0x50: {  	_ =	shalt  }
0x51: {  	_ =	shalt  }
0x52: {  	_ =	shalt  }
0x53: {  	_ =	shalt  }
0x54: {  	_ =	shalt  }
0x55: {  	_ =	shalt  }
0x56: {  	_ =	shalt  }
0x57: {  	_ =	shalt  }
0x58: {  	_ =	shalt  }
0x59: {  	_ =	shalt  }
0x5a: {  	_ =	shalt  }
0x5b: {  	_ =	shalt  }
0x5c: {  	_ =	shalt  }
0x5d: {  	_ =	shalt  }
0x5e: {  	_ =	shalt  }
0x5f: {  	_ =	shalt  }
0x60: {  	_ =	shalt  }
0x61: {  	_ =	shalt  }
0x62: {  	_ =	shalt  }
0x63: {  	_ =	shalt  }
0x64: {  	_ =	shalt  }
0x65: {  	_ =	shalt  }
0x66: {  	_ =	shalt  }
0x67: {  	_ =	shalt  }
0x68: {  	_ =	shalt  }
0x69: {  	_ =	shalt  }
0x6a: {  	_ =	shalt  }
0x6b: {  	_ =	shalt  }
0x6c: {  	_ =	shalt  }
0x6d: {  	_ =	shalt  }
0x6e: {  	_ =	shalt  }
0x6f: {  	_ =	shalt  }
0x70: {  	_ =	shalt  }
0x71: {  	_ =	shalt  }
0x72: {  	_ =	shalt  }
0x73: {  	_ =	shalt  }
0x74: {  	_ =	shalt  }
0x75: {  	_ =	shalt  }
0x76: {  	_ =	shalt  }
0x77: {  	_ =	shalt  }
0x78: {  	_ =	shalt  }
0x79: {  	_ =	shalt  }
0x7a: {  	_ =	shalt  }
0x7b: {  	_ =	shalt  }
0x7c: {  	_ =	shalt  }
0x7d: {  	_ =	shalt  }
0x7e: {  	_ =	shalt  }
0x7f: {  	_ =	shalt  }
0x80: {  	_ =	shalt  }
0x81: {  	_ =	shalt  }
0x82: {  	_ =	shalt  }
0x83: {  	_ =	shalt  }
0x84: {  	_ =	shalt  }
0x85: {  	_ =	shalt  }
0x86: {  	_ =	shalt  }
0x87: {  	_ =	shalt  }
.Lfunc_end0:
.L_simem_size_0:
called_computation.1_lowered:
.L_overlay_start_0:
0x88: {  	s2 =	sld [smem:$0x3FD9]  }
0x89: {  	s3 =	sld [smem:$0x3FFE];
	_ =	sdelay $0x1  }
0x8a: {  	s1 =	srdreg.scid  }
0x8b: {  	s0 =	sand.u32 $0x1, s1  }
0x8c: {  	s16 =	sshll.u32 s0, $0xA;
	s2 =	sadd.s32 s3, s2  }
0x8d: {  	s2 =	sadd.s32 s2, s16  }
0x8e: {  	[smem:$0x3FBA] =	sst s2  }
0x8f: {  	_ = 	snop  }
0x90: {  	(tm) =	ssettm $0x1  }
0x91: {  	s17 =	sld [smem:$0x3FFB];
	_ =	sdelay $0x3  }
0x92: {  	_ =	strace s17  }
0x93: {  	s2 =	sld [smem:$0x3FFC];
	_ =	sdelay $0x3  }
0x94: {  	_ =	strace s2  }
0x95: {  	s2 =	sld [smem:$0x3FFD];
	_ =	sdelay $0x3  }
0x96: {  	_ =	strace s2  }
0x97: {  	_ =	strace $0x8FFFFFFF  }
0x98: {  	s18 =	sld [smem:$0x3FDB];
	_ =	sdelay $0x1  }
0x99: {  	s19 =	simm.s32 $_scs_section_size  }
0x9a: {  	s4 =	simm.s32 $_size__tile_overlayer_lowered;
	s5 =	simm.s32 $_tile_overlayer_lowered  }
0x9b: {  	s22 =	simm.s32 $0x1BFF;
	s21 =	sshll.u32 s5, $0x1;
	s2 =	sadd.s32 s19, s18  }
0x9c: {  	s6 =	simm.s32 $0x0;
	s20 =	sshll.u32 s4, $0x1;
	s4 =	sadd.s32 s21, s2  }
0x9d: {  	[timem:s6], [sflag:s22] =	dma.local [hbm:s4], s20  }
0x9e: {  	_ =	swait.ge [sflag:s22], s20  }
0x9f: {  	s3 =	ssub.s32 $0x0, s20;
	[sflag:s22] =	ssyncset.done $0x0  }
0xa0: {  	[sflag:s22] =	ssyncadd.s32 s3;
	_ =	sdelay $0x1  }
0xa1: {  	s23 =	simm.s32 $0x1B8B  }
0xa2: {  	_ =	swait.ge [sflag:s23], $0x1  }
0xa3: {  	[sflag:s23] =	ssyncset.done $0x0  }
0xa4: {  	s25 =	simm.s32 $0x1B8E;
	s24 =	sld [smem:$0x3FFE];
	[sflag:s23] =	ssyncadd.s32 $0xFFFFFFFF  }
0xa5: {  	s26 =	simm.s32 $execute0_lowered;
	[smem:$0x3FD2] =	sst s25  }
0xa6: {  	s4 =	sshll.u32 s26, $0x1;
	_ =	strace $0x80000049;
	[dreg:$0x1] =	wrdreg $0xFFFFFFFF  }
0xa7: {  	s28 =	simm.s32 $_size_execute0_lowered;
	s2 =	sadd.s32 s2, s4;
	[dreg:$0x0] =	wrdreg $0x0  }
0xa8: {  	s4 =	sshll.u32 s28, $0x1;
	[dreg:$0x2] =	wrdreg s2  }
0xa9: {  	[dreg:$0x3] =	wrdreg s4  }
0xaa: {  	[dreg:$0x4] =	wrdreg $0xC0  }
0xab: {  	_ =	task [dreg:s6], $0x5FFFF  }
0xac: {  	[dreg:$0x1] =	wrdreg $0xFFFFFFFF  }
0xad: {  	[dreg:$0x0] =	wrdreg $0x60  }
0xae: {  	[dreg:$0x2] =	wrdreg s24  }
0xaf: {  	[dreg:$0x3] =	wrdreg $0xA8000  }
0xb0: {  	[dreg:$0x4] =	wrdreg $0x9  }
0xb1: {  	_ =	task.clear_ibuf [dreg:s6], $0x5FFFF;
	_ =	strace $0x90000049  }
0xb2: {  	s29 =	simm.s32 $0x9;
	_ =	strace $0x8000004B  }
0xb3: {  	_ =	swait.ge [sflag:s29], $0x1  }
0xb4: {  	[sflag:s29] =	ssyncadd.s32 $0xFFFFFFFF  }
0xb5: {  	_ =	strace $0x9000004B  }
0xb6: {  	_ =	sfence  }
0xb7: {  	s30 =	sld [smem:$0x0];
	_ =	sdelay $0x2  }
0xb8: {  	s31 =	sshll.u32 s1, $0xD;
	s1 =	sshrl.u32 s1, $0x2  }
0xb9: {  	s3 =	sand.u32 $0x4000, s31;
	s1 =	sadd.s32 s1, s30  }
0xba: {  	s0 =	sor.u32 s3, s0;
	s1 =	sshll.u32 s1, $0x11  }
0xbb: {  	s0 =	sor.u32 s1, s0  }
0xbc: {  	s0 =	sadd.s32 $0x8F2B, s0  }
0xbd: {  	[sflag:s0] =	ssyncadd.remote.s32 $0x1  }
0xbe: {  	_ =	sfence.sel $0xFFFF  }
0xbf: {  	[dreg:$0x0] =	wrdreg $0xFFFFFFFF;
	(pc) =	sbr.abs _section_cstart, $3  }
0xc0: {  	[dreg:$0x1] =	wrdreg $0xFFFFFFFF  }
0xc1: {  	_ =	task.clear_ibuf [dreg:s6], $0x2FFFF;
	_ =	strace $0x9FFFFFFF  }
0xc2: {  	(tm) =	ssettm $0x7FFFFFFF  }
0xc3: {  	_ =	shalt  }
tec
execute0_lowered:
.L_overlay_start_1:
0x0: {  	(tag) =	ssettag $0x1  }
0x1: {  	s0 =	rddreg [dreg:$0x0]  }
0x2: {  	s1 =	rddreg [dreg:$0x1];
	s2 =	srdreg.scid;
	s3 =	simm.s32 $0x0  }
0x3: {  	s10 =	stileid.u32;
	s28 =	simm.s32 $0x6800;
	s29 =	simm.s32 $0x180  }
0x4: {  	s30 =	simm.s32 $0x8800;
	s31 =	simm.s32 $0x1;
	s6 =	smul.u32 $0x14000, s10  }
0x5: {  	s2 =	sand.u32 $0x1, s2;
	[smem:$0x7FF] =	sst s3;
	s12 =	smul.u32 $0x50000, s10  }
0x6: {  	s4 =	sadd.s32 $0x18200, s0;
	s7 =	sadd.s32 $0x68200, s0;
	s5 =	smul.u32 $0x140000, s2  }
0x7: {  	s8 =	sadd.s32 $0x4200, s0;
	_ =	strace $0x8000004A;
	s13 =	sshll.u32 s2, $0x4  }
0x8: {  	s2 =	ssub.s32 $0x2, s2;
	s14 =	sshrl.u32 s12, $0x2;
	s5 =	sadd.s32 s6, s5  }
0x9: {  	s10 =	sor.u32 s10, s13;
	s9 =	sshrl.u32 s5, $0x3;
	s5 =	sadd.s32 s14, s1  }
0xa: {  	s15 =	sshrl.u32 s2, $0x1;
	s11 =	smul.u32 $0x5000, s10;
	s16 =	sadd.s32 $0x4000, s5  }
0xb: {  	s2 =	ssub.s32 s2, s15;
	s17 =	sadd.s32 $0x8000, s5;
	[dreg:$0x3] =	wrdreg s16  }
0xc: {  	s18 =	smul.u32 $0xA00, s10;
	s20 =	sadd.s32 $0xC000, s5;
	[dreg:$0x4] =	wrdreg s17  }
0xd: {  	s10 =	simm.s32 $0x2780;
	s21 =	sadd.s32 $0x10000, s5;
	[dreg:$0x5] =	wrdreg s20  }
0xe: {  	s0 =	sadd.s32 s9, s0;
	s23 =	sadd.s32 s7, s18;
	[dreg:$0x6] =	wrdreg s21  }
0xf: {  	s19 =	sshrl.u32 s11, $0x3;
	s6 =	sadd.s32 s8, s18;
	[dreg:$0x7] =	wrdreg s23  }
0x10: {  	s22 =	sadd.s32 $0x280, s19;
	[dreg:$0x8] =	wrdreg s6;
	s26 =	sadd.s32 $0x500, s19  }
0x11: {  	s9 =	sadd.s32 $0x780, s19;
	s18 =	sadd.s32 $0x7C200, s0;
	s19 =	smax.u32 s2, $0x1  }
0x12: {  	s20 =	simm.s32 $0x2800;
	s21 =	simm.s32 $0x5;
	s23 =	simm.s32 $0x40  }
0x13: {  	s0 =	simm.s32 $0x2;
	s2 =	simm.s32 $0x3;
	s6 =	simm.s32 $0x4  }
0x14: {  	s24 =	sadd.s32 s7, s22;
	s25 =	sadd.s32 s8, s22;
	s14 =	sadd.s32 s7, s26  }
0x15: {  	s15 =	sadd.s32 s8, s26;
	s16 =	sadd.s32 s7, s9;
	s17 =	sadd.s32 s8, s9  }
0x16: {  	s22 =	simm.s32 $0x1400;
	s26 =	simm.s32 $0x100;
	s7 =	simm.s32 $0x2600  }
0x17: {  	s8 =	simm.s32 $0x2680;
	s9 =	simm.s32 $0x2700;
	[dreg:$0x9] =	wrdreg s24  }
0x18: {  	v0 =	vimm.f32 $0.0e+00;
	[dreg:$0xa] =	wrdreg s25;
	s24 =	simm.s32 $0x80;
	s25 =	simm.s32 $0x4800  }
.LBB2_1:
0x19: {  	s11 =	simm.s32 $0x0;
	s12 =	simm.s32 $0x200  }
.LBB2_2:
0x1a: {  	p0 =	sne.s32 s12, $0x1FE00;
	[tilespmem:s11+$0x2870] =	vst v0  }
0x1b: {  	[tilespmem:s11+$0x2800] =	vst v0  }
0x1c: {  	[tilespmem:s11+$0x2810] =	vst v0  }
.Ltmp0:
0x1d: {  	[tilespmem:s11+$0x2820] =	vst v0;
	(pc) =	sbr.rel @p0 .LBB2_2-.Ltmp0, $4  }
0x1e: {  	[tilespmem:s11+$0x2830] =	vst v0  }
0x1f: {  	[tilespmem:s11+$0x2840] =	vst v0  }
0x20: {  	[tilespmem:s11+$0x2850] =	vst v0  }
0x21: {  	[tilespmem:s11+$0x2860] =	vst v0;
	s11 =	sshra.s32 s12, $0x2;
	s12 =	sadd.s32 $0x200, s12  }
0x22: {  	[tilespmem:s11+$0x2870] =	vst v0  }
0x23: {  	[tilespmem:s11+$0x2800] =	vst v0  }
0x24: {  	[tilespmem:s11+$0x2810] =	vst v0  }
0x25: {  	[tilespmem:s11+$0x2820] =	vst v0  }
0x26: {  	[tilespmem:s11+$0x2830] =	vst v0  }
0x27: {  	[tilespmem:s11+$0x2840] =	vst v0  }
0x28: {  	[tilespmem:s11+$0x2850] =	vst v0  }
0x29: {  	[tilespmem:s11+$0x2860] =	vst v0  }
0x2a: {  	[spmem:s5] =	stream.linear.scatter [tilespmem:s20], [sflag:$0x5], $0x4000, $0x38;
	[tilespmem:$0x1E800] =	vst v63  }
0x2b: {  	_ =	swait.ge [sflag:s21], $0x4000  }
0x2c: {  	[sflag:s21] =	ssyncset.done $0x0  }
0x2d: {  	s13 =	rddreg [dreg:$0x3];
	[sflag:s21] =	ssyncadd.s32 $0xFFFFC000  }
0x2e: {  	[spmem:s13] =	stream.linear.scatter [tilespmem:s20], [sflag:$0x5], $0x4000, $0x38;
	[tilespmem:$0x1E800] =	vst v63  }
0x2f: {  	_ =	swait.ge [sflag:s21], $0x4000  }
0x30: {  	[sflag:s21] =	ssyncset.done $0x0  }
0x31: {  	s12 =	rddreg [dreg:$0x4];
	[sflag:s21] =	ssyncadd.s32 $0xFFFFC000  }
0x32: {  	[spmem:s12] =	stream.linear.scatter [tilespmem:s20], [sflag:$0x5], $0x4000, $0x38;
	[tilespmem:$0x1E800] =	vst v63  }
0x33: {  	_ =	swait.ge [sflag:s21], $0x4000  }
0x34: {  	[sflag:s21] =	ssyncset.done $0x0  }
0x35: {  	s13 =	rddreg [dreg:$0x5];
	[sflag:s21] =	ssyncadd.s32 $0xFFFFC000  }
0x36: {  	[spmem:s13] =	stream.linear.scatter [tilespmem:s20], [sflag:$0x5], $0x4000, $0x38;
	[tilespmem:$0x1E800] =	vst v63  }
0x37: {  	_ =	swait.ge [sflag:s21], $0x4000  }
0x38: {  	[sflag:s21] =	ssyncset.done $0x0  }
0x39: {  	s12 =	rddreg [dreg:$0x6];
	[sflag:s21] =	ssyncadd.s32 $0xFFFFC000  }
0x3a: {  	[spmem:s12] =	stream.linear.scatter [tilespmem:s20], [sflag:$0x5], $0x4000, $0x38;
	[tilespmem:$0x1E800] =	vst v63  }
0x3b: {  	_ =	swait.ge [sflag:s21], $0x4000  }
0x3c: {  	[sflag:s21] =	ssyncset.done $0x0  }
0x3d: {  	[sflag:s21] =	ssyncadd.s32 $0xFFFFC000  }
0x3e: {  	[bflag:$0x0] =	sbarrier.arrive $0xFFFF  }
0x3f: {  	s11 =	simm.s32 $0x0;
	s12 =	rddreg [dreg:$0x7]  }
0x40: {  	[tilespmem:s11], [sflag:$0x5] =	stream.linear.gather [hbm4b:s12+s11], $0x1400, $0x38;
	[tilespmem:$0x1E800] =	vst v63  }
0x41: {  	_ =	swait.ge [sflag:s21], $0x1400  }
0x42: {  	[sflag:s21] =	ssyncset.done $0x0  }
0x43: {  	s13 =	rddreg [dreg:$0x8];
	[sflag:s21] =	ssyncadd.s32 $0xFFFFEC00  }
0x44: {  	[tilespmem:s22], [sflag:$0x5] =	stream.linear.gather [hbm4b:s13+s11], $0x1400, $0x38;
	[tilespmem:$0x1E800] =	vst v63  }
0x45: {  	_ =	swait.ge [sflag:s21], $0x1400  }
0x46: {  	[sflag:s21] =	ssyncset.done $0x0  }
0x47: {  	[sflag:s21] =	ssyncadd.s32 $0xFFFFEC00  }
0x48: {  	[tilespmem:s20], [sflag:$0x1] =	stream.indirect.gather [hbm4b:s4+s23], $0x80, s11, s23, $0xb8;
	[tilespmem:$0x1E800] =	vst v63  }
0x49: {  	_ = 	snop  }
0x4a: {  	[tilespmem:s25], [sflag:$0x2] =	stream.indirect.gather [hbm4b:s4+s23], $0x80, s24, s23, $0xb8;
	[tilespmem:$0x1E800] =	vst v63  }
0x4b: {  	_ = 	snop  }
0x4c: {  	[tilespmem:s28], [sflag:$0x3] =	stream.indirect.gather [hbm4b:s4+s23], $0x80, s26, s23, $0xb8;
	[tilespmem:$0x1E800] =	vst v63  }
0x4d: {  	_ = 	snop  }
0x4e: {  	[tilespmem:s30], [sflag:$0x4] =	stream.indirect.gather [hbm4b:s4+s23], $0x80, s29, s23, $0xb8;
	[tilespmem:$0x1E800] =	vst v63  }
0x4f: {  	_ =	swait.ge [sflag:s31], $0x2000  }
0x50: {  	[sflag:s31] =	ssyncset.done $0x0  }
0x51: {  	s13 =	simm.s32 $0x1400;
	[sflag:s31] =	ssyncadd.s32 $0xFFFFE000  }
0x52: {  	[spmem:s1] =	stream.indirect.scatter.add.f32 [tilespmem:s20], [sflag:$0x5], $0x80, s13, s23, $0xb8;
	[tilespmem:$0x1E800] =	vst v63  }
0x53: {  	_ =	swait.ge [sflag:s21], $0x2000  }
0x54: {  	[sflag:s21] =	ssyncset.done $0x0  }
0x55: {  	s12 =	simm.s32 $0x200;
	[sflag:s21] =	ssyncadd.s32 $0xFFFFE000  }
0x56: {  	[tilespmem:s20], [sflag:$0x1] =	stream.indirect.gather [hbm4b:s4+s23], $0x80, s12, s23, $0xb8;
	[tilespmem:$0x1E800] =	vst v63  }
0x57: {  	_ =	swait.ge [sflag:s0], $0x2000  }
0x58: {  	[sflag:s0] =	ssyncset.done $0x0  }
0x59: {  	s13 =	simm.s32 $0x1480;
	[sflag:s0] =	ssyncadd.s32 $0xFFFFE000  }
0x5a: {  	[spmem:s1] =	stream.indirect.scatter.add.f32 [tilespmem:s25], [sflag:$0x5], $0x80, s13, s23, $0xb8;
	[tilespmem:$0x1E800] =	vst v63  }
0x5b: {  	_ =	swait.ge [sflag:s21], $0x2000  }
0x5c: {  	[sflag:s21] =	ssyncset.done $0x0  }
0x5d: {  	s12 =	simm.s32 $0x280;
	[sflag:s21] =	ssyncadd.s32 $0xFFFFE000  }
0x5e: {  	[tilespmem:s25], [sflag:$0x2] =	stream.indirect.gather [hbm4b:s4+s23], $0x80, s12, s23, $0xb8;
	[tilespmem:$0x1E800] =	vst v63  }
0x5f: {  	_ =	swait.ge [sflag:s2], $0x2000  }
0x60: {  	[sflag:s2] =	ssyncset.done $0x0  }
0x61: {  	s13 =	simm.s32 $0x1500;
	[sflag:s2] =	ssyncadd.s32 $0xFFFFE000  }
0x62: {  	[spmem:s1] =	stream.indirect.scatter.add.f32 [tilespmem:s28], [sflag:$0x5], $0x80, s13, s23, $0xb8;
	[tilespmem:$0x1E800] =	vst v63  }
0x63: {  	_ =	swait.ge [sflag:s21], $0x2000  }
0x64: {  	[sflag:s21] =	ssyncset.done $0x0  }
0x65: {  	s12 =	simm.s32 $0x300;
	[sflag:s21] =	ssyncadd.s32 $0xFFFFE000  }
0x66: {  	[tilespmem:s28], [sflag:$0x3] =	stream.indirect.gather [hbm4b:s4+s23], $0x80, s12, s23, $0xb8;
	[tilespmem:$0x1E800] =	vst v63  }
0x67: {  	_ =	swait.ge [sflag:s6], $0x2000  }
0x68: {  	[sflag:s6] =	ssyncset.done $0x0  }
0x69: {  	s13 =	simm.s32 $0x1580;
	[sflag:s6] =	ssyncadd.s32 $0xFFFFE000  }
0x6a: {  	[spmem:s1] =	stream.indirect.scatter.add.f32 [tilespmem:s30], [sflag:$0x5], $0x80, s13, s23, $0xb8;
	[tilespmem:$0x1E800] =	vst v63  }
0x6b: {  	_ =	swait.ge [sflag:s21], $0x2000  }
0x6c: {  	[sflag:s21] =	ssyncset.done $0x0  }
0x6d: {  	s11 =	simm.s32 $0x800;
	s12 =	simm.s32 $0x380;
	[sflag:s21] =	ssyncadd.s32 $0xFFFFE000  }
.LBB2_4:
0x6e: {  	[tilespmem:s30], [sflag:$0x4] =	stream.indirect.gather [hbm4b:s4+s23], $0x80, s12, s23, $0xb8;
	[tilespmem:$0x1E800] =	vst v63  }
0x6f: {  	s12 =	smov.u32 s11  }
0x70: {  	p0 =	sne.s32 s11, $0x4000;
	s11 =	sadd.s32 $0x800, s11;
	_ =	swait.ge [sflag:s31], $0x2000  }
0x71: {  	s12 =	sshra.s32 s12, $0x2;
	[sflag:s31] =	ssyncset.done $0x0  }
0x72: {  	s13 =	sadd.s32 $0x1400, s12;
	[sflag:s31] =	ssyncadd.s32 $0xFFFFE000  }
0x73: {  	[spmem:s1] =	stream.indirect.scatter.add.f32 [tilespmem:s20], [sflag:$0x5], $0x80, s13, s23, $0xb8;
	[tilespmem:$0x1E800] =	vst v63  }
0x74: {  	_ =	swait.ge [sflag:s21], $0x2000  }
0x75: {  	[sflag:s21] =	ssyncset.done $0x0  }
0x76: {  	s13 =	sadd.s32 $0x200, s12;
	[sflag:s21] =	ssyncadd.s32 $0xFFFFE000  }
0x77: {  	[tilespmem:s20], [sflag:$0x1] =	stream.indirect.gather [hbm4b:s4+s23], $0x80, s13, s23, $0xb8;
	[tilespmem:$0x1E800] =	vst v63  }
0x78: {  	_ =	swait.ge [sflag:s0], $0x2000  }
0x79: {  	[sflag:s0] =	ssyncset.done $0x0  }
0x7a: {  	s13 =	sadd.s32 $0x1480, s12;
	[sflag:s0] =	ssyncadd.s32 $0xFFFFE000  }
0x7b: {  	[spmem:s1] =	stream.indirect.scatter.add.f32 [tilespmem:s25], [sflag:$0x5], $0x80, s13, s23, $0xb8;
	[tilespmem:$0x1E800] =	vst v63  }
0x7c: {  	_ =	swait.ge [sflag:s21], $0x2000  }
0x7d: {  	[sflag:s21] =	ssyncset.done $0x0  }
0x7e: {  	s13 =	sadd.s32 $0x280, s12;
	[sflag:s21] =	ssyncadd.s32 $0xFFFFE000  }
0x7f: {  	[tilespmem:s25], [sflag:$0x2] =	stream.indirect.gather [hbm4b:s4+s23], $0x80, s13, s23, $0xb8;
	[tilespmem:$0x1E800] =	vst v63  }
0x80: {  	_ =	swait.ge [sflag:s2], $0x2000  }
0x81: {  	[sflag:s2] =	ssyncset.done $0x0  }
0x82: {  	s13 =	sadd.s32 $0x1500, s12;
	[sflag:s2] =	ssyncadd.s32 $0xFFFFE000  }
0x83: {  	[spmem:s1] =	stream.indirect.scatter.add.f32 [tilespmem:s28], [sflag:$0x5], $0x80, s13, s23, $0xb8;
	[tilespmem:$0x1E800] =	vst v63  }
0x84: {  	_ =	swait.ge [sflag:s21], $0x2000  }
0x85: {  	[sflag:s21] =	ssyncset.done $0x0  }
0x86: {  	s13 =	sadd.s32 $0x300, s12;
	[sflag:s21] =	ssyncadd.s32 $0xFFFFE000  }
0x87: {  	[tilespmem:s28], [sflag:$0x3] =	stream.indirect.gather [hbm4b:s4+s23], $0x80, s13, s23, $0xb8;
	[tilespmem:$0x1E800] =	vst v63  }
0x88: {  	_ =	swait.ge [sflag:s6], $0x2000  }
0x89: {  	[sflag:s6] =	ssyncset.done $0x0  }
.Ltmp1:
0x8a: {  	s13 =	sadd.s32 $0x1580, s12;
	[sflag:s6] =	ssyncadd.s32 $0xFFFFE000;
	(pc) =	sbr.rel @p0 .LBB2_4-.Ltmp1, $4  }
0x8b: {  	[spmem:s1] =	stream.indirect.scatter.add.f32 [tilespmem:s30], [sflag:$0x5], $0x80, s13, s23, $0xb8;
	[tilespmem:$0x1E800] =	vst v63  }
0x8c: {  	_ =	swait.ge [sflag:s21], $0x2000  }
0x8d: {  	[sflag:s21] =	ssyncset.done $0x0  }
0x8e: {  	s12 =	sadd.s32 $0x380, s12;
	[sflag:s21] =	ssyncadd.s32 $0xFFFFE000  }
0x8f: {  	[tilespmem:s30], [sflag:$0x4] =	stream.indirect.gather [hbm4b:s4+s23], $0x80, s12, s23, $0xb8;
	[tilespmem:$0x1E800] =	vst v63  }
0x90: {  	_ =	swait.ge [sflag:s31], $0x2000  }
0x91: {  	[sflag:s31] =	ssyncset.done $0x0  }
0x92: {  	[sflag:s31] =	ssyncadd.s32 $0xFFFFE000  }
0x93: {  	[spmem:s1] =	stream.indirect.scatter.add.f32 [tilespmem:s20], [sflag:$0x5], $0x80, s7, s23, $0xb8;
	[tilespmem:$0x1E800] =	vst v63  }
0x94: {  	_ =	swait.ge [sflag:s21], $0x2000  }
0x95: {  	[sflag:s21] =	ssyncset.done $0x0  }
0x96: {  	[sflag:s21] =	ssyncadd.s32 $0xFFFFE000  }
0x97: {  	_ =	swait.ge [sflag:s0], $0x2000  }
0x98: {  	[sflag:s0] =	ssyncset.done $0x0  }
0x99: {  	[sflag:s0] =	ssyncadd.s32 $0xFFFFE000  }
0x9a: {  	[spmem:s1] =	stream.indirect.scatter.add.f32 [tilespmem:s25], [sflag:$0x5], $0x80, s8, s23, $0xb8;
	[tilespmem:$0x1E800] =	vst v63  }
0x9b: {  	_ =	swait.ge [sflag:s21], $0x2000  }
0x9c: {  	[sflag:s21] =	ssyncset.done $0x0  }
0x9d: {  	[sflag:s21] =	ssyncadd.s32 $0xFFFFE000  }
0x9e: {  	_ =	swait.ge [sflag:s2], $0x2000  }
0x9f: {  	[sflag:s2] =	ssyncset.done $0x0  }
0xa0: {  	[sflag:s2] =	ssyncadd.s32 $0xFFFFE000  }
0xa1: {  	[spmem:s1] =	stream.indirect.scatter.add.f32 [tilespmem:s28], [sflag:$0x5], $0x80, s9, s23, $0xb8;
	[tilespmem:$0x1E800] =	vst v63  }
0xa2: {  	_ =	swait.ge [sflag:s21], $0x2000  }
0xa3: {  	[sflag:s21] =	ssyncset.done $0x0  }
0xa4: {  	[sflag:s21] =	ssyncadd.s32 $0xFFFFE000  }
0xa5: {  	_ =	swait.ge [sflag:s6], $0x2000  }
0xa6: {  	[sflag:s6] =	ssyncset.done $0x0  }
0xa7: {  	[sflag:s6] =	ssyncadd.s32 $0xFFFFE000  }
0xa8: {  	[spmem:s1] =	stream.indirect.scatter.add.f32 [tilespmem:s30], [sflag:$0x5], $0x80, s10, s23, $0xb8;
	[tilespmem:$0x1E800] =	vst v63  }
0xa9: {  	_ =	swait.ge [sflag:s21], $0x2000  }
0xaa: {  	[sflag:s21] =	ssyncset.done $0x0  }
0xab: {  	s11 =	simm.s32 $0x0;
	s13 =	rddreg [dreg:$0x9];
	[sflag:s21] =	ssyncadd.s32 $0xFFFFE000  }
0xac: {  	[tilespmem:s11], [sflag:$0x5] =	stream.linear.gather [hbm4b:s13+s11], $0x1400, $0x38;
	[tilespmem:$0x1E800] =	vst v63  }
0xad: {  	_ =	swait.ge [sflag:s21], $0x1400  }
0xae: {  	[sflag:s21] =	ssyncset.done $0x0  }
0xaf: {  	s13 =	rddreg [dreg:$0xa];
	[sflag:s21] =	ssyncadd.s32 $0xFFFFEC00  }
0xb0: {  	[tilespmem:s22], [sflag:$0x5] =	stream.linear.gather [hbm4b:s13+s11], $0x1400, $0x38;
	[tilespmem:$0x1E800] =	vst v63  }
0xb1: {  	_ =	swait.ge [sflag:s21], $0x1400  }
0xb2: {  	[sflag:s21] =	ssyncset.done $0x0  }
0xb3: {  	[sflag:s21] =	ssyncadd.s32 $0xFFFFEC00  }
0xb4: {  	[tilespmem:s20], [sflag:$0x1] =	stream.indirect.gather [hbm4b:s4+s23], $0x80, s11, s23, $0xb8;
	[tilespmem:$0x1E800] =	vst v63  }
0xb5: {  	_ = 	snop  }
0xb6: {  	[tilespmem:s25], [sflag:$0x2] =	stream.indirect.gather [hbm4b:s4+s23], $0x80, s24, s23, $0xb8;
	[tilespmem:$0x1E800] =	vst v63  }
0xb7: {  	_ = 	snop  }
0xb8: {  	[tilespmem:s28], [sflag:$0x3] =	stream.indirect.gather [hbm4b:s4+s23], $0x80, s26, s23, $0xb8;
	[tilespmem:$0x1E800] =	vst v63  }
0xb9: {  	_ = 	snop  }
0xba: {  	[tilespmem:s30], [sflag:$0x4] =	stream.indirect.gather [hbm4b:s4+s23], $0x80, s29, s23, $0xb8;
	[tilespmem:$0x1E800] =	vst v63  }
0xbb: {  	_ =	swait.ge [sflag:s31], $0x2000  }
0xbc: {  	[sflag:s31] =	ssyncset.done $0x0  }
0xbd: {  	s13 =	simm.s32 $0x1400;
	[sflag:s31] =	ssyncadd.s32 $0xFFFFE000  }
0xbe: {  	[spmem:s1] =	stream.indirect.scatter.add.f32 [tilespmem:s20], [sflag:$0x5], $0x80, s13, s23, $0xb8;
	[tilespmem:$0x1E800] =	vst v63  }
0xbf: {  	_ =	swait.ge [sflag:s21], $0x2000  }
0xc0: {  	[sflag:s21] =	ssyncset.done $0x0  }
0xc1: {  	s12 =	simm.s32 $0x200;
	[sflag:s21] =	ssyncadd.s32 $0xFFFFE000  }
0xc2: {  	[tilespmem:s20], [sflag:$0x1] =	stream.indirect.gather [hbm4b:s4+s23], $0x80, s12, s23, $0xb8;
	[tilespmem:$0x1E800] =	vst v63  }
0xc3: {  	_ =	swait.ge [sflag:s0], $0x2000  }
0xc4: {  	[sflag:s0] =	ssyncset.done $0x0  }
0xc5: {  	s13 =	simm.s32 $0x1480;
	[sflag:s0] =	ssyncadd.s32 $0xFFFFE000  }
0xc6: {  	[spmem:s1] =	stream.indirect.scatter.add.f32 [tilespmem:s25], [sflag:$0x5], $0x80, s13, s23, $0xb8;
	[tilespmem:$0x1E800] =	vst v63  }
0xc7: {  	_ =	swait.ge [sflag:s21], $0x2000  }
0xc8: {  	[sflag:s21] =	ssyncset.done $0x0  }
0xc9: {  	s12 =	simm.s32 $0x280;
	[sflag:s21] =	ssyncadd.s32 $0xFFFFE000  }
0xca: {  	[tilespmem:s25], [sflag:$0x2] =	stream.indirect.gather [hbm4b:s4+s23], $0x80, s12, s23, $0xb8;
	[tilespmem:$0x1E800] =	vst v63  }
0xcb: {  	_ =	swait.ge [sflag:s2], $0x2000  }
0xcc: {  	[sflag:s2] =	ssyncset.done $0x0  }
0xcd: {  	s13 =	simm.s32 $0x1500;
	[sflag:s2] =	ssyncadd.s32 $0xFFFFE000  }
0xce: {  	[spmem:s1] =	stream.indirect.scatter.add.f32 [tilespmem:s28], [sflag:$0x5], $0x80, s13, s23, $0xb8;
	[tilespmem:$0x1E800] =	vst v63  }
0xcf: {  	_ =	swait.ge [sflag:s21], $0x2000  }
0xd0: {  	[sflag:s21] =	ssyncset.done $0x0  }
0xd1: {  	s12 =	simm.s32 $0x300;
	[sflag:s21] =	ssyncadd.s32 $0xFFFFE000  }
0xd2: {  	[tilespmem:s28], [sflag:$0x3] =	stream.indirect.gather [hbm4b:s4+s23], $0x80, s12, s23, $0xb8;
	[tilespmem:$0x1E800] =	vst v63  }
0xd3: {  	_ =	swait.ge [sflag:s6], $0x2000  }
0xd4: {  	[sflag:s6] =	ssyncset.done $0x0  }
0xd5: {  	s13 =	simm.s32 $0x1580;
	[sflag:s6] =	ssyncadd.s32 $0xFFFFE000  }
0xd6: {  	[spmem:s1] =	stream.indirect.scatter.add.f32 [tilespmem:s30], [sflag:$0x5], $0x80, s13, s23, $0xb8;
	[tilespmem:$0x1E800] =	vst v63  }
0xd7: {  	_ =	swait.ge [sflag:s21], $0x2000  }
0xd8: {  	[sflag:s21] =	ssyncset.done $0x0  }
0xd9: {  	s11 =	simm.s32 $0x800;
	s12 =	simm.s32 $0x380;
	[sflag:s21] =	ssyncadd.s32 $0xFFFFE000  }
.LBB2_6:
0xda: {  	[tilespmem:s30], [sflag:$0x4] =	stream.indirect.gather [hbm4b:s4+s23], $0x80, s12, s23, $0xb8;
	[tilespmem:$0x1E800] =	vst v63  }
0xdb: {  	s12 =	smov.u32 s11  }
0xdc: {  	p0 =	sne.s32 s11, $0x4000;
	s11 =	sadd.s32 $0x800, s11;
	_ =	swait.ge [sflag:s31], $0x2000  }
0xdd: {  	s12 =	sshra.s32 s12, $0x2;
	[sflag:s31] =	ssyncset.done $0x0  }
0xde: {  	s13 =	sadd.s32 $0x1400, s12;
	[sflag:s31] =	ssyncadd.s32 $0xFFFFE000  }
0xdf: {  	[spmem:s1] =	stream.indirect.scatter.add.f32 [tilespmem:s20], [sflag:$0x5], $0x80, s13, s23, $0xb8;
	[tilespmem:$0x1E800] =	vst v63  }
0xe0: {  	_ =	swait.ge [sflag:s21], $0x2000  }
0xe1: {  	[sflag:s21] =	ssyncset.done $0x0  }
0xe2: {  	s13 =	sadd.s32 $0x200, s12;
	[sflag:s21] =	ssyncadd.s32 $0xFFFFE000  }
0xe3: {  	[tilespmem:s20], [sflag:$0x1] =	stream.indirect.gather [hbm4b:s4+s23], $0x80, s13, s23, $0xb8;
	[tilespmem:$0x1E800] =	vst v63  }
0xe4: {  	_ =	swait.ge [sflag:s0], $0x2000  }
0xe5: {  	[sflag:s0] =	ssyncset.done $0x0  }
0xe6: {  	s13 =	sadd.s32 $0x1480, s12;
	[sflag:s0] =	ssyncadd.s32 $0xFFFFE000  }
0xe7: {  	[spmem:s1] =	stream.indirect.scatter.add.f32 [tilespmem:s25], [sflag:$0x5], $0x80, s13, s23, $0xb8;
	[tilespmem:$0x1E800] =	vst v63  }
0xe8: {  	_ =	swait.ge [sflag:s21], $0x2000  }
0xe9: {  	[sflag:s21] =	ssyncset.done $0x0  }
0xea: {  	s13 =	sadd.s32 $0x280, s12;
	[sflag:s21] =	ssyncadd.s32 $0xFFFFE000  }
0xeb: {  	[tilespmem:s25], [sflag:$0x2] =	stream.indirect.gather [hbm4b:s4+s23], $0x80, s13, s23, $0xb8;
	[tilespmem:$0x1E800] =	vst v63  }
0xec: {  	_ =	swait.ge [sflag:s2], $0x2000  }
0xed: {  	[sflag:s2] =	ssyncset.done $0x0  }
0xee: {  	s13 =	sadd.s32 $0x1500, s12;
	[sflag:s2] =	ssyncadd.s32 $0xFFFFE000  }
0xef: {  	[spmem:s1] =	stream.indirect.scatter.add.f32 [tilespmem:s28], [sflag:$0x5], $0x80, s13, s23, $0xb8;
	[tilespmem:$0x1E800] =	vst v63  }
0xf0: {  	_ =	swait.ge [sflag:s21], $0x2000  }
0xf1: {  	[sflag:s21] =	ssyncset.done $0x0  }
0xf2: {  	s13 =	sadd.s32 $0x300, s12;
	[sflag:s21] =	ssyncadd.s32 $0xFFFFE000  }
0xf3: {  	[tilespmem:s28], [sflag:$0x3] =	stream.indirect.gather [hbm4b:s4+s23], $0x80, s13, s23, $0xb8;
	[tilespmem:$0x1E800] =	vst v63  }
0xf4: {  	_ =	swait.ge [sflag:s6], $0x2000  }
0xf5: {  	[sflag:s6] =	ssyncset.done $0x0  }
.Ltmp2:
0xf6: {  	s13 =	sadd.s32 $0x1580, s12;
	[sflag:s6] =	ssyncadd.s32 $0xFFFFE000;
	(pc) =	sbr.rel @p0 .LBB2_6-.Ltmp2, $4  }
0xf7: {  	[spmem:s1] =	stream.indirect.scatter.add.f32 [tilespmem:s30], [sflag:$0x5], $0x80, s13, s23, $0xb8;
	[tilespmem:$0x1E800] =	vst v63  }
0xf8: {  	_ =	swait.ge [sflag:s21], $0x2000  }
0xf9: {  	[sflag:s21] =	ssyncset.done $0x0  }
0xfa: {  	s12 =	sadd.s32 $0x380, s12;
	[sflag:s21] =	ssyncadd.s32 $0xFFFFE000  }
0xfb: {  	[tilespmem:s30], [sflag:$0x4] =	stream.indirect.gather [hbm4b:s4+s23], $0x80, s12, s23, $0xb8;
	[tilespmem:$0x1E800] =	vst v63  }
0xfc: {  	_ =	swait.ge [sflag:s31], $0x2000  }
0xfd: {  	[sflag:s31] =	ssyncset.done $0x0  }
0xfe: {  	[sflag:s31] =	ssyncadd.s32 $0xFFFFE000  }
0xff: {  	[spmem:s1] =	stream.indirect.scatter.add.f32 [tilespmem:s20], [sflag:$0x5], $0x80, s7, s23, $0xb8;
	[tilespmem:$0x1E800] =	vst v63  }
0x100: {  	_ =	swait.ge [sflag:s21], $0x2000  }
0x101: {  	[sflag:s21] =	ssyncset.done $0x0  }
0x102: {  	[sflag:s21] =	ssyncadd.s32 $0xFFFFE000  }
0x103: {  	_ =	swait.ge [sflag:s0], $0x2000  }
0x104: {  	[sflag:s0] =	ssyncset.done $0x0  }
0x105: {  	[sflag:s0] =	ssyncadd.s32 $0xFFFFE000  }
0x106: {  	[spmem:s1] =	stream.indirect.scatter.add.f32 [tilespmem:s25], [sflag:$0x5], $0x80, s8, s23, $0xb8;
	[tilespmem:$0x1E800] =	vst v63  }
0x107: {  	_ =	swait.ge [sflag:s21], $0x2000  }
0x108: {  	[sflag:s21] =	ssyncset.done $0x0  }
0x109: {  	[sflag:s21] =	ssyncadd.s32 $0xFFFFE000  }
0x10a: {  	_ =	swait.ge [sflag:s2], $0x2000  }
0x10b: {  	[sflag:s2] =	ssyncset.done $0x0  }
0x10c: {  	[sflag:s2] =	ssyncadd.s32 $0xFFFFE000  }
0x10d: {  	[spmem:s1] =	stream.indirect.scatter.add.f32 [tilespmem:s28], [sflag:$0x5], $0x80, s9, s23, $0xb8;
	[tilespmem:$0x1E800] =	vst v63  }
0x10e: {  	_ =	swait.ge [sflag:s21], $0x2000  }
0x10f: {  	[sflag:s21] =	ssyncset.done $0x0  }
0x110: {  	[sflag:s21] =	ssyncadd.s32 $0xFFFFE000  }
0x111: {  	_ =	swait.ge [sflag:s6], $0x2000  }
0x112: {  	[sflag:s6] =	ssyncset.done $0x0  }
0x113: {  	[sflag:s6] =	ssyncadd.s32 $0xFFFFE000  }
0x114: {  	[spmem:s1] =	stream.indirect.scatter.add.f32 [tilespmem:s30], [sflag:$0x5], $0x80, s10, s23, $0xb8;
	[tilespmem:$0x1E800] =	vst v63  }
0x115: {  	_ =	swait.ge [sflag:s21], $0x2000  }
0x116: {  	[sflag:s21] =	ssyncset.done $0x0  }
0x117: {  	s11 =	simm.s32 $0x0;
	[sflag:s21] =	ssyncadd.s32 $0xFFFFE000  }
0x118: {  	[tilespmem:s11], [sflag:$0x5] =	stream.linear.gather [hbm4b:s14+s11], $0x1400, $0x38;
	[tilespmem:$0x1E800] =	vst v63  }
0x119: {  	_ =	swait.ge [sflag:s21], $0x1400  }
0x11a: {  	[sflag:s21] =	ssyncset.done $0x0  }
0x11b: {  	[sflag:s21] =	ssyncadd.s32 $0xFFFFEC00  }
0x11c: {  	[tilespmem:s22], [sflag:$0x5] =	stream.linear.gather [hbm4b:s15+s11], $0x1400, $0x38;
	[tilespmem:$0x1E800] =	vst v63  }
0x11d: {  	_ =	swait.ge [sflag:s21], $0x1400  }
0x11e: {  	[sflag:s21] =	ssyncset.done $0x0  }
0x11f: {  	[sflag:s21] =	ssyncadd.s32 $0xFFFFEC00  }
0x120: {  	[tilespmem:s20], [sflag:$0x1] =	stream.indirect.gather [hbm4b:s4+s23], $0x80, s11, s23, $0xb8;
	[tilespmem:$0x1E800] =	vst v63  }
0x121: {  	_ = 	snop  }
0x122: {  	[tilespmem:s25], [sflag:$0x2] =	stream.indirect.gather [hbm4b:s4+s23], $0x80, s24, s23, $0xb8;
	[tilespmem:$0x1E800] =	vst v63  }
0x123: {  	_ = 	snop  }
0x124: {  	[tilespmem:s28], [sflag:$0x3] =	stream.indirect.gather [hbm4b:s4+s23], $0x80, s26, s23, $0xb8;
	[tilespmem:$0x1E800] =	vst v63  }
0x125: {  	_ = 	snop  }
0x126: {  	[tilespmem:s30], [sflag:$0x4] =	stream.indirect.gather [hbm4b:s4+s23], $0x80, s29, s23, $0xb8;
	[tilespmem:$0x1E800] =	vst v63  }
0x127: {  	_ =	swait.ge [sflag:s31], $0x2000  }
0x128: {  	[sflag:s31] =	ssyncset.done $0x0  }
0x129: {  	s13 =	simm.s32 $0x1400;
	[sflag:s31] =	ssyncadd.s32 $0xFFFFE000  }
0x12a: {  	[spmem:s1] =	stream.indirect.scatter.add.f32 [tilespmem:s20], [sflag:$0x5], $0x80, s13, s23, $0xb8;
	[tilespmem:$0x1E800] =	vst v63  }
0x12b: {  	_ =	swait.ge [sflag:s21], $0x2000  }
0x12c: {  	[sflag:s21] =	ssyncset.done $0x0  }
0x12d: {  	s12 =	simm.s32 $0x200;
	[sflag:s21] =	ssyncadd.s32 $0xFFFFE000  }
0x12e: {  	[tilespmem:s20], [sflag:$0x1] =	stream.indirect.gather [hbm4b:s4+s23], $0x80, s12, s23, $0xb8;
	[tilespmem:$0x1E800] =	vst v63  }
0x12f: {  	_ =	swait.ge [sflag:s0], $0x2000  }
0x130: {  	[sflag:s0] =	ssyncset.done $0x0  }
0x131: {  	s13 =	simm.s32 $0x1480;
	[sflag:s0] =	ssyncadd.s32 $0xFFFFE000  }
0x132: {  	[spmem:s1] =	stream.indirect.scatter.add.f32 [tilespmem:s25], [sflag:$0x5], $0x80, s13, s23, $0xb8;
	[tilespmem:$0x1E800] =	vst v63  }
0x133: {  	_ =	swait.ge [sflag:s21], $0x2000  }
0x134: {  	[sflag:s21] =	ssyncset.done $0x0  }
0x135: {  	s12 =	simm.s32 $0x280;
	[sflag:s21] =	ssyncadd.s32 $0xFFFFE000  }
0x136: {  	[tilespmem:s25], [sflag:$0x2] =	stream.indirect.gather [hbm4b:s4+s23], $0x80, s12, s23, $0xb8;
	[tilespmem:$0x1E800] =	vst v63  }
0x137: {  	_ =	swait.ge [sflag:s2], $0x2000  }
0x138: {  	[sflag:s2] =	ssyncset.done $0x0  }
0x139: {  	s13 =	simm.s32 $0x1500;
	[sflag:s2] =	ssyncadd.s32 $0xFFFFE000  }
0x13a: {  	[spmem:s1] =	stream.indirect.scatter.add.f32 [tilespmem:s28], [sflag:$0x5], $0x80, s13, s23, $0xb8;
	[tilespmem:$0x1E800] =	vst v63  }
0x13b: {  	_ =	swait.ge [sflag:s21], $0x2000  }
0x13c: {  	[sflag:s21] =	ssyncset.done $0x0  }
0x13d: {  	s12 =	simm.s32 $0x300;
	[sflag:s21] =	ssyncadd.s32 $0xFFFFE000  }
0x13e: {  	[tilespmem:s28], [sflag:$0x3] =	stream.indirect.gather [hbm4b:s4+s23], $0x80, s12, s23, $0xb8;
	[tilespmem:$0x1E800] =	vst v63  }
0x13f: {  	_ =	swait.ge [sflag:s6], $0x2000  }
0x140: {  	[sflag:s6] =	ssyncset.done $0x0  }
0x141: {  	s13 =	simm.s32 $0x1580;
	[sflag:s6] =	ssyncadd.s32 $0xFFFFE000  }
0x142: {  	[spmem:s1] =	stream.indirect.scatter.add.f32 [tilespmem:s30], [sflag:$0x5], $0x80, s13, s23, $0xb8;
	[tilespmem:$0x1E800] =	vst v63  }
0x143: {  	_ =	swait.ge [sflag:s21], $0x2000  }
0x144: {  	[sflag:s21] =	ssyncset.done $0x0  }
0x145: {  	s11 =	simm.s32 $0x800;
	s12 =	simm.s32 $0x380;
	[sflag:s21] =	ssyncadd.s32 $0xFFFFE000  }
.LBB2_8:
0x146: {  	[tilespmem:s30], [sflag:$0x4] =	stream.indirect.gather [hbm4b:s4+s23], $0x80, s12, s23, $0xb8;
	[tilespmem:$0x1E800] =	vst v63  }
0x147: {  	s12 =	smov.u32 s11  }
0x148: {  	p0 =	sne.s32 s11, $0x4000;
	s11 =	sadd.s32 $0x800, s11;
	_ =	swait.ge [sflag:s31], $0x2000  }
0x149: {  	s12 =	sshra.s32 s12, $0x2;
	[sflag:s31] =	ssyncset.done $0x0  }
0x14a: {  	s13 =	sadd.s32 $0x1400, s12;
	[sflag:s31] =	ssyncadd.s32 $0xFFFFE000  }
0x14b: {  	[spmem:s1] =	stream.indirect.scatter.add.f32 [tilespmem:s20], [sflag:$0x5], $0x80, s13, s23, $0xb8;
	[tilespmem:$0x1E800] =	vst v63  }
0x14c: {  	_ =	swait.ge [sflag:s21], $0x2000  }
0x14d: {  	[sflag:s21] =	ssyncset.done $0x0  }
0x14e: {  	s13 =	sadd.s32 $0x200, s12;
	[sflag:s21] =	ssyncadd.s32 $0xFFFFE000  }
0x14f: {  	[tilespmem:s20], [sflag:$0x1] =	stream.indirect.gather [hbm4b:s4+s23], $0x80, s13, s23, $0xb8;
	[tilespmem:$0x1E800] =	vst v63  }
0x150: {  	_ =	swait.ge [sflag:s0], $0x2000  }
0x151: {  	[sflag:s0] =	ssyncset.done $0x0  }
0x152: {  	s13 =	sadd.s32 $0x1480, s12;
	[sflag:s0] =	ssyncadd.s32 $0xFFFFE000  }
0x153: {  	[spmem:s1] =	stream.indirect.scatter.add.f32 [tilespmem:s25], [sflag:$0x5], $0x80, s13, s23, $0xb8;
	[tilespmem:$0x1E800] =	vst v63  }
0x154: {  	_ =	swait.ge [sflag:s21], $0x2000  }
0x155: {  	[sflag:s21] =	ssyncset.done $0x0  }
0x156: {  	s13 =	sadd.s32 $0x280, s12;
	[sflag:s21] =	ssyncadd.s32 $0xFFFFE000  }
0x157: {  	[tilespmem:s25], [sflag:$0x2] =	stream.indirect.gather [hbm4b:s4+s23], $0x80, s13, s23, $0xb8;
	[tilespmem:$0x1E800] =	vst v63  }
0x158: {  	_ =	swait.ge [sflag:s2], $0x2000  }
0x159: {  	[sflag:s2] =	ssyncset.done $0x0  }
0x15a: {  	s13 =	sadd.s32 $0x1500, s12;
	[sflag:s2] =	ssyncadd.s32 $0xFFFFE000  }
0x15b: {  	[spmem:s1] =	stream.indirect.scatter.add.f32 [tilespmem:s28], [sflag:$0x5], $0x80, s13, s23, $0xb8;
	[tilespmem:$0x1E800] =	vst v63  }
0x15c: {  	_ =	swait.ge [sflag:s21], $0x2000  }
0x15d: {  	[sflag:s21] =	ssyncset.done $0x0  }
0x15e: {  	s13 =	sadd.s32 $0x300, s12;
	[sflag:s21] =	ssyncadd.s32 $0xFFFFE000  }
0x15f: {  	[tilespmem:s28], [sflag:$0x3] =	stream.indirect.gather [hbm4b:s4+s23], $0x80, s13, s23, $0xb8;
	[tilespmem:$0x1E800] =	vst v63  }
0x160: {  	_ =	swait.ge [sflag:s6], $0x2000  }
0x161: {  	[sflag:s6] =	ssyncset.done $0x0  }
.Ltmp3:
0x162: {  	s13 =	sadd.s32 $0x1580, s12;
	[sflag:s6] =	ssyncadd.s32 $0xFFFFE000;
	(pc) =	sbr.rel @p0 .LBB2_8-.Ltmp3, $4  }
0x163: {  	[spmem:s1] =	stream.indirect.scatter.add.f32 [tilespmem:s30], [sflag:$0x5], $0x80, s13, s23, $0xb8;
	[tilespmem:$0x1E800] =	vst v63  }
0x164: {  	_ =	swait.ge [sflag:s21], $0x2000  }
0x165: {  	[sflag:s21] =	ssyncset.done $0x0  }
0x166: {  	s12 =	sadd.s32 $0x380, s12;
	[sflag:s21] =	ssyncadd.s32 $0xFFFFE000  }
0x167: {  	[tilespmem:s30], [sflag:$0x4] =	stream.indirect.gather [hbm4b:s4+s23], $0x80, s12, s23, $0xb8;
	[tilespmem:$0x1E800] =	vst v63  }
0x168: {  	_ =	swait.ge [sflag:s31], $0x2000  }
0x169: {  	[sflag:s31] =	ssyncset.done $0x0  }
0x16a: {  	[sflag:s31] =	ssyncadd.s32 $0xFFFFE000  }
0x16b: {  	[spmem:s1] =	stream.indirect.scatter.add.f32 [tilespmem:s20], [sflag:$0x5], $0x80, s7, s23, $0xb8;
	[tilespmem:$0x1E800] =	vst v63  }
0x16c: {  	_ =	swait.ge [sflag:s21], $0x2000  }
0x16d: {  	[sflag:s21] =	ssyncset.done $0x0  }
0x16e: {  	[sflag:s21] =	ssyncadd.s32 $0xFFFFE000  }
0x16f: {  	_ =	swait.ge [sflag:s0], $0x2000  }
0x170: {  	[sflag:s0] =	ssyncset.done $0x0  }
0x171: {  	[sflag:s0] =	ssyncadd.s32 $0xFFFFE000  }
0x172: {  	[spmem:s1] =	stream.indirect.scatter.add.f32 [tilespmem:s25], [sflag:$0x5], $0x80, s8, s23, $0xb8;
	[tilespmem:$0x1E800] =	vst v63  }
0x173: {  	_ =	swait.ge [sflag:s21], $0x2000  }
0x174: {  	[sflag:s21] =	ssyncset.done $0x0  }
0x175: {  	[sflag:s21] =	ssyncadd.s32 $0xFFFFE000  }
0x176: {  	_ =	swait.ge [sflag:s2], $0x2000  }
0x177: {  	[sflag:s2] =	ssyncset.done $0x0  }
0x178: {  	[sflag:s2] =	ssyncadd.s32 $0xFFFFE000  }
0x179: {  	[spmem:s1] =	stream.indirect.scatter.add.f32 [tilespmem:s28], [sflag:$0x5], $0x80, s9, s23, $0xb8;
	[tilespmem:$0x1E800] =	vst v63  }
0x17a: {  	_ =	swait.ge [sflag:s21], $0x2000  }
0x17b: {  	[sflag:s21] =	ssyncset.done $0x0  }
0x17c: {  	[sflag:s21] =	ssyncadd.s32 $0xFFFFE000  }
0x17d: {  	_ =	swait.ge [sflag:s6], $0x2000  }
0x17e: {  	[sflag:s6] =	ssyncset.done $0x0  }
0x17f: {  	[sflag:s6] =	ssyncadd.s32 $0xFFFFE000  }
0x180: {  	[spmem:s1] =	stream.indirect.scatter.add.f32 [tilespmem:s30], [sflag:$0x5], $0x80, s10, s23, $0xb8;
	[tilespmem:$0x1E800] =	vst v63  }
0x181: {  	_ =	swait.ge [sflag:s21], $0x2000  }
0x182: {  	[sflag:s21] =	ssyncset.done $0x0  }
0x183: {  	s11 =	simm.s32 $0x0;
	[sflag:s21] =	ssyncadd.s32 $0xFFFFE000  }
0x184: {  	[tilespmem:s11], [sflag:$0x5] =	stream.linear.gather [hbm4b:s16+s11], $0x1400, $0x38;
	[tilespmem:$0x1E800] =	vst v63  }
0x185: {  	_ =	swait.ge [sflag:s21], $0x1400  }
0x186: {  	[sflag:s21] =	ssyncset.done $0x0  }
0x187: {  	[sflag:s21] =	ssyncadd.s32 $0xFFFFEC00  }
0x188: {  	[tilespmem:s22], [sflag:$0x5] =	stream.linear.gather [hbm4b:s17+s11], $0x1400, $0x38;
	[tilespmem:$0x1E800] =	vst v63  }
0x189: {  	_ =	swait.ge [sflag:s21], $0x1400  }
0x18a: {  	[sflag:s21] =	ssyncset.done $0x0  }
0x18b: {  	[sflag:s21] =	ssyncadd.s32 $0xFFFFEC00  }
0x18c: {  	[tilespmem:s20], [sflag:$0x1] =	stream.indirect.gather [hbm4b:s4+s23], $0x80, s11, s23, $0xb8;
	[tilespmem:$0x1E800] =	vst v63  }
0x18d: {  	_ = 	snop  }
0x18e: {  	[tilespmem:s25], [sflag:$0x2] =	stream.indirect.gather [hbm4b:s4+s23], $0x80, s24, s23, $0xb8;
	[tilespmem:$0x1E800] =	vst v63  }
0x18f: {  	_ = 	snop  }
0x190: {  	[tilespmem:s28], [sflag:$0x3] =	stream.indirect.gather [hbm4b:s4+s23], $0x80, s26, s23, $0xb8;
	[tilespmem:$0x1E800] =	vst v63  }
0x191: {  	_ = 	snop  }
0x192: {  	[tilespmem:s30], [sflag:$0x4] =	stream.indirect.gather [hbm4b:s4+s23], $0x80, s29, s23, $0xb8;
	[tilespmem:$0x1E800] =	vst v63  }
0x193: {  	_ =	swait.ge [sflag:s31], $0x2000  }
0x194: {  	[sflag:s31] =	ssyncset.done $0x0  }
0x195: {  	s13 =	simm.s32 $0x1400;
	[sflag:s31] =	ssyncadd.s32 $0xFFFFE000  }
0x196: {  	[spmem:s1] =	stream.indirect.scatter.add.f32 [tilespmem:s20], [sflag:$0x5], $0x80, s13, s23, $0xb8;
	[tilespmem:$0x1E800] =	vst v63  }
0x197: {  	_ =	swait.ge [sflag:s21], $0x2000  }
0x198: {  	[sflag:s21] =	ssyncset.done $0x0  }
0x199: {  	s12 =	simm.s32 $0x200;
	[sflag:s21] =	ssyncadd.s32 $0xFFFFE000  }
0x19a: {  	[tilespmem:s20], [sflag:$0x1] =	stream.indirect.gather [hbm4b:s4+s23], $0x80, s12, s23, $0xb8;
	[tilespmem:$0x1E800] =	vst v63  }
0x19b: {  	_ =	swait.ge [sflag:s0], $0x2000  }
0x19c: {  	[sflag:s0] =	ssyncset.done $0x0  }
0x19d: {  	s13 =	simm.s32 $0x1480;
	[sflag:s0] =	ssyncadd.s32 $0xFFFFE000  }
0x19e: {  	[spmem:s1] =	stream.indirect.scatter.add.f32 [tilespmem:s25], [sflag:$0x5], $0x80, s13, s23, $0xb8;
	[tilespmem:$0x1E800] =	vst v63  }
0x19f: {  	_ =	swait.ge [sflag:s21], $0x2000  }
0x1a0: {  	[sflag:s21] =	ssyncset.done $0x0  }
0x1a1: {  	s12 =	simm.s32 $0x280;
	[sflag:s21] =	ssyncadd.s32 $0xFFFFE000  }
0x1a2: {  	[tilespmem:s25], [sflag:$0x2] =	stream.indirect.gather [hbm4b:s4+s23], $0x80, s12, s23, $0xb8;
	[tilespmem:$0x1E800] =	vst v63  }
0x1a3: {  	_ =	swait.ge [sflag:s2], $0x2000  }
0x1a4: {  	[sflag:s2] =	ssyncset.done $0x0  }
0x1a5: {  	s13 =	simm.s32 $0x1500;
	[sflag:s2] =	ssyncadd.s32 $0xFFFFE000  }
0x1a6: {  	[spmem:s1] =	stream.indirect.scatter.add.f32 [tilespmem:s28], [sflag:$0x5], $0x80, s13, s23, $0xb8;
	[tilespmem:$0x1E800] =	vst v63  }
0x1a7: {  	_ =	swait.ge [sflag:s21], $0x2000  }
0x1a8: {  	[sflag:s21] =	ssyncset.done $0x0  }
0x1a9: {  	s12 =	simm.s32 $0x300;
	[sflag:s21] =	ssyncadd.s32 $0xFFFFE000  }
0x1aa: {  	[tilespmem:s28], [sflag:$0x3] =	stream.indirect.gather [hbm4b:s4+s23], $0x80, s12, s23, $0xb8;
	[tilespmem:$0x1E800] =	vst v63  }
0x1ab: {  	_ =	swait.ge [sflag:s6], $0x2000  }
0x1ac: {  	[sflag:s6] =	ssyncset.done $0x0  }
0x1ad: {  	s13 =	simm.s32 $0x1580;
	[sflag:s6] =	ssyncadd.s32 $0xFFFFE000  }
0x1ae: {  	[spmem:s1] =	stream.indirect.scatter.add.f32 [tilespmem:s30], [sflag:$0x5], $0x80, s13, s23, $0xb8;
	[tilespmem:$0x1E800] =	vst v63  }
0x1af: {  	_ =	swait.ge [sflag:s21], $0x2000  }
0x1b0: {  	[sflag:s21] =	ssyncset.done $0x0  }
0x1b1: {  	s11 =	simm.s32 $0x800;
	s12 =	simm.s32 $0x380;
	[sflag:s21] =	ssyncadd.s32 $0xFFFFE000  }
.LBB2_10:
0x1b2: {  	[tilespmem:s30], [sflag:$0x4] =	stream.indirect.gather [hbm4b:s4+s23], $0x80, s12, s23, $0xb8;
	[tilespmem:$0x1E800] =	vst v63  }
0x1b3: {  	s12 =	smov.u32 s11  }
0x1b4: {  	p0 =	sne.s32 s11, $0x4000;
	s11 =	sadd.s32 $0x800, s11;
	_ =	swait.ge [sflag:s31], $0x2000  }
0x1b5: {  	s12 =	sshra.s32 s12, $0x2;
	[sflag:s31] =	ssyncset.done $0x0  }
0x1b6: {  	s13 =	sadd.s32 $0x1400, s12;
	[sflag:s31] =	ssyncadd.s32 $0xFFFFE000  }
0x1b7: {  	[spmem:s1] =	stream.indirect.scatter.add.f32 [tilespmem:s20], [sflag:$0x5], $0x80, s13, s23, $0xb8;
	[tilespmem:$0x1E800] =	vst v63  }
0x1b8: {  	_ =	swait.ge [sflag:s21], $0x2000  }
0x1b9: {  	[sflag:s21] =	ssyncset.done $0x0  }
0x1ba: {  	s13 =	sadd.s32 $0x200, s12;
	[sflag:s21] =	ssyncadd.s32 $0xFFFFE000  }
0x1bb: {  	[tilespmem:s20], [sflag:$0x1] =	stream.indirect.gather [hbm4b:s4+s23], $0x80, s13, s23, $0xb8;
	[tilespmem:$0x1E800] =	vst v63  }
0x1bc: {  	_ =	swait.ge [sflag:s0], $0x2000  }
0x1bd: {  	[sflag:s0] =	ssyncset.done $0x0  }
0x1be: {  	s13 =	sadd.s32 $0x1480, s12;
	[sflag:s0] =	ssyncadd.s32 $0xFFFFE000  }
0x1bf: {  	[spmem:s1] =	stream.indirect.scatter.add.f32 [tilespmem:s25], [sflag:$0x5], $0x80, s13, s23, $0xb8;
	[tilespmem:$0x1E800] =	vst v63  }
0x1c0: {  	_ =	swait.ge [sflag:s21], $0x2000  }
0x1c1: {  	[sflag:s21] =	ssyncset.done $0x0  }
0x1c2: {  	s13 =	sadd.s32 $0x280, s12;
	[sflag:s21] =	ssyncadd.s32 $0xFFFFE000  }
0x1c3: {  	[tilespmem:s25], [sflag:$0x2] =	stream.indirect.gather [hbm4b:s4+s23], $0x80, s13, s23, $0xb8;
	[tilespmem:$0x1E800] =	vst v63  }
0x1c4: {  	_ =	swait.ge [sflag:s2], $0x2000  }
0x1c5: {  	[sflag:s2] =	ssyncset.done $0x0  }
0x1c6: {  	s13 =	sadd.s32 $0x1500, s12;
	[sflag:s2] =	ssyncadd.s32 $0xFFFFE000  }
0x1c7: {  	[spmem:s1] =	stream.indirect.scatter.add.f32 [tilespmem:s28], [sflag:$0x5], $0x80, s13, s23, $0xb8;
	[tilespmem:$0x1E800] =	vst v63  }
0x1c8: {  	_ =	swait.ge [sflag:s21], $0x2000  }
0x1c9: {  	[sflag:s21] =	ssyncset.done $0x0  }
0x1ca: {  	s13 =	sadd.s32 $0x300, s12;
	[sflag:s21] =	ssyncadd.s32 $0xFFFFE000  }
0x1cb: {  	[tilespmem:s28], [sflag:$0x3] =	stream.indirect.gather [hbm4b:s4+s23], $0x80, s13, s23, $0xb8;
	[tilespmem:$0x1E800] =	vst v63  }
0x1cc: {  	_ =	swait.ge [sflag:s6], $0x2000  }
0x1cd: {  	[sflag:s6] =	ssyncset.done $0x0  }
.Ltmp4:
0x1ce: {  	s13 =	sadd.s32 $0x1580, s12;
	[sflag:s6] =	ssyncadd.s32 $0xFFFFE000;
	(pc) =	sbr.rel @p0 .LBB2_10-.Ltmp4, $4  }
0x1cf: {  	[spmem:s1] =	stream.indirect.scatter.add.f32 [tilespmem:s30], [sflag:$0x5], $0x80, s13, s23, $0xb8;
	[tilespmem:$0x1E800] =	vst v63  }
0x1d0: {  	_ =	swait.ge [sflag:s21], $0x2000  }
0x1d1: {  	[sflag:s21] =	ssyncset.done $0x0  }
0x1d2: {  	s12 =	sadd.s32 $0x380, s12;
	[sflag:s21] =	ssyncadd.s32 $0xFFFFE000  }
0x1d3: {  	[tilespmem:s30], [sflag:$0x4] =	stream.indirect.gather [hbm4b:s4+s23], $0x80, s12, s23, $0xb8;
	[tilespmem:$0x1E800] =	vst v63  }
0x1d4: {  	_ =	swait.ge [sflag:s31], $0x2000  }
0x1d5: {  	[sflag:s31] =	ssyncset.done $0x0  }
0x1d6: {  	[sflag:s31] =	ssyncadd.s32 $0xFFFFE000  }
0x1d7: {  	[spmem:s1] =	stream.indirect.scatter.add.f32 [tilespmem:s20], [sflag:$0x5], $0x80, s7, s23, $0xb8;
	[tilespmem:$0x1E800] =	vst v63  }
0x1d8: {  	_ =	swait.ge [sflag:s21], $0x2000  }
0x1d9: {  	[sflag:s21] =	ssyncset.done $0x0  }
0x1da: {  	[sflag:s21] =	ssyncadd.s32 $0xFFFFE000  }
0x1db: {  	_ =	swait.ge [sflag:s0], $0x2000  }
0x1dc: {  	[sflag:s0] =	ssyncset.done $0x0  }
0x1dd: {  	[sflag:s0] =	ssyncadd.s32 $0xFFFFE000  }
0x1de: {  	[spmem:s1] =	stream.indirect.scatter.add.f32 [tilespmem:s25], [sflag:$0x5], $0x80, s8, s23, $0xb8;
	[tilespmem:$0x1E800] =	vst v63  }
0x1df: {  	_ =	swait.ge [sflag:s21], $0x2000  }
0x1e0: {  	[sflag:s21] =	ssyncset.done $0x0  }
0x1e1: {  	[sflag:s21] =	ssyncadd.s32 $0xFFFFE000  }
0x1e2: {  	_ =	swait.ge [sflag:s2], $0x2000  }
0x1e3: {  	[sflag:s2] =	ssyncset.done $0x0  }
0x1e4: {  	[sflag:s2] =	ssyncadd.s32 $0xFFFFE000  }
0x1e5: {  	[spmem:s1] =	stream.indirect.scatter.add.f32 [tilespmem:s28], [sflag:$0x5], $0x80, s9, s23, $0xb8;
	[tilespmem:$0x1E800] =	vst v63  }
0x1e6: {  	_ =	swait.ge [sflag:s21], $0x2000  }
0x1e7: {  	[sflag:s21] =	ssyncset.done $0x0  }
0x1e8: {  	[sflag:s21] =	ssyncadd.s32 $0xFFFFE000  }
0x1e9: {  	_ =	swait.ge [sflag:s6], $0x2000  }
0x1ea: {  	[sflag:s6] =	ssyncset.done $0x0  }
0x1eb: {  	[sflag:s6] =	ssyncadd.s32 $0xFFFFE000  }
0x1ec: {  	[spmem:s1] =	stream.indirect.scatter.add.f32 [tilespmem:s30], [sflag:$0x5], $0x80, s10, s23, $0xb8;
	[tilespmem:$0x1E800] =	vst v63  }
0x1ed: {  	s11 =	stileid.u32;
	_ =	swait.ge [sflag:s21], $0x2000  }
0x1ee: {  	s13 =	sshrl.u32 s5, $0x3;
	s3 =	sadd.s32 $0x1, s3;
	[sflag:s21] =	ssyncset.done $0x0  }
0x1ef: {  	s11 =	sshll.u32 s11, $0x6;
	p0 =	sne.s32 s3, s19;
	[sflag:s21] =	ssyncadd.s32 $0xFFFFE000  }
.Ltmp5:
0x1f0: {  	s11 =	sor.u32 $0x1C05, s11;
	[bflag:$0x0] =	sbarrier.arrive $0xFFFF;
	(pc) =	sbr.rel @p0 .LBB2_1-.Ltmp5, $4  }
0x1f1: {  	[hbm:s18], [sflag:s11] =	dma.local [spmem:s13], $0x2800  }
0x1f2: {  	_ =	swait.ge [sflag:s21], $0x2800  }
0x1f3: {  	[sflag:s21] =	ssyncset.done $0x0  }
0x1f4: {  	[sflag:s21] =	ssyncadd.s32 $0xFFFFD800  }
0x1f5: {  	_ =	sfence.sel $0x180000  }
0x1f6: {  	[bflag:$0x0] =	sbarrier.arrive $0xFFFF  }
0x1f7: {  	_ =	strace $0x9000004A  }
0x1f8: {  	s0 =	stileid.u32;
	[bflag:$0x2] =	sbarrier.arrive $0xFFFF  }
0x1f9: {  	p0 =	sne.s32 s0, $0x0;
	s0 =	rddreg [dreg:$0x2]  }
0x1fa: {  	s0 =	sadd.s32 @!p0 $0x100000, s0  }
0x1fb: {  	[sflag:s0] =	ssyncadd.tile.s32 @!p0 $0x1;
	_ =	shalt  }
.Lfunc_end2:
_tile_overlayer_lowered:
.L_overlay_start_2:
0x1fc: {  	(tag) =	ssettag $0x2  }
0x1fd: {  	s0 =	rddreg [dreg:$0x0];
	s2 =	stileid.u32  }
0x1fe: {  	s1 =	rddreg [dreg:$0x1];
	p0 =	sne.s32 s2, $0x0  }
0x1ff: {  	s3 =	rddreg [dreg:$0x2];
	[bflag:$0x3] =	sbarrier.arrive $0xFFFF;
	s2 =	simm.s32 @!p0 $0x1C05  }
0x200: {  	[timem:s3], [sflag:s2] =	dma.local @!p0 [hbm:s0], s1  }
0x201: {  	s0 =	simm.s32 @!p0 $0x5  }
0x202: {  	_ =	swait.ge @!p0 [sflag:s0], s1  }
0x203: {  	s1 =	ssub.s32 @!p0 $0x0, s1;
	[sflag:s0] =	ssyncset.done @!p0 $0x0  }
0x204: {  	[sflag:s0] =	ssyncadd.s32 @!p0 s1  }
0x205: {  	[bflag:$0x3] =	sbarrier.arrive $0xFFFF  }
0x206: {  	_ =	shalt  }

// kernel: kernel.15.cloned.1.call-start
scs
__scs_entry_jumppad:
0x0: {  	(pc) =	sbr.rel $0x88, $3  }
0x1: {  	(tag) =	ssettag $0x0;
	lr =	simm.s32 $0x1  }
0x2: {  	[smem:$0x3F93] =	sst lr;
	_ =	strace $0xD0000000  }
0x3: {  	_ = 	snop  }
0x4: {  	_ = 	snop  }
0x5: {  	_ = 	snop  }
0x6: {  	_ = 	snop  }
0x7: {  	_ = 	snop  }
__scs_overlays_trampoline_lowered:
0x8: {  	[smem:$0x3FA2] =	sst s0  }
0x9: {  	[smem:$0x3FA3] =	sst s1  }
0xa: {  	[smem:$0x3FA4] =	sst s2  }
0xb: {  	[smem:$0x3FA5] =	sst s3  }
0xc: {  	[smem:$0x3FA6] =	sst s4  }
0xd: {  	[smem:$0x3FA7] =	sst s5  }
0xe: {  	[smem:$0x3FA8] =	sst s6  }
0xf: {  	[smem:$0x3FA9] =	sst s7  }
0x10: {  	[smem:$0x3FAA] =	sst s8  }
0x11: {  	[smem:$0x3FAB] =	sst s9;
	s0 =	simm.s32 @!p0 $0x0  }
0x12: {  	s1 =	sld [smem:$0x3F91];
	s0 =	simm.s32 @p0 $0x1  }
0x13: {  	[smem:$0x3FAC] =	sst s0;
	s0 =	simm.s32 @!p1 $0x0  }
0x14: {  	s2 =	sld [smem:$0x3F90];
	s0 =	simm.s32 @p1 $0x1  }
0x15: {  	[smem:$0x3FAD] =	sst s0;
	s0 =	simm.s32 @!p2 $0x0  }
0x16: {  	s3 =	sld [smem:$0x3FDB];
	s0 =	simm.s32 @p2 $0x1  }
0x17: {  	s4 =	simm.s32 $0x1BF5;
	[smem:$0x3FAF] =	sst s0  }
0x18: {  	s0 =	sld [smem:$0x3F92];
	_ =	swait.ge [sflag:s4], $0x0  }
0x19: {  	s7 =	sld [smem:$0x3F93]  }
0x1a: {  	s8 =	sadd.s32 $0xFFFFE003, lr  }
0x1b: {  	s9 =	sadd.s32 $0xFFFFFEF7, lr;
	s5 =	simm.s32 $0xFFFFFFFF;
	p2 =	slt.u32 s8, $0xFFFFF086  }
0x1c: {  	p1 =	slt.u32 s9, $0xF7A;
	s5 =	simm.s32 @!p2 $0x0  }
0x1d: {  	s5 =	simm.s32 @p1 $0x1;
	p0 =	seq.s32 s7, s2  }
0x1e: {  	s7 =	smul.u32 @!p0 $0xF7A, s2;
	p2 =	seq.s32 @!p0 s5, $0x0  }
0x1f: {  	s9 =	smul.u32 $0xF7A, s1;
	s8 =	simm.s32 @!p0 $0x1BF5;
	p2 =	por !p2, p0  }
0x20: {  	[sflag:s8] =	ssyncset.s32 @!p0 $0xFFFFF086;
	s6 =	sadd.s32 @!p0 s3, s7;
	s7 =	simm.s32 @!p0 $0x108  }
0x21: {  	s3 =	sadd.s32 s3, s9;
	s6 =	sadd.s32 @!p0 $0x88, s6;
	s7 =	simm.s32 @p2 $0x1082  }
0x22: {  	[simem:s7], [sflag:s8] =	dma.local @!p0 [hbm:s6], $0xF7A  }
0x23: {  	s9 =	sor.u32 $0xD0000000, s2;
	s6 =	simm.s32 $0x108;
	_ =	swait.ge @!p0 [sflag:s8], $0x0  }
0x24: {  	s3 =	sadd.s32 $0x88, s3;
	s6 =	simm.s32 @!p1 $0x1082;
	[sflag:s4] =	ssyncset.s32 $0xFFFFF086  }
0x25: {  	[simem:s6], [sflag:s4] =	dma.local [hbm:s3], $0xF7A  }
0x26: {  	[smem:$0x3F93] =	sst s1;
	(tag) =	ssettag s2;
	_ =	strace s9  }
0x27: {  	s1 =	sld [smem:$0x3FA3]  }
0x28: {  	s2 =	sld [smem:$0x3FA4]  }
0x29: {  	s4 =	sld [smem:$0x3FA6]  }
0x2a: {  	p0 =	seq.s32 s5, $0x0;
	s5 =	sld [smem:$0x3FA7]  }
0x2b: {  	s6 =	sld [smem:$0x3FA8]  }
0x2c: {  	s7 =	sld [smem:$0x3FA9]  }
0x2d: {  	s3 =	simm.s32 $0x108;
	s8 =	sld [smem:$0x3FAA]  }
0x2e: {  	s3 =	simm.s32 @!p0 $0x1082;
	s9 =	sld [smem:$0x3FAB]  }
0x2f: {  	lr =	sadd.s32 s0, s3;
	s0 =	sld [smem:$0x3FA2]  }
0x30: {  	s3 =	sld [smem:$0x3FA5]  }
0x31: {  	[smem:$0x3FAE] =	sst s10  }
0x32: {  	s10 =	sld [smem:$0x3FAC];
	_ =	sdelay $0x3  }
0x33: {  	p0 =	seq.s32 s10, $0x1;
	s10 =	sld [smem:$0x3FAE];
	_ =	sdelay $0x3  }
0x34: {  	[smem:$0x3FAE] =	sst s10  }
0x35: {  	s10 =	sld [smem:$0x3FAD];
	_ =	sdelay $0x3  }
0x36: {  	p1 =	seq.s32 s10, $0x1;
	s10 =	sld [smem:$0x3FAE];
	_ =	sdelay $0x3  }
0x37: {  	[smem:$0x3FAE] =	sst s10  }
0x38: {  	s10 =	sld [smem:$0x3FAF]  }
0x39: {  	_ = 	snop;
	(pc) =	sbr.ind lr, $3  }
0x3a: {  	_ = 	snop  }
0x3b: {  	_ = 	snop  }
0x3c: {  	p2 =	seq.s32 s10, $0x1;
	s10 =	sld [smem:$0x3FAE]  }
0x3d: {  	_ =	shalt  }
0x3e: {  	_ =	shalt  }
0x3f: {  	_ =	shalt  }
0x40: {  	_ =	shalt  }
0x41: {  	_ =	shalt  }
0x42: {  	_ =	shalt  }
0x43: {  	_ =	shalt  }
0x44: {  	_ =	shalt  }
0x45: {  	_ =	shalt  }
0x46: {  	_ =	shalt  }
0x47: {  	_ =	shalt  }
0x48: {  	_ =	shalt  }
0x49: {  	_ =	shalt  }
0x4a: {  	_ =	shalt  }
0x4b: {  	_ =	shalt  }
0x4c: {  	_ =	shalt  }
0x4d: {  	_ =	shalt  }
0x4e: {  	_ =	shalt  }
0x4f: {  	_ =	shalt  }
0x50: {  	_ =	shalt  }
0x51: {  	_ =	shalt  }
0x52: {  	_ =	shalt  }
0x53: {  	_ =	shalt  }
0x54: {  	_ =	shalt  }
0x55: {  	_ =	shalt  }
0x56: {  	_ =	shalt  }
0x57: {  	_ =	shalt  }
0x58: {  	_ =	shalt  }
0x59: {  	_ =	shalt  }
0x5a: {  	_ =	shalt  }
0x5b: {  	_ =	shalt  }
0x5c: {  	_ =	shalt  }
0x5d: {  	_ =	shalt  }
0x5e: {  	_ =	shalt  }
0x5f: {  	_ =	shalt  }
0x60: {  	_ =	shalt  }
0x61: {  	_ =	shalt  }
0x62: {  	_ =	shalt  }
0x63: {  	_ =	shalt  }
0x64: {  	_ =	shalt  }
0x65: {  	_ =	shalt  }
0x66: {  	_ =	shalt  }
0x67: {  	_ =	shalt  }
0x68: {  	_ =	shalt  }
0x69: {  	_ =	shalt  }
0x6a: {  	_ =	shalt  }
0x6b: {  	_ =	shalt  }
0x6c: {  	_ =	shalt  }
0x6d: {  	_ =	shalt  }
0x6e: {  	_ =	shalt  }
0x6f: {  	_ =	shalt  }
0x70: {  	_ =	shalt  }
0x71: {  	_ =	shalt  }
0x72: {  	_ =	shalt  }
0x73: {  	_ =	shalt  }
0x74: {  	_ =	shalt  }
0x75: {  	_ =	shalt  }
0x76: {  	_ =	shalt  }
0x77: {  	_ =	shalt  }
0x78: {  	_ =	shalt  }
0x79: {  	_ =	shalt  }
0x7a: {  	_ =	shalt  }
0x7b: {  	_ =	shalt  }
0x7c: {  	_ =	shalt  }
0x7d: {  	_ =	shalt  }
0x7e: {  	_ =	shalt  }
0x7f: {  	_ =	shalt  }
0x80: {  	_ =	shalt  }
0x81: {  	_ =	shalt  }
0x82: {  	_ =	shalt  }
0x83: {  	_ =	shalt  }
0x84: {  	_ =	shalt  }
0x85: {  	_ =	shalt  }
0x86: {  	_ =	shalt  }
0x87: {  	_ =	shalt  }
.Lfunc_end0:
.L_simem_size_0:
called_computation.2_lowered:
.L_overlay_start_0:
0x88: {  	s2 =	sld [smem:$0x3FD9]  }
0x89: {  	s3 =	sld [smem:$0x3FFE];
	_ =	sdelay $0x1  }
0x8a: {  	s1 =	srdreg.scid  }
0x8b: {  	s0 =	sand.u32 $0x1, s1  }
0x8c: {  	s16 =	sshll.u32 s0, $0xA;
	s2 =	sadd.s32 s3, s2  }
0x8d: {  	s2 =	sadd.s32 s2, s16  }
0x8e: {  	[smem:$0x3FBA] =	sst s2  }
0x8f: {  	_ = 	snop  }
0x90: {  	(tm) =	ssettm $0x1  }
0x91: {  	s17 =	sld [smem:$0x3FFB];
	_ =	sdelay $0x3  }
0x92: {  	_ =	strace s17  }
0x93: {  	s2 =	sld [smem:$0x3FFC];
	_ =	sdelay $0x3  }
0x94: {  	_ =	strace s2  }
0x95: {  	s2 =	sld [smem:$0x3FFD];
	_ =	sdelay $0x3  }
0x96: {  	_ =	strace s2  }
0x97: {  	_ =	strace $0x8FFFFFFF  }
0x98: {  	s18 =	sld [smem:$0x3FDB];
	_ =	sdelay $0x1  }
0x99: {  	s19 =	simm.s32 $_scs_section_size  }
0x9a: {  	s4 =	simm.s32 $_size__tile_overlayer_lowered;
	s5 =	simm.s32 $_tile_overlayer_lowered  }
0x9b: {  	s22 =	simm.s32 $0x1BFF;
	s21 =	sshll.u32 s5, $0x1;
	s2 =	sadd.s32 s19, s18  }
0x9c: {  	s6 =	simm.s32 $0x0;
	s20 =	sshll.u32 s4, $0x1;
	s4 =	sadd.s32 s21, s2  }
0x9d: {  	[timem:s6], [sflag:s22] =	dma.local [hbm:s4], s20  }
0x9e: {  	_ =	swait.ge [sflag:s22], s20  }
0x9f: {  	s3 =	ssub.s32 $0x0, s20;
	[sflag:s22] =	ssyncset.done $0x0  }
0xa0: {  	[sflag:s22] =	ssyncadd.s32 s3;
	_ =	sdelay $0x1  }
0xa1: {  	s23 =	simm.s32 $0x1B8B  }
0xa2: {  	_ =	swait.ge [sflag:s23], $0x1  }
0xa3: {  	[sflag:s23] =	ssyncset.done $0x0  }
0xa4: {  	s25 =	simm.s32 $0x1B8E;
	s24 =	sld [smem:$0x3FFE];
	[sflag:s23] =	ssyncadd.s32 $0xFFFFFFFF  }
0xa5: {  	s26 =	simm.s32 $execute0_lowered;
	[smem:$0x3FD2] =	sst s25  }
0xa6: {  	s4 =	sshll.u32 s26, $0x1;
	_ =	strace $0x8000004C;
	[dreg:$0x1] =	wrdreg $0xFFFFFFFF  }
0xa7: {  	s28 =	simm.s32 $_size_execute0_lowered;
	s2 =	sadd.s32 s2, s4;
	[dreg:$0x0] =	wrdreg $0x0  }
0xa8: {  	s4 =	sshll.u32 s28, $0x1;
	[dreg:$0x2] =	wrdreg s2  }
0xa9: {  	[dreg:$0x3] =	wrdreg s4  }
0xaa: {  	[dreg:$0x4] =	wrdreg $0xC0  }
0xab: {  	_ =	task [dreg:s6], $0x5FFFF  }
0xac: {  	[dreg:$0x1] =	wrdreg $0xFFFFFFFF  }
0xad: {  	[dreg:$0x0] =	wrdreg $0x60  }
0xae: {  	[dreg:$0x2] =	wrdreg s24  }
0xaf: {  	[dreg:$0x3] =	wrdreg $0xA8000  }
0xb0: {  	[dreg:$0x4] =	wrdreg $0x9  }
0xb1: {  	_ =	task.clear_ibuf [dreg:s6], $0x5FFFF;
	_ =	strace $0x9000004C  }
0xb2: {  	s29 =	simm.s32 $0x9;
	_ =	strace $0x8000004E  }
0xb3: {  	_ =	swait.ge [sflag:s29], $0x1  }
0xb4: {  	[sflag:s29] =	ssyncadd.s32 $0xFFFFFFFF  }
0xb5: {  	_ =	strace $0x9000004E  }
0xb6: {  	_ =	sfence  }
0xb7: {  	s30 =	sld [smem:$0x0];
	_ =	sdelay $0x2  }
0xb8: {  	s31 =	sshll.u32 s1, $0xD;
	s1 =	sshrl.u32 s1, $0x2  }
0xb9: {  	s3 =	sand.u32 $0x4000, s31;
	s1 =	sadd.s32 s1, s30  }
0xba: {  	s0 =	sor.u32 s3, s0;
	s1 =	sshll.u32 s1, $0x11  }
0xbb: {  	s0 =	sor.u32 s1, s0  }
0xbc: {  	s0 =	sadd.s32 $0x8F2B, s0  }
0xbd: {  	[sflag:s0] =	ssyncadd.remote.s32 $0x1  }
0xbe: {  	_ =	sfence.sel $0xFFFF  }
0xbf: {  	[dreg:$0x0] =	wrdreg $0xFFFFFFFF;
	(pc) =	sbr.abs _section_cstart, $3  }
0xc0: {  	[dreg:$0x1] =	wrdreg $0xFFFFFFFF  }
0xc1: {  	_ =	task.clear_ibuf [dreg:s6], $0x2FFFF;
	_ =	strace $0x9FFFFFFF  }
0xc2: {  	(tm) =	ssettm $0x7FFFFFFF  }
0xc3: {  	_ =	shalt  }
tec
execute0_lowered:
.L_overlay_start_1:
0x0: {  	(tag) =	ssettag $0x1  }
0x1: {  	s0 =	rddreg [dreg:$0x0]  }
0x2: {  	s1 =	rddreg [dreg:$0x1];
	s2 =	srdreg.scid;
	s3 =	simm.s32 $0x0  }
0x3: {  	s10 =	stileid.u32;
	s28 =	simm.s32 $0x6800;
	s29 =	simm.s32 $0x180  }
0x4: {  	s30 =	simm.s32 $0x8800;
	s31 =	simm.s32 $0x1;
	s6 =	smul.u32 $0x14000, s10  }
0x5: {  	s2 =	sand.u32 $0x1, s2;
	[smem:$0x7FF] =	sst s3;
	s12 =	smul.u32 $0x50000, s10  }
0x6: {  	s4 =	sadd.s32 $0x18200, s0;
	s7 =	sadd.s32 $0x68200, s0;
	s5 =	smul.u32 $0x140000, s2  }
0x7: {  	s8 =	sadd.s32 $0x4200, s0;
	_ =	strace $0x8000004D;
	s13 =	sshll.u32 s2, $0x4  }
0x8: {  	s2 =	ssub.s32 $0x2, s2;
	s14 =	sshrl.u32 s12, $0x2;
	s5 =	sadd.s32 s6, s5  }
0x9: {  	s10 =	sor.u32 s10, s13;
	s9 =	sshrl.u32 s5, $0x3;
	s5 =	sadd.s32 s14, s1  }
0xa: {  	s15 =	sshrl.u32 s2, $0x1;
	s11 =	smul.u32 $0x5000, s10;
	s16 =	sadd.s32 $0x4000, s5  }
0xb: {  	s2 =	ssub.s32 s2, s15;
	s17 =	sadd.s32 $0x8000, s5;
	[dreg:$0x3] =	wrdreg s16  }
0xc: {  	s18 =	smul.u32 $0xA00, s10;
	s20 =	sadd.s32 $0xC000, s5;
	[dreg:$0x4] =	wrdreg s17  }
0xd: {  	s10 =	simm.s32 $0x2780;
	s21 =	sadd.s32 $0x10000, s5;
	[dreg:$0x5] =	wrdreg s20  }
0xe: {  	s0 =	sadd.s32 s9, s0;
	s23 =	sadd.s32 s7, s18;
	[dreg:$0x6] =	wrdreg s21  }
0xf: {  	s19 =	sshrl.u32 s11, $0x3;
	s6 =	sadd.s32 s8, s18;
	[dreg:$0x7] =	wrdreg s23  }
0x10: {  	s22 =	sadd.s32 $0x280, s19;
	[dreg:$0x8] =	wrdreg s6;
	s26 =	sadd.s32 $0x500, s19  }
0x11: {  	s9 =	sadd.s32 $0x780, s19;
	s18 =	sadd.s32 $0x7C200, s0;
	s19 =	smax.u32 s2, $0x1  }
0x12: {  	s20 =	simm.s32 $0x2800;
	s21 =	simm.s32 $0x5;
	s23 =	simm.s32 $0x40  }
0x13: {  	s0 =	simm.s32 $0x2;
	s2 =	simm.s32 $0x3;
	s6 =	simm.s32 $0x4  }
0x14: {  	s24 =	sadd.s32 s7, s22;
	s25 =	sadd.s32 s8, s22;
	s14 =	sadd.s32 s7, s26  }
0x15: {  	s15 =	sadd.s32 s8, s26;
	s16 =	sadd.s32 s7, s9;
	s17 =	sadd.s32 s8, s9  }
0x16: {  	s22 =	simm.s32 $0x1400;
	s26 =	simm.s32 $0x100;
	s7 =	simm.s32 $0x2600  }
0x17: {  	s8 =	simm.s32 $0x2680;
	s9 =	simm.s32 $0x2700;
	[dreg:$0x9] =	wrdreg s24  }
0x18: {  	v0 =	vimm.f32 $0.0e+00;
	[dreg:$0xa] =	wrdreg s25;
	s24 =	simm.s32 $0x80;
	s25 =	simm.s32 $0x4800  }
.LBB2_1:
0x19: {  	s11 =	simm.s32 $0x0;
	s12 =	simm.s32 $0x200  }
.LBB2_2:
0x1a: {  	p0 =	sne.s32 s12, $0x1FE00;
	[tilespmem:s11+$0x2870] =	vst v0  }
0x1b: {  	[tilespmem:s11+$0x2800] =	vst v0  }
0x1c: {  	[tilespmem:s11+$0x2810] =	vst v0  }
.Ltmp0:
0x1d: {  	[tilespmem:s11+$0x2820] =	vst v0;
	(pc) =	sbr.rel @p0 .LBB2_2-.Ltmp0, $4  }
0x1e: {  	[tilespmem:s11+$0x2830] =	vst v0  }
0x1f: {  	[tilespmem:s11+$0x2840] =	vst v0  }
0x20: {  	[tilespmem:s11+$0x2850] =	vst v0  }
0x21: {  	[tilespmem:s11+$0x2860] =	vst v0;
	s11 =	sshra.s32 s12, $0x2;
	s12 =	sadd.s32 $0x200, s12  }
0x22: {  	[tilespmem:s11+$0x2870] =	vst v0  }
0x23: {  	[tilespmem:s11+$0x2800] =	vst v0  }
0x24: {  	[tilespmem:s11+$0x2810] =	vst v0  }
0x25: {  	[tilespmem:s11+$0x2820] =	vst v0  }
0x26: {  	[tilespmem:s11+$0x2830] =	vst v0  }
0x27: {  	[tilespmem:s11+$0x2840] =	vst v0  }
0x28: {  	[tilespmem:s11+$0x2850] =	vst v0  }
0x29: {  	[tilespmem:s11+$0x2860] =	vst v0  }
0x2a: {  	[spmem:s5] =	stream.linear.scatter [tilespmem:s20], [sflag:$0x5], $0x4000, $0x38;
	[tilespmem:$0x1E800] =	vst v63  }
0x2b: {  	_ =	swait.ge [sflag:s21], $0x4000  }
0x2c: {  	[sflag:s21] =	ssyncset.done $0x0  }
0x2d: {  	s13 =	rddreg [dreg:$0x3];
	[sflag:s21] =	ssyncadd.s32 $0xFFFFC000  }
0x2e: {  	[spmem:s13] =	stream.linear.scatter [tilespmem:s20], [sflag:$0x5], $0x4000, $0x38;
	[tilespmem:$0x1E800] =	vst v63  }
0x2f: {  	_ =	swait.ge [sflag:s21], $0x4000  }
0x30: {  	[sflag:s21] =	ssyncset.done $0x0  }
0x31: {  	s12 =	rddreg [dreg:$0x4];
	[sflag:s21] =	ssyncadd.s32 $0xFFFFC000  }
0x32: {  	[spmem:s12] =	stream.linear.scatter [tilespmem:s20], [sflag:$0x5], $0x4000, $0x38;
	[tilespmem:$0x1E800] =	vst v63  }
0x33: {  	_ =	swait.ge [sflag:s21], $0x4000  }
0x34: {  	[sflag:s21] =	ssyncset.done $0x0  }
0x35: {  	s13 =	rddreg [dreg:$0x5];
	[sflag:s21] =	ssyncadd.s32 $0xFFFFC000  }
0x36: {  	[spmem:s13] =	stream.linear.scatter [tilespmem:s20], [sflag:$0x5], $0x4000, $0x38;
	[tilespmem:$0x1E800] =	vst v63  }
0x37: {  	_ =	swait.ge [sflag:s21], $0x4000  }
0x38: {  	[sflag:s21] =	ssyncset.done $0x0  }
0x39: {  	s12 =	rddreg [dreg:$0x6];
	[sflag:s21] =	ssyncadd.s32 $0xFFFFC000  }
0x3a: {  	[spmem:s12] =	stream.linear.scatter [tilespmem:s20], [sflag:$0x5], $0x4000, $0x38;
	[tilespmem:$0x1E800] =	vst v63  }
0x3b: {  	_ =	swait.ge [sflag:s21], $0x4000  }
0x3c: {  	[sflag:s21] =	ssyncset.done $0x0  }
0x3d: {  	[sflag:s21] =	ssyncadd.s32 $0xFFFFC000  }
0x3e: {  	[bflag:$0x0] =	sbarrier.arrive $0xFFFF  }
0x3f: {  	s11 =	simm.s32 $0x0;
	s12 =	rddreg [dreg:$0x7]  }
0x40: {  	[tilespmem:s11], [sflag:$0x5] =	stream.linear.gather [hbm4b:s12+s11], $0x1400, $0x38;
	[tilespmem:$0x1E800] =	vst v63  }
0x41: {  	_ =	swait.ge [sflag:s21], $0x1400  }
0x42: {  	[sflag:s21] =	ssyncset.done $0x0  }
0x43: {  	s13 =	rddreg [dreg:$0x8];
	[sflag:s21] =	ssyncadd.s32 $0xFFFFEC00  }
0x44: {  	[tilespmem:s22], [sflag:$0x5] =	stream.linear.gather [hbm4b:s13+s11], $0x1400, $0x38;
	[tilespmem:$0x1E800] =	vst v63  }
0x45: {  	_ =	swait.ge [sflag:s21], $0x1400  }
0x46: {  	[sflag:s21] =	ssyncset.done $0x0  }
0x47: {  	[sflag:s21] =	ssyncadd.s32 $0xFFFFEC00  }
0x48: {  	[tilespmem:s20], [sflag:$0x1] =	stream.indirect.gather [hbm4b:s4+s23], $0x80, s11, s23, $0xb8;
	[tilespmem:$0x1E800] =	vst v63  }
0x49: {  	_ = 	snop  }
0x4a: {  	[tilespmem:s25], [sflag:$0x2] =	stream.indirect.gather [hbm4b:s4+s23], $0x80, s24, s23, $0xb8;
	[tilespmem:$0x1E800] =	vst v63  }
0x4b: {  	_ = 	snop  }
0x4c: {  	[tilespmem:s28], [sflag:$0x3] =	stream.indirect.gather [hbm4b:s4+s23], $0x80, s26, s23, $0xb8;
	[tilespmem:$0x1E800] =	vst v63  }
0x4d: {  	_ = 	snop  }
0x4e: {  	[tilespmem:s30], [sflag:$0x4] =	stream.indirect.gather [hbm4b:s4+s23], $0x80, s29, s23, $0xb8;
	[tilespmem:$0x1E800] =	vst v63  }
0x4f: {  	_ =	swait.ge [sflag:s31], $0x2000  }
0x50: {  	[sflag:s31] =	ssyncset.done $0x0  }
0x51: {  	s13 =	simm.s32 $0x1400;
	[sflag:s31] =	ssyncadd.s32 $0xFFFFE000  }
0x52: {  	[spmem:s1] =	stream.indirect.scatter.add.f32 [tilespmem:s20], [sflag:$0x5], $0x80, s13, s23, $0xb8;
	[tilespmem:$0x1E800] =	vst v63  }
0x53: {  	_ =	swait.ge [sflag:s21], $0x2000  }
0x54: {  	[sflag:s21] =	ssyncset.done $0x0  }
0x55: {  	s12 =	simm.s32 $0x200;
	[sflag:s21] =	ssyncadd.s32 $0xFFFFE000  }
0x56: {  	[tilespmem:s20], [sflag:$0x1] =	stream.indirect.gather [hbm4b:s4+s23], $0x80, s12, s23, $0xb8;
	[tilespmem:$0x1E800] =	vst v63  }
0x57: {  	_ =	swait.ge [sflag:s0], $0x2000  }
0x58: {  	[sflag:s0] =	ssyncset.done $0x0  }
0x59: {  	s13 =	simm.s32 $0x1480;
	[sflag:s0] =	ssyncadd.s32 $0xFFFFE000  }
0x5a: {  	[spmem:s1] =	stream.indirect.scatter.add.f32 [tilespmem:s25], [sflag:$0x5], $0x80, s13, s23, $0xb8;
	[tilespmem:$0x1E800] =	vst v63  }
0x5b: {  	_ =	swait.ge [sflag:s21], $0x2000  }
0x5c: {  	[sflag:s21] =	ssyncset.done $0x0  }
0x5d: {  	s12 =	simm.s32 $0x280;
	[sflag:s21] =	ssyncadd.s32 $0xFFFFE000  }
0x5e: {  	[tilespmem:s25], [sflag:$0x2] =	stream.indirect.gather [hbm4b:s4+s23], $0x80, s12, s23, $0xb8;
	[tilespmem:$0x1E800] =	vst v63  }
0x5f: {  	_ =	swait.ge [sflag:s2], $0x2000  }
0x60: {  	[sflag:s2] =	ssyncset.done $0x0  }
0x61: {  	s13 =	simm.s32 $0x1500;
	[sflag:s2] =	ssyncadd.s32 $0xFFFFE000  }
0x62: {  	[spmem:s1] =	stream.indirect.scatter.add.f32 [tilespmem:s28], [sflag:$0x5], $0x80, s13, s23, $0xb8;
	[tilespmem:$0x1E800] =	vst v63  }
0x63: {  	_ =	swait.ge [sflag:s21], $0x2000  }
0x64: {  	[sflag:s21] =	ssyncset.done $0x0  }
0x65: {  	s12 =	simm.s32 $0x300;
	[sflag:s21] =	ssyncadd.s32 $0xFFFFE000  }
0x66: {  	[tilespmem:s28], [sflag:$0x3] =	stream.indirect.gather [hbm4b:s4+s23], $0x80, s12, s23, $0xb8;
	[tilespmem:$0x1E800] =	vst v63  }
0x67: {  	_ =	swait.ge [sflag:s6], $0x2000  }
0x68: {  	[sflag:s6] =	ssyncset.done $0x0  }
0x69: {  	s13 =	simm.s32 $0x1580;
	[sflag:s6] =	ssyncadd.s32 $0xFFFFE000  }
0x6a: {  	[spmem:s1] =	stream.indirect.scatter.add.f32 [tilespmem:s30], [sflag:$0x5], $0x80, s13, s23, $0xb8;
	[tilespmem:$0x1E800] =	vst v63  }
0x6b: {  	_ =	swait.ge [sflag:s21], $0x2000  }
0x6c: {  	[sflag:s21] =	ssyncset.done $0x0  }
0x6d: {  	s11 =	simm.s32 $0x800;
	s12 =	simm.s32 $0x380;
	[sflag:s21] =	ssyncadd.s32 $0xFFFFE000  }
.LBB2_4:
0x6e: {  	[tilespmem:s30], [sflag:$0x4] =	stream.indirect.gather [hbm4b:s4+s23], $0x80, s12, s23, $0xb8;
	[tilespmem:$0x1E800] =	vst v63  }
0x6f: {  	s12 =	smov.u32 s11  }
0x70: {  	p0 =	sne.s32 s11, $0x4000;
	s11 =	sadd.s32 $0x800, s11;
	_ =	swait.ge [sflag:s31], $0x2000  }
0x71: {  	s12 =	sshra.s32 s12, $0x2;
	[sflag:s31] =	ssyncset.done $0x0  }
0x72: {  	s13 =	sadd.s32 $0x1400, s12;
	[sflag:s31] =	ssyncadd.s32 $0xFFFFE000  }
0x73: {  	[spmem:s1] =	stream.indirect.scatter.add.f32 [tilespmem:s20], [sflag:$0x5], $0x80, s13, s23, $0xb8;
	[tilespmem:$0x1E800] =	vst v63  }
0x74: {  	_ =	swait.ge [sflag:s21], $0x2000  }
0x75: {  	[sflag:s21] =	ssyncset.done $0x0  }
0x76: {  	s13 =	sadd.s32 $0x200, s12;
	[sflag:s21] =	ssyncadd.s32 $0xFFFFE000  }
0x77: {  	[tilespmem:s20], [sflag:$0x1] =	stream.indirect.gather [hbm4b:s4+s23], $0x80, s13, s23, $0xb8;
	[tilespmem:$0x1E800] =	vst v63  }
0x78: {  	_ =	swait.ge [sflag:s0], $0x2000  }
0x79: {  	[sflag:s0] =	ssyncset.done $0x0  }
0x7a: {  	s13 =	sadd.s32 $0x1480, s12;
	[sflag:s0] =	ssyncadd.s32 $0xFFFFE000  }
0x7b: {  	[spmem:s1] =	stream.indirect.scatter.add.f32 [tilespmem:s25], [sflag:$0x5], $0x80, s13, s23, $0xb8;
	[tilespmem:$0x1E800] =	vst v63  }
0x7c: {  	_ =	swait.ge [sflag:s21], $0x2000  }
0x7d: {  	[sflag:s21] =	ssyncset.done $0x0  }
0x7e: {  	s13 =	sadd.s32 $0x280, s12;
	[sflag:s21] =	ssyncadd.s32 $0xFFFFE000  }
0x7f: {  	[tilespmem:s25], [sflag:$0x2] =	stream.indirect.gather [hbm4b:s4+s23], $0x80, s13, s23, $0xb8;
	[tilespmem:$0x1E800] =	vst v63  }
0x80: {  	_ =	swait.ge [sflag:s2], $0x2000  }
0x81: {  	[sflag:s2] =	ssyncset.done $0x0  }
0x82: {  	s13 =	sadd.s32 $0x1500, s12;
	[sflag:s2] =	ssyncadd.s32 $0xFFFFE000  }
0x83: {  	[spmem:s1] =	stream.indirect.scatter.add.f32 [tilespmem:s28], [sflag:$0x5], $0x80, s13, s23, $0xb8;
	[tilespmem:$0x1E800] =	vst v63  }
0x84: {  	_ =	swait.ge [sflag:s21], $0x2000  }
0x85: {  	[sflag:s21] =	ssyncset.done $0x0  }
0x86: {  	s13 =	sadd.s32 $0x300, s12;
	[sflag:s21] =	ssyncadd.s32 $0xFFFFE000  }
0x87: {  	[tilespmem:s28], [sflag:$0x3] =	stream.indirect.gather [hbm4b:s4+s23], $0x80, s13, s23, $0xb8;
	[tilespmem:$0x1E800] =	vst v63  }
0x88: {  	_ =	swait.ge [sflag:s6], $0x2000  }
0x89: {  	[sflag:s6] =	ssyncset.done $0x0  }
.Ltmp1:
0x8a: {  	s13 =	sadd.s32 $0x1580, s12;
	[sflag:s6] =	ssyncadd.s32 $0xFFFFE000;
	(pc) =	sbr.rel @p0 .LBB2_4-.Ltmp1, $4  }
0x8b: {  	[spmem:s1] =	stream.indirect.scatter.add.f32 [tilespmem:s30], [sflag:$0x5], $0x80, s13, s23, $0xb8;
	[tilespmem:$0x1E800] =	vst v63  }
0x8c: {  	_ =	swait.ge [sflag:s21], $0x2000  }
0x8d: {  	[sflag:s21] =	ssyncset.done $0x0  }
0x8e: {  	s12 =	sadd.s32 $0x380, s12;
	[sflag:s21] =	ssyncadd.s32 $0xFFFFE000  }
0x8f: {  	[tilespmem:s30], [sflag:$0x4] =	stream.indirect.gather [hbm4b:s4+s23], $0x80, s12, s23, $0xb8;
	[tilespmem:$0x1E800] =	vst v63  }
0x90: {  	_ =	swait.ge [sflag:s31], $0x2000  }
0x91: {  	[sflag:s31] =	ssyncset.done $0x0  }
0x92: {  	[sflag:s31] =	ssyncadd.s32 $0xFFFFE000  }
0x93: {  	[spmem:s1] =	stream.indirect.scatter.add.f32 [tilespmem:s20], [sflag:$0x5], $0x80, s7, s23, $0xb8;
	[tilespmem:$0x1E800] =	vst v63  }
0x94: {  	_ =	swait.ge [sflag:s21], $0x2000  }
0x95: {  	[sflag:s21] =	ssyncset.done $0x0  }
0x96: {  	[sflag:s21] =	ssyncadd.s32 $0xFFFFE000  }
0x97: {  	_ =	swait.ge [sflag:s0], $0x2000  }
0x98: {  	[sflag:s0] =	ssyncset.done $0x0  }
0x99: {  	[sflag:s0] =	ssyncadd.s32 $0xFFFFE000  }
0x9a: {  	[spmem:s1] =	stream.indirect.scatter.add.f32 [tilespmem:s25], [sflag:$0x5], $0x80, s8, s23, $0xb8;
	[tilespmem:$0x1E800] =	vst v63  }
0x9b: {  	_ =	swait.ge [sflag:s21], $0x2000  }
0x9c: {  	[sflag:s21] =	ssyncset.done $0x0  }
0x9d: {  	[sflag:s21] =	ssyncadd.s32 $0xFFFFE000  }
0x9e: {  	_ =	swait.ge [sflag:s2], $0x2000  }
0x9f: {  	[sflag:s2] =	ssyncset.done $0x0  }
0xa0: {  	[sflag:s2] =	ssyncadd.s32 $0xFFFFE000  }
0xa1: {  	[spmem:s1] =	stream.indirect.scatter.add.f32 [tilespmem:s28], [sflag:$0x5], $0x80, s9, s23, $0xb8;
	[tilespmem:$0x1E800] =	vst v63  }
0xa2: {  	_ =	swait.ge [sflag:s21], $0x2000  }
0xa3: {  	[sflag:s21] =	ssyncset.done $0x0  }
0xa4: {  	[sflag:s21] =	ssyncadd.s32 $0xFFFFE000  }
0xa5: {  	_ =	swait.ge [sflag:s6], $0x2000  }
0xa6: {  	[sflag:s6] =	ssyncset.done $0x0  }
0xa7: {  	[sflag:s6] =	ssyncadd.s32 $0xFFFFE000  }
0xa8: {  	[spmem:s1] =	stream.indirect.scatter.add.f32 [tilespmem:s30], [sflag:$0x5], $0x80, s10, s23, $0xb8;
	[tilespmem:$0x1E800] =	vst v63  }
0xa9: {  	_ =	swait.ge [sflag:s21], $0x2000  }
0xaa: {  	[sflag:s21] =	ssyncset.done $0x0  }
0xab: {  	s11 =	simm.s32 $0x0;
	s13 =	rddreg [dreg:$0x9];
	[sflag:s21] =	ssyncadd.s32 $0xFFFFE000  }
0xac: {  	[tilespmem:s11], [sflag:$0x5] =	stream.linear.gather [hbm4b:s13+s11], $0x1400, $0x38;
	[tilespmem:$0x1E800] =	vst v63  }
0xad: {  	_ =	swait.ge [sflag:s21], $0x1400  }
0xae: {  	[sflag:s21] =	ssyncset.done $0x0  }
0xaf: {  	s13 =	rddreg [dreg:$0xa];
	[sflag:s21] =	ssyncadd.s32 $0xFFFFEC00  }
0xb0: {  	[tilespmem:s22], [sflag:$0x5] =	stream.linear.gather [hbm4b:s13+s11], $0x1400, $0x38;
	[tilespmem:$0x1E800] =	vst v63  }
0xb1: {  	_ =	swait.ge [sflag:s21], $0x1400  }
0xb2: {  	[sflag:s21] =	ssyncset.done $0x0  }
0xb3: {  	[sflag:s21] =	ssyncadd.s32 $0xFFFFEC00  }
0xb4: {  	[tilespmem:s20], [sflag:$0x1] =	stream.indirect.gather [hbm4b:s4+s23], $0x80, s11, s23, $0xb8;
	[tilespmem:$0x1E800] =	vst v63  }
0xb5: {  	_ = 	snop  }
0xb6: {  	[tilespmem:s25], [sflag:$0x2] =	stream.indirect.gather [hbm4b:s4+s23], $0x80, s24, s23, $0xb8;
	[tilespmem:$0x1E800] =	vst v63  }
0xb7: {  	_ = 	snop  }
0xb8: {  	[tilespmem:s28], [sflag:$0x3] =	stream.indirect.gather [hbm4b:s4+s23], $0x80, s26, s23, $0xb8;
	[tilespmem:$0x1E800] =	vst v63  }
0xb9: {  	_ = 	snop  }
0xba: {  	[tilespmem:s30], [sflag:$0x4] =	stream.indirect.gather [hbm4b:s4+s23], $0x80, s29, s23, $0xb8;
	[tilespmem:$0x1E800] =	vst v63  }
0xbb: {  	_ =	swait.ge [sflag:s31], $0x2000  }
0xbc: {  	[sflag:s31] =	ssyncset.done $0x0  }
0xbd: {  	s13 =	simm.s32 $0x1400;
	[sflag:s31] =	ssyncadd.s32 $0xFFFFE000  }
0xbe: {  	[spmem:s1] =	stream.indirect.scatter.add.f32 [tilespmem:s20], [sflag:$0x5], $0x80, s13, s23, $0xb8;
	[tilespmem:$0x1E800] =	vst v63  }
0xbf: {  	_ =	swait.ge [sflag:s21], $0x2000  }
0xc0: {  	[sflag:s21] =	ssyncset.done $0x0  }
0xc1: {  	s12 =	simm.s32 $0x200;
	[sflag:s21] =	ssyncadd.s32 $0xFFFFE000  }
0xc2: {  	[tilespmem:s20], [sflag:$0x1] =	stream.indirect.gather [hbm4b:s4+s23], $0x80, s12, s23, $0xb8;
	[tilespmem:$0x1E800] =	vst v63  }
0xc3: {  	_ =	swait.ge [sflag:s0], $0x2000  }
0xc4: {  	[sflag:s0] =	ssyncset.done $0x0  }
0xc5: {  	s13 =	simm.s32 $0x1480;
	[sflag:s0] =	ssyncadd.s32 $0xFFFFE000  }
0xc6: {  	[spmem:s1] =	stream.indirect.scatter.add.f32 [tilespmem:s25], [sflag:$0x5], $0x80, s13, s23, $0xb8;
	[tilespmem:$0x1E800] =	vst v63  }
0xc7: {  	_ =	swait.ge [sflag:s21], $0x2000  }
0xc8: {  	[sflag:s21] =	ssyncset.done $0x0  }
0xc9: {  	s12 =	simm.s32 $0x280;
	[sflag:s21] =	ssyncadd.s32 $0xFFFFE000  }
0xca: {  	[tilespmem:s25], [sflag:$0x2] =	stream.indirect.gather [hbm4b:s4+s23], $0x80, s12, s23, $0xb8;
	[tilespmem:$0x1E800] =	vst v63  }
0xcb: {  	_ =	swait.ge [sflag:s2], $0x2000  }
0xcc: {  	[sflag:s2] =	ssyncset.done $0x0  }
0xcd: {  	s13 =	simm.s32 $0x1500;
	[sflag:s2] =	ssyncadd.s32 $0xFFFFE000  }
0xce: {  	[spmem:s1] =	stream.indirect.scatter.add.f32 [tilespmem:s28], [sflag:$0x5], $0x80, s13, s23, $0xb8;
	[tilespmem:$0x1E800] =	vst v63  }
0xcf: {  	_ =	swait.ge [sflag:s21], $0x2000  }
0xd0: {  	[sflag:s21] =	ssyncset.done $0x0  }
0xd1: {  	s12 =	simm.s32 $0x300;
	[sflag:s21] =	ssyncadd.s32 $0xFFFFE000  }
0xd2: {  	[tilespmem:s28], [sflag:$0x3] =	stream.indirect.gather [hbm4b:s4+s23], $0x80, s12, s23, $0xb8;
	[tilespmem:$0x1E800] =	vst v63  }
0xd3: {  	_ =	swait.ge [sflag:s6], $0x2000  }
0xd4: {  	[sflag:s6] =	ssyncset.done $0x0  }
0xd5: {  	s13 =	simm.s32 $0x1580;
	[sflag:s6] =	ssyncadd.s32 $0xFFFFE000  }
0xd6: {  	[spmem:s1] =	stream.indirect.scatter.add.f32 [tilespmem:s30], [sflag:$0x5], $0x80, s13, s23, $0xb8;
	[tilespmem:$0x1E800] =	vst v63  }
0xd7: {  	_ =	swait.ge [sflag:s21], $0x2000  }
0xd8: {  	[sflag:s21] =	ssyncset.done $0x0  }
0xd9: {  	s11 =	simm.s32 $0x800;
	s12 =	simm.s32 $0x380;
	[sflag:s21] =	ssyncadd.s32 $0xFFFFE000  }
.LBB2_6:
0xda: {  	[tilespmem:s30], [sflag:$0x4] =	stream.indirect.gather [hbm4b:s4+s23], $0x80, s12, s23, $0xb8;
	[tilespmem:$0x1E800] =	vst v63  }
0xdb: {  	s12 =	smov.u32 s11  }
0xdc: {  	p0 =	sne.s32 s11, $0x4000;
	s11 =	sadd.s32 $0x800, s11;
	_ =	swait.ge [sflag:s31], $0x2000  }
0xdd: {  	s12 =	sshra.s32 s12, $0x2;
	[sflag:s31] =	ssyncset.done $0x0  }
0xde: {  	s13 =	sadd.s32 $0x1400, s12;
	[sflag:s31] =	ssyncadd.s32 $0xFFFFE000  }
0xdf: {  	[spmem:s1] =	stream.indirect.scatter.add.f32 [tilespmem:s20], [sflag:$0x5], $0x80, s13, s23, $0xb8;
	[tilespmem:$0x1E800] =	vst v63  }
0xe0: {  	_ =	swait.ge [sflag:s21], $0x2000  }
0xe1: {  	[sflag:s21] =	ssyncset.done $0x0  }
0xe2: {  	s13 =	sadd.s32 $0x200, s12;
	[sflag:s21] =	ssyncadd.s32 $0xFFFFE000  }
0xe3: {  	[tilespmem:s20], [sflag:$0x1] =	stream.indirect.gather [hbm4b:s4+s23], $0x80, s13, s23, $0xb8;
	[tilespmem:$0x1E800] =	vst v63  }
0xe4: {  	_ =	swait.ge [sflag:s0], $0x2000  }
0xe5: {  	[sflag:s0] =	ssyncset.done $0x0  }
0xe6: {  	s13 =	sadd.s32 $0x1480, s12;
	[sflag:s0] =	ssyncadd.s32 $0xFFFFE000  }
0xe7: {  	[spmem:s1] =	stream.indirect.scatter.add.f32 [tilespmem:s25], [sflag:$0x5], $0x80, s13, s23, $0xb8;
	[tilespmem:$0x1E800] =	vst v63  }
0xe8: {  	_ =	swait.ge [sflag:s21], $0x2000  }
0xe9: {  	[sflag:s21] =	ssyncset.done $0x0  }
0xea: {  	s13 =	sadd.s32 $0x280, s12;
	[sflag:s21] =	ssyncadd.s32 $0xFFFFE000  }
0xeb: {  	[tilespmem:s25], [sflag:$0x2] =	stream.indirect.gather [hbm4b:s4+s23], $0x80, s13, s23, $0xb8;
	[tilespmem:$0x1E800] =	vst v63  }
0xec: {  	_ =	swait.ge [sflag:s2], $0x2000  }
0xed: {  	[sflag:s2] =	ssyncset.done $0x0  }
0xee: {  	s13 =	sadd.s32 $0x1500, s12;
	[sflag:s2] =	ssyncadd.s32 $0xFFFFE000  }
0xef: {  	[spmem:s1] =	stream.indirect.scatter.add.f32 [tilespmem:s28], [sflag:$0x5], $0x80, s13, s23, $0xb8;
	[tilespmem:$0x1E800] =	vst v63  }
0xf0: {  	_ =	swait.ge [sflag:s21], $0x2000  }
0xf1: {  	[sflag:s21] =	ssyncset.done $0x0  }
0xf2: {  	s13 =	sadd.s32 $0x300, s12;
	[sflag:s21] =	ssyncadd.s32 $0xFFFFE000  }
0xf3: {  	[tilespmem:s28], [sflag:$0x3] =	stream.indirect.gather [hbm4b:s4+s23], $0x80, s13, s23, $0xb8;
	[tilespmem:$0x1E800] =	vst v63  }
0xf4: {  	_ =	swait.ge [sflag:s6], $0x2000  }
0xf5: {  	[sflag:s6] =	ssyncset.done $0x0  }
.Ltmp2:
0xf6: {  	s13 =	sadd.s32 $0x1580, s12;
	[sflag:s6] =	ssyncadd.s32 $0xFFFFE000;
	(pc) =	sbr.rel @p0 .LBB2_6-.Ltmp2, $4  }
0xf7: {  	[spmem:s1] =	stream.indirect.scatter.add.f32 [tilespmem:s30], [sflag:$0x5], $0x80, s13, s23, $0xb8;
	[tilespmem:$0x1E800] =	vst v63  }
0xf8: {  	_ =	swait.ge [sflag:s21], $0x2000  }
0xf9: {  	[sflag:s21] =	ssyncset.done $0x0  }
0xfa: {  	s12 =	sadd.s32 $0x380, s12;
	[sflag:s21] =	ssyncadd.s32 $0xFFFFE000  }
0xfb: {  	[tilespmem:s30], [sflag:$0x4] =	stream.indirect.gather [hbm4b:s4+s23], $0x80, s12, s23, $0xb8;
	[tilespmem:$0x1E800] =	vst v63  }
0xfc: {  	_ =	swait.ge [sflag:s31], $0x2000  }
0xfd: {  	[sflag:s31] =	ssyncset.done $0x0  }
0xfe: {  	[sflag:s31] =	ssyncadd.s32 $0xFFFFE000  }
0xff: {  	[spmem:s1] =	stream.indirect.scatter.add.f32 [tilespmem:s20], [sflag:$0x5], $0x80, s7, s23, $0xb8;
	[tilespmem:$0x1E800] =	vst v63  }
0x100: {  	_ =	swait.ge [sflag:s21], $0x2000  }
0x101: {  	[sflag:s21] =	ssyncset.done $0x0  }
0x102: {  	[sflag:s21] =	ssyncadd.s32 $0xFFFFE000  }
0x103: {  	_ =	swait.ge [sflag:s0], $0x2000  }
0x104: {  	[sflag:s0] =	ssyncset.done $0x0  }
0x105: {  	[sflag:s0] =	ssyncadd.s32 $0xFFFFE000  }
0x106: {  	[spmem:s1] =	stream.indirect.scatter.add.f32 [tilespmem:s25], [sflag:$0x5], $0x80, s8, s23, $0xb8;
	[tilespmem:$0x1E800] =	vst v63  }
0x107: {  	_ =	swait.ge [sflag:s21], $0x2000  }
0x108: {  	[sflag:s21] =	ssyncset.done $0x0  }
0x109: {  	[sflag:s21] =	ssyncadd.s32 $0xFFFFE000  }
0x10a: {  	_ =	swait.ge [sflag:s2], $0x2000  }
0x10b: {  	[sflag:s2] =	ssyncset.done $0x0  }
0x10c: {  	[sflag:s2] =	ssyncadd.s32 $0xFFFFE000  }
0x10d: {  	[spmem:s1] =	stream.indirect.scatter.add.f32 [tilespmem:s28], [sflag:$0x5], $0x80, s9, s23, $0xb8;
	[tilespmem:$0x1E800] =	vst v63  }
0x10e: {  	_ =	swait.ge [sflag:s21], $0x2000  }
0x10f: {  	[sflag:s21] =	ssyncset.done $0x0  }
0x110: {  	[sflag:s21] =	ssyncadd.s32 $0xFFFFE000  }
0x111: {  	_ =	swait.ge [sflag:s6], $0x2000  }
0x112: {  	[sflag:s6] =	ssyncset.done $0x0  }
0x113: {  	[sflag:s6] =	ssyncadd.s32 $0xFFFFE000  }
0x114: {  	[spmem:s1] =	stream.indirect.scatter.add.f32 [tilespmem:s30], [sflag:$0x5], $0x80, s10, s23, $0xb8;
	[tilespmem:$0x1E800] =	vst v63  }
0x115: {  	_ =	swait.ge [sflag:s21], $0x2000  }
0x116: {  	[sflag:s21] =	ssyncset.done $0x0  }
0x117: {  	s11 =	simm.s32 $0x0;
	[sflag:s21] =	ssyncadd.s32 $0xFFFFE000  }
0x118: {  	[tilespmem:s11], [sflag:$0x5] =	stream.linear.gather [hbm4b:s14+s11], $0x1400, $0x38;
	[tilespmem:$0x1E800] =	vst v63  }
0x119: {  	_ =	swait.ge [sflag:s21], $0x1400  }
0x11a: {  	[sflag:s21] =	ssyncset.done $0x0  }
0x11b: {  	[sflag:s21] =	ssyncadd.s32 $0xFFFFEC00  }
0x11c: {  	[tilespmem:s22], [sflag:$0x5] =	stream.linear.gather [hbm4b:s15+s11], $0x1400, $0x38;
	[tilespmem:$0x1E800] =	vst v63  }
0x11d: {  	_ =	swait.ge [sflag:s21], $0x1400  }
0x11e: {  	[sflag:s21] =	ssyncset.done $0x0  }
0x11f: {  	[sflag:s21] =	ssyncadd.s32 $0xFFFFEC00  }
0x120: {  	[tilespmem:s20], [sflag:$0x1] =	stream.indirect.gather [hbm4b:s4+s23], $0x80, s11, s23, $0xb8;
	[tilespmem:$0x1E800] =	vst v63  }
0x121: {  	_ = 	snop  }
0x122: {  	[tilespmem:s25], [sflag:$0x2] =	stream.indirect.gather [hbm4b:s4+s23], $0x80, s24, s23, $0xb8;
	[tilespmem:$0x1E800] =	vst v63  }
0x123: {  	_ = 	snop  }
0x124: {  	[tilespmem:s28], [sflag:$0x3] =	stream.indirect.gather [hbm4b:s4+s23], $0x80, s26, s23, $0xb8;
	[tilespmem:$0x1E800] =	vst v63  }
0x125: {  	_ = 	snop  }
0x126: {  	[tilespmem:s30], [sflag:$0x4] =	stream.indirect.gather [hbm4b:s4+s23], $0x80, s29, s23, $0xb8;
	[tilespmem:$0x1E800] =	vst v63  }
0x127: {  	_ =	swait.ge [sflag:s31], $0x2000  }
0x128: {  	[sflag:s31] =	ssyncset.done $0x0  }
0x129: {  	s13 =	simm.s32 $0x1400;
	[sflag:s31] =	ssyncadd.s32 $0xFFFFE000  }
0x12a: {  	[spmem:s1] =	stream.indirect.scatter.add.f32 [tilespmem:s20], [sflag:$0x5], $0x80, s13, s23, $0xb8;
	[tilespmem:$0x1E800] =	vst v63  }
0x12b: {  	_ =	swait.ge [sflag:s21], $0x2000  }
0x12c: {  	[sflag:s21] =	ssyncset.done $0x0  }
0x12d: {  	s12 =	simm.s32 $0x200;
	[sflag:s21] =	ssyncadd.s32 $0xFFFFE000  }
0x12e: {  	[tilespmem:s20], [sflag:$0x1] =	stream.indirect.gather [hbm4b:s4+s23], $0x80, s12, s23, $0xb8;
	[tilespmem:$0x1E800] =	vst v63  }
0x12f: {  	_ =	swait.ge [sflag:s0], $0x2000  }
0x130: {  	[sflag:s0] =	ssyncset.done $0x0  }
0x131: {  	s13 =	simm.s32 $0x1480;
	[sflag:s0] =	ssyncadd.s32 $0xFFFFE000  }
0x132: {  	[spmem:s1] =	stream.indirect.scatter.add.f32 [tilespmem:s25], [sflag:$0x5], $0x80, s13, s23, $0xb8;
	[tilespmem:$0x1E800] =	vst v63  }
0x133: {  	_ =	swait.ge [sflag:s21], $0x2000  }
0x134: {  	[sflag:s21] =	ssyncset.done $0x0  }
0x135: {  	s12 =	simm.s32 $0x280;
	[sflag:s21] =	ssyncadd.s32 $0xFFFFE000  }
0x136: {  	[tilespmem:s25], [sflag:$0x2] =	stream.indirect.gather [hbm4b:s4+s23], $0x80, s12, s23, $0xb8;
	[tilespmem:$0x1E800] =	vst v63  }
0x137: {  	_ =	swait.ge [sflag:s2], $0x2000  }
0x138: {  	[sflag:s2] =	ssyncset.done $0x0  }
0x139: {  	s13 =	simm.s32 $0x1500;
	[sflag:s2] =	ssyncadd.s32 $0xFFFFE000  }
0x13a: {  	[spmem:s1] =	stream.indirect.scatter.add.f32 [tilespmem:s28], [sflag:$0x5], $0x80, s13, s23, $0xb8;
	[tilespmem:$0x1E800] =	vst v63  }
0x13b: {  	_ =	swait.ge [sflag:s21], $0x2000  }
0x13c: {  	[sflag:s21] =	ssyncset.done $0x0  }
0x13d: {  	s12 =	simm.s32 $0x300;
	[sflag:s21] =	ssyncadd.s32 $0xFFFFE000  }
0x13e: {  	[tilespmem:s28], [sflag:$0x3] =	stream.indirect.gather [hbm4b:s4+s23], $0x80, s12, s23, $0xb8;
	[tilespmem:$0x1E800] =	vst v63  }
0x13f: {  	_ =	swait.ge [sflag:s6], $0x2000  }
0x140: {  	[sflag:s6] =	ssyncset.done $0x0  }
0x141: {  	s13 =	simm.s32 $0x1580;
	[sflag:s6] =	ssyncadd.s32 $0xFFFFE000  }
0x142: {  	[spmem:s1] =	stream.indirect.scatter.add.f32 [tilespmem:s30], [sflag:$0x5], $0x80, s13, s23, $0xb8;
	[tilespmem:$0x1E800] =	vst v63  }
0x143: {  	_ =	swait.ge [sflag:s21], $0x2000  }
0x144: {  	[sflag:s21] =	ssyncset.done $0x0  }
0x145: {  	s11 =	simm.s32 $0x800;
	s12 =	simm.s32 $0x380;
	[sflag:s21] =	ssyncadd.s32 $0xFFFFE000  }
.LBB2_8:
0x146: {  	[tilespmem:s30], [sflag:$0x4] =	stream.indirect.gather [hbm4b:s4+s23], $0x80, s12, s23, $0xb8;
	[tilespmem:$0x1E800] =	vst v63  }
0x147: {  	s12 =	smov.u32 s11  }
0x148: {  	p0 =	sne.s32 s11, $0x4000;
	s11 =	sadd.s32 $0x800, s11;
	_ =	swait.ge [sflag:s31], $0x2000  }
0x149: {  	s12 =	sshra.s32 s12, $0x2;
	[sflag:s31] =	ssyncset.done $0x0  }
0x14a: {  	s13 =	sadd.s32 $0x1400, s12;
	[sflag:s31] =	ssyncadd.s32 $0xFFFFE000  }
0x14b: {  	[spmem:s1] =	stream.indirect.scatter.add.f32 [tilespmem:s20], [sflag:$0x5], $0x80, s13, s23, $0xb8;
	[tilespmem:$0x1E800] =	vst v63  }
0x14c: {  	_ =	swait.ge [sflag:s21], $0x2000  }
0x14d: {  	[sflag:s21] =	ssyncset.done $0x0  }
0x14e: {  	s13 =	sadd.s32 $0x200, s12;
	[sflag:s21] =	ssyncadd.s32 $0xFFFFE000  }
0x14f: {  	[tilespmem:s20], [sflag:$0x1] =	stream.indirect.gather [hbm4b:s4+s23], $0x80, s13, s23, $0xb8;
	[tilespmem:$0x1E800] =	vst v63  }
0x150: {  	_ =	swait.ge [sflag:s0], $0x2000  }
0x151: {  	[sflag:s0] =	ssyncset.done $0x0  }
0x152: {  	s13 =	sadd.s32 $0x1480, s12;
	[sflag:s0] =	ssyncadd.s32 $0xFFFFE000  }
0x153: {  	[spmem:s1] =	stream.indirect.scatter.add.f32 [tilespmem:s25], [sflag:$0x5], $0x80, s13, s23, $0xb8;
	[tilespmem:$0x1E800] =	vst v63  }
0x154: {  	_ =	swait.ge [sflag:s21], $0x2000  }
0x155: {  	[sflag:s21] =	ssyncset.done $0x0  }
0x156: {  	s13 =	sadd.s32 $0x280, s12;
	[sflag:s21] =	ssyncadd.s32 $0xFFFFE000  }
0x157: {  	[tilespmem:s25], [sflag:$0x2] =	stream.indirect.gather [hbm4b:s4+s23], $0x80, s13, s23, $0xb8;
	[tilespmem:$0x1E800] =	vst v63  }
0x158: {  	_ =	swait.ge [sflag:s2], $0x2000  }
0x159: {  	[sflag:s2] =	ssyncset.done $0x0  }
0x15a: {  	s13 =	sadd.s32 $0x1500, s12;
	[sflag:s2] =	ssyncadd.s32 $0xFFFFE000  }
0x15b: {  	[spmem:s1] =	stream.indirect.scatter.add.f32 [tilespmem:s28], [sflag:$0x5], $0x80, s13, s23, $0xb8;
	[tilespmem:$0x1E800] =	vst v63  }
0x15c: {  	_ =	swait.ge [sflag:s21], $0x2000  }
0x15d: {  	[sflag:s21] =	ssyncset.done $0x0  }
0x15e: {  	s13 =	sadd.s32 $0x300, s12;
	[sflag:s21] =	ssyncadd.s32 $0xFFFFE000  }
0x15f: {  	[tilespmem:s28], [sflag:$0x3] =	stream.indirect.gather [hbm4b:s4+s23], $0x80, s13, s23, $0xb8;
	[tilespmem:$0x1E800] =	vst v63  }
0x160: {  	_ =	swait.ge [sflag:s6], $0x2000  }
0x161: {  	[sflag:s6] =	ssyncset.done $0x0  }
.Ltmp3:
0x162: {  	s13 =	sadd.s32 $0x1580, s12;
	[sflag:s6] =	ssyncadd.s32 $0xFFFFE000;
	(pc) =	sbr.rel @p0 .LBB2_8-.Ltmp3, $4  }
0x163: {  	[spmem:s1] =	stream.indirect.scatter.add.f32 [tilespmem:s30], [sflag:$0x5], $0x80, s13, s23, $0xb8;
	[tilespmem:$0x1E800] =	vst v63  }
0x164: {  	_ =	swait.ge [sflag:s21], $0x2000  }
0x165: {  	[sflag:s21] =	ssyncset.done $0x0  }
0x166: {  	s12 =	sadd.s32 $0x380, s12;
	[sflag:s21] =	ssyncadd.s32 $0xFFFFE000  }
0x167: {  	[tilespmem:s30], [sflag:$0x4] =	stream.indirect.gather [hbm4b:s4+s23], $0x80, s12, s23, $0xb8;
	[tilespmem:$0x1E800] =	vst v63  }
0x168: {  	_ =	swait.ge [sflag:s31], $0x2000  }
0x169: {  	[sflag:s31] =	ssyncset.done $0x0  }
0x16a: {  	[sflag:s31] =	ssyncadd.s32 $0xFFFFE000  }
0x16b: {  	[spmem:s1] =	stream.indirect.scatter.add.f32 [tilespmem:s20], [sflag:$0x5], $0x80, s7, s23, $0xb8;
	[tilespmem:$0x1E800] =	vst v63  }
0x16c: {  	_ =	swait.ge [sflag:s21], $0x2000  }
0x16d: {  	[sflag:s21] =	ssyncset.done $0x0  }
0x16e: {  	[sflag:s21] =	ssyncadd.s32 $0xFFFFE000  }
0x16f: {  	_ =	swait.ge [sflag:s0], $0x2000  }
0x170: {  	[sflag:s0] =	ssyncset.done $0x0  }
0x171: {  	[sflag:s0] =	ssyncadd.s32 $0xFFFFE000  }
0x172: {  	[spmem:s1] =	stream.indirect.scatter.add.f32 [tilespmem:s25], [sflag:$0x5], $0x80, s8, s23, $0xb8;
	[tilespmem:$0x1E800] =	vst v63  }
0x173: {  	_ =	swait.ge [sflag:s21], $0x2000  }
0x174: {  	[sflag:s21] =	ssyncset.done $0x0  }
0x175: {  	[sflag:s21] =	ssyncadd.s32 $0xFFFFE000  }
0x176: {  	_ =	swait.ge [sflag:s2], $0x2000  }
0x177: {  	[sflag:s2] =	ssyncset.done $0x0  }
0x178: {  	[sflag:s2] =	ssyncadd.s32 $0xFFFFE000  }
0x179: {  	[spmem:s1] =	stream.indirect.scatter.add.f32 [tilespmem:s28], [sflag:$0x5], $0x80, s9, s23, $0xb8;
	[tilespmem:$0x1E800] =	vst v63  }
0x17a: {  	_ =	swait.ge [sflag:s21], $0x2000  }
0x17b: {  	[sflag:s21] =	ssyncset.done $0x0  }
0x17c: {  	[sflag:s21] =	ssyncadd.s32 $0xFFFFE000  }
0x17d: {  	_ =	swait.ge [sflag:s6], $0x2000  }
0x17e: {  	[sflag:s6] =	ssyncset.done $0x0  }
0x17f: {  	[sflag:s6] =	ssyncadd.s32 $0xFFFFE000  }
0x180: {  	[spmem:s1] =	stream.indirect.scatter.add.f32 [tilespmem:s30], [sflag:$0x5], $0x80, s10, s23, $0xb8;
	[tilespmem:$0x1E800] =	vst v63  }
0x181: {  	_ =	swait.ge [sflag:s21], $0x2000  }
0x182: {  	[sflag:s21] =	ssyncset.done $0x0  }
0x183: {  	s11 =	simm.s32 $0x0;
	[sflag:s21] =	ssyncadd.s32 $0xFFFFE000  }
0x184: {  	[tilespmem:s11], [sflag:$0x5] =	stream.linear.gather [hbm4b:s16+s11], $0x1400, $0x38;
	[tilespmem:$0x1E800] =	vst v63  }
0x185: {  	_ =	swait.ge [sflag:s21], $0x1400  }
0x186: {  	[sflag:s21] =	ssyncset.done $0x0  }
0x187: {  	[sflag:s21] =	ssyncadd.s32 $0xFFFFEC00  }
0x188: {  	[tilespmem:s22], [sflag:$0x5] =	stream.linear.gather [hbm4b:s17+s11], $0x1400, $0x38;
	[tilespmem:$0x1E800] =	vst v63  }
0x189: {  	_ =	swait.ge [sflag:s21], $0x1400  }
0x18a: {  	[sflag:s21] =	ssyncset.done $0x0  }
0x18b: {  	[sflag:s21] =	ssyncadd.s32 $0xFFFFEC00  }
0x18c: {  	[tilespmem:s20], [sflag:$0x1] =	stream.indirect.gather [hbm4b:s4+s23], $0x80, s11, s23, $0xb8;
	[tilespmem:$0x1E800] =	vst v63  }
0x18d: {  	_ = 	snop  }
0x18e: {  	[tilespmem:s25], [sflag:$0x2] =	stream.indirect.gather [hbm4b:s4+s23], $0x80, s24, s23, $0xb8;
	[tilespmem:$0x1E800] =	vst v63  }
0x18f: {  	_ = 	snop  }
0x190: {  	[tilespmem:s28], [sflag:$0x3] =	stream.indirect.gather [hbm4b:s4+s23], $0x80, s26, s23, $0xb8;
	[tilespmem:$0x1E800] =	vst v63  }
0x191: {  	_ = 	snop  }
0x192: {  	[tilespmem:s30], [sflag:$0x4] =	stream.indirect.gather [hbm4b:s4+s23], $0x80, s29, s23, $0xb8;
	[tilespmem:$0x1E800] =	vst v63  }
0x193: {  	_ =	swait.ge [sflag:s31], $0x2000  }
0x194: {  	[sflag:s31] =	ssyncset.done $0x0  }
0x195: {  	s13 =	simm.s32 $0x1400;
	[sflag:s31] =	ssyncadd.s32 $0xFFFFE000  }
0x196: {  	[spmem:s1] =	stream.indirect.scatter.add.f32 [tilespmem:s20], [sflag:$0x5], $0x80, s13, s23, $0xb8;
	[tilespmem:$0x1E800] =	vst v63  }
0x197: {  	_ =	swait.ge [sflag:s21], $0x2000  }
0x198: {  	[sflag:s21] =	ssyncset.done $0x0  }
0x199: {  	s12 =	simm.s32 $0x200;
	[sflag:s21] =	ssyncadd.s32 $0xFFFFE000  }
0x19a: {  	[tilespmem:s20], [sflag:$0x1] =	stream.indirect.gather [hbm4b:s4+s23], $0x80, s12, s23, $0xb8;
	[tilespmem:$0x1E800] =	vst v63  }
0x19b: {  	_ =	swait.ge [sflag:s0], $0x2000  }
0x19c: {  	[sflag:s0] =	ssyncset.done $0x0  }
0x19d: {  	s13 =	simm.s32 $0x1480;
	[sflag:s0] =	ssyncadd.s32 $0xFFFFE000  }
0x19e: {  	[spmem:s1] =	stream.indirect.scatter.add.f32 [tilespmem:s25], [sflag:$0x5], $0x80, s13, s23, $0xb8;
	[tilespmem:$0x1E800] =	vst v63  }
0x19f: {  	_ =	swait.ge [sflag:s21], $0x2000  }
0x1a0: {  	[sflag:s21] =	ssyncset.done $0x0  }
0x1a1: {  	s12 =	simm.s32 $0x280;
	[sflag:s21] =	ssyncadd.s32 $0xFFFFE000  }
0x1a2: {  	[tilespmem:s25], [sflag:$0x2] =	stream.indirect.gather [hbm4b:s4+s23], $0x80, s12, s23, $0xb8;
	[tilespmem:$0x1E800] =	vst v63  }
0x1a3: {  	_ =	swait.ge [sflag:s2], $0x2000  }
0x1a4: {  	[sflag:s2] =	ssyncset.done $0x0  }
0x1a5: {  	s13 =	simm.s32 $0x1500;
	[sflag:s2] =	ssyncadd.s32 $0xFFFFE000  }
0x1a6: {  	[spmem:s1] =	stream.indirect.scatter.add.f32 [tilespmem:s28], [sflag:$0x5], $0x80, s13, s23, $0xb8;
	[tilespmem:$0x1E800] =	vst v63  }
0x1a7: {  	_ =	swait.ge [sflag:s21], $0x2000  }
0x1a8: {  	[sflag:s21] =	ssyncset.done $0x0  }
0x1a9: {  	s12 =	simm.s32 $0x300;
	[sflag:s21] =	ssyncadd.s32 $0xFFFFE000  }
0x1aa: {  	[tilespmem:s28], [sflag:$0x3] =	stream.indirect.gather [hbm4b:s4+s23], $0x80, s12, s23, $0xb8;
	[tilespmem:$0x1E800] =	vst v63  }
0x1ab: {  	_ =	swait.ge [sflag:s6], $0x2000  }
0x1ac: {  	[sflag:s6] =	ssyncset.done $0x0  }
0x1ad: {  	s13 =	simm.s32 $0x1580;
	[sflag:s6] =	ssyncadd.s32 $0xFFFFE000  }
0x1ae: {  	[spmem:s1] =	stream.indirect.scatter.add.f32 [tilespmem:s30], [sflag:$0x5], $0x80, s13, s23, $0xb8;
	[tilespmem:$0x1E800] =	vst v63  }
0x1af: {  	_ =	swait.ge [sflag:s21], $0x2000  }
0x1b0: {  	[sflag:s21] =	ssyncset.done $0x0  }
0x1b1: {  	s11 =	simm.s32 $0x800;
	s12 =	simm.s32 $0x380;
	[sflag:s21] =	ssyncadd.s32 $0xFFFFE000  }
.LBB2_10:
0x1b2: {  	[tilespmem:s30], [sflag:$0x4] =	stream.indirect.gather [hbm4b:s4+s23], $0x80, s12, s23, $0xb8;
	[tilespmem:$0x1E800] =	vst v63  }
0x1b3: {  	s12 =	smov.u32 s11  }
0x1b4: {  	p0 =	sne.s32 s11, $0x4000;
	s11 =	sadd.s32 $0x800, s11;
	_ =	swait.ge [sflag:s31], $0x2000  }
0x1b5: {  	s12 =	sshra.s32 s12, $0x2;
	[sflag:s31] =	ssyncset.done $0x0  }
0x1b6: {  	s13 =	sadd.s32 $0x1400, s12;
	[sflag:s31] =	ssyncadd.s32 $0xFFFFE000  }
0x1b7: {  	[spmem:s1] =	stream.indirect.scatter.add.f32 [tilespmem:s20], [sflag:$0x5], $0x80, s13, s23, $0xb8;
	[tilespmem:$0x1E800] =	vst v63  }
0x1b8: {  	_ =	swait.ge [sflag:s21], $0x2000  }
0x1b9: {  	[sflag:s21] =	ssyncset.done $0x0  }
0x1ba: {  	s13 =	sadd.s32 $0x200, s12;
	[sflag:s21] =	ssyncadd.s32 $0xFFFFE000  }
0x1bb: {  	[tilespmem:s20], [sflag:$0x1] =	stream.indirect.gather [hbm4b:s4+s23], $0x80, s13, s23, $0xb8;
	[tilespmem:$0x1E800] =	vst v63  }
0x1bc: {  	_ =	swait.ge [sflag:s0], $0x2000  }
0x1bd: {  	[sflag:s0] =	ssyncset.done $0x0  }
0x1be: {  	s13 =	sadd.s32 $0x1480, s12;
	[sflag:s0] =	ssyncadd.s32 $0xFFFFE000  }
0x1bf: {  	[spmem:s1] =	stream.indirect.scatter.add.f32 [tilespmem:s25], [sflag:$0x5], $0x80, s13, s23, $0xb8;
	[tilespmem:$0x1E800] =	vst v63  }
0x1c0: {  	_ =	swait.ge [sflag:s21], $0x2000  }
0x1c1: {  	[sflag:s21] =	ssyncset.done $0x0  }
0x1c2: {  	s13 =	sadd.s32 $0x280, s12;
	[sflag:s21] =	ssyncadd.s32 $0xFFFFE000  }
0x1c3: {  	[tilespmem:s25], [sflag:$0x2] =	stream.indirect.gather [hbm4b:s4+s23], $0x80, s13, s23, $0xb8;
	[tilespmem:$0x1E800] =	vst v63  }
0x1c4: {  	_ =	swait.ge [sflag:s2], $0x2000  }
0x1c5: {  	[sflag:s2] =	ssyncset.done $0x0  }
0x1c6: {  	s13 =	sadd.s32 $0x1500, s12;
	[sflag:s2] =	ssyncadd.s32 $0xFFFFE000  }
0x1c7: {  	[spmem:s1] =	stream.indirect.scatter.add.f32 [tilespmem:s28], [sflag:$0x5], $0x80, s13, s23, $0xb8;
	[tilespmem:$0x1E800] =	vst v63  }
0x1c8: {  	_ =	swait.ge [sflag:s21], $0x2000  }
0x1c9: {  	[sflag:s21] =	ssyncset.done $0x0  }
0x1ca: {  	s13 =	sadd.s32 $0x300, s12;
	[sflag:s21] =	ssyncadd.s32 $0xFFFFE000  }
0x1cb: {  	[tilespmem:s28], [sflag:$0x3] =	stream.indirect.gather [hbm4b:s4+s23], $0x80, s13, s23, $0xb8;
	[tilespmem:$0x1E800] =	vst v63  }
0x1cc: {  	_ =	swait.ge [sflag:s6], $0x2000  }
0x1cd: {  	[sflag:s6] =	ssyncset.done $0x0  }
.Ltmp4:
0x1ce: {  	s13 =	sadd.s32 $0x1580, s12;
	[sflag:s6] =	ssyncadd.s32 $0xFFFFE000;
	(pc) =	sbr.rel @p0 .LBB2_10-.Ltmp4, $4  }
0x1cf: {  	[spmem:s1] =	stream.indirect.scatter.add.f32 [tilespmem:s30], [sflag:$0x5], $0x80, s13, s23, $0xb8;
	[tilespmem:$0x1E800] =	vst v63  }
0x1d0: {  	_ =	swait.ge [sflag:s21], $0x2000  }
0x1d1: {  	[sflag:s21] =	ssyncset.done $0x0  }
0x1d2: {  	s12 =	sadd.s32 $0x380, s12;
	[sflag:s21] =	ssyncadd.s32 $0xFFFFE000  }
0x1d3: {  	[tilespmem:s30], [sflag:$0x4] =	stream.indirect.gather [hbm4b:s4+s23], $0x80, s12, s23, $0xb8;
	[tilespmem:$0x1E800] =	vst v63  }
0x1d4: {  	_ =	swait.ge [sflag:s31], $0x2000  }
0x1d5: {  	[sflag:s31] =	ssyncset.done $0x0  }
0x1d6: {  	[sflag:s31] =	ssyncadd.s32 $0xFFFFE000  }
0x1d7: {  	[spmem:s1] =	stream.indirect.scatter.add.f32 [tilespmem:s20], [sflag:$0x5], $0x80, s7, s23, $0xb8;
	[tilespmem:$0x1E800] =	vst v63  }
0x1d8: {  	_ =	swait.ge [sflag:s21], $0x2000  }
0x1d9: {  	[sflag:s21] =	ssyncset.done $0x0  }
0x1da: {  	[sflag:s21] =	ssyncadd.s32 $0xFFFFE000  }
0x1db: {  	_ =	swait.ge [sflag:s0], $0x2000  }
0x1dc: {  	[sflag:s0] =	ssyncset.done $0x0  }
0x1dd: {  	[sflag:s0] =	ssyncadd.s32 $0xFFFFE000  }
0x1de: {  	[spmem:s1] =	stream.indirect.scatter.add.f32 [tilespmem:s25], [sflag:$0x5], $0x80, s8, s23, $0xb8;
	[tilespmem:$0x1E800] =	vst v63  }
0x1df: {  	_ =	swait.ge [sflag:s21], $0x2000  }
0x1e0: {  	[sflag:s21] =	ssyncset.done $0x0  }
0x1e1: {  	[sflag:s21] =	ssyncadd.s32 $0xFFFFE000  }
0x1e2: {  	_ =	swait.ge [sflag:s2], $0x2000  }
0x1e3: {  	[sflag:s2] =	ssyncset.done $0x0  }
0x1e4: {  	[sflag:s2] =	ssyncadd.s32 $0xFFFFE000  }
0x1e5: {  	[spmem:s1] =	stream.indirect.scatter.add.f32 [tilespmem:s28], [sflag:$0x5], $0x80, s9, s23, $0xb8;
	[tilespmem:$0x1E800] =	vst v63  }
0x1e6: {  	_ =	swait.ge [sflag:s21], $0x2000  }
0x1e7: {  	[sflag:s21] =	ssyncset.done $0x0  }
0x1e8: {  	[sflag:s21] =	ssyncadd.s32 $0xFFFFE000  }
0x1e9: {  	_ =	swait.ge [sflag:s6], $0x2000  }
0x1ea: {  	[sflag:s6] =	ssyncset.done $0x0  }
0x1eb: {  	[sflag:s6] =	ssyncadd.s32 $0xFFFFE000  }
0x1ec: {  	[spmem:s1] =	stream.indirect.scatter.add.f32 [tilespmem:s30], [sflag:$0x5], $0x80, s10, s23, $0xb8;
	[tilespmem:$0x1E800] =	vst v63  }
0x1ed: {  	s11 =	stileid.u32;
	_ =	swait.ge [sflag:s21], $0x2000  }
0x1ee: {  	s13 =	sshrl.u32 s5, $0x3;
	s3 =	sadd.s32 $0x1, s3;
	[sflag:s21] =	ssyncset.done $0x0  }
0x1ef: {  	s11 =	sshll.u32 s11, $0x6;
	p0 =	sne.s32 s3, s19;
	[sflag:s21] =	ssyncadd.s32 $0xFFFFE000  }
.Ltmp5:
0x1f0: {  	s11 =	sor.u32 $0x1C05, s11;
	[bflag:$0x0] =	sbarrier.arrive $0xFFFF;
	(pc) =	sbr.rel @p0 .LBB2_1-.Ltmp5, $4  }
0x1f1: {  	[hbm:s18], [sflag:s11] =	dma.local [spmem:s13], $0x2800  }
0x1f2: {  	_ =	swait.ge [sflag:s21], $0x2800  }
0x1f3: {  	[sflag:s21] =	ssyncset.done $0x0  }
0x1f4: {  	[sflag:s21] =	ssyncadd.s32 $0xFFFFD800  }
0x1f5: {  	_ =	sfence.sel $0x180000  }
0x1f6: {  	[bflag:$0x0] =	sbarrier.arrive $0xFFFF  }
0x1f7: {  	_ =	strace $0x9000004D  }
0x1f8: {  	s0 =	stileid.u32;
	[bflag:$0x2] =	sbarrier.arrive $0xFFFF  }
0x1f9: {  	p0 =	sne.s32 s0, $0x0;
	s0 =	rddreg [dreg:$0x2]  }
0x1fa: {  	s0 =	sadd.s32 @!p0 $0x100000, s0  }
0x1fb: {  	[sflag:s0] =	ssyncadd.tile.s32 @!p0 $0x1;
	_ =	shalt  }
.Lfunc_end2:
_tile_overlayer_lowered:
.L_overlay_start_2:
0x1fc: {  	(tag) =	ssettag $0x2  }
0x1fd: {  	s0 =	rddreg [dreg:$0x0];
	s2 =	stileid.u32  }
0x1fe: {  	s1 =	rddreg [dreg:$0x1];
	p0 =	sne.s32 s2, $0x0  }
0x1ff: {  	s3 =	rddreg [dreg:$0x2];
	[bflag:$0x3] =	sbarrier.arrive $0xFFFF;
	s2 =	simm.s32 @!p0 $0x1C05  }
0x200: {  	[timem:s3], [sflag:s2] =	dma.local @!p0 [hbm:s0], s1  }
0x201: {  	s0 =	simm.s32 @!p0 $0x5  }
0x202: {  	_ =	swait.ge @!p0 [sflag:s0], s1  }
0x203: {  	s1 =	ssub.s32 @!p0 $0x0, s1;
	[sflag:s0] =	ssyncset.done @!p0 $0x0  }
0x204: {  	[sflag:s0] =	ssyncadd.s32 @!p0 s1  }
0x205: {  	[bflag:$0x3] =	sbarrier.arrive $0xFFFF  }
0x206: {  	_ =	shalt  }

// kernel: kernel.9.cloned.1.call-start
scs
__scs_entry_jumppad:
0x0: {  	(pc) =	sbr.rel $0x88, $3  }
0x1: {  	(tag) =	ssettag $0x0;
	lr =	simm.s32 $0x1  }
0x2: {  	[smem:$0x3F93] =	sst lr;
	_ =	strace $0xD0000000  }
0x3: {  	_ = 	snop  }
0x4: {  	_ = 	snop  }
0x5: {  	_ = 	snop  }
0x6: {  	_ = 	snop  }
0x7: {  	_ = 	snop  }
__scs_overlays_trampoline_lowered:
0x8: {  	[smem:$0x3FA2] =	sst s0  }
0x9: {  	[smem:$0x3FA3] =	sst s1  }
0xa: {  	[smem:$0x3FA4] =	sst s2  }
0xb: {  	[smem:$0x3FA5] =	sst s3  }
0xc: {  	[smem:$0x3FA6] =	sst s4  }
0xd: {  	[smem:$0x3FA7] =	sst s5  }
0xe: {  	[smem:$0x3FA8] =	sst s6  }
0xf: {  	[smem:$0x3FA9] =	sst s7  }
0x10: {  	[smem:$0x3FAA] =	sst s8  }
0x11: {  	[smem:$0x3FAB] =	sst s9;
	s0 =	simm.s32 @!p0 $0x0  }
0x12: {  	s1 =	sld [smem:$0x3F91];
	s0 =	simm.s32 @p0 $0x1  }
0x13: {  	[smem:$0x3FAC] =	sst s0;
	s0 =	simm.s32 @!p1 $0x0  }
0x14: {  	s2 =	sld [smem:$0x3F90];
	s0 =	simm.s32 @p1 $0x1  }
0x15: {  	[smem:$0x3FAD] =	sst s0;
	s0 =	simm.s32 @!p2 $0x0  }
0x16: {  	s3 =	sld [smem:$0x3FDB];
	s0 =	simm.s32 @p2 $0x1  }
0x17: {  	s4 =	simm.s32 $0x1BF5;
	[smem:$0x3FAF] =	sst s0  }
0x18: {  	s0 =	sld [smem:$0x3F92];
	_ =	swait.ge [sflag:s4], $0x0  }
0x19: {  	s7 =	sld [smem:$0x3F93]  }
0x1a: {  	s8 =	sadd.s32 $0xFFFFE003, lr  }
0x1b: {  	s9 =	sadd.s32 $0xFFFFFEF7, lr;
	s5 =	simm.s32 $0xFFFFFFFF;
	p2 =	slt.u32 s8, $0xFFFFF086  }
0x1c: {  	p1 =	slt.u32 s9, $0xF7A;
	s5 =	simm.s32 @!p2 $0x0  }
0x1d: {  	s5 =	simm.s32 @p1 $0x1;
	p0 =	seq.s32 s7, s2  }
0x1e: {  	s7 =	smul.u32 @!p0 $0xF7A, s2;
	p2 =	seq.s32 @!p0 s5, $0x0  }
0x1f: {  	s9 =	smul.u32 $0xF7A, s1;
	s8 =	simm.s32 @!p0 $0x1BF5;
	p2 =	por !p2, p0  }
0x20: {  	[sflag:s8] =	ssyncset.s32 @!p0 $0xFFFFF086;
	s6 =	sadd.s32 @!p0 s3, s7;
	s7 =	simm.s32 @!p0 $0x108  }
0x21: {  	s3 =	sadd.s32 s3, s9;
	s6 =	sadd.s32 @!p0 $0x88, s6;
	s7 =	simm.s32 @p2 $0x1082  }
0x22: {  	[simem:s7], [sflag:s8] =	dma.local @!p0 [hbm:s6], $0xF7A  }
0x23: {  	s9 =	sor.u32 $0xD0000000, s2;
	s6 =	simm.s32 $0x108;
	_ =	swait.ge @!p0 [sflag:s8], $0x0  }
0x24: {  	s3 =	sadd.s32 $0x88, s3;
	s6 =	simm.s32 @!p1 $0x1082;
	[sflag:s4] =	ssyncset.s32 $0xFFFFF086  }
0x25: {  	[simem:s6], [sflag:s4] =	dma.local [hbm:s3], $0xF7A  }
0x26: {  	[smem:$0x3F93] =	sst s1;
	(tag) =	ssettag s2;
	_ =	strace s9  }
0x27: {  	s1 =	sld [smem:$0x3FA3]  }
0x28: {  	s2 =	sld [smem:$0x3FA4]  }
0x29: {  	s4 =	sld [smem:$0x3FA6]  }
0x2a: {  	p0 =	seq.s32 s5, $0x0;
	s5 =	sld [smem:$0x3FA7]  }
0x2b: {  	s6 =	sld [smem:$0x3FA8]  }
0x2c: {  	s7 =	sld [smem:$0x3FA9]  }
0x2d: {  	s3 =	simm.s32 $0x108;
	s8 =	sld [smem:$0x3FAA]  }
0x2e: {  	s3 =	simm.s32 @!p0 $0x1082;
	s9 =	sld [smem:$0x3FAB]  }
0x2f: {  	lr =	sadd.s32 s0, s3;
	s0 =	sld [smem:$0x3FA2]  }
0x30: {  	s3 =	sld [smem:$0x3FA5]  }
0x31: {  	[smem:$0x3FAE] =	sst s10  }
0x32: {  	s10 =	sld [smem:$0x3FAC];
	_ =	sdelay $0x3  }
0x33: {  	p0 =	seq.s32 s10, $0x1;
	s10 =	sld [smem:$0x3FAE];
	_ =	sdelay $0x3  }
0x34: {  	[smem:$0x3FAE] =	sst s10  }
0x35: {  	s10 =	sld [smem:$0x3FAD];
	_ =	sdelay $0x3  }
0x36: {  	p1 =	seq.s32 s10, $0x1;
	s10 =	sld [smem:$0x3FAE];
	_ =	sdelay $0x3  }
0x37: {  	[smem:$0x3FAE] =	sst s10  }
0x38: {  	s10 =	sld [smem:$0x3FAF]  }
0x39: {  	_ = 	snop;
	(pc) =	sbr.ind lr, $3  }
0x3a: {  	_ = 	snop  }
0x3b: {  	_ = 	snop  }
0x3c: {  	p2 =	seq.s32 s10, $0x1;
	s10 =	sld [smem:$0x3FAE]  }
0x3d: {  	_ =	shalt  }
0x3e: {  	_ =	shalt  }
0x3f: {  	_ =	shalt  }
0x40: {  	_ =	shalt  }
0x41: {  	_ =	shalt  }
0x42: {  	_ =	shalt  }
0x43: {  	_ =	shalt  }
0x44: {  	_ =	shalt  }
0x45: {  	_ =	shalt  }
0x46: {  	_ =	shalt  }
0x47: {  	_ =	shalt  }
0x48: {  	_ =	shalt  }
0x49: {  	_ =	shalt  }
0x4a: {  	_ =	shalt  }
0x4b: {  	_ =	shalt  }
0x4c: {  	_ =	shalt  }
0x4d: {  	_ =	shalt  }
0x4e: {  	_ =	shalt  }
0x4f: {  	_ =	shalt  }
0x50: {  	_ =	shalt  }
0x51: {  	_ =	shalt  }
0x52: {  	_ =	shalt  }
0x53: {  	_ =	shalt  }
0x54: {  	_ =	shalt  }
0x55: {  	_ =	shalt  }
0x56: {  	_ =	shalt  }
0x57: {  	_ =	shalt  }
0x58: {  	_ =	shalt  }
0x59: {  	_ =	shalt  }
0x5a: {  	_ =	shalt  }
0x5b: {  	_ =	shalt  }
0x5c: {  	_ =	shalt  }
0x5d: {  	_ =	shalt  }
0x5e: {  	_ =	shalt  }
0x5f: {  	_ =	shalt  }
0x60: {  	_ =	shalt  }
0x61: {  	_ =	shalt  }
0x62: {  	_ =	shalt  }
0x63: {  	_ =	shalt  }
0x64: {  	_ =	shalt  }
0x65: {  	_ =	shalt  }
0x66: {  	_ =	shalt  }
0x67: {  	_ =	shalt  }
0x68: {  	_ =	shalt  }
0x69: {  	_ =	shalt  }
0x6a: {  	_ =	shalt  }
0x6b: {  	_ =	shalt  }
0x6c: {  	_ =	shalt  }
0x6d: {  	_ =	shalt  }
0x6e: {  	_ =	shalt  }
0x6f: {  	_ =	shalt  }
0x70: {  	_ =	shalt  }
0x71: {  	_ =	shalt  }
0x72: {  	_ =	shalt  }
0x73: {  	_ =	shalt  }
0x74: {  	_ =	shalt  }
0x75: {  	_ =	shalt  }
0x76: {  	_ =	shalt  }
0x77: {  	_ =	shalt  }
0x78: {  	_ =	shalt  }
0x79: {  	_ =	shalt  }
0x7a: {  	_ =	shalt  }
0x7b: {  	_ =	shalt  }
0x7c: {  	_ =	shalt  }
0x7d: {  	_ =	shalt  }
0x7e: {  	_ =	shalt  }
0x7f: {  	_ =	shalt  }
0x80: {  	_ =	shalt  }
0x81: {  	_ =	shalt  }
0x82: {  	_ =	shalt  }
0x83: {  	_ =	shalt  }
0x84: {  	_ =	shalt  }
0x85: {  	_ =	shalt  }
0x86: {  	_ =	shalt  }
0x87: {  	_ =	shalt  }
.Lfunc_end0:
.L_simem_size_0:
called_computation_lowered:
.L_overlay_start_0:
0x88: {  	s2 =	sld [smem:$0x3FD9]  }
0x89: {  	s3 =	sld [smem:$0x3FFE];
	_ =	sdelay $0x1  }
0x8a: {  	s1 =	srdreg.scid  }
0x8b: {  	s0 =	sand.u32 $0x1, s1  }
0x8c: {  	s16 =	sshll.u32 s0, $0xA;
	s2 =	sadd.s32 s3, s2  }
0x8d: {  	s2 =	sadd.s32 s2, s16  }
0x8e: {  	[smem:$0x3FBA] =	sst s2  }
0x8f: {  	_ = 	snop  }
0x90: {  	(tm) =	ssettm $0x1  }
0x91: {  	s17 =	sld [smem:$0x3FFB];
	_ =	sdelay $0x3  }
0x92: {  	_ =	strace s17  }
0x93: {  	s2 =	sld [smem:$0x3FFC];
	_ =	sdelay $0x3  }
0x94: {  	_ =	strace s2  }
0x95: {  	s2 =	sld [smem:$0x3FFD];
	_ =	sdelay $0x3  }
0x96: {  	_ =	strace s2  }
0x97: {  	_ =	strace $0x8FFFFFFF  }
0x98: {  	s18 =	sld [smem:$0x3FDB];
	_ =	sdelay $0x1  }
0x99: {  	s19 =	simm.s32 $_scs_section_size  }
0x9a: {  	s4 =	simm.s32 $_size__tile_overlayer_lowered;
	s5 =	simm.s32 $_tile_overlayer_lowered  }
0x9b: {  	s22 =	simm.s32 $0x1BFF;
	s21 =	sshll.u32 s5, $0x1;
	s2 =	sadd.s32 s19, s18  }
0x9c: {  	s6 =	simm.s32 $0x0;
	s20 =	sshll.u32 s4, $0x1;
	s4 =	sadd.s32 s21, s2  }
0x9d: {  	[timem:s6], [sflag:s22] =	dma.local [hbm:s4], s20  }
0x9e: {  	_ =	swait.ge [sflag:s22], s20  }
0x9f: {  	s3 =	ssub.s32 $0x0, s20;
	[sflag:s22] =	ssyncset.done $0x0  }
0xa0: {  	[sflag:s22] =	ssyncadd.s32 s3;
	_ =	sdelay $0x1  }
0xa1: {  	s23 =	simm.s32 $0x1B8B  }
0xa2: {  	_ =	swait.ge [sflag:s23], $0x1  }
0xa3: {  	[sflag:s23] =	ssyncset.done $0x0  }
0xa4: {  	s25 =	simm.s32 $0x1B8E;
	s24 =	sld [smem:$0x3FFE];
	[sflag:s23] =	ssyncadd.s32 $0xFFFFFFFF  }
0xa5: {  	s26 =	simm.s32 $execute0_lowered;
	[smem:$0x3FD2] =	sst s25  }
0xa6: {  	s4 =	sshll.u32 s26, $0x1;
	_ =	strace $0x80000046;
	[dreg:$0x1] =	wrdreg $0xFFFFFFFF  }
0xa7: {  	s28 =	simm.s32 $_size_execute0_lowered;
	s2 =	sadd.s32 s2, s4;
	[dreg:$0x0] =	wrdreg $0x0  }
0xa8: {  	s4 =	sshll.u32 s28, $0x1;
	[dreg:$0x2] =	wrdreg s2  }
0xa9: {  	[dreg:$0x3] =	wrdreg s4  }
0xaa: {  	[dreg:$0x4] =	wrdreg $0xC0  }
0xab: {  	_ =	task [dreg:s6], $0x5FFFF  }
0xac: {  	[dreg:$0x1] =	wrdreg $0xFFFFFFFF  }
0xad: {  	[dreg:$0x0] =	wrdreg $0x60  }
0xae: {  	[dreg:$0x2] =	wrdreg s24  }
0xaf: {  	[dreg:$0x3] =	wrdreg $0x90000  }
0xb0: {  	[dreg:$0x4] =	wrdreg $0x9  }
0xb1: {  	_ =	task.clear_ibuf [dreg:s6], $0x5FFFF;
	_ =	strace $0x90000046  }
0xb2: {  	s29 =	simm.s32 $0x9;
	_ =	strace $0x80000048  }
0xb3: {  	_ =	swait.ge [sflag:s29], $0x1  }
0xb4: {  	[sflag:s29] =	ssyncadd.s32 $0xFFFFFFFF  }
0xb5: {  	_ =	strace $0x90000048  }
0xb6: {  	_ =	sfence  }
0xb7: {  	s30 =	sld [smem:$0x0];
	_ =	sdelay $0x2  }
0xb8: {  	s31 =	sshll.u32 s1, $0xD;
	s1 =	sshrl.u32 s1, $0x2  }
0xb9: {  	s3 =	sand.u32 $0x4000, s31;
	s1 =	sadd.s32 s1, s30  }
0xba: {  	s0 =	sor.u32 s3, s0;
	s1 =	sshll.u32 s1, $0x11  }
0xbb: {  	s0 =	sor.u32 s1, s0  }
0xbc: {  	s0 =	sadd.s32 $0x8F2B, s0  }
0xbd: {  	[sflag:s0] =	ssyncadd.remote.s32 $0x1  }
0xbe: {  	_ =	sfence.sel $0xFFFF  }
0xbf: {  	[dreg:$0x0] =	wrdreg $0xFFFFFFFF;
	(pc) =	sbr.abs _section_cstart, $3  }
0xc0: {  	[dreg:$0x1] =	wrdreg $0xFFFFFFFF  }
0xc1: {  	_ =	task.clear_ibuf [dreg:s6], $0x2FFFF;
	_ =	strace $0x9FFFFFFF  }
0xc2: {  	(tm) =	ssettm $0x7FFFFFFF  }
0xc3: {  	_ =	shalt  }
tec
execute0_lowered:
.L_overlay_start_1:
0x0: {  	(tag) =	ssettag $0x1  }
0x1: {  	s0 =	srdreg.scid;
	s5 =	rddreg [dreg:$0x0]  }
0x2: {  	s2 =	rddreg [dreg:$0x1];
	s4 =	sand.u32 $0x1, s0  }
0x3: {  	s3 =	simm.s32 $0x0;
	s0 =	stileid.u32;
	s7 =	smul.u32 $0x140000, s4  }
0x4: {  	s13 =	simm.s32 $0x1;
	s14 =	simm.s32 $0x40;
	s8 =	smul.u32 $0x14000, s0  }
0x5: {  	[smem:$0x7FF] =	sst s3;
	s1 =	sshll.u32 s4, $0x4;
	s9 =	smul.u32 $0x50000, s0  }
0x6: {  	s29 =	ssub.s32 $0x2, s4;
	s15 =	sshll.u32 s0, $0x6;
	s1 =	sor.u32 s0, s1  }
0x7: {  	s31 =	sshrl.u32 s29, $0x1;
	s15 =	sor.u32 $0x1C01, s15;
	s6 =	smul.u32 $0xA00, s1  }
0x8: {  	s1 =	rddreg [dreg:$0x2];
	_ =	strace $0x80000047;
	s30 =	sshrl.u32 s9, $0x2  }
0x9: {  	s28 =	sadd.s32 s8, s7;
	s12 =	ssub.s32 s29, s31;
	s4 =	sadd.s32 s30, s2  }
0xa: {  	s10 =	sadd.s32 s6, s5;
	s6 =	sshrl.u32 s28, $0x3;
	s7 =	sadd.s32 $0xC000, s4  }
0xb: {  	s8 =	sadd.s32 $0x10000, s4;
	s16 =	sshrl.u32 s4, $0x3;
	s11 =	sadd.s32 s6, s5  }
0xc: {  	s5 =	sadd.s32 $0x4000, s4;
	s6 =	sadd.s32 $0x8000, s4;
	s9 =	sadd.s32 $0x4200, s10  }
0xd: {  	v0 =	vimm.f32 $0.0e+00;
	v1 =	vimm.f32 $1.000000000e+00;
	s10 =	sadd.s32 $0x18200, s11;
	s11 =	smax.u32 s12, $0x1;
	s12 =	simm.s32 $0x5000  }
.LBB2_1:
0xe: {  	s17 =	simm.s32 $0x0;
	s18 =	simm.s32 $0x200  }
.LBB2_2:
0xf: {  	p0 =	sne.s32 s18, $0xFE00;
	[tilespmem:s17+$0x5070] =	vst v0  }
0x10: {  	[tilespmem:s17+$0x5000] =	vst v0  }
0x11: {  	[tilespmem:s17+$0x5010] =	vst v0  }
.Ltmp0:
0x12: {  	[tilespmem:s17+$0x5020] =	vst v0;
	(pc) =	sbr.rel @p0 .LBB2_2-.Ltmp0, $4  }
0x13: {  	[tilespmem:s17+$0x5030] =	vst v0  }
0x14: {  	[tilespmem:s17+$0x5040] =	vst v0  }
0x15: {  	[tilespmem:s17+$0x5050] =	vst v0  }
0x16: {  	[tilespmem:s17+$0x5060] =	vst v0;
	s17 =	sshra.s32 s18, $0x2;
	s18 =	sadd.s32 $0x200, s18  }
0x17: {  	[tilespmem:s17+$0x5070] =	vst v0  }
0x18: {  	[tilespmem:s17+$0x5000] =	vst v0  }
0x19: {  	[tilespmem:s17+$0x5010] =	vst v0  }
0x1a: {  	[tilespmem:s17+$0x5020] =	vst v0  }
0x1b: {  	[tilespmem:s17+$0x5030] =	vst v0  }
0x1c: {  	[tilespmem:s17+$0x5040] =	vst v0  }
0x1d: {  	[tilespmem:s17+$0x5050] =	vst v0  }
0x1e: {  	[tilespmem:s17+$0x5060] =	vst v0  }
0x1f: {  	[spmem:s4] =	stream.linear.scatter [tilespmem:s12], [sflag:$0x1], $0x4000, $0x38;
	[tilespmem:$0x1D000] =	vst v63  }
0x20: {  	_ =	swait.ge [sflag:s13], $0x4000  }
0x21: {  	[sflag:s13] =	ssyncset.done $0x0  }
0x22: {  	[sflag:s13] =	ssyncadd.s32 $0xFFFFC000  }
0x23: {  	[spmem:s5] =	stream.linear.scatter [tilespmem:s12], [sflag:$0x1], $0x4000, $0x38;
	[tilespmem:$0x1D000] =	vst v63  }
0x24: {  	_ =	swait.ge [sflag:s13], $0x4000  }
0x25: {  	[sflag:s13] =	ssyncset.done $0x0  }
0x26: {  	[sflag:s13] =	ssyncadd.s32 $0xFFFFC000  }
0x27: {  	[spmem:s6] =	stream.linear.scatter [tilespmem:s12], [sflag:$0x1], $0x4000, $0x38;
	[tilespmem:$0x1D000] =	vst v63  }
0x28: {  	_ =	swait.ge [sflag:s13], $0x4000  }
0x29: {  	[sflag:s13] =	ssyncset.done $0x0  }
0x2a: {  	[sflag:s13] =	ssyncadd.s32 $0xFFFFC000  }
0x2b: {  	[spmem:s7] =	stream.linear.scatter [tilespmem:s12], [sflag:$0x1], $0x4000, $0x38;
	[tilespmem:$0x1D000] =	vst v63  }
0x2c: {  	_ =	swait.ge [sflag:s13], $0x4000  }
0x2d: {  	[sflag:s13] =	ssyncset.done $0x0  }
0x2e: {  	[sflag:s13] =	ssyncadd.s32 $0xFFFFC000  }
0x2f: {  	[spmem:s8] =	stream.linear.scatter [tilespmem:s12], [sflag:$0x1], $0x4000, $0x38;
	[tilespmem:$0x1D000] =	vst v63  }
0x30: {  	_ =	swait.ge [sflag:s13], $0x4000  }
0x31: {  	[sflag:s13] =	ssyncset.done $0x0  }
0x32: {  	s17 =	simm.s32 $0x0;
	s18 =	simm.s32 $0x200;
	[sflag:s13] =	ssyncadd.s32 $0xFFFFC000  }
.LBB2_4:
0x33: {  	p0 =	sne.s32 s18, $0x7E00;
	[tilespmem:s17+$0x5070] =	vst v1  }
0x34: {  	[tilespmem:s17+$0x5000] =	vst v1  }
0x35: {  	[tilespmem:s17+$0x5010] =	vst v1  }
.Ltmp1:
0x36: {  	[tilespmem:s17+$0x5020] =	vst v1;
	(pc) =	sbr.rel @p0 .LBB2_4-.Ltmp1, $4  }
0x37: {  	[tilespmem:s17+$0x5030] =	vst v1  }
0x38: {  	[tilespmem:s17+$0x5040] =	vst v1  }
0x39: {  	[tilespmem:s17+$0x5050] =	vst v1  }
0x3a: {  	[tilespmem:s17+$0x5060] =	vst v1;
	s17 =	sshra.s32 s18, $0x2;
	s18 =	sadd.s32 $0x200, s18  }
0x3b: {  	[tilespmem:s17+$0x5070] =	vst v1  }
0x3c: {  	[tilespmem:s17+$0x5000] =	vst v1  }
0x3d: {  	[tilespmem:s17+$0x5010] =	vst v1  }
0x3e: {  	[tilespmem:s17+$0x5020] =	vst v1  }
0x3f: {  	[tilespmem:s17+$0x5030] =	vst v1  }
0x40: {  	[tilespmem:s17+$0x5040] =	vst v1  }
0x41: {  	[tilespmem:s17+$0x5050] =	vst v1  }
0x42: {  	[tilespmem:s17+$0x5060] =	vst v1  }
0x43: {  	s30 =	simm.s32 $0x0;
	[bflag:$0x0] =	sbarrier.arrive $0xFFFF  }
0x44: {  	[tilespmem:s30], [sflag:$0x1] =	stream.linear.gather [hbm4b:s9+s30], $0x5000, $0x38;
	[tilespmem:$0x1D000] =	vst v63  }
0x45: {  	_ =	swait.ge [sflag:s13], $0x5000  }
0x46: {  	[sflag:s13] =	ssyncset.done $0x0  }
0x47: {  	s31 =	simm.s32 $0x0;
	[sflag:s13] =	ssyncadd.s32 $0xFFFFB000  }
0x48: {  	[spmem:s2] =	stream.indirect.scatter.add.f32 [tilespmem:s12], [sflag:$0x1], $0x80, s31, s14, $0xb8;
	[tilespmem:$0x1D000] =	vst v63  }
0x49: {  	_ =	swait.ge [sflag:s13], $0x2000  }
0x4a: {  	s17 =	simm.s32 $0x200;
	[sflag:s13] =	ssyncset.done $0x0  }
.LBB2_6:
0x4b: {  	s18 =	sshra.s32 s17, $0x2;
	[sflag:s13] =	ssyncadd.s32 $0xFFFFE000;
	p0 =	sne.s32 s17, $0x13E00  }
0x4c: {  	[spmem:s2] =	stream.indirect.scatter.add.f32 [tilespmem:s12], [sflag:$0x1], $0x80, s18, s14, $0xb8;
	[tilespmem:$0x1D000] =	vst v63  }
.Ltmp2:
0x4d: {  	_ = 	snop;
	(pc) =	sbr.rel @p0 .LBB2_6-.Ltmp2, $4  }
0x4e: {  	_ = 	snop  }
0x4f: {  	s17 =	sadd.s32 $0x200, s17  }
0x50: {  	_ =	swait.ge [sflag:s13], $0x2000  }
0x51: {  	[sflag:s13] =	ssyncset.done $0x0  }
0x52: {  	s3 =	sadd.s32 $0x1, s3  }
0x53: {  	[sflag:s13] =	ssyncadd.s32 $0xFFFFE000;
	p0 =	sne.s32 s3, s11  }
.Ltmp3:
0x54: {  	[bflag:$0x0] =	sbarrier.arrive $0xFFFF;
	(pc) =	sbr.rel @p0 .LBB2_1-.Ltmp3, $4  }
0x55: {  	[hbm:s10], [sflag:s15] =	dma.local [spmem:s16], $0x2800  }
0x56: {  	_ =	swait.ge [sflag:s13], $0x2800  }
0x57: {  	[sflag:s13] =	ssyncset.done $0x0  }
0x58: {  	[sflag:s13] =	ssyncadd.s32 $0xFFFFD800  }
0x59: {  	_ =	sfence.sel $0x180000  }
0x5a: {  	[bflag:$0x0] =	sbarrier.arrive $0xFFFF  }
0x5b: {  	p0 =	sne.s32 s0, $0x0;
	_ =	strace $0x90000047  }
0x5c: {  	s0 =	sadd.s32 @!p0 $0x100000, s1;
	[bflag:$0x2] =	sbarrier.arrive $0xFFFF  }
0x5d: {  	[sflag:s0] =	ssyncadd.tile.s32 @!p0 $0x1;
	_ =	shalt  }
.Lfunc_end2:
_tile_overlayer_lowered:
.L_overlay_start_2:
0x5e: {  	(tag) =	ssettag $0x2  }
0x5f: {  	s0 =	rddreg [dreg:$0x0];
	s2 =	stileid.u32  }
0x60: {  	s1 =	rddreg [dreg:$0x1];
	p0 =	sne.s32 s2, $0x0  }
0x61: {  	s3 =	rddreg [dreg:$0x2];
	[bflag:$0x3] =	sbarrier.arrive $0xFFFF;
	s2 =	simm.s32 @!p0 $0x1C01  }
0x62: {  	[timem:s3], [sflag:s2] =	dma.local @!p0 [hbm:s0], s1  }
0x63: {  	s0 =	simm.s32 @!p0 $0x1  }
0x64: {  	_ =	swait.ge @!p0 [sflag:s0], s1  }
0x65: {  	s1 =	ssub.s32 @!p0 $0x0, s1;
	[sflag:s0] =	ssyncset.done @!p0 $0x0  }
0x66: {  	[sflag:s0] =	ssyncadd.s32 @!p0 s1  }
0x67: {  	[bflag:$0x3] =	sbarrier.arrive $0xFFFF  }
0x68: {  	_ =	shalt  }

</sc_bundles>
